<compile_context>
chip_gen: v7x
topology: tpu7x:2x2x1
jax: 0.10.2.dev20260603
libtpu: 0.0.44.dev20260713+nightly
codegen_flags: <defaults>
</compile_context>

<pallas_src>
import functools

import jax
import jax.numpy as jnp
from jax import lax
from jax.experimental import pallas as pl
from jax.experimental.pallas import tpu as pltpu
from jax.experimental.pallas import tpu_sc as plsc

_N = 10000
_D = 128
_E = 320000
_C = 64
_BN_EPS = 1e-5

_NC = 2
_NS = 16
_CHUNK = 128
_CPW = 80
_NBUF = 2
_DRING = 4
_E_PAD = _NC * _NS * _CPW * _CHUNK
_DUMMY = _N
_N_SH = 10112
_SLAB = 632



_seg_sum_cache = {}


def _get_seg_sum():
    if "k" in _seg_sum_cache:
        return _seg_sum_cache["k"]

    mesh = plsc.VectorSubcoreMesh(core_axis_name="c", subcore_axis_name="s")

    @functools.partial(
        pl.kernel,
        out_type=jax.ShapeDtypeStruct((_NC, _N_SH, _D), jnp.float32),
        mesh=mesh,
        scratch_types=[
            pltpu.VMEM((_CPW, _CHUNK), jnp.int32),
            pltpu.VMEM((_DRING, _CHUNK), jnp.int32),
            [pltpu.VMEM((_CHUNK, _D), jnp.float32)] * _NBUF,
            pltpu.VMEM_SHARED((_N_SH, _D), jnp.float32),
            [pltpu.SemaphoreType.DMA] * _NBUF,
            [pltpu.SemaphoreType.DMA] * _DRING,
        ],
    )
    def seg_sum(x_hbm, src_hbm, dst_hbm, out_hbm, src_v, dring, rows, agg_sh,
                gsem, dsem):
        cid = lax.axis_index("c")
        sid = lax.axis_index("s")

        pltpu.sync_copy(src_hbm.at[cid, sid], src_v)

        @pl.loop(0, _CHUNK)
        def _zero(r):
            for g in range(_D // 16):
                rows[0][r, pl.ds(g * 16, 16)] = jnp.zeros((16,), jnp.float32)

        zrow0 = sid * _SLAB
        for k in range(_SLAB // _CHUNK):
            pltpu.sync_copy(rows[0], agg_sh.at[pl.ds(zrow0 + k * _CHUNK, _CHUNK)])
        rem = _SLAB % _CHUNK
        pltpu.sync_copy(
            rows[0].at[pl.ds(0, rem)],
            agg_sh.at[pl.ds(zrow0 + (_SLAB // _CHUNK) * _CHUNK, rem)],
        )

        plsc.subcore_barrier()

        for b in range(_DRING):
            pltpu.async_copy(dst_hbm.at[cid, sid, b], dring.at[b], dsem[b])
        for b in range(_NBUF):
            pltpu.async_copy(x_hbm.at[src_v.at[b]], rows[b], gsem[b])

        @pl.loop(0, _CPW // _DRING)
        def _edges(g):
            for b in range(_DRING):
                j = g * _DRING + b
                rb = b % _NBUF
                pltpu.make_async_copy(x_hbm.at[src_v.at[j]], rows[rb], gsem[rb]).wait()
                pltpu.make_async_copy(dst_hbm.at[cid, sid, j], dring.at[b], dsem[b]).wait()
                pltpu.sync_copy(rows[rb], agg_sh.at[dring.at[b]], add=True)

                @pl.when(j + _NBUF < _CPW)
                def _prefetch_rows():
                    pltpu.async_copy(
                        x_hbm.at[src_v.at[j + _NBUF]], rows[rb], gsem[rb])

                @pl.when(j + _DRING < _CPW)
                def _prefetch_dst():
                    pltpu.async_copy(
                        dst_hbm.at[cid, sid, j + _DRING], dring.at[b], dsem[b])

        plsc.subcore_barrier()

        for k in range(5):
            nr = _CHUNK if k < 4 else _SLAB - 4 * _CHUNK
            off = zrow0 + k * _CHUNK
            pltpu.sync_copy(agg_sh.at[pl.ds(off, nr)], rows[0].at[pl.ds(0, nr)])
            pltpu.sync_copy(rows[0].at[pl.ds(0, nr)], out_hbm.at[cid].at[pl.ds(off, nr)])

    _seg_sum_cache["k"] = seg_sum
    return seg_sum




def _bn_mlp(z, w1t, b1, g, be, w2t, b2):
    h1 = jnp.dot(z, w1t[...], preferred_element_type=jnp.float32) + b1[...]
    mu = jnp.mean(h1, axis=0, keepdims=True)
    d = h1 - mu
    var = jnp.mean(d * d, axis=0, keepdims=True)
    h1n = jnp.maximum(d * lax.rsqrt(var + _BN_EPS) * g[...] + be[...], 0.0)
    h2 = jnp.dot(h1n, w2t[...], preferred_element_type=jnp.float32) + b2[...]
    return jnp.maximum(h2, 0.0)


def _mlp_body(h_ref, a0_ref, a1_ref, w1t, b1, g, be, w2t, b2, out_ref):
    z = h_ref[...] + a0_ref[...] + a1_ref[...]
    out_ref[...] = _bn_mlp(z, w1t, b1, g, be, w2t, b2)


def _mlp_final_body(h_ref, a0_ref, a1_ref, w1t, b1, g, be, w2t, b2,
                    l1t, l1b, l2t, l2b, out_ref):
    z = h_ref[...] + a0_ref[...] + a1_ref[...]
    h2 = _bn_mlp(z, w1t, b1, g, be, w2t, b2)
    h3 = jnp.dot(h2, l1t[...], preferred_element_type=jnp.float32) + l1b[...]
    h3 = jnp.maximum(h3, 0.0)
    logits = jnp.dot(h3, l2t[...], preferred_element_type=jnp.float32) + l2b[...]
    out_ref[...] = jax.nn.sigmoid(logits)


_mlp_call = pl.pallas_call(
    _mlp_body, out_shape=jax.ShapeDtypeStruct((_N, _D), jnp.float32))
_mlp_final_call = pl.pallas_call(
    _mlp_final_body, out_shape=jax.ShapeDtypeStruct((_N, _C), jnp.float32))


def kernel(x, edge_index, params):
    src = edge_index[0]
    dst = edge_index[1]
    pad = _E_PAD - _E
    src_p = jnp.concatenate([src, jnp.zeros((pad,), jnp.int32)])
    dst_p = jnp.concatenate([dst, jnp.full((pad,), _DUMMY, jnp.int32)])
    src_p = src_p.reshape(_NC, _NS, _CPW, _CHUNK)
    dst_p = dst_p.reshape(_NC, _NS, _CPW, _CHUNK)

    seg_sum = _get_seg_sum()
    h = x.astype(jnp.float32)
    convs = params["convs"]
    for i, p in enumerate(convs):
        agg = seg_sum(h, src_p, dst_p)
        a0, a1 = agg[0, :_N], agg[1, :_N]
        args = (h, a0, a1,
                p["W1"].T, p["b1"].reshape(1, -1),
                p["gamma"].reshape(1, -1), p["beta"].reshape(1, -1),
                p["W2"].T, p["b2"].reshape(1, -1))
        if i < len(convs) - 1:
            h = _mlp_call(*args)
        else:
            return _mlp_final_call(
                *args,
                params["lin1_W"].T, params["lin1_b"].reshape(1, -1),
                params["lin2_W"].T, params["lin2_b"].reshape(1, -1))

# --- scband reference (transcript-rebuilt; emitter-appended) ---
"""Pipeline reference for scband-gin-65094524338980 (READ-ONLY COPY).

The authoritative reference and input builder live on the scoring server;
editing this copy changes nothing except your own understanding.
"""

import jax, jax.numpy as jnp
import numpy as np

N = 10000
E = 320000
D_IN = 128
H = 128
EMB = 128
C = 64
N_LAYERS = 3
BN_EPS = 1e-5


def _lin(k, out_d, in_d):
    kw, kb = jax.random.split(k)
    W = jax.random.normal(kw, (out_d, in_d), dtype=jnp.float32) / np.sqrt(in_d)
    b = jax.random.normal(kb, (out_d,), dtype=jnp.float32) * 0.01
    return W, b


def setup_inputs(seed: int = 0) -> dict:
    key = jax.random.key(seed)
    ks = jax.random.split(key, 4 + 2 * N_LAYERS + 2)
    x = jax.random.normal(ks[0], (N, D_IN), dtype=jnp.float32)
    edge_index = jax.random.randint(ks[1], (2, E), 0, N, dtype=jnp.int32)

    convs = []
    in_d = D_IN
    for i in range(N_LAYERS):
        k1, k2 = ks[2 + 2 * i], ks[3 + 2 * i]
        W1, b1 = _lin(k1, H, in_d)
        W2, b2 = _lin(k2, H, H)
        convs.append({
            "W1": W1, "b1": b1,
            "gamma": jnp.ones((H,), dtype=jnp.float32),
            "beta": jnp.zeros((H,), dtype=jnp.float32),
            "W2": W2, "b2": b2,
        })
        in_d = H
    lin1_W, lin1_b = _lin(ks[2 + 2 * N_LAYERS], EMB, H)
    lin2_W, lin2_b = _lin(ks[3 + 2 * N_LAYERS], C, EMB)
    params = {"convs": convs, "lin1_W": lin1_W, "lin1_b": lin1_b,
              "lin2_W": lin2_W, "lin2_b": lin2_b}
    return {"x": x, "edge_index": edge_index, "params": params}


def _gin_conv(x, src, dst, p):
    # message passing: sum x[src] into dst (eps = 0, not trained)
    agg = jax.ops.segment_sum(x[src], dst, num_segments=N)
    h = x + agg
    # MLP: Linear -> BatchNorm1d (training-mode batch stats) -> ReLU -> Linear -> ReLU
    h = h @ p["W1"].T + p["b1"]
    mean = jnp.mean(h, axis=0)
    var = jnp.var(h, axis=0)  # biased, matches torch BN training normalization
    h = (h - mean) / jnp.sqrt(var + BN_EPS) * p["gamma"] + p["beta"]
    h = jax.nn.relu(h)
    h = h @ p["W2"].T + p["b2"]
    return jax.nn.relu(h)


def reference(x, edge_index, params):
    src = edge_index[0]
    dst = edge_index[1]
    h = x.astype(jnp.float32)
    for p in params["convs"]:
        h = _gin_conv(h, src, dst, p)
    # task='node' -> no pooling
    h = jax.nn.relu(h @ params["lin1_W"].T + params["lin1_b"])
    h = h @ params["lin2_W"].T + params["lin2_b"]
    return jax.nn.sigmoid(h)

if __name__ == "__main__":
    import jax
    _d = setup_inputs()
    print(jax.jit(kernel)(*tuple(_d.values())))

</pallas_src>

<mosaic_0001>
#map = affine_map<(d0, d1) -> (0, 0)>
#map1 = affine_map<(d0, d1) -> (0, 0, 0, 0)>
#map2 = affine_map<(d0, d1) -> (0, 0, 0)>
module attributes {stable_mosaic.version = 14 : i64} {
  func.func @seg_sum(%arg0: i32, %arg1: i32, %arg2: memref<10000x128xf32, #tpu.memory_space<hbm>>, %arg3: memref<2x16x80x128xi32, #tpu.memory_space<hbm>>, %arg4: memref<2x16x80x128xi32, #tpu.memory_space<hbm>>, %arg5: memref<2x10112x128xf32, #tpu.memory_space<hbm>>, %arg6: memref<80x128xi32, #tpu.memory_space<vmem>>, %arg7: memref<4x128xi32, #tpu.memory_space<vmem>>, %arg8: memref<128x128xf32, #tpu.memory_space<vmem>>, %arg9: memref<128x128xf32, #tpu.memory_space<vmem>>, %arg10: memref<10112x128xf32, #tpu.memory_space<vmem_shared>>, %arg11: memref<!tpu.dma_semaphore, #tpu.memory_space<semaphore_mem>>, %arg12: memref<!tpu.dma_semaphore, #tpu.memory_space<semaphore_mem>>, %arg13: memref<!tpu.dma_semaphore, #tpu.memory_space<semaphore_mem>>, %arg14: memref<!tpu.dma_semaphore, #tpu.memory_space<semaphore_mem>>, %arg15: memref<!tpu.dma_semaphore, #tpu.memory_space<semaphore_mem>>, %arg16: memref<!tpu.dma_semaphore, #tpu.memory_space<semaphore_mem>>) attributes {dimension_semantics = [#tpu.dimension_semantics<core_parallel>, #tpu.dimension_semantics<subcore_parallel>], iteration_bounds = array<i64: 2, 16>, scalar_prefetch = 0 : i64, scratch_operands = 11 : i64, tpu.core_type = #tpu.core_type<sc_vector_subcore>, window_params = [{transform_indices = #map}, {transform_indices = #map1}, {transform_indices = #map1}, {transform_indices = #map2}]} {
    "tpu.region"() ({
      %run_scoped3A = tpu.sem_alloc : memref<!tpu.dma_semaphore, #tpu.memory_space<semaphore_mem>>
      %dma_start3A_99 = arith.constant 0 : i32
      %dma_start3A_100 = arith.constant 0 : i32
      %dma_start3A_101 = tpu.memref_slice %arg3[%arg0, %arg1, %dma_start3A_99, %dma_start3A_100] : memref<2x16x80x128xi32, #tpu.memory_space<hbm>> -> memref<1x1x80x128xi32, #tpu.memory_space<hbm>>
      %dma_start3A_102 = tpu.memref_squeeze %dma_start3A_101 : memref<1x1x80x128xi32, #tpu.memory_space<hbm>> -> memref<80x128xi32, #tpu.memory_space<hbm>>
      %dma_start3A_103 = arith.constant 0 : i32
      %dma_start3A_104 = arith.constant 0 : i32
      %dma_start3A_105 = tpu.memref_slice %arg3[%arg0, %arg1, %dma_start3A_103, %dma_start3A_104] : memref<2x16x80x128xi32, #tpu.memory_space<hbm>> -> memref<1x1x80x128xi32, #tpu.memory_space<hbm>>
      %dma_start3A_106 = tpu.memref_squeeze %dma_start3A_105 : memref<1x1x80x128xi32, #tpu.memory_space<hbm>> -> memref<80x128xi32, #tpu.memory_space<hbm>>
      tpu.enqueue_dma source(%dma_start3A_106 : memref<80x128xi32, #tpu.memory_space<hbm>>) target(%arg6 : memref<80x128xi32, #tpu.memory_space<vmem>>) target_semaphore(%run_scoped3A : memref<!tpu.dma_semaphore, #tpu.memory_space<semaphore_mem>>)
      %dma_wait3A = arith.constant 0 : i32
      %dma_wait3A_107 = arith.constant 0 : i32
      %dma_wait3A_108 = tpu.memref_slice %arg3[%arg0, %arg1, %dma_wait3A, %dma_wait3A_107] : memref<2x16x80x128xi32, #tpu.memory_space<hbm>> -> memref<1x1x80x128xi32, #tpu.memory_space<hbm>>
      %dma_wait3A_109 = tpu.memref_squeeze %dma_wait3A_108 : memref<1x1x80x128xi32, #tpu.memory_space<hbm>> -> memref<80x128xi32, #tpu.memory_space<hbm>>
      %dma_wait3A_110 = arith.constant 0 : i32
      %dma_wait3A_111 = arith.constant 0 : i32
      %dma_wait3A_112 = tpu.memref_slice %arg3[%arg0, %arg1, %dma_wait3A_110, %dma_wait3A_111] : memref<2x16x80x128xi32, #tpu.memory_space<hbm>> -> memref<1x1x80x128xi32, #tpu.memory_space<hbm>>
      %dma_wait3A_113 = tpu.memref_squeeze %dma_wait3A_112 : memref<1x1x80x128xi32, #tpu.memory_space<hbm>> -> memref<80x128xi32, #tpu.memory_space<hbm>>
      tpu.wait_dma2 semaphore(%run_scoped3A : memref<!tpu.dma_semaphore, #tpu.memory_space<semaphore_mem>>) src(%dma_wait3A_113 : memref<80x128xi32, #tpu.memory_space<hbm>>) dst(%arg6 : memref<80x128xi32, #tpu.memory_space<vmem>>)
      tpu.yield
    }) : () -> ()
    %scan3A = arith.constant 0 : i32
    %scan3A_0 = arith.constant 128 : i32
    %scan3A_1 = arith.addi %scan3A, %scan3A_0 : i32
    %scan3A_2 = arith.constant 1 : i32
    scf.for %scan3A_99 = %scan3A to %scan3A_1 step %scan3A_2  : i32 {
      %mul3A_100 = arith.constant 1 : i32
      %mul3A_101 = arith.muli %scan3A_99, %mul3A_100 : i32
      %add3A_102 = arith.constant 0 : i32
      %add3A_103 = arith.addi %add3A_102, %mul3A_101 : i32
      %broadcast_in_dim3A = arith.constant 0.000000e+00 : f32
      %broadcast_in_dim3A_104 = vector.broadcast %broadcast_in_dim3A : f32 to vector<16xf32>
      %swap3A = arith.index_cast %add3A_103 : i32 to index
      %swap3A_105 = arith.constant 0 : index
      %swap3A_106 = tpu.vector_load %arg8[%swap3A, %swap3A_105] {strides = array<i32>} : memref<128x128xf32, #tpu.memory_space<vmem>>, vector<1x16xf32>,
      %swap3A_107 = vector.shape_cast %swap3A_106 : vector<1x16xf32> to vector<16xf32>
      %swap3A_108 = vector.shape_cast %broadcast_in_dim3A_104 : vector<16xf32> to vector<1x16xf32>
      tpu.vector_store %arg8[%swap3A, %swap3A_105], %swap3A_108 {strides = array<i32>} : memref<128x128xf32, #tpu.memory_space<vmem>>, vector<1x16xf32>,
      %broadcast_in_dim3A_109 = arith.constant 0.000000e+00 : f32
      %broadcast_in_dim3A_110 = vector.broadcast %broadcast_in_dim3A_109 : f32 to vector<16xf32>
      %swap3A_111 = arith.index_cast %add3A_103 : i32 to index
      %swap3A_112 = arith.constant 16 : index
      %swap3A_113 = tpu.vector_load %arg8[%swap3A_111, %swap3A_112] {strides = array<i32>} : memref<128x128xf32, #tpu.memory_space<vmem>>, vector<1x16xf32>,
      %swap3A_114 = vector.shape_cast %swap3A_113 : vector<1x16xf32> to vector<16xf32>
      %swap3A_115 = vector.shape_cast %broadcast_in_dim3A_110 : vector<16xf32> to vector<1x16xf32>
      tpu.vector_store %arg8[%swap3A_111, %swap3A_112], %swap3A_115 {strides = array<i32>} : memref<128x128xf32, #tpu.memory_space<vmem>>, vector<1x16xf32>,
      %broadcast_in_dim3A_116 = arith.constant 0.000000e+00 : f32
      %broadcast_in_dim3A_117 = vector.broadcast %broadcast_in_dim3A_116 : f32 to vector<16xf32>
      %swap3A_118 = arith.index_cast %add3A_103 : i32 to index
      %swap3A_119 = arith.constant 32 : index
      %swap3A_120 = tpu.vector_load %arg8[%swap3A_118, %swap3A_119] {strides = array<i32>} : memref<128x128xf32, #tpu.memory_space<vmem>>, vector<1x16xf32>,
      %swap3A_121 = vector.shape_cast %swap3A_120 : vector<1x16xf32> to vector<16xf32>
      %swap3A_122 = vector.shape_cast %broadcast_in_dim3A_117 : vector<16xf32> to vector<1x16xf32>
      tpu.vector_store %arg8[%swap3A_118, %swap3A_119], %swap3A_122 {strides = array<i32>} : memref<128x128xf32, #tpu.memory_space<vmem>>, vector<1x16xf32>,
      %broadcast_in_dim3A_123 = arith.constant 0.000000e+00 : f32
      %broadcast_in_dim3A_124 = vector.broadcast %broadcast_in_dim3A_123 : f32 to vector<16xf32>
      %swap3A_125 = arith.index_cast %add3A_103 : i32 to index
      %swap3A_126 = arith.constant 48 : index
      %swap3A_127 = tpu.vector_load %arg8[%swap3A_125, %swap3A_126] {strides = array<i32>} : memref<128x128xf32, #tpu.memory_space<vmem>>, vector<1x16xf32>,
      %swap3A_128 = vector.shape_cast %swap3A_127 : vector<1x16xf32> to vector<16xf32>
      %swap3A_129 = vector.shape_cast %broadcast_in_dim3A_124 : vector<16xf32> to vector<1x16xf32>
      tpu.vector_store %arg8[%swap3A_125, %swap3A_126], %swap3A_129 {strides = array<i32>} : memref<128x128xf32, #tpu.memory_space<vmem>>, vector<1x16xf32>,
      %broadcast_in_dim3A_130 = arith.constant 0.000000e+00 : f32
      %broadcast_in_dim3A_131 = vector.broadcast %broadcast_in_dim3A_130 : f32 to vector<16xf32>
      %swap3A_132 = arith.index_cast %add3A_103 : i32 to index
      %swap3A_133 = arith.constant 64 : index
      %swap3A_134 = tpu.vector_load %arg8[%swap3A_132, %swap3A_133] {strides = array<i32>} : memref<128x128xf32, #tpu.memory_space<vmem>>, vector<1x16xf32>,
      %swap3A_135 = vector.shape_cast %swap3A_134 : vector<1x16xf32> to vector<16xf32>
      %swap3A_136 = vector.shape_cast %broadcast_in_dim3A_131 : vector<16xf32> to vector<1x16xf32>
      tpu.vector_store %arg8[%swap3A_132, %swap3A_133], %swap3A_136 {strides = array<i32>} : memref<128x128xf32, #tpu.memory_space<vmem>>, vector<1x16xf32>,
      %broadcast_in_dim3A_137 = arith.constant 0.000000e+00 : f32
      %broadcast_in_dim3A_138 = vector.broadcast %broadcast_in_dim3A_137 : f32 to vector<16xf32>
      %swap3A_139 = arith.index_cast %add3A_103 : i32 to index
      %swap3A_140 = arith.constant 80 : index
      %swap3A_141 = tpu.vector_load %arg8[%swap3A_139, %swap3A_140] {strides = array<i32>} : memref<128x128xf32, #tpu.memory_space<vmem>>, vector<1x16xf32>,
      %swap3A_142 = vector.shape_cast %swap3A_141 : vector<1x16xf32> to vector<16xf32>
      %swap3A_143 = vector.shape_cast %broadcast_in_dim3A_138 : vector<16xf32> to vector<1x16xf32>
      tpu.vector_store %arg8[%swap3A_139, %swap3A_140], %swap3A_143 {strides = array<i32>} : memref<128x128xf32, #tpu.memory_space<vmem>>, vector<1x16xf32>,
      %broadcast_in_dim3A_144 = arith.constant 0.000000e+00 : f32
      %broadcast_in_dim3A_145 = vector.broadcast %broadcast_in_dim3A_144 : f32 to vector<16xf32>
      %swap3A_146 = arith.index_cast %add3A_103 : i32 to index
      %swap3A_147 = arith.constant 96 : index
      %swap3A_148 = tpu.vector_load %arg8[%swap3A_146, %swap3A_147] {strides = array<i32>} : memref<128x128xf32, #tpu.memory_space<vmem>>, vector<1x16xf32>,
      %swap3A_149 = vector.shape_cast %swap3A_148 : vector<1x16xf32> to vector<16xf32>
      %swap3A_150 = vector.shape_cast %broadcast_in_dim3A_145 : vector<16xf32> to vector<1x16xf32>
      tpu.vector_store %arg8[%swap3A_146, %swap3A_147], %swap3A_150 {strides = array<i32>} : memref<128x128xf32, #tpu.memory_space<vmem>>, vector<1x16xf32>,
      %broadcast_in_dim3A_151 = arith.constant 0.000000e+00 : f32
      %broadcast_in_dim3A_152 = vector.broadcast %broadcast_in_dim3A_151 : f32 to vector<16xf32>
      %swap3A_153 = arith.index_cast %add3A_103 : i32 to index
      %swap3A_154 = arith.constant 112 : index
      %swap3A_155 = tpu.vector_load %arg8[%swap3A_153, %swap3A_154] {strides = array<i32>} : memref<128x128xf32, #tpu.memory_space<vmem>>, vector<1x16xf32>,
      %swap3A_156 = vector.shape_cast %swap3A_155 : vector<1x16xf32> to vector<16xf32>
      %swap3A_157 = vector.shape_cast %broadcast_in_dim3A_152 : vector<16xf32> to vector<1x16xf32>
      tpu.vector_store %arg8[%swap3A_153, %swap3A_154], %swap3A_157 {strides = array<i32>} : memref<128x128xf32, #tpu.memory_space<vmem>>, vector<1x16xf32>,
    }
    %scan3A_3 = arith.constant 128 : i32
    %mul3A = arith.constant 632 : i32
    %mul3A_4 = arith.muli %arg1, %mul3A : i32
    %add3A = arith.constant 0 : i32
    %add3A_5 = arith.addi %mul3A_4, %add3A : i32
    "tpu.region"() ({
      %run_scoped3A = tpu.sem_alloc : memref<!tpu.dma_semaphore, #tpu.memory_space<semaphore_mem>>
      %dma_start3A_99 = arith.constant 0 : i32
      %dma_start3A_100 = tpu.memref_slice %arg10[%add3A_5, %dma_start3A_99] : memref<10112x128xf32, #tpu.memory_space<vmem_shared>> -> memref<128x128xf32, #tpu.memory_space<vmem_shared>>
      %dma_start3A_101 = arith.constant 0 : i32
      %dma_start3A_102 = tpu.memref_slice %arg10[%add3A_5, %dma_start3A_101] : memref<10112x128xf32, #tpu.memory_space<vmem_shared>> -> memref<128x128xf32, #tpu.memory_space<vmem_shared>>
      tpu.enqueue_dma source(%arg8 : memref<128x128xf32, #tpu.memory_space<vmem>>) target(%dma_start3A_102 : memref<128x128xf32, #tpu.memory_space<vmem_shared>>) target_semaphore(%run_scoped3A : memref<!tpu.dma_semaphore, #tpu.memory_space<semaphore_mem>>)
      %dma_wait3A = arith.constant 0 : i32
      %dma_wait3A_103 = tpu.memref_slice %arg10[%add3A_5, %dma_wait3A] : memref<10112x128xf32, #tpu.memory_space<vmem_shared>> -> memref<128x128xf32, #tpu.memory_space<vmem_shared>>
      %dma_wait3A_104 = arith.constant 0 : i32
      %dma_wait3A_105 = tpu.memref_slice %arg10[%add3A_5, %dma_wait3A_104] : memref<10112x128xf32, #tpu.memory_space<vmem_shared>> -> memref<128x128xf32, #tpu.memory_space<vmem_shared>>
      tpu.wait_dma2 semaphore(%run_scoped3A : memref<!tpu.dma_semaphore, #tpu.memory_space<semaphore_mem>>) src(%arg8 : memref<128x128xf32, #tpu.memory_space<vmem>>) dst(%dma_wait3A_105 : memref<128x128xf32, #tpu.memory_space<vmem_shared>>)
      tpu.yield
    }) : () -> ()
    %add3A_6 = arith.constant 128 : i32
    %add3A_7 = arith.addi %mul3A_4, %add3A_6 : i32
    "tpu.region"() ({
      %run_scoped3A = tpu.sem_alloc : memref<!tpu.dma_semaphore, #tpu.memory_space<semaphore_mem>>
      %dma_start3A_99 = arith.constant 0 : i32
      %dma_start3A_100 = tpu.memref_slice %arg10[%add3A_7, %dma_start3A_99] : memref<10112x128xf32, #tpu.memory_space<vmem_shared>> -> memref<128x128xf32, #tpu.memory_space<vmem_shared>>
      %dma_start3A_101 = arith.constant 0 : i32
      %dma_start3A_102 = tpu.memref_slice %arg10[%add3A_7, %dma_start3A_101] : memref<10112x128xf32, #tpu.memory_space<vmem_shared>> -> memref<128x128xf32, #tpu.memory_space<vmem_shared>>
      tpu.enqueue_dma source(%arg8 : memref<128x128xf32, #tpu.memory_space<vmem>>) target(%dma_start3A_102 : memref<128x128xf32, #tpu.memory_space<vmem_shared>>) target_semaphore(%run_scoped3A : memref<!tpu.dma_semaphore, #tpu.memory_space<semaphore_mem>>)
      %dma_wait3A = arith.constant 0 : i32
      %dma_wait3A_103 = tpu.memref_slice %arg10[%add3A_7, %dma_wait3A] : memref<10112x128xf32, #tpu.memory_space<vmem_shared>> -> memref<128x128xf32, #tpu.memory_space<vmem_shared>>
      %dma_wait3A_104 = arith.constant 0 : i32
      %dma_wait3A_105 = tpu.memref_slice %arg10[%add3A_7, %dma_wait3A_104] : memref<10112x128xf32, #tpu.memory_space<vmem_shared>> -> memref<128x128xf32, #tpu.memory_space<vmem_shared>>
      tpu.wait_dma2 semaphore(%run_scoped3A : memref<!tpu.dma_semaphore, #tpu.memory_space<semaphore_mem>>) src(%arg8 : memref<128x128xf32, #tpu.memory_space<vmem>>) dst(%dma_wait3A_105 : memref<128x128xf32, #tpu.memory_space<vmem_shared>>)
      tpu.yield
    }) : () -> ()
    %add3A_8 = arith.constant 256 : i32
    %add3A_9 = arith.addi %mul3A_4, %add3A_8 : i32
    "tpu.region"() ({
      %run_scoped3A = tpu.sem_alloc : memref<!tpu.dma_semaphore, #tpu.memory_space<semaphore_mem>>
      %dma_start3A_99 = arith.constant 0 : i32
      %dma_start3A_100 = tpu.memref_slice %arg10[%add3A_9, %dma_start3A_99] : memref<10112x128xf32, #tpu.memory_space<vmem_shared>> -> memref<128x128xf32, #tpu.memory_space<vmem_shared>>
      %dma_start3A_101 = arith.constant 0 : i32
      %dma_start3A_102 = tpu.memref_slice %arg10[%add3A_9, %dma_start3A_101] : memref<10112x128xf32, #tpu.memory_space<vmem_shared>> -> memref<128x128xf32, #tpu.memory_space<vmem_shared>>
      tpu.enqueue_dma source(%arg8 : memref<128x128xf32, #tpu.memory_space<vmem>>) target(%dma_start3A_102 : memref<128x128xf32, #tpu.memory_space<vmem_shared>>) target_semaphore(%run_scoped3A : memref<!tpu.dma_semaphore, #tpu.memory_space<semaphore_mem>>)
      %dma_wait3A = arith.constant 0 : i32
      %dma_wait3A_103 = tpu.memref_slice %arg10[%add3A_9, %dma_wait3A] : memref<10112x128xf32, #tpu.memory_space<vmem_shared>> -> memref<128x128xf32, #tpu.memory_space<vmem_shared>>
      %dma_wait3A_104 = arith.constant 0 : i32
      %dma_wait3A_105 = tpu.memref_slice %arg10[%add3A_9, %dma_wait3A_104] : memref<10112x128xf32, #tpu.memory_space<vmem_shared>> -> memref<128x128xf32, #tpu.memory_space<vmem_shared>>
      tpu.wait_dma2 semaphore(%run_scoped3A : memref<!tpu.dma_semaphore, #tpu.memory_space<semaphore_mem>>) src(%arg8 : memref<128x128xf32, #tpu.memory_space<vmem>>) dst(%dma_wait3A_105 : memref<128x128xf32, #tpu.memory_space<vmem_shared>>)
      tpu.yield
    }) : () -> ()
    %add3A_10 = arith.constant 384 : i32
    %add3A_11 = arith.addi %mul3A_4, %add3A_10 : i32
    "tpu.region"() ({
      %run_scoped3A = tpu.sem_alloc : memref<!tpu.dma_semaphore, #tpu.memory_space<semaphore_mem>>
      %dma_start3A_99 = arith.constant 0 : i32
      %dma_start3A_100 = tpu.memref_slice %arg10[%add3A_11, %dma_start3A_99] : memref<10112x128xf32, #tpu.memory_space<vmem_shared>> -> memref<128x128xf32, #tpu.memory_space<vmem_shared>>
      %dma_start3A_101 = arith.constant 0 : i32
      %dma_start3A_102 = tpu.memref_slice %arg10[%add3A_11, %dma_start3A_101] : memref<10112x128xf32, #tpu.memory_space<vmem_shared>> -> memref<128x128xf32, #tpu.memory_space<vmem_shared>>
      tpu.enqueue_dma source(%arg8 : memref<128x128xf32, #tpu.memory_space<vmem>>) target(%dma_start3A_102 : memref<128x128xf32, #tpu.memory_space<vmem_shared>>) target_semaphore(%run_scoped3A : memref<!tpu.dma_semaphore, #tpu.memory_space<semaphore_mem>>)
      %dma_wait3A = arith.constant 0 : i32
      %dma_wait3A_103 = tpu.memref_slice %arg10[%add3A_11, %dma_wait3A] : memref<10112x128xf32, #tpu.memory_space<vmem_shared>> -> memref<128x128xf32, #tpu.memory_space<vmem_shared>>
      %dma_wait3A_104 = arith.constant 0 : i32
      %dma_wait3A_105 = tpu.memref_slice %arg10[%add3A_11, %dma_wait3A_104] : memref<10112x128xf32, #tpu.memory_space<vmem_shared>> -> memref<128x128xf32, #tpu.memory_space<vmem_shared>>
      tpu.wait_dma2 semaphore(%run_scoped3A : memref<!tpu.dma_semaphore, #tpu.memory_space<semaphore_mem>>) src(%arg8 : memref<128x128xf32, #tpu.memory_space<vmem>>) dst(%dma_wait3A_105 : memref<128x128xf32, #tpu.memory_space<vmem_shared>>)
      tpu.yield
    }) : () -> ()
    %add3A_12 = arith.constant 512 : i32
    %add3A_13 = arith.addi %mul3A_4, %add3A_12 : i32
    "tpu.region"() ({
      %run_scoped3A = tpu.sem_alloc : memref<!tpu.dma_semaphore, #tpu.memory_space<semaphore_mem>>
      %dma_start3A_99 = arith.constant 0 : i32
      %dma_start3A_100 = arith.constant 0 : i32
      %dma_start3A_101 = tpu.memref_slice %arg8[%dma_start3A_99, %dma_start3A_100] : memref<128x128xf32, #tpu.memory_space<vmem>> -> memref<120x128xf32, #tpu.memory_space<vmem>>
      %dma_start3A_102 = arith.constant 0 : i32
      %dma_start3A_103 = tpu.memref_slice %arg10[%add3A_13, %dma_start3A_102] : memref<10112x128xf32, #tpu.memory_space<vmem_shared>> -> memref<120x128xf32, #tpu.memory_space<vmem_shared>>
      %dma_start3A_104 = arith.constant 0 : i32
      %dma_start3A_105 = tpu.memref_slice %arg10[%add3A_13, %dma_start3A_104] : memref<10112x128xf32, #tpu.memory_space<vmem_shared>> -> memref<120x128xf32, #tpu.memory_space<vmem_shared>>
      %dma_start3A_106 = arith.constant 0 : i32
      %dma_start3A_107 = arith.constant 0 : i32
      %dma_start3A_108 = tpu.memref_slice %arg8[%dma_start3A_106, %dma_start3A_107] : memref<128x128xf32, #tpu.memory_space<vmem>> -> memref<120x128xf32, #tpu.memory_space<vmem>>
      tpu.enqueue_dma source(%dma_start3A_108 : memref<120x128xf32, #tpu.memory_space<vmem>>) target(%dma_start3A_105 : memref<120x128xf32, #tpu.memory_space<vmem_shared>>) target_semaphore(%run_scoped3A : memref<!tpu.dma_semaphore, #tpu.memory_space<semaphore_mem>>)
      %dma_wait3A = arith.constant 0 : i32
      %dma_wait3A_109 = arith.constant 0 : i32
      %dma_wait3A_110 = tpu.memref_slice %arg8[%dma_wait3A, %dma_wait3A_109] : memref<128x128xf32, #tpu.memory_space<vmem>> -> memref<120x128xf32, #tpu.memory_space<vmem>>
      %dma_wait3A_111 = arith.constant 0 : i32
      %dma_wait3A_112 = tpu.memref_slice %arg10[%add3A_13, %dma_wait3A_111] : memref<10112x128xf32, #tpu.memory_space<vmem_shared>> -> memref<120x128xf32, #tpu.memory_space<vmem_shared>>
      %dma_wait3A_113 = arith.constant 0 : i32
      %dma_wait3A_114 = tpu.memref_slice %arg10[%add3A_13, %dma_wait3A_113] : memref<10112x128xf32, #tpu.memory_space<vmem_shared>> -> memref<120x128xf32, #tpu.memory_space<vmem_shared>>
      %dma_wait3A_115 = arith.constant 0 : i32
      %dma_wait3A_116 = arith.constant 0 : i32
      %dma_wait3A_117 = tpu.memref_slice %arg8[%dma_wait3A_115, %dma_wait3A_116] : memref<128x128xf32, #tpu.memory_space<vmem>> -> memref<120x128xf32, #tpu.memory_space<vmem>>
      tpu.wait_dma2 semaphore(%run_scoped3A : memref<!tpu.dma_semaphore, #tpu.memory_space<semaphore_mem>>) src(%dma_wait3A_117 : memref<120x128xf32, #tpu.memory_space<vmem>>) dst(%dma_wait3A_114 : memref<120x128xf32, #tpu.memory_space<vmem_shared>>)
      tpu.yield
    }) : () -> ()
    %barrier3A = arith.constant 0 : index
    tpu.barrier barrier_id(%barrier3A)
    %dma_start3A = arith.constant 0 : i32
    %dma_start3A_14 = arith.constant 0 : i32
    %dma_start3A_15 = arith.constant 0 : i32
    %dma_start3A_16 = tpu.memref_slice %arg7[%dma_start3A_14, %dma_start3A_15] : memref<4x128xi32, #tpu.memory_space<vmem>> -> memref<1x128xi32, #tpu.memory_space<vmem>>
    %dma_start3A_17 = tpu.memref_squeeze %dma_start3A_16 : memref<1x128xi32, #tpu.memory_space<vmem>> -> memref<128xi32, #tpu.memory_space<vmem>>
    %dma_start3A_18 = arith.constant 0 : i32
    %dma_start3A_19 = tpu.memref_slice %arg4[%arg0, %arg1, %dma_start3A, %dma_start3A_18] : memref<2x16x80x128xi32, #tpu.memory_space<hbm>> -> memref<1x1x1x128xi32, #tpu.memory_space<hbm>>
    %dma_start3A_20 = tpu.memref_squeeze %dma_start3A_19 : memref<1x1x1x128xi32, #tpu.memory_space<hbm>> -> memref<128xi32, #tpu.memory_space<hbm>>
    %dma_start3A_21 = arith.constant 0 : i32
    %dma_start3A_22 = tpu.memref_slice %arg7[%dma_start3A_14, %dma_start3A_21] : memref<4x128xi32, #tpu.memory_space<vmem>> -> memref<1x128xi32, #tpu.memory_space<vmem>>
    %dma_start3A_23 = tpu.memref_squeeze %dma_start3A_22 : memref<1x128xi32, #tpu.memory_space<vmem>> -> memref<128xi32, #tpu.memory_space<vmem>>
    %dma_start3A_24 = arith.constant 0 : i32
    %dma_start3A_25 = tpu.memref_slice %arg4[%arg0, %arg1, %dma_start3A, %dma_start3A_24] : memref<2x16x80x128xi32, #tpu.memory_space<hbm>> -> memref<1x1x1x128xi32, #tpu.memory_space<hbm>>
    %dma_start3A_26 = tpu.memref_squeeze %dma_start3A_25 : memref<1x1x1x128xi32, #tpu.memory_space<hbm>> -> memref<128xi32, #tpu.memory_space<hbm>>
    tpu.enqueue_dma source(%dma_start3A_26 : memref<128xi32, #tpu.memory_space<hbm>>) target(%dma_start3A_23 : memref<128xi32, #tpu.memory_space<vmem>>) target_semaphore(%arg13 : memref<!tpu.dma_semaphore, #tpu.memory_space<semaphore_mem>>)
    %dma_start3A_27 = arith.constant 1 : i32
    %dma_start3A_28 = arith.constant 1 : i32
    %dma_start3A_29 = arith.constant 0 : i32
    %dma_start3A_30 = tpu.memref_slice %arg7[%dma_start3A_28, %dma_start3A_29] : memref<4x128xi32, #tpu.memory_space<vmem>> -> memref<1x128xi32, #tpu.memory_space<vmem>>
    %dma_start3A_31 = tpu.memref_squeeze %dma_start3A_30 : memref<1x128xi32, #tpu.memory_space<vmem>> -> memref<128xi32, #tpu.memory_space<vmem>>
    %dma_start3A_32 = arith.constant 0 : i32
    %dma_start3A_33 = tpu.memref_slice %arg4[%arg0, %arg1, %dma_start3A_27, %dma_start3A_32] : memref<2x16x80x128xi32, #tpu.memory_space<hbm>> -> memref<1x1x1x128xi32, #tpu.memory_space<hbm>>
    %dma_start3A_34 = tpu.memref_squeeze %dma_start3A_33 : memref<1x1x1x128xi32, #tpu.memory_space<hbm>> -> memref<128xi32, #tpu.memory_space<hbm>>
    %dma_start3A_35 = arith.constant 0 : i32
    %dma_start3A_36 = tpu.memref_slice %arg7[%dma_start3A_28, %dma_start3A_35] : memref<4x128xi32, #tpu.memory_space<vmem>> -> memref<1x128xi32, #tpu.memory_space<vmem>>
    %dma_start3A_37 = tpu.memref_squeeze %dma_start3A_36 : memref<1x128xi32, #tpu.memory_space<vmem>> -> memref<128xi32, #tpu.memory_space<vmem>>
    %dma_start3A_38 = arith.constant 0 : i32
    %dma_start3A_39 = tpu.memref_slice %arg4[%arg0, %arg1, %dma_start3A_27, %dma_start3A_38] : memref<2x16x80x128xi32, #tpu.memory_space<hbm>> -> memref<1x1x1x128xi32, #tpu.memory_space<hbm>>
    %dma_start3A_40 = tpu.memref_squeeze %dma_start3A_39 : memref<1x1x1x128xi32, #tpu.memory_space<hbm>> -> memref<128xi32, #tpu.memory_space<hbm>>
    tpu.enqueue_dma source(%dma_start3A_40 : memref<128xi32, #tpu.memory_space<hbm>>) target(%dma_start3A_37 : memref<128xi32, #tpu.memory_space<vmem>>) target_semaphore(%arg14 : memref<!tpu.dma_semaphore, #tpu.memory_space<semaphore_mem>>)
    %dma_start3A_41 = arith.constant 2 : i32
    %dma_start3A_42 = arith.constant 2 : i32
    %dma_start3A_43 = arith.constant 0 : i32
    %dma_start3A_44 = tpu.memref_slice %arg7[%dma_start3A_42, %dma_start3A_43] : memref<4x128xi32, #tpu.memory_space<vmem>> -> memref<1x128xi32, #tpu.memory_space<vmem>>
    %dma_start3A_45 = tpu.memref_squeeze %dma_start3A_44 : memref<1x128xi32, #tpu.memory_space<vmem>> -> memref<128xi32, #tpu.memory_space<vmem>>
    %dma_start3A_46 = arith.constant 0 : i32
    %dma_start3A_47 = tpu.memref_slice %arg4[%arg0, %arg1, %dma_start3A_41, %dma_start3A_46] : memref<2x16x80x128xi32, #tpu.memory_space<hbm>> -> memref<1x1x1x128xi32, #tpu.memory_space<hbm>>
    %dma_start3A_48 = tpu.memref_squeeze %dma_start3A_47 : memref<1x1x1x128xi32, #tpu.memory_space<hbm>> -> memref<128xi32, #tpu.memory_space<hbm>>
    %dma_start3A_49 = arith.constant 0 : i32
    %dma_start3A_50 = tpu.memref_slice %arg7[%dma_start3A_42, %dma_start3A_49] : memref<4x128xi32, #tpu.memory_space<vmem>> -> memref<1x128xi32, #tpu.memory_space<vmem>>
    %dma_start3A_51 = tpu.memref_squeeze %dma_start3A_50 : memref<1x128xi32, #tpu.memory_space<vmem>> -> memref<128xi32, #tpu.memory_space<vmem>>
    %dma_start3A_52 = arith.constant 0 : i32
    %dma_start3A_53 = tpu.memref_slice %arg4[%arg0, %arg1, %dma_start3A_41, %dma_start3A_52] : memref<2x16x80x128xi32, #tpu.memory_space<hbm>> -> memref<1x1x1x128xi32, #tpu.memory_space<hbm>>
    %dma_start3A_54 = tpu.memref_squeeze %dma_start3A_53 : memref<1x1x1x128xi32, #tpu.memory_space<hbm>> -> memref<128xi32, #tpu.memory_space<hbm>>
    tpu.enqueue_dma source(%dma_start3A_54 : memref<128xi32, #tpu.memory_space<hbm>>) target(%dma_start3A_51 : memref<128xi32, #tpu.memory_space<vmem>>) target_semaphore(%arg15 : memref<!tpu.dma_semaphore, #tpu.memory_space<semaphore_mem>>)
    %dma_start3A_55 = arith.constant 3 : i32
    %dma_start3A_56 = arith.constant 3 : i32
    %dma_start3A_57 = arith.constant 0 : i32
    %dma_start3A_58 = tpu.memref_slice %arg7[%dma_start3A_56, %dma_start3A_57] : memref<4x128xi32, #tpu.memory_space<vmem>> -> memref<1x128xi32, #tpu.memory_space<vmem>>
    %dma_start3A_59 = tpu.memref_squeeze %dma_start3A_58 : memref<1x128xi32, #tpu.memory_space<vmem>> -> memref<128xi32, #tpu.memory_space<vmem>>
    %dma_start3A_60 = arith.constant 0 : i32
    %dma_start3A_61 = tpu.memref_slice %arg4[%arg0, %arg1, %dma_start3A_55, %dma_start3A_60] : memref<2x16x80x128xi32, #tpu.memory_space<hbm>> -> memref<1x1x1x128xi32, #tpu.memory_space<hbm>>
    %dma_start3A_62 = tpu.memref_squeeze %dma_start3A_61 : memref<1x1x1x128xi32, #tpu.memory_space<hbm>> -> memref<128xi32, #tpu.memory_space<hbm>>
    %dma_start3A_63 = arith.constant 0 : i32
    %dma_start3A_64 = tpu.memref_slice %arg7[%dma_start3A_56, %dma_start3A_63] : memref<4x128xi32, #tpu.memory_space<vmem>> -> memref<1x128xi32, #tpu.memory_space<vmem>>
    %dma_start3A_65 = tpu.memref_squeeze %dma_start3A_64 : memref<1x128xi32, #tpu.memory_space<vmem>> -> memref<128xi32, #tpu.memory_space<vmem>>
    %dma_start3A_66 = arith.constant 0 : i32
    %dma_start3A_67 = tpu.memref_slice %arg4[%arg0, %arg1, %dma_start3A_55, %dma_start3A_66] : memref<2x16x80x128xi32, #tpu.memory_space<hbm>> -> memref<1x1x1x128xi32, #tpu.memory_space<hbm>>
    %dma_start3A_68 = tpu.memref_squeeze %dma_start3A_67 : memref<1x1x1x128xi32, #tpu.memory_space<hbm>> -> memref<128xi32, #tpu.memory_space<hbm>>
    tpu.enqueue_dma source(%dma_start3A_68 : memref<128xi32, #tpu.memory_space<hbm>>) target(%dma_start3A_65 : memref<128xi32, #tpu.memory_space<vmem>>) target_semaphore(%arg16 : memref<!tpu.dma_semaphore, #tpu.memory_space<semaphore_mem>>)
    %dma_start3A_69 = arith.constant 0 : i32
    %dma_start3A_70 = arith.constant 0 : i32
    %dma_start3A_71 = tpu.memref_slice %arg6[%dma_start3A_69, %dma_start3A_70] : memref<80x128xi32, #tpu.memory_space<vmem>> -> memref<1x128xi32, #tpu.memory_space<vmem>>
    %dma_start3A_72 = tpu.memref_squeeze %dma_start3A_71 : memref<1x128xi32, #tpu.memory_space<vmem>> -> memref<128xi32, #tpu.memory_space<vmem>>
    %dma_start3A_73 = arith.constant 0 : i32
    %dma_start3A_74 = arith.constant 0 : i32
    %dma_start3A_75 = tpu.memref_slice %arg2[%dma_start3A_73, %dma_start3A_74] : memref<10000x128xf32, #tpu.memory_space<hbm>> -> memref<10000x128xf32, #tpu.memory_space<hbm>>
    tpu.enqueue_indirect_dma source(%dma_start3A_75 : memref<10000x128xf32, #tpu.memory_space<hbm>>) target(%arg8 : memref<128x128xf32, #tpu.memory_space<vmem>>) offsets(%dma_start3A_72 : memref<128xi32, #tpu.memory_space<vmem>>) semaphore(%arg11 : memref<!tpu.dma_semaphore, #tpu.memory_space<semaphore_mem>>)
    %dma_start3A_76 = arith.constant 1 : i32
    %dma_start3A_77 = arith.constant 0 : i32
    %dma_start3A_78 = tpu.memref_slice %arg6[%dma_start3A_76, %dma_start3A_77] : memref<80x128xi32, #tpu.memory_space<vmem>> -> memref<1x128xi32, #tpu.memory_space<vmem>>
    %dma_start3A_79 = tpu.memref_squeeze %dma_start3A_78 : memref<1x128xi32, #tpu.memory_space<vmem>> -> memref<128xi32, #tpu.memory_space<vmem>>
    %dma_start3A_80 = arith.constant 0 : i32
    %dma_start3A_81 = arith.constant 0 : i32
    %dma_start3A_82 = tpu.memref_slice %arg2[%dma_start3A_80, %dma_start3A_81] : memref<10000x128xf32, #tpu.memory_space<hbm>> -> memref<10000x128xf32, #tpu.memory_space<hbm>>
    tpu.enqueue_indirect_dma source(%dma_start3A_82 : memref<10000x128xf32, #tpu.memory_space<hbm>>) target(%arg9 : memref<128x128xf32, #tpu.memory_space<vmem>>) offsets(%dma_start3A_79 : memref<128xi32, #tpu.memory_space<vmem>>) semaphore(%arg12 : memref<!tpu.dma_semaphore, #tpu.memory_space<semaphore_mem>>)
    %scan3A_83 = arith.constant 0 : i32
    %scan3A_84 = arith.constant 20 : i32
    %scan3A_85 = arith.addi %scan3A_83, %scan3A_84 : i32
    %scan3A_86 = arith.constant 1 : i32
    scf.for %scan3A_99 = %scan3A_83 to %scan3A_85 step %scan3A_86  : i32 {
      %mul3A_100 = arith.constant 1 : i32
      %mul3A_101 = arith.muli %scan3A_99, %mul3A_100 : i32
      %add3A_102 = arith.constant 0 : i32
      %add3A_103 = arith.addi %add3A_102, %mul3A_101 : i32
      %mul3A_104 = arith.constant 4 : i32
      %mul3A_105 = arith.muli %add3A_103, %mul3A_104 : i32
      %add3A_106 = arith.constant 0 : i32
      %add3A_107 = arith.addi %mul3A_105, %add3A_106 : i32
      %dma_wait3A = arith.constant 0 : i32
      %dma_wait3A_108 = tpu.memref_slice %arg6[%add3A_107, %dma_wait3A] : memref<80x128xi32, #tpu.memory_space<vmem>> -> memref<1x128xi32, #tpu.memory_space<vmem>>
      %dma_wait3A_109 = tpu.memref_squeeze %dma_wait3A_108 : memref<1x128xi32, #tpu.memory_space<vmem>> -> memref<128xi32, #tpu.memory_space<vmem>>
      %dma_wait3A_110 = arith.constant 0 : i32
      %dma_wait3A_111 = arith.constant 0 : i32
      %dma_wait3A_112 = tpu.memref_slice %arg2[%dma_wait3A_110, %dma_wait3A_111] : memref<10000x128xf32, #tpu.memory_space<hbm>> -> memref<10000x128xf32, #tpu.memory_space<hbm>>
      tpu.wait_indirect_dma semaphore(%arg11 : memref<!tpu.dma_semaphore, #tpu.memory_space<semaphore_mem>>) src(%dma_wait3A_112 : memref<10000x128xf32, #tpu.memory_space<hbm>>) dst(%arg8 : memref<128x128xf32, #tpu.memory_space<vmem>>)
      %dma_wait3A_113 = arith.constant 0 : i32
      %dma_wait3A_114 = arith.constant 0 : i32
      %dma_wait3A_115 = tpu.memref_slice %arg7[%dma_wait3A_113, %dma_wait3A_114] : memref<4x128xi32, #tpu.memory_space<vmem>> -> memref<1x128xi32, #tpu.memory_space<vmem>>
      %dma_wait3A_116 = tpu.memref_squeeze %dma_wait3A_115 : memref<1x128xi32, #tpu.memory_space<vmem>> -> memref<128xi32, #tpu.memory_space<vmem>>
      %dma_wait3A_117 = arith.constant 0 : i32
      %dma_wait3A_118 = tpu.memref_slice %arg4[%arg0, %arg1, %add3A_107, %dma_wait3A_117] : memref<2x16x80x128xi32, #tpu.memory_space<hbm>> -> memref<1x1x1x128xi32, #tpu.memory_space<hbm>>
      %dma_wait3A_119 = tpu.memref_squeeze %dma_wait3A_118 : memref<1x1x1x128xi32, #tpu.memory_space<hbm>> -> memref<128xi32, #tpu.memory_space<hbm>>
      %dma_wait3A_120 = arith.constant 0 : i32
      %dma_wait3A_121 = tpu.memref_slice %arg7[%dma_wait3A_113, %dma_wait3A_120] : memref<4x128xi32, #tpu.memory_space<vmem>> -> memref<1x128xi32, #tpu.memory_space<vmem>>
      %dma_wait3A_122 = tpu.memref_squeeze %dma_wait3A_121 : memref<1x128xi32, #tpu.memory_space<vmem>> -> memref<128xi32, #tpu.memory_space<vmem>>
      %dma_wait3A_123 = arith.constant 0 : i32
      %dma_wait3A_124 = tpu.memref_slice %arg4[%arg0, %arg1, %add3A_107, %dma_wait3A_123] : memref<2x16x80x128xi32, #tpu.memory_space<hbm>> -> memref<1x1x1x128xi32, #tpu.memory_space<hbm>>
      %dma_wait3A_125 = tpu.memref_squeeze %dma_wait3A_124 : memref<1x1x1x128xi32, #tpu.memory_space<hbm>> -> memref<128xi32, #tpu.memory_space<hbm>>
      tpu.wait_dma2 semaphore(%arg13 : memref<!tpu.dma_semaphore, #tpu.memory_space<semaphore_mem>>) src(%dma_wait3A_125 : memref<128xi32, #tpu.memory_space<hbm>>) dst(%dma_wait3A_122 : memref<128xi32, #tpu.memory_space<vmem>>)
      %run_scoped3A = arith.constant 0 : i32
      "tpu.region"() ({
        %run_scoped3A_251 = tpu.sem_alloc : memref<!tpu.dma_semaphore, #tpu.memory_space<semaphore_mem>>
        %dma_start3A_252 = arith.constant 0 : i32
        %dma_start3A_253 = tpu.memref_slice %arg7[%run_scoped3A, %dma_start3A_252] : memref<4x128xi32, #tpu.memory_space<vmem>> -> memref<1x128xi32, #tpu.memory_space<vmem>>
        %dma_start3A_254 = tpu.memref_squeeze %dma_start3A_253 : memref<1x128xi32, #tpu.memory_space<vmem>> -> memref<128xi32, #tpu.memory_space<vmem>>
        %dma_start3A_255 = arith.constant 0 : i32
        %dma_start3A_256 = arith.constant 0 : i32
        %dma_start3A_257 = tpu.memref_slice %arg10[%dma_start3A_255, %dma_start3A_256] : memref<10112x128xf32, #tpu.memory_space<vmem_shared>> -> memref<10112x128xf32, #tpu.memory_space<vmem_shared>>
        tpu.enqueue_indirect_dma source(%arg8 : memref<128x128xf32, #tpu.memory_space<vmem>>) target(%dma_start3A_257 : memref<10112x128xf32, #tpu.memory_space<vmem_shared>>) offsets(%dma_start3A_254 : memref<128xi32, #tpu.memory_space<vmem>>) semaphore(%run_scoped3A_251 : memref<!tpu.dma_semaphore, #tpu.memory_space<semaphore_mem>>) {add = true}
        %dma_wait3A_258 = arith.constant 0 : i32
        %dma_wait3A_259 = tpu.memref_slice %arg7[%run_scoped3A, %dma_wait3A_258] : memref<4x128xi32, #tpu.memory_space<vmem>> -> memref<1x128xi32, #tpu.memory_space<vmem>>
        %dma_wait3A_260 = tpu.memref_squeeze %dma_wait3A_259 : memref<1x128xi32, #tpu.memory_space<vmem>> -> memref<128xi32, #tpu.memory_space<vmem>>
        %dma_wait3A_261 = arith.constant 0 : i32
        %dma_wait3A_262 = arith.constant 0 : i32
        %dma_wait3A_263 = tpu.memref_slice %arg10[%dma_wait3A_261, %dma_wait3A_262] : memref<10112x128xf32, #tpu.memory_space<vmem_shared>> -> memref<10112x128xf32, #tpu.memory_space<vmem_shared>>
        tpu.wait_indirect_dma semaphore(%run_scoped3A_251 : memref<!tpu.dma_semaphore, #tpu.memory_space<semaphore_mem>>) src(%arg8 : memref<128x128xf32, #tpu.memory_space<vmem>>) dst(%dma_wait3A_263 : memref<10112x128xf32, #tpu.memory_space<vmem_shared>>)
        tpu.yield
      }) : () -> ()
      %add3A_126 = arith.constant 2 : i32
      %add3A_127 = arith.addi %add3A_107, %add3A_126 : i32
      %lt3A = arith.constant 80 : i32
      %lt3A_128 = arith.cmpi slt, %add3A_127, %lt3A : i32
      %convert_element_type3A = arith.extui %lt3A_128 : i1 to i32
      %cond3A = arith.constant 0 : i32
      %cond3A_129 = arith.cmpi ne, %convert_element_type3A, %cond3A : i32
      scf.if %cond3A_129 {
        %add3A_251 = arith.constant 2 : i32
        %add3A_252 = arith.addi %add3A_107, %add3A_251 : i32
        %dma_start3A_253 = arith.constant 0 : i32
        %dma_start3A_254 = tpu.memref_slice %arg6[%add3A_252, %dma_start3A_253] : memref<80x128xi32, #tpu.memory_space<vmem>> -> memref<1x128xi32, #tpu.memory_space<vmem>>
        %dma_start3A_255 = tpu.memref_squeeze %dma_start3A_254 : memref<1x128xi32, #tpu.memory_space<vmem>> -> memref<128xi32, #tpu.memory_space<vmem>>
        %dma_start3A_256 = arith.constant 0 : i32
        %dma_start3A_257 = arith.constant 0 : i32
        %dma_start3A_258 = tpu.memref_slice %arg2[%dma_start3A_256, %dma_start3A_257] : memref<10000x128xf32, #tpu.memory_space<hbm>> -> memref<10000x128xf32, #tpu.memory_space<hbm>>
        tpu.enqueue_indirect_dma source(%dma_start3A_258 : memref<10000x128xf32, #tpu.memory_space<hbm>>) target(%arg8 : memref<128x128xf32, #tpu.memory_space<vmem>>) offsets(%dma_start3A_255 : memref<128xi32, #tpu.memory_space<vmem>>) semaphore(%arg11 : memref<!tpu.dma_semaphore, #tpu.memory_space<semaphore_mem>>)
      } else {
      }
      %add3A_130 = arith.constant 4 : i32
      %add3A_131 = arith.addi %add3A_107, %add3A_130 : i32
      %lt3A_132 = arith.constant 80 : i32
      %lt3A_133 = arith.cmpi slt, %add3A_131, %lt3A_132 : i32
      %convert_element_type3A_134 = arith.extui %lt3A_133 : i1 to i32
      %cond3A_135 = arith.constant 0 : i32
      %cond3A_136 = arith.cmpi ne, %convert_element_type3A_134, %cond3A_135 : i32
      scf.if %cond3A_136 {
        %add3A_251 = arith.constant 4 : i32
        %add3A_252 = arith.addi %add3A_107, %add3A_251 : i32
        %dma_start3A_253 = arith.constant 0 : i32
        %dma_start3A_254 = arith.constant 0 : i32
        %dma_start3A_255 = tpu.memref_slice %arg7[%dma_start3A_253, %dma_start3A_254] : memref<4x128xi32, #tpu.memory_space<vmem>> -> memref<1x128xi32, #tpu.memory_space<vmem>>
        %dma_start3A_256 = tpu.memref_squeeze %dma_start3A_255 : memref<1x128xi32, #tpu.memory_space<vmem>> -> memref<128xi32, #tpu.memory_space<vmem>>
        %dma_start3A_257 = arith.constant 0 : i32
        %dma_start3A_258 = tpu.memref_slice %arg4[%arg0, %arg1, %add3A_252, %dma_start3A_257] : memref<2x16x80x128xi32, #tpu.memory_space<hbm>> -> memref<1x1x1x128xi32, #tpu.memory_space<hbm>>
        %dma_start3A_259 = tpu.memref_squeeze %dma_start3A_258 : memref<1x1x1x128xi32, #tpu.memory_space<hbm>> -> memref<128xi32, #tpu.memory_space<hbm>>
        %dma_start3A_260 = arith.constant 0 : i32
        %dma_start3A_261 = tpu.memref_slice %arg7[%dma_start3A_253, %dma_start3A_260] : memref<4x128xi32, #tpu.memory_space<vmem>> -> memref<1x128xi32, #tpu.memory_space<vmem>>
        %dma_start3A_262 = tpu.memref_squeeze %dma_start3A_261 : memref<1x128xi32, #tpu.memory_space<vmem>> -> memref<128xi32, #tpu.memory_space<vmem>>
        %dma_start3A_263 = arith.constant 0 : i32
        %dma_start3A_264 = tpu.memref_slice %arg4[%arg0, %arg1, %add3A_252, %dma_start3A_263] : memref<2x16x80x128xi32, #tpu.memory_space<hbm>> -> memref<1x1x1x128xi32, #tpu.memory_space<hbm>>
        %dma_start3A_265 = tpu.memref_squeeze %dma_start3A_264 : memref<1x1x1x128xi32, #tpu.memory_space<hbm>> -> memref<128xi32, #tpu.memory_space<hbm>>
        tpu.enqueue_dma source(%dma_start3A_265 : memref<128xi32, #tpu.memory_space<hbm>>) target(%dma_start3A_262 : memref<128xi32, #tpu.memory_space<vmem>>) target_semaphore(%arg13 : memref<!tpu.dma_semaphore, #tpu.memory_space<semaphore_mem>>)
      } else {
      }
      %mul3A_137 = arith.constant 4 : i32
      %mul3A_138 = arith.muli %add3A_103, %mul3A_137 : i32
      %add3A_139 = arith.constant 1 : i32
      %add3A_140 = arith.addi %mul3A_138, %add3A_139 : i32
      %dma_wait3A_141 = arith.constant 0 : i32
      %dma_wait3A_142 = tpu.memref_slice %arg6[%add3A_140, %dma_wait3A_141] : memref<80x128xi32, #tpu.memory_space<vmem>> -> memref<1x128xi32, #tpu.memory_space<vmem>>
      %dma_wait3A_143 = tpu.memref_squeeze %dma_wait3A_142 : memref<1x128xi32, #tpu.memory_space<vmem>> -> memref<128xi32, #tpu.memory_space<vmem>>
      %dma_wait3A_144 = arith.constant 0 : i32
      %dma_wait3A_145 = arith.constant 0 : i32
      %dma_wait3A_146 = tpu.memref_slice %arg2[%dma_wait3A_144, %dma_wait3A_145] : memref<10000x128xf32, #tpu.memory_space<hbm>> -> memref<10000x128xf32, #tpu.memory_space<hbm>>
      tpu.wait_indirect_dma semaphore(%arg12 : memref<!tpu.dma_semaphore, #tpu.memory_space<semaphore_mem>>) src(%dma_wait3A_146 : memref<10000x128xf32, #tpu.memory_space<hbm>>) dst(%arg9 : memref<128x128xf32, #tpu.memory_space<vmem>>)
      %dma_wait3A_147 = arith.constant 1 : i32
      %dma_wait3A_148 = arith.constant 0 : i32
      %dma_wait3A_149 = tpu.memref_slice %arg7[%dma_wait3A_147, %dma_wait3A_148] : memref<4x128xi32, #tpu.memory_space<vmem>> -> memref<1x128xi32, #tpu.memory_space<vmem>>
      %dma_wait3A_150 = tpu.memref_squeeze %dma_wait3A_149 : memref<1x128xi32, #tpu.memory_space<vmem>> -> memref<128xi32, #tpu.memory_space<vmem>>
      %dma_wait3A_151 = arith.constant 0 : i32
      %dma_wait3A_152 = tpu.memref_slice %arg4[%arg0, %arg1, %add3A_140, %dma_wait3A_151] : memref<2x16x80x128xi32, #tpu.memory_space<hbm>> -> memref<1x1x1x128xi32, #tpu.memory_space<hbm>>
      %dma_wait3A_153 = tpu.memref_squeeze %dma_wait3A_152 : memref<1x1x1x128xi32, #tpu.memory_space<hbm>> -> memref<128xi32, #tpu.memory_space<hbm>>
      %dma_wait3A_154 = arith.constant 0 : i32
      %dma_wait3A_155 = tpu.memref_slice %arg7[%dma_wait3A_147, %dma_wait3A_154] : memref<4x128xi32, #tpu.memory_space<vmem>> -> memref<1x128xi32, #tpu.memory_space<vmem>>
      %dma_wait3A_156 = tpu.memref_squeeze %dma_wait3A_155 : memref<1x128xi32, #tpu.memory_space<vmem>> -> memref<128xi32, #tpu.memory_space<vmem>>
      %dma_wait3A_157 = arith.constant 0 : i32
      %dma_wait3A_158 = tpu.memref_slice %arg4[%arg0, %arg1, %add3A_140, %dma_wait3A_157] : memref<2x16x80x128xi32, #tpu.memory_space<hbm>> -> memref<1x1x1x128xi32, #tpu.memory_space<hbm>>
      %dma_wait3A_159 = tpu.memref_squeeze %dma_wait3A_158 : memref<1x1x1x128xi32, #tpu.memory_space<hbm>> -> memref<128xi32, #tpu.memory_space<hbm>>
      tpu.wait_dma2 semaphore(%arg14 : memref<!tpu.dma_semaphore, #tpu.memory_space<semaphore_mem>>) src(%dma_wait3A_159 : memref<128xi32, #tpu.memory_space<hbm>>) dst(%dma_wait3A_156 : memref<128xi32, #tpu.memory_space<vmem>>)
      %run_scoped3A_160 = arith.constant 1 : i32
      "tpu.region"() ({
        %run_scoped3A_251 = tpu.sem_alloc : memref<!tpu.dma_semaphore, #tpu.memory_space<semaphore_mem>>
        %dma_start3A_252 = arith.constant 0 : i32
        %dma_start3A_253 = tpu.memref_slice %arg7[%run_scoped3A_160, %dma_start3A_252] : memref<4x128xi32, #tpu.memory_space<vmem>> -> memref<1x128xi32, #tpu.memory_space<vmem>>
        %dma_start3A_254 = tpu.memref_squeeze %dma_start3A_253 : memref<1x128xi32, #tpu.memory_space<vmem>> -> memref<128xi32, #tpu.memory_space<vmem>>
        %dma_start3A_255 = arith.constant 0 : i32
        %dma_start3A_256 = arith.constant 0 : i32
        %dma_start3A_257 = tpu.memref_slice %arg10[%dma_start3A_255, %dma_start3A_256] : memref<10112x128xf32, #tpu.memory_space<vmem_shared>> -> memref<10112x128xf32, #tpu.memory_space<vmem_shared>>
        tpu.enqueue_indirect_dma source(%arg9 : memref<128x128xf32, #tpu.memory_space<vmem>>) target(%dma_start3A_257 : memref<10112x128xf32, #tpu.memory_space<vmem_shared>>) offsets(%dma_start3A_254 : memref<128xi32, #tpu.memory_space<vmem>>) semaphore(%run_scoped3A_251 : memref<!tpu.dma_semaphore, #tpu.memory_space<semaphore_mem>>) {add = true}
        %dma_wait3A_258 = arith.constant 0 : i32
        %dma_wait3A_259 = tpu.memref_slice %arg7[%run_scoped3A_160, %dma_wait3A_258] : memref<4x128xi32, #tpu.memory_space<vmem>> -> memref<1x128xi32, #tpu.memory_space<vmem>>
        %dma_wait3A_260 = tpu.memref_squeeze %dma_wait3A_259 : memref<1x128xi32, #tpu.memory_space<vmem>> -> memref<128xi32, #tpu.memory_space<vmem>>
        %dma_wait3A_261 = arith.constant 0 : i32
        %dma_wait3A_262 = arith.constant 0 : i32
        %dma_wait3A_263 = tpu.memref_slice %arg10[%dma_wait3A_261, %dma_wait3A_262] : memref<10112x128xf32, #tpu.memory_space<vmem_shared>> -> memref<10112x128xf32, #tpu.memory_space<vmem_shared>>
        tpu.wait_indirect_dma semaphore(%run_scoped3A_251 : memref<!tpu.dma_semaphore, #tpu.memory_space<semaphore_mem>>) src(%arg9 : memref<128x128xf32, #tpu.memory_space<vmem>>) dst(%dma_wait3A_263 : memref<10112x128xf32, #tpu.memory_space<vmem_shared>>)
        tpu.yield
      }) : () -> ()
      %add3A_161 = arith.constant 2 : i32
      %add3A_162 = arith.addi %add3A_140, %add3A_161 : i32
      %lt3A_163 = arith.constant 80 : i32
      %lt3A_164 = arith.cmpi slt, %add3A_162, %lt3A_163 : i32
      %convert_element_type3A_165 = arith.extui %lt3A_164 : i1 to i32
      %cond3A_166 = arith.constant 0 : i32
      %cond3A_167 = arith.cmpi ne, %convert_element_type3A_165, %cond3A_166 : i32
      scf.if %cond3A_167 {
        %add3A_251 = arith.constant 2 : i32
        %add3A_252 = arith.addi %add3A_140, %add3A_251 : i32
        %dma_start3A_253 = arith.constant 0 : i32
        %dma_start3A_254 = tpu.memref_slice %arg6[%add3A_252, %dma_start3A_253] : memref<80x128xi32, #tpu.memory_space<vmem>> -> memref<1x128xi32, #tpu.memory_space<vmem>>
        %dma_start3A_255 = tpu.memref_squeeze %dma_start3A_254 : memref<1x128xi32, #tpu.memory_space<vmem>> -> memref<128xi32, #tpu.memory_space<vmem>>
        %dma_start3A_256 = arith.constant 0 : i32
        %dma_start3A_257 = arith.constant 0 : i32
        %dma_start3A_258 = tpu.memref_slice %arg2[%dma_start3A_256, %dma_start3A_257] : memref<10000x128xf32, #tpu.memory_space<hbm>> -> memref<10000x128xf32, #tpu.memory_space<hbm>>
        tpu.enqueue_indirect_dma source(%dma_start3A_258 : memref<10000x128xf32, #tpu.memory_space<hbm>>) target(%arg9 : memref<128x128xf32, #tpu.memory_space<vmem>>) offsets(%dma_start3A_255 : memref<128xi32, #tpu.memory_space<vmem>>) semaphore(%arg12 : memref<!tpu.dma_semaphore, #tpu.memory_space<semaphore_mem>>)
      } else {
      }
      %add3A_168 = arith.constant 4 : i32
      %add3A_169 = arith.addi %add3A_140, %add3A_168 : i32
      %lt3A_170 = arith.constant 80 : i32
      %lt3A_171 = arith.cmpi slt, %add3A_169, %lt3A_170 : i32
      %convert_element_type3A_172 = arith.extui %lt3A_171 : i1 to i32
      %cond3A_173 = arith.constant 0 : i32
      %cond3A_174 = arith.cmpi ne, %convert_element_type3A_172, %cond3A_173 : i32
      scf.if %cond3A_174 {
        %add3A_251 = arith.constant 4 : i32
        %add3A_252 = arith.addi %add3A_140, %add3A_251 : i32
        %dma_start3A_253 = arith.constant 1 : i32
        %dma_start3A_254 = arith.constant 0 : i32
        %dma_start3A_255 = tpu.memref_slice %arg7[%dma_start3A_253, %dma_start3A_254] : memref<4x128xi32, #tpu.memory_space<vmem>> -> memref<1x128xi32, #tpu.memory_space<vmem>>
        %dma_start3A_256 = tpu.memref_squeeze %dma_start3A_255 : memref<1x128xi32, #tpu.memory_space<vmem>> -> memref<128xi32, #tpu.memory_space<vmem>>
        %dma_start3A_257 = arith.constant 0 : i32
        %dma_start3A_258 = tpu.memref_slice %arg4[%arg0, %arg1, %add3A_252, %dma_start3A_257] : memref<2x16x80x128xi32, #tpu.memory_space<hbm>> -> memref<1x1x1x128xi32, #tpu.memory_space<hbm>>
        %dma_start3A_259 = tpu.memref_squeeze %dma_start3A_258 : memref<1x1x1x128xi32, #tpu.memory_space<hbm>> -> memref<128xi32, #tpu.memory_space<hbm>>
        %dma_start3A_260 = arith.constant 0 : i32
        %dma_start3A_261 = tpu.memref_slice %arg7[%dma_start3A_253, %dma_start3A_260] : memref<4x128xi32, #tpu.memory_space<vmem>> -> memref<1x128xi32, #tpu.memory_space<vmem>>
        %dma_start3A_262 = tpu.memref_squeeze %dma_start3A_261 : memref<1x128xi32, #tpu.memory_space<vmem>> -> memref<128xi32, #tpu.memory_space<vmem>>
        %dma_start3A_263 = arith.constant 0 : i32
        %dma_start3A_264 = tpu.memref_slice %arg4[%arg0, %arg1, %add3A_252, %dma_start3A_263] : memref<2x16x80x128xi32, #tpu.memory_space<hbm>> -> memref<1x1x1x128xi32, #tpu.memory_space<hbm>>
        %dma_start3A_265 = tpu.memref_squeeze %dma_start3A_264 : memref<1x1x1x128xi32, #tpu.memory_space<hbm>> -> memref<128xi32, #tpu.memory_space<hbm>>
        tpu.enqueue_dma source(%dma_start3A_265 : memref<128xi32, #tpu.memory_space<hbm>>) target(%dma_start3A_262 : memref<128xi32, #tpu.memory_space<vmem>>) target_semaphore(%arg14 : memref<!tpu.dma_semaphore, #tpu.memory_space<semaphore_mem>>)
      } else {
      }
      %mul3A_175 = arith.constant 4 : i32
      %mul3A_176 = arith.muli %add3A_103, %mul3A_175 : i32
      %add3A_177 = arith.constant 2 : i32
      %add3A_178 = arith.addi %mul3A_176, %add3A_177 : i32
      %dma_wait3A_179 = arith.constant 0 : i32
      %dma_wait3A_180 = tpu.memref_slice %arg6[%add3A_178, %dma_wait3A_179] : memref<80x128xi32, #tpu.memory_space<vmem>> -> memref<1x128xi32, #tpu.memory_space<vmem>>
      %dma_wait3A_181 = tpu.memref_squeeze %dma_wait3A_180 : memref<1x128xi32, #tpu.memory_space<vmem>> -> memref<128xi32, #tpu.memory_space<vmem>>
      %dma_wait3A_182 = arith.constant 0 : i32
      %dma_wait3A_183 = arith.constant 0 : i32
      %dma_wait3A_184 = tpu.memref_slice %arg2[%dma_wait3A_182, %dma_wait3A_183] : memref<10000x128xf32, #tpu.memory_space<hbm>> -> memref<10000x128xf32, #tpu.memory_space<hbm>>
      tpu.wait_indirect_dma semaphore(%arg11 : memref<!tpu.dma_semaphore, #tpu.memory_space<semaphore_mem>>) src(%dma_wait3A_184 : memref<10000x128xf32, #tpu.memory_space<hbm>>) dst(%arg8 : memref<128x128xf32, #tpu.memory_space<vmem>>)
      %dma_wait3A_185 = arith.constant 2 : i32
      %dma_wait3A_186 = arith.constant 0 : i32
      %dma_wait3A_187 = tpu.memref_slice %arg7[%dma_wait3A_185, %dma_wait3A_186] : memref<4x128xi32, #tpu.memory_space<vmem>> -> memref<1x128xi32, #tpu.memory_space<vmem>>
      %dma_wait3A_188 = tpu.memref_squeeze %dma_wait3A_187 : memref<1x128xi32, #tpu.memory_space<vmem>> -> memref<128xi32, #tpu.memory_space<vmem>>
      %dma_wait3A_189 = arith.constant 0 : i32
      %dma_wait3A_190 = tpu.memref_slice %arg4[%arg0, %arg1, %add3A_178, %dma_wait3A_189] : memref<2x16x80x128xi32, #tpu.memory_space<hbm>> -> memref<1x1x1x128xi32, #tpu.memory_space<hbm>>
      %dma_wait3A_191 = tpu.memref_squeeze %dma_wait3A_190 : memref<1x1x1x128xi32, #tpu.memory_space<hbm>> -> memref<128xi32, #tpu.memory_space<hbm>>
      %dma_wait3A_192 = arith.constant 0 : i32
      %dma_wait3A_193 = tpu.memref_slice %arg7[%dma_wait3A_185, %dma_wait3A_192] : memref<4x128xi32, #tpu.memory_space<vmem>> -> memref<1x128xi32, #tpu.memory_space<vmem>>
      %dma_wait3A_194 = tpu.memref_squeeze %dma_wait3A_193 : memref<1x128xi32, #tpu.memory_space<vmem>> -> memref<128xi32, #tpu.memory_space<vmem>>
      %dma_wait3A_195 = arith.constant 0 : i32
      %dma_wait3A_196 = tpu.memref_slice %arg4[%arg0, %arg1, %add3A_178, %dma_wait3A_195] : memref<2x16x80x128xi32, #tpu.memory_space<hbm>> -> memref<1x1x1x128xi32, #tpu.memory_space<hbm>>
      %dma_wait3A_197 = tpu.memref_squeeze %dma_wait3A_196 : memref<1x1x1x128xi32, #tpu.memory_space<hbm>> -> memref<128xi32, #tpu.memory_space<hbm>>
      tpu.wait_dma2 semaphore(%arg15 : memref<!tpu.dma_semaphore, #tpu.memory_space<semaphore_mem>>) src(%dma_wait3A_197 : memref<128xi32, #tpu.memory_space<hbm>>) dst(%dma_wait3A_194 : memref<128xi32, #tpu.memory_space<vmem>>)
      %run_scoped3A_198 = arith.constant 2 : i32
      "tpu.region"() ({
        %run_scoped3A_251 = tpu.sem_alloc : memref<!tpu.dma_semaphore, #tpu.memory_space<semaphore_mem>>
        %dma_start3A_252 = arith.constant 0 : i32
        %dma_start3A_253 = tpu.memref_slice %arg7[%run_scoped3A_198, %dma_start3A_252] : memref<4x128xi32, #tpu.memory_space<vmem>> -> memref<1x128xi32, #tpu.memory_space<vmem>>
        %dma_start3A_254 = tpu.memref_squeeze %dma_start3A_253 : memref<1x128xi32, #tpu.memory_space<vmem>> -> memref<128xi32, #tpu.memory_space<vmem>>
        %dma_start3A_255 = arith.constant 0 : i32
        %dma_start3A_256 = arith.constant 0 : i32
        %dma_start3A_257 = tpu.memref_slice %arg10[%dma_start3A_255, %dma_start3A_256] : memref<10112x128xf32, #tpu.memory_space<vmem_shared>> -> memref<10112x128xf32, #tpu.memory_space<vmem_shared>>
        tpu.enqueue_indirect_dma source(%arg8 : memref<128x128xf32, #tpu.memory_space<vmem>>) target(%dma_start3A_257 : memref<10112x128xf32, #tpu.memory_space<vmem_shared>>) offsets(%dma_start3A_254 : memref<128xi32, #tpu.memory_space<vmem>>) semaphore(%run_scoped3A_251 : memref<!tpu.dma_semaphore, #tpu.memory_space<semaphore_mem>>) {add = true}
        %dma_wait3A_258 = arith.constant 0 : i32
        %dma_wait3A_259 = tpu.memref_slice %arg7[%run_scoped3A_198, %dma_wait3A_258] : memref<4x128xi32, #tpu.memory_space<vmem>> -> memref<1x128xi32, #tpu.memory_space<vmem>>
        %dma_wait3A_260 = tpu.memref_squeeze %dma_wait3A_259 : memref<1x128xi32, #tpu.memory_space<vmem>> -> memref<128xi32, #tpu.memory_space<vmem>>
        %dma_wait3A_261 = arith.constant 0 : i32
        %dma_wait3A_262 = arith.constant 0 : i32
        %dma_wait3A_263 = tpu.memref_slice %arg10[%dma_wait3A_261, %dma_wait3A_262] : memref<10112x128xf32, #tpu.memory_space<vmem_shared>> -> memref<10112x128xf32, #tpu.memory_space<vmem_shared>>
        tpu.wait_indirect_dma semaphore(%run_scoped3A_251 : memref<!tpu.dma_semaphore, #tpu.memory_space<semaphore_mem>>) src(%arg8 : memref<128x128xf32, #tpu.memory_space<vmem>>) dst(%dma_wait3A_263 : memref<10112x128xf32, #tpu.memory_space<vmem_shared>>)
        tpu.yield
      }) : () -> ()
      %add3A_199 = arith.constant 2 : i32
      %add3A_200 = arith.addi %add3A_178, %add3A_199 : i32
      %lt3A_201 = arith.constant 80 : i32
      %lt3A_202 = arith.cmpi slt, %add3A_200, %lt3A_201 : i32
      %convert_element_type3A_203 = arith.extui %lt3A_202 : i1 to i32
      %cond3A_204 = arith.constant 0 : i32
      %cond3A_205 = arith.cmpi ne, %convert_element_type3A_203, %cond3A_204 : i32
      scf.if %cond3A_205 {
        %add3A_251 = arith.constant 2 : i32
        %add3A_252 = arith.addi %add3A_178, %add3A_251 : i32
        %dma_start3A_253 = arith.constant 0 : i32
        %dma_start3A_254 = tpu.memref_slice %arg6[%add3A_252, %dma_start3A_253] : memref<80x128xi32, #tpu.memory_space<vmem>> -> memref<1x128xi32, #tpu.memory_space<vmem>>
        %dma_start3A_255 = tpu.memref_squeeze %dma_start3A_254 : memref<1x128xi32, #tpu.memory_space<vmem>> -> memref<128xi32, #tpu.memory_space<vmem>>
        %dma_start3A_256 = arith.constant 0 : i32
        %dma_start3A_257 = arith.constant 0 : i32
        %dma_start3A_258 = tpu.memref_slice %arg2[%dma_start3A_256, %dma_start3A_257] : memref<10000x128xf32, #tpu.memory_space<hbm>> -> memref<10000x128xf32, #tpu.memory_space<hbm>>
        tpu.enqueue_indirect_dma source(%dma_start3A_258 : memref<10000x128xf32, #tpu.memory_space<hbm>>) target(%arg8 : memref<128x128xf32, #tpu.memory_space<vmem>>) offsets(%dma_start3A_255 : memref<128xi32, #tpu.memory_space<vmem>>) semaphore(%arg11 : memref<!tpu.dma_semaphore, #tpu.memory_space<semaphore_mem>>)
      } else {
      }
      %add3A_206 = arith.constant 4 : i32
      %add3A_207 = arith.addi %add3A_178, %add3A_206 : i32
      %lt3A_208 = arith.constant 80 : i32
      %lt3A_209 = arith.cmpi slt, %add3A_207, %lt3A_208 : i32
      %convert_element_type3A_210 = arith.extui %lt3A_209 : i1 to i32
      %cond3A_211 = arith.constant 0 : i32
      %cond3A_212 = arith.cmpi ne, %convert_element_type3A_210, %cond3A_211 : i32
      scf.if %cond3A_212 {
        %add3A_251 = arith.constant 4 : i32
        %add3A_252 = arith.addi %add3A_178, %add3A_251 : i32
        %dma_start3A_253 = arith.constant 2 : i32
        %dma_start3A_254 = arith.constant 0 : i32
        %dma_start3A_255 = tpu.memref_slice %arg7[%dma_start3A_253, %dma_start3A_254] : memref<4x128xi32, #tpu.memory_space<vmem>> -> memref<1x128xi32, #tpu.memory_space<vmem>>
        %dma_start3A_256 = tpu.memref_squeeze %dma_start3A_255 : memref<1x128xi32, #tpu.memory_space<vmem>> -> memref<128xi32, #tpu.memory_space<vmem>>
        %dma_start3A_257 = arith.constant 0 : i32
        %dma_start3A_258 = tpu.memref_slice %arg4[%arg0, %arg1, %add3A_252, %dma_start3A_257] : memref<2x16x80x128xi32, #tpu.memory_space<hbm>> -> memref<1x1x1x128xi32, #tpu.memory_space<hbm>>
        %dma_start3A_259 = tpu.memref_squeeze %dma_start3A_258 : memref<1x1x1x128xi32, #tpu.memory_space<hbm>> -> memref<128xi32, #tpu.memory_space<hbm>>
        %dma_start3A_260 = arith.constant 0 : i32
        %dma_start3A_261 = tpu.memref_slice %arg7[%dma_start3A_253, %dma_start3A_260] : memref<4x128xi32, #tpu.memory_space<vmem>> -> memref<1x128xi32, #tpu.memory_space<vmem>>
        %dma_start3A_262 = tpu.memref_squeeze %dma_start3A_261 : memref<1x128xi32, #tpu.memory_space<vmem>> -> memref<128xi32, #tpu.memory_space<vmem>>
        %dma_start3A_263 = arith.constant 0 : i32
        %dma_start3A_264 = tpu.memref_slice %arg4[%arg0, %arg1, %add3A_252, %dma_start3A_263] : memref<2x16x80x128xi32, #tpu.memory_space<hbm>> -> memref<1x1x1x128xi32, #tpu.memory_space<hbm>>
        %dma_start3A_265 = tpu.memref_squeeze %dma_start3A_264 : memref<1x1x1x128xi32, #tpu.memory_space<hbm>> -> memref<128xi32, #tpu.memory_space<hbm>>
        tpu.enqueue_dma source(%dma_start3A_265 : memref<128xi32, #tpu.memory_space<hbm>>) target(%dma_start3A_262 : memref<128xi32, #tpu.memory_space<vmem>>) target_semaphore(%arg15 : memref<!tpu.dma_semaphore, #tpu.memory_space<semaphore_mem>>)
      } else {
      }
      %mul3A_213 = arith.constant 4 : i32
      %mul3A_214 = arith.muli %add3A_103, %mul3A_213 : i32
      %add3A_215 = arith.constant 3 : i32
      %add3A_216 = arith.addi %mul3A_214, %add3A_215 : i32
      %dma_wait3A_217 = arith.constant 0 : i32
      %dma_wait3A_218 = tpu.memref_slice %arg6[%add3A_216, %dma_wait3A_217] : memref<80x128xi32, #tpu.memory_space<vmem>> -> memref<1x128xi32, #tpu.memory_space<vmem>>
      %dma_wait3A_219 = tpu.memref_squeeze %dma_wait3A_218 : memref<1x128xi32, #tpu.memory_space<vmem>> -> memref<128xi32, #tpu.memory_space<vmem>>
      %dma_wait3A_220 = arith.constant 0 : i32
      %dma_wait3A_221 = arith.constant 0 : i32
      %dma_wait3A_222 = tpu.memref_slice %arg2[%dma_wait3A_220, %dma_wait3A_221] : memref<10000x128xf32, #tpu.memory_space<hbm>> -> memref<10000x128xf32, #tpu.memory_space<hbm>>
      tpu.wait_indirect_dma semaphore(%arg12 : memref<!tpu.dma_semaphore, #tpu.memory_space<semaphore_mem>>) src(%dma_wait3A_222 : memref<10000x128xf32, #tpu.memory_space<hbm>>) dst(%arg9 : memref<128x128xf32, #tpu.memory_space<vmem>>)
      %dma_wait3A_223 = arith.constant 3 : i32
      %dma_wait3A_224 = arith.constant 0 : i32
      %dma_wait3A_225 = tpu.memref_slice %arg7[%dma_wait3A_223, %dma_wait3A_224] : memref<4x128xi32, #tpu.memory_space<vmem>> -> memref<1x128xi32, #tpu.memory_space<vmem>>
      %dma_wait3A_226 = tpu.memref_squeeze %dma_wait3A_225 : memref<1x128xi32, #tpu.memory_space<vmem>> -> memref<128xi32, #tpu.memory_space<vmem>>
      %dma_wait3A_227 = arith.constant 0 : i32
      %dma_wait3A_228 = tpu.memref_slice %arg4[%arg0, %arg1, %add3A_216, %dma_wait3A_227] : memref<2x16x80x128xi32, #tpu.memory_space<hbm>> -> memref<1x1x1x128xi32, #tpu.memory_space<hbm>>
      %dma_wait3A_229 = tpu.memref_squeeze %dma_wait3A_228 : memref<1x1x1x128xi32, #tpu.memory_space<hbm>> -> memref<128xi32, #tpu.memory_space<hbm>>
      %dma_wait3A_230 = arith.constant 0 : i32
      %dma_wait3A_231 = tpu.memref_slice %arg7[%dma_wait3A_223, %dma_wait3A_230] : memref<4x128xi32, #tpu.memory_space<vmem>> -> memref<1x128xi32, #tpu.memory_space<vmem>>
      %dma_wait3A_232 = tpu.memref_squeeze %dma_wait3A_231 : memref<1x128xi32, #tpu.memory_space<vmem>> -> memref<128xi32, #tpu.memory_space<vmem>>
      %dma_wait3A_233 = arith.constant 0 : i32
      %dma_wait3A_234 = tpu.memref_slice %arg4[%arg0, %arg1, %add3A_216, %dma_wait3A_233] : memref<2x16x80x128xi32, #tpu.memory_space<hbm>> -> memref<1x1x1x128xi32, #tpu.memory_space<hbm>>
      %dma_wait3A_235 = tpu.memref_squeeze %dma_wait3A_234 : memref<1x1x1x128xi32, #tpu.memory_space<hbm>> -> memref<128xi32, #tpu.memory_space<hbm>>
      tpu.wait_dma2 semaphore(%arg16 : memref<!tpu.dma_semaphore, #tpu.memory_space<semaphore_mem>>) src(%dma_wait3A_235 : memref<128xi32, #tpu.memory_space<hbm>>) dst(%dma_wait3A_232 : memref<128xi32, #tpu.memory_space<vmem>>)
      %run_scoped3A_236 = arith.constant 3 : i32
      "tpu.region"() ({
        %run_scoped3A_251 = tpu.sem_alloc : memref<!tpu.dma_semaphore, #tpu.memory_space<semaphore_mem>>
        %dma_start3A_252 = arith.constant 0 : i32
        %dma_start3A_253 = tpu.memref_slice %arg7[%run_scoped3A_236, %dma_start3A_252] : memref<4x128xi32, #tpu.memory_space<vmem>> -> memref<1x128xi32, #tpu.memory_space<vmem>>
        %dma_start3A_254 = tpu.memref_squeeze %dma_start3A_253 : memref<1x128xi32, #tpu.memory_space<vmem>> -> memref<128xi32, #tpu.memory_space<vmem>>
        %dma_start3A_255 = arith.constant 0 : i32
        %dma_start3A_256 = arith.constant 0 : i32
        %dma_start3A_257 = tpu.memref_slice %arg10[%dma_start3A_255, %dma_start3A_256] : memref<10112x128xf32, #tpu.memory_space<vmem_shared>> -> memref<10112x128xf32, #tpu.memory_space<vmem_shared>>
        tpu.enqueue_indirect_dma source(%arg9 : memref<128x128xf32, #tpu.memory_space<vmem>>) target(%dma_start3A_257 : memref<10112x128xf32, #tpu.memory_space<vmem_shared>>) offsets(%dma_start3A_254 : memref<128xi32, #tpu.memory_space<vmem>>) semaphore(%run_scoped3A_251 : memref<!tpu.dma_semaphore, #tpu.memory_space<semaphore_mem>>) {add = true}
        %dma_wait3A_258 = arith.constant 0 : i32
        %dma_wait3A_259 = tpu.memref_slice %arg7[%run_scoped3A_236, %dma_wait3A_258] : memref<4x128xi32, #tpu.memory_space<vmem>> -> memref<1x128xi32, #tpu.memory_space<vmem>>
        %dma_wait3A_260 = tpu.memref_squeeze %dma_wait3A_259 : memref<1x128xi32, #tpu.memory_space<vmem>> -> memref<128xi32, #tpu.memory_space<vmem>>
        %dma_wait3A_261 = arith.constant 0 : i32
        %dma_wait3A_262 = arith.constant 0 : i32
        %dma_wait3A_263 = tpu.memref_slice %arg10[%dma_wait3A_261, %dma_wait3A_262] : memref<10112x128xf32, #tpu.memory_space<vmem_shared>> -> memref<10112x128xf32, #tpu.memory_space<vmem_shared>>
        tpu.wait_indirect_dma semaphore(%run_scoped3A_251 : memref<!tpu.dma_semaphore, #tpu.memory_space<semaphore_mem>>) src(%arg9 : memref<128x128xf32, #tpu.memory_space<vmem>>) dst(%dma_wait3A_263 : memref<10112x128xf32, #tpu.memory_space<vmem_shared>>)
        tpu.yield
      }) : () -> ()
      %add3A_237 = arith.constant 2 : i32
      %add3A_238 = arith.addi %add3A_216, %add3A_237 : i32
      %lt3A_239 = arith.constant 80 : i32
      %lt3A_240 = arith.cmpi slt, %add3A_238, %lt3A_239 : i32
      %convert_element_type3A_241 = arith.extui %lt3A_240 : i1 to i32
      %cond3A_242 = arith.constant 0 : i32
      %cond3A_243 = arith.cmpi ne, %convert_element_type3A_241, %cond3A_242 : i32
      scf.if %cond3A_243 {
        %add3A_251 = arith.constant 2 : i32
        %add3A_252 = arith.addi %add3A_216, %add3A_251 : i32
        %dma_start3A_253 = arith.constant 0 : i32
        %dma_start3A_254 = tpu.memref_slice %arg6[%add3A_252, %dma_start3A_253] : memref<80x128xi32, #tpu.memory_space<vmem>> -> memref<1x128xi32, #tpu.memory_space<vmem>>
        %dma_start3A_255 = tpu.memref_squeeze %dma_start3A_254 : memref<1x128xi32, #tpu.memory_space<vmem>> -> memref<128xi32, #tpu.memory_space<vmem>>
        %dma_start3A_256 = arith.constant 0 : i32
        %dma_start3A_257 = arith.constant 0 : i32
        %dma_start3A_258 = tpu.memref_slice %arg2[%dma_start3A_256, %dma_start3A_257] : memref<10000x128xf32, #tpu.memory_space<hbm>> -> memref<10000x128xf32, #tpu.memory_space<hbm>>
        tpu.enqueue_indirect_dma source(%dma_start3A_258 : memref<10000x128xf32, #tpu.memory_space<hbm>>) target(%arg9 : memref<128x128xf32, #tpu.memory_space<vmem>>) offsets(%dma_start3A_255 : memref<128xi32, #tpu.memory_space<vmem>>) semaphore(%arg12 : memref<!tpu.dma_semaphore, #tpu.memory_space<semaphore_mem>>)
      } else {
      }
      %add3A_244 = arith.constant 4 : i32
      %add3A_245 = arith.addi %add3A_216, %add3A_244 : i32
      %lt3A_246 = arith.constant 80 : i32
      %lt3A_247 = arith.cmpi slt, %add3A_245, %lt3A_246 : i32
      %convert_element_type3A_248 = arith.extui %lt3A_247 : i1 to i32
      %cond3A_249 = arith.constant 0 : i32
      %cond3A_250 = arith.cmpi ne, %convert_element_type3A_248, %cond3A_249 : i32
      scf.if %cond3A_250 {
        %add3A_251 = arith.constant 4 : i32
        %add3A_252 = arith.addi %add3A_216, %add3A_251 : i32
        %dma_start3A_253 = arith.constant 3 : i32
        %dma_start3A_254 = arith.constant 0 : i32
        %dma_start3A_255 = tpu.memref_slice %arg7[%dma_start3A_253, %dma_start3A_254] : memref<4x128xi32, #tpu.memory_space<vmem>> -> memref<1x128xi32, #tpu.memory_space<vmem>>
        %dma_start3A_256 = tpu.memref_squeeze %dma_start3A_255 : memref<1x128xi32, #tpu.memory_space<vmem>> -> memref<128xi32, #tpu.memory_space<vmem>>
        %dma_start3A_257 = arith.constant 0 : i32
        %dma_start3A_258 = tpu.memref_slice %arg4[%arg0, %arg1, %add3A_252, %dma_start3A_257] : memref<2x16x80x128xi32, #tpu.memory_space<hbm>> -> memref<1x1x1x128xi32, #tpu.memory_space<hbm>>
        %dma_start3A_259 = tpu.memref_squeeze %dma_start3A_258 : memref<1x1x1x128xi32, #tpu.memory_space<hbm>> -> memref<128xi32, #tpu.memory_space<hbm>>
        %dma_start3A_260 = arith.constant 0 : i32
        %dma_start3A_261 = tpu.memref_slice %arg7[%dma_start3A_253, %dma_start3A_260] : memref<4x128xi32, #tpu.memory_space<vmem>> -> memref<1x128xi32, #tpu.memory_space<vmem>>
        %dma_start3A_262 = tpu.memref_squeeze %dma_start3A_261 : memref<1x128xi32, #tpu.memory_space<vmem>> -> memref<128xi32, #tpu.memory_space<vmem>>
        %dma_start3A_263 = arith.constant 0 : i32
        %dma_start3A_264 = tpu.memref_slice %arg4[%arg0, %arg1, %add3A_252, %dma_start3A_263] : memref<2x16x80x128xi32, #tpu.memory_space<hbm>> -> memref<1x1x1x128xi32, #tpu.memory_space<hbm>>
        %dma_start3A_265 = tpu.memref_squeeze %dma_start3A_264 : memref<1x1x1x128xi32, #tpu.memory_space<hbm>> -> memref<128xi32, #tpu.memory_space<hbm>>
        tpu.enqueue_dma source(%dma_start3A_265 : memref<128xi32, #tpu.memory_space<hbm>>) target(%dma_start3A_262 : memref<128xi32, #tpu.memory_space<vmem>>) target_semaphore(%arg16 : memref<!tpu.dma_semaphore, #tpu.memory_space<semaphore_mem>>)
      } else {
      }
    }
    %scan3A_87 = arith.constant 20 : i32
    %barrier3A_88 = arith.constant 0 : index
    tpu.barrier barrier_id(%barrier3A_88)
    %add3A_89 = arith.constant 0 : i32
    %add3A_90 = arith.addi %mul3A_4, %add3A_89 : i32
    "tpu.region"() ({
      %run_scoped3A = tpu.sem_alloc : memref<!tpu.dma_semaphore, #tpu.memory_space<semaphore_mem>>
      %dma_start3A_99 = arith.constant 0 : i32
      %dma_start3A_100 = arith.constant 0 : i32
      %dma_start3A_101 = tpu.memref_slice %arg8[%dma_start3A_99, %dma_start3A_100] : memref<128x128xf32, #tpu.memory_space<vmem>> -> memref<128x128xf32, #tpu.memory_space<vmem>>
      %dma_start3A_102 = arith.constant 0 : i32
      %dma_start3A_103 = tpu.memref_slice %arg10[%add3A_90, %dma_start3A_102] : memref<10112x128xf32, #tpu.memory_space<vmem_shared>> -> memref<128x128xf32, #tpu.memory_space<vmem_shared>>
      %dma_start3A_104 = arith.constant 0 : i32
      %dma_start3A_105 = arith.constant 0 : i32
      %dma_start3A_106 = tpu.memref_slice %arg8[%dma_start3A_104, %dma_start3A_105] : memref<128x128xf32, #tpu.memory_space<vmem>> -> memref<128x128xf32, #tpu.memory_space<vmem>>
      %dma_start3A_107 = arith.constant 0 : i32
      %dma_start3A_108 = tpu.memref_slice %arg10[%add3A_90, %dma_start3A_107] : memref<10112x128xf32, #tpu.memory_space<vmem_shared>> -> memref<128x128xf32, #tpu.memory_space<vmem_shared>>
      tpu.enqueue_dma source(%dma_start3A_108 : memref<128x128xf32, #tpu.memory_space<vmem_shared>>) target(%dma_start3A_106 : memref<128x128xf32, #tpu.memory_space<vmem>>) target_semaphore(%run_scoped3A : memref<!tpu.dma_semaphore, #tpu.memory_space<semaphore_mem>>)
      %dma_wait3A = arith.constant 0 : i32
      %dma_wait3A_109 = arith.constant 0 : i32
      %dma_wait3A_110 = tpu.memref_slice %arg8[%dma_wait3A, %dma_wait3A_109] : memref<128x128xf32, #tpu.memory_space<vmem>> -> memref<128x128xf32, #tpu.memory_space<vmem>>
      %dma_wait3A_111 = arith.constant 0 : i32
      %dma_wait3A_112 = tpu.memref_slice %arg10[%add3A_90, %dma_wait3A_111] : memref<10112x128xf32, #tpu.memory_space<vmem_shared>> -> memref<128x128xf32, #tpu.memory_space<vmem_shared>>
      %dma_wait3A_113 = arith.constant 0 : i32
      %dma_wait3A_114 = arith.constant 0 : i32
      %dma_wait3A_115 = tpu.memref_slice %arg8[%dma_wait3A_113, %dma_wait3A_114] : memref<128x128xf32, #tpu.memory_space<vmem>> -> memref<128x128xf32, #tpu.memory_space<vmem>>
      %dma_wait3A_116 = arith.constant 0 : i32
      %dma_wait3A_117 = tpu.memref_slice %arg10[%add3A_90, %dma_wait3A_116] : memref<10112x128xf32, #tpu.memory_space<vmem_shared>> -> memref<128x128xf32, #tpu.memory_space<vmem_shared>>
      tpu.wait_dma2 semaphore(%run_scoped3A : memref<!tpu.dma_semaphore, #tpu.memory_space<semaphore_mem>>) src(%dma_wait3A_117 : memref<128x128xf32, #tpu.memory_space<vmem_shared>>) dst(%dma_wait3A_115 : memref<128x128xf32, #tpu.memory_space<vmem>>)
      tpu.yield
    }) : () -> ()
    "tpu.region"() ({
      %run_scoped3A = tpu.sem_alloc : memref<!tpu.dma_semaphore, #tpu.memory_space<semaphore_mem>>
      %dma_start3A_99 = arith.constant 0 : i32
      %dma_start3A_100 = arith.constant 0 : i32
      %dma_start3A_101 = tpu.memref_slice %arg8[%dma_start3A_99, %dma_start3A_100] : memref<128x128xf32, #tpu.memory_space<vmem>> -> memref<128x128xf32, #tpu.memory_space<vmem>>
      %dma_start3A_102 = arith.constant 0 : i32
      %dma_start3A_103 = arith.constant 0 : i32
      %dma_start3A_104 = tpu.memref_slice %arg5[%arg0, %dma_start3A_102, %dma_start3A_103] : memref<2x10112x128xf32, #tpu.memory_space<hbm>> -> memref<1x10112x128xf32, #tpu.memory_space<hbm>>
      %dma_start3A_105 = tpu.memref_squeeze %dma_start3A_104 : memref<1x10112x128xf32, #tpu.memory_space<hbm>> -> memref<10112x128xf32, #tpu.memory_space<hbm>>
      %dma_start3A_106 = arith.constant 0 : i32
      %dma_start3A_107 = tpu.memref_slice %dma_start3A_105[%add3A_90, %dma_start3A_106] : memref<10112x128xf32, #tpu.memory_space<hbm>> -> memref<128x128xf32, #tpu.memory_space<hbm>>
      %dma_start3A_108 = arith.constant 0 : i32
      %dma_start3A_109 = arith.constant 0 : i32
      %dma_start3A_110 = tpu.memref_slice %arg5[%arg0, %dma_start3A_108, %dma_start3A_109] : memref<2x10112x128xf32, #tpu.memory_space<hbm>> -> memref<1x10112x128xf32, #tpu.memory_space<hbm>>
      %dma_start3A_111 = tpu.memref_squeeze %dma_start3A_110 : memref<1x10112x128xf32, #tpu.memory_space<hbm>> -> memref<10112x128xf32, #tpu.memory_space<hbm>>
      %dma_start3A_112 = arith.constant 0 : i32
      %dma_start3A_113 = tpu.memref_slice %dma_start3A_111[%add3A_90, %dma_start3A_112] : memref<10112x128xf32, #tpu.memory_space<hbm>> -> memref<128x128xf32, #tpu.memory_space<hbm>>
      %dma_start3A_114 = arith.constant 0 : i32
      %dma_start3A_115 = arith.constant 0 : i32
      %dma_start3A_116 = tpu.memref_slice %arg8[%dma_start3A_114, %dma_start3A_115] : memref<128x128xf32, #tpu.memory_space<vmem>> -> memref<128x128xf32, #tpu.memory_space<vmem>>
      tpu.enqueue_dma source(%dma_start3A_116 : memref<128x128xf32, #tpu.memory_space<vmem>>) target(%dma_start3A_113 : memref<128x128xf32, #tpu.memory_space<hbm>>) target_semaphore(%run_scoped3A : memref<!tpu.dma_semaphore, #tpu.memory_space<semaphore_mem>>)
      %dma_wait3A = arith.constant 0 : i32
      %dma_wait3A_117 = arith.constant 0 : i32
      %dma_wait3A_118 = tpu.memref_slice %arg8[%dma_wait3A, %dma_wait3A_117] : memref<128x128xf32, #tpu.memory_space<vmem>> -> memref<128x128xf32, #tpu.memory_space<vmem>>
      %dma_wait3A_119 = arith.constant 0 : i32
      %dma_wait3A_120 = arith.constant 0 : i32
      %dma_wait3A_121 = tpu.memref_slice %arg5[%arg0, %dma_wait3A_119, %dma_wait3A_120] : memref<2x10112x128xf32, #tpu.memory_space<hbm>> -> memref<1x10112x128xf32, #tpu.memory_space<hbm>>
      %dma_wait3A_122 = tpu.memref_squeeze %dma_wait3A_121 : memref<1x10112x128xf32, #tpu.memory_space<hbm>> -> memref<10112x128xf32, #tpu.memory_space<hbm>>
      %dma_wait3A_123 = arith.constant 0 : i32
      %dma_wait3A_124 = tpu.memref_slice %dma_wait3A_122[%add3A_90, %dma_wait3A_123] : memref<10112x128xf32, #tpu.memory_space<hbm>> -> memref<128x128xf32, #tpu.memory_space<hbm>>
      %dma_wait3A_125 = arith.constant 0 : i32
      %dma_wait3A_126 = arith.constant 0 : i32
      %dma_wait3A_127 = tpu.memref_slice %arg5[%arg0, %dma_wait3A_125, %dma_wait3A_126] : memref<2x10112x128xf32, #tpu.memory_space<hbm>> -> memref<1x10112x128xf32, #tpu.memory_space<hbm>>
      %dma_wait3A_128 = tpu.memref_squeeze %dma_wait3A_127 : memref<1x10112x128xf32, #tpu.memory_space<hbm>> -> memref<10112x128xf32, #tpu.memory_space<hbm>>
      %dma_wait3A_129 = arith.constant 0 : i32
      %dma_wait3A_130 = tpu.memref_slice %dma_wait3A_128[%add3A_90, %dma_wait3A_129] : memref<10112x128xf32, #tpu.memory_space<hbm>> -> memref<128x128xf32, #tpu.memory_space<hbm>>
      %dma_wait3A_131 = arith.constant 0 : i32
      %dma_wait3A_132 = arith.constant 0 : i32
      %dma_wait3A_133 = tpu.memref_slice %arg8[%dma_wait3A_131, %dma_wait3A_132] : memref<128x128xf32, #tpu.memory_space<vmem>> -> memref<128x128xf32, #tpu.memory_space<vmem>>
      tpu.wait_dma2 semaphore(%run_scoped3A : memref<!tpu.dma_semaphore, #tpu.memory_space<semaphore_mem>>) src(%dma_wait3A_133 : memref<128x128xf32, #tpu.memory_space<vmem>>) dst(%dma_wait3A_130 : memref<128x128xf32, #tpu.memory_space<hbm>>)
      tpu.yield
    }) : () -> ()
    %add3A_91 = arith.constant 128 : i32
    %add3A_92 = arith.addi %mul3A_4, %add3A_91 : i32
    "tpu.region"() ({
      %run_scoped3A = tpu.sem_alloc : memref<!tpu.dma_semaphore, #tpu.memory_space<semaphore_mem>>
      %dma_start3A_99 = arith.constant 0 : i32
      %dma_start3A_100 = arith.constant 0 : i32
      %dma_start3A_101 = tpu.memref_slice %arg8[%dma_start3A_99, %dma_start3A_100] : memref<128x128xf32, #tpu.memory_space<vmem>> -> memref<128x128xf32, #tpu.memory_space<vmem>>
      %dma_start3A_102 = arith.constant 0 : i32
      %dma_start3A_103 = tpu.memref_slice %arg10[%add3A_92, %dma_start3A_102] : memref<10112x128xf32, #tpu.memory_space<vmem_shared>> -> memref<128x128xf32, #tpu.memory_space<vmem_shared>>
      %dma_start3A_104 = arith.constant 0 : i32
      %dma_start3A_105 = arith.constant 0 : i32
      %dma_start3A_106 = tpu.memref_slice %arg8[%dma_start3A_104, %dma_start3A_105] : memref<128x128xf32, #tpu.memory_space<vmem>> -> memref<128x128xf32, #tpu.memory_space<vmem>>
      %dma_start3A_107 = arith.constant 0 : i32
      %dma_start3A_108 = tpu.memref_slice %arg10[%add3A_92, %dma_start3A_107] : memref<10112x128xf32, #tpu.memory_space<vmem_shared>> -> memref<128x128xf32, #tpu.memory_space<vmem_shared>>
      tpu.enqueue_dma source(%dma_start3A_108 : memref<128x128xf32, #tpu.memory_space<vmem_shared>>) target(%dma_start3A_106 : memref<128x128xf32, #tpu.memory_space<vmem>>) target_semaphore(%run_scoped3A : memref<!tpu.dma_semaphore, #tpu.memory_space<semaphore_mem>>)
      %dma_wait3A = arith.constant 0 : i32
      %dma_wait3A_109 = arith.constant 0 : i32
      %dma_wait3A_110 = tpu.memref_slice %arg8[%dma_wait3A, %dma_wait3A_109] : memref<128x128xf32, #tpu.memory_space<vmem>> -> memref<128x128xf32, #tpu.memory_space<vmem>>
      %dma_wait3A_111 = arith.constant 0 : i32
      %dma_wait3A_112 = tpu.memref_slice %arg10[%add3A_92, %dma_wait3A_111] : memref<10112x128xf32, #tpu.memory_space<vmem_shared>> -> memref<128x128xf32, #tpu.memory_space<vmem_shared>>
      %dma_wait3A_113 = arith.constant 0 : i32
      %dma_wait3A_114 = arith.constant 0 : i32
      %dma_wait3A_115 = tpu.memref_slice %arg8[%dma_wait3A_113, %dma_wait3A_114] : memref<128x128xf32, #tpu.memory_space<vmem>> -> memref<128x128xf32, #tpu.memory_space<vmem>>
      %dma_wait3A_116 = arith.constant 0 : i32
      %dma_wait3A_117 = tpu.memref_slice %arg10[%add3A_92, %dma_wait3A_116] : memref<10112x128xf32, #tpu.memory_space<vmem_shared>> -> memref<128x128xf32, #tpu.memory_space<vmem_shared>>
      tpu.wait_dma2 semaphore(%run_scoped3A : memref<!tpu.dma_semaphore, #tpu.memory_space<semaphore_mem>>) src(%dma_wait3A_117 : memref<128x128xf32, #tpu.memory_space<vmem_shared>>) dst(%dma_wait3A_115 : memref<128x128xf32, #tpu.memory_space<vmem>>)
      tpu.yield
    }) : () -> ()
    "tpu.region"() ({
      %run_scoped3A = tpu.sem_alloc : memref<!tpu.dma_semaphore, #tpu.memory_space<semaphore_mem>>
      %dma_start3A_99 = arith.constant 0 : i32
      %dma_start3A_100 = arith.constant 0 : i32
      %dma_start3A_101 = tpu.memref_slice %arg8[%dma_start3A_99, %dma_start3A_100] : memref<128x128xf32, #tpu.memory_space<vmem>> -> memref<128x128xf32, #tpu.memory_space<vmem>>
      %dma_start3A_102 = arith.constant 0 : i32
      %dma_start3A_103 = arith.constant 0 : i32
      %dma_start3A_104 = tpu.memref_slice %arg5[%arg0, %dma_start3A_102, %dma_start3A_103] : memref<2x10112x128xf32, #tpu.memory_space<hbm>> -> memref<1x10112x128xf32, #tpu.memory_space<hbm>>
      %dma_start3A_105 = tpu.memref_squeeze %dma_start3A_104 : memref<1x10112x128xf32, #tpu.memory_space<hbm>> -> memref<10112x128xf32, #tpu.memory_space<hbm>>
      %dma_start3A_106 = arith.constant 0 : i32
      %dma_start3A_107 = tpu.memref_slice %dma_start3A_105[%add3A_92, %dma_start3A_106] : memref<10112x128xf32, #tpu.memory_space<hbm>> -> memref<128x128xf32, #tpu.memory_space<hbm>>
      %dma_start3A_108 = arith.constant 0 : i32
      %dma_start3A_109 = arith.constant 0 : i32
      %dma_start3A_110 = tpu.memref_slice %arg5[%arg0, %dma_start3A_108, %dma_start3A_109] : memref<2x10112x128xf32, #tpu.memory_space<hbm>> -> memref<1x10112x128xf32, #tpu.memory_space<hbm>>
      %dma_start3A_111 = tpu.memref_squeeze %dma_start3A_110 : memref<1x10112x128xf32, #tpu.memory_space<hbm>> -> memref<10112x128xf32, #tpu.memory_space<hbm>>
      %dma_start3A_112 = arith.constant 0 : i32
      %dma_start3A_113 = tpu.memref_slice %dma_start3A_111[%add3A_92, %dma_start3A_112] : memref<10112x128xf32, #tpu.memory_space<hbm>> -> memref<128x128xf32, #tpu.memory_space<hbm>>
      %dma_start3A_114 = arith.constant 0 : i32
      %dma_start3A_115 = arith.constant 0 : i32
      %dma_start3A_116 = tpu.memref_slice %arg8[%dma_start3A_114, %dma_start3A_115] : memref<128x128xf32, #tpu.memory_space<vmem>> -> memref<128x128xf32, #tpu.memory_space<vmem>>
      tpu.enqueue_dma source(%dma_start3A_116 : memref<128x128xf32, #tpu.memory_space<vmem>>) target(%dma_start3A_113 : memref<128x128xf32, #tpu.memory_space<hbm>>) target_semaphore(%run_scoped3A : memref<!tpu.dma_semaphore, #tpu.memory_space<semaphore_mem>>)
      %dma_wait3A = arith.constant 0 : i32
      %dma_wait3A_117 = arith.constant 0 : i32
      %dma_wait3A_118 = tpu.memref_slice %arg8[%dma_wait3A, %dma_wait3A_117] : memref<128x128xf32, #tpu.memory_space<vmem>> -> memref<128x128xf32, #tpu.memory_space<vmem>>
      %dma_wait3A_119 = arith.constant 0 : i32
      %dma_wait3A_120 = arith.constant 0 : i32
      %dma_wait3A_121 = tpu.memref_slice %arg5[%arg0, %dma_wait3A_119, %dma_wait3A_120] : memref<2x10112x128xf32, #tpu.memory_space<hbm>> -> memref<1x10112x128xf32, #tpu.memory_space<hbm>>
      %dma_wait3A_122 = tpu.memref_squeeze %dma_wait3A_121 : memref<1x10112x128xf32, #tpu.memory_space<hbm>> -> memref<10112x128xf32, #tpu.memory_space<hbm>>
      %dma_wait3A_123 = arith.constant 0 : i32
      %dma_wait3A_124 = tpu.memref_slice %dma_wait3A_122[%add3A_92, %dma_wait3A_123] : memref<10112x128xf32, #tpu.memory_space<hbm>> -> memref<128x128xf32, #tpu.memory_space<hbm>>
      %dma_wait3A_125 = arith.constant 0 : i32
      %dma_wait3A_126 = arith.constant 0 : i32
      %dma_wait3A_127 = tpu.memref_slice %arg5[%arg0, %dma_wait3A_125, %dma_wait3A_126] : memref<2x10112x128xf32, #tpu.memory_space<hbm>> -> memref<1x10112x128xf32, #tpu.memory_space<hbm>>
      %dma_wait3A_128 = tpu.memref_squeeze %dma_wait3A_127 : memref<1x10112x128xf32, #tpu.memory_space<hbm>> -> memref<10112x128xf32, #tpu.memory_space<hbm>>
      %dma_wait3A_129 = arith.constant 0 : i32
      %dma_wait3A_130 = tpu.memref_slice %dma_wait3A_128[%add3A_92, %dma_wait3A_129] : memref<10112x128xf32, #tpu.memory_space<hbm>> -> memref<128x128xf32, #tpu.memory_space<hbm>>
      %dma_wait3A_131 = arith.constant 0 : i32
      %dma_wait3A_132 = arith.constant 0 : i32
      %dma_wait3A_133 = tpu.memref_slice %arg8[%dma_wait3A_131, %dma_wait3A_132] : memref<128x128xf32, #tpu.memory_space<vmem>> -> memref<128x128xf32, #tpu.memory_space<vmem>>
      tpu.wait_dma2 semaphore(%run_scoped3A : memref<!tpu.dma_semaphore, #tpu.memory_space<semaphore_mem>>) src(%dma_wait3A_133 : memref<128x128xf32, #tpu.memory_space<vmem>>) dst(%dma_wait3A_130 : memref<128x128xf32, #tpu.memory_space<hbm>>)
      tpu.yield
    }) : () -> ()
    %add3A_93 = arith.constant 256 : i32
    %add3A_94 = arith.addi %mul3A_4, %add3A_93 : i32
    "tpu.region"() ({
      %run_scoped3A = tpu.sem_alloc : memref<!tpu.dma_semaphore, #tpu.memory_space<semaphore_mem>>
      %dma_start3A_99 = arith.constant 0 : i32
      %dma_start3A_100 = arith.constant 0 : i32
      %dma_start3A_101 = tpu.memref_slice %arg8[%dma_start3A_99, %dma_start3A_100] : memref<128x128xf32, #tpu.memory_space<vmem>> -> memref<128x128xf32, #tpu.memory_space<vmem>>
      %dma_start3A_102 = arith.constant 0 : i32
      %dma_start3A_103 = tpu.memref_slice %arg10[%add3A_94, %dma_start3A_102] : memref<10112x128xf32, #tpu.memory_space<vmem_shared>> -> memref<128x128xf32, #tpu.memory_space<vmem_shared>>
      %dma_start3A_104 = arith.constant 0 : i32
      %dma_start3A_105 = arith.constant 0 : i32
      %dma_start3A_106 = tpu.memref_slice %arg8[%dma_start3A_104, %dma_start3A_105] : memref<128x128xf32, #tpu.memory_space<vmem>> -> memref<128x128xf32, #tpu.memory_space<vmem>>
      %dma_start3A_107 = arith.constant 0 : i32
      %dma_start3A_108 = tpu.memref_slice %arg10[%add3A_94, %dma_start3A_107] : memref<10112x128xf32, #tpu.memory_space<vmem_shared>> -> memref<128x128xf32, #tpu.memory_space<vmem_shared>>
      tpu.enqueue_dma source(%dma_start3A_108 : memref<128x128xf32, #tpu.memory_space<vmem_shared>>) target(%dma_start3A_106 : memref<128x128xf32, #tpu.memory_space<vmem>>) target_semaphore(%run_scoped3A : memref<!tpu.dma_semaphore, #tpu.memory_space<semaphore_mem>>)
      %dma_wait3A = arith.constant 0 : i32
      %dma_wait3A_109 = arith.constant 0 : i32
      %dma_wait3A_110 = tpu.memref_slice %arg8[%dma_wait3A, %dma_wait3A_109] : memref<128x128xf32, #tpu.memory_space<vmem>> -> memref<128x128xf32, #tpu.memory_space<vmem>>
      %dma_wait3A_111 = arith.constant 0 : i32
      %dma_wait3A_112 = tpu.memref_slice %arg10[%add3A_94, %dma_wait3A_111] : memref<10112x128xf32, #tpu.memory_space<vmem_shared>> -> memref<128x128xf32, #tpu.memory_space<vmem_shared>>
      %dma_wait3A_113 = arith.constant 0 : i32
      %dma_wait3A_114 = arith.constant 0 : i32
      %dma_wait3A_115 = tpu.memref_slice %arg8[%dma_wait3A_113, %dma_wait3A_114] : memref<128x128xf32, #tpu.memory_space<vmem>> -> memref<128x128xf32, #tpu.memory_space<vmem>>
      %dma_wait3A_116 = arith.constant 0 : i32
      %dma_wait3A_117 = tpu.memref_slice %arg10[%add3A_94, %dma_wait3A_116] : memref<10112x128xf32, #tpu.memory_space<vmem_shared>> -> memref<128x128xf32, #tpu.memory_space<vmem_shared>>
      tpu.wait_dma2 semaphore(%run_scoped3A : memref<!tpu.dma_semaphore, #tpu.memory_space<semaphore_mem>>) src(%dma_wait3A_117 : memref<128x128xf32, #tpu.memory_space<vmem_shared>>) dst(%dma_wait3A_115 : memref<128x128xf32, #tpu.memory_space<vmem>>)
      tpu.yield
    }) : () -> ()
    "tpu.region"() ({
      %run_scoped3A = tpu.sem_alloc : memref<!tpu.dma_semaphore, #tpu.memory_space<semaphore_mem>>
      %dma_start3A_99 = arith.constant 0 : i32
      %dma_start3A_100 = arith.constant 0 : i32
      %dma_start3A_101 = tpu.memref_slice %arg8[%dma_start3A_99, %dma_start3A_100] : memref<128x128xf32, #tpu.memory_space<vmem>> -> memref<128x128xf32, #tpu.memory_space<vmem>>
      %dma_start3A_102 = arith.constant 0 : i32
      %dma_start3A_103 = arith.constant 0 : i32
      %dma_start3A_104 = tpu.memref_slice %arg5[%arg0, %dma_start3A_102, %dma_start3A_103] : memref<2x10112x128xf32, #tpu.memory_space<hbm>> -> memref<1x10112x128xf32, #tpu.memory_space<hbm>>
      %dma_start3A_105 = tpu.memref_squeeze %dma_start3A_104 : memref<1x10112x128xf32, #tpu.memory_space<hbm>> -> memref<10112x128xf32, #tpu.memory_space<hbm>>
      %dma_start3A_106 = arith.constant 0 : i32
      %dma_start3A_107 = tpu.memref_slice %dma_start3A_105[%add3A_94, %dma_start3A_106] : memref<10112x128xf32, #tpu.memory_space<hbm>> -> memref<128x128xf32, #tpu.memory_space<hbm>>
      %dma_start3A_108 = arith.constant 0 : i32
      %dma_start3A_109 = arith.constant 0 : i32
      %dma_start3A_110 = tpu.memref_slice %arg5[%arg0, %dma_start3A_108, %dma_start3A_109] : memref<2x10112x128xf32, #tpu.memory_space<hbm>> -> memref<1x10112x128xf32, #tpu.memory_space<hbm>>
      %dma_start3A_111 = tpu.memref_squeeze %dma_start3A_110 : memref<1x10112x128xf32, #tpu.memory_space<hbm>> -> memref<10112x128xf32, #tpu.memory_space<hbm>>
      %dma_start3A_112 = arith.constant 0 : i32
      %dma_start3A_113 = tpu.memref_slice %dma_start3A_111[%add3A_94, %dma_start3A_112] : memref<10112x128xf32, #tpu.memory_space<hbm>> -> memref<128x128xf32, #tpu.memory_space<hbm>>
      %dma_start3A_114 = arith.constant 0 : i32
      %dma_start3A_115 = arith.constant 0 : i32
      %dma_start3A_116 = tpu.memref_slice %arg8[%dma_start3A_114, %dma_start3A_115] : memref<128x128xf32, #tpu.memory_space<vmem>> -> memref<128x128xf32, #tpu.memory_space<vmem>>
      tpu.enqueue_dma source(%dma_start3A_116 : memref<128x128xf32, #tpu.memory_space<vmem>>) target(%dma_start3A_113 : memref<128x128xf32, #tpu.memory_space<hbm>>) target_semaphore(%run_scoped3A : memref<!tpu.dma_semaphore, #tpu.memory_space<semaphore_mem>>)
      %dma_wait3A = arith.constant 0 : i32
      %dma_wait3A_117 = arith.constant 0 : i32
      %dma_wait3A_118 = tpu.memref_slice %arg8[%dma_wait3A, %dma_wait3A_117] : memref<128x128xf32, #tpu.memory_space<vmem>> -> memref<128x128xf32, #tpu.memory_space<vmem>>
      %dma_wait3A_119 = arith.constant 0 : i32
      %dma_wait3A_120 = arith.constant 0 : i32
      %dma_wait3A_121 = tpu.memref_slice %arg5[%arg0, %dma_wait3A_119, %dma_wait3A_120] : memref<2x10112x128xf32, #tpu.memory_space<hbm>> -> memref<1x10112x128xf32, #tpu.memory_space<hbm>>
      %dma_wait3A_122 = tpu.memref_squeeze %dma_wait3A_121 : memref<1x10112x128xf32, #tpu.memory_space<hbm>> -> memref<10112x128xf32, #tpu.memory_space<hbm>>
      %dma_wait3A_123 = arith.constant 0 : i32
      %dma_wait3A_124 = tpu.memref_slice %dma_wait3A_122[%add3A_94, %dma_wait3A_123] : memref<10112x128xf32, #tpu.memory_space<hbm>> -> memref<128x128xf32, #tpu.memory_space<hbm>>
      %dma_wait3A_125 = arith.constant 0 : i32
      %dma_wait3A_126 = arith.constant 0 : i32
      %dma_wait3A_127 = tpu.memref_slice %arg5[%arg0, %dma_wait3A_125, %dma_wait3A_126] : memref<2x10112x128xf32, #tpu.memory_space<hbm>> -> memref<1x10112x128xf32, #tpu.memory_space<hbm>>
      %dma_wait3A_128 = tpu.memref_squeeze %dma_wait3A_127 : memref<1x10112x128xf32, #tpu.memory_space<hbm>> -> memref<10112x128xf32, #tpu.memory_space<hbm>>
      %dma_wait3A_129 = arith.constant 0 : i32
      %dma_wait3A_130 = tpu.memref_slice %dma_wait3A_128[%add3A_94, %dma_wait3A_129] : memref<10112x128xf32, #tpu.memory_space<hbm>> -> memref<128x128xf32, #tpu.memory_space<hbm>>
      %dma_wait3A_131 = arith.constant 0 : i32
      %dma_wait3A_132 = arith.constant 0 : i32
      %dma_wait3A_133 = tpu.memref_slice %arg8[%dma_wait3A_131, %dma_wait3A_132] : memref<128x128xf32, #tpu.memory_space<vmem>> -> memref<128x128xf32, #tpu.memory_space<vmem>>
      tpu.wait_dma2 semaphore(%run_scoped3A : memref<!tpu.dma_semaphore, #tpu.memory_space<semaphore_mem>>) src(%dma_wait3A_133 : memref<128x128xf32, #tpu.memory_space<vmem>>) dst(%dma_wait3A_130 : memref<128x128xf32, #tpu.memory_space<hbm>>)
      tpu.yield
    }) : () -> ()
    %add3A_95 = arith.constant 384 : i32
    %add3A_96 = arith.addi %mul3A_4, %add3A_95 : i32
    "tpu.region"() ({
      %run_scoped3A = tpu.sem_alloc : memref<!tpu.dma_semaphore, #tpu.memory_space<semaphore_mem>>
      %dma_start3A_99 = arith.constant 0 : i32
      %dma_start3A_100 = arith.constant 0 : i32
      %dma_start3A_101 = tpu.memref_slice %arg8[%dma_start3A_99, %dma_start3A_100] : memref<128x128xf32, #tpu.memory_space<vmem>> -> memref<128x128xf32, #tpu.memory_space<vmem>>
      %dma_start3A_102 = arith.constant 0 : i32
      %dma_start3A_103 = tpu.memref_slice %arg10[%add3A_96, %dma_start3A_102] : memref<10112x128xf32, #tpu.memory_space<vmem_shared>> -> memref<128x128xf32, #tpu.memory_space<vmem_shared>>
      %dma_start3A_104 = arith.constant 0 : i32
      %dma_start3A_105 = arith.constant 0 : i32
      %dma_start3A_106 = tpu.memref_slice %arg8[%dma_start3A_104, %dma_start3A_105] : memref<128x128xf32, #tpu.memory_space<vmem>> -> memref<128x128xf32, #tpu.memory_space<vmem>>
      %dma_start3A_107 = arith.constant 0 : i32
      %dma_start3A_108 = tpu.memref_slice %arg10[%add3A_96, %dma_start3A_107] : memref<10112x128xf32, #tpu.memory_space<vmem_shared>> -> memref<128x128xf32, #tpu.memory_space<vmem_shared>>
      tpu.enqueue_dma source(%dma_start3A_108 : memref<128x128xf32, #tpu.memory_space<vmem_shared>>) target(%dma_start3A_106 : memref<128x128xf32, #tpu.memory_space<vmem>>) target_semaphore(%run_scoped3A : memref<!tpu.dma_semaphore, #tpu.memory_space<semaphore_mem>>)
      %dma_wait3A = arith.constant 0 : i32
      %dma_wait3A_109 = arith.constant 0 : i32
      %dma_wait3A_110 = tpu.memref_slice %arg8[%dma_wait3A, %dma_wait3A_109] : memref<128x128xf32, #tpu.memory_space<vmem>> -> memref<128x128xf32, #tpu.memory_space<vmem>>
      %dma_wait3A_111 = arith.constant 0 : i32
      %dma_wait3A_112 = tpu.memref_slice %arg10[%add3A_96, %dma_wait3A_111] : memref<10112x128xf32, #tpu.memory_space<vmem_shared>> -> memref<128x128xf32, #tpu.memory_space<vmem_shared>>
      %dma_wait3A_113 = arith.constant 0 : i32
      %dma_wait3A_114 = arith.constant 0 : i32
      %dma_wait3A_115 = tpu.memref_slice %arg8[%dma_wait3A_113, %dma_wait3A_114] : memref<128x128xf32, #tpu.memory_space<vmem>> -> memref<128x128xf32, #tpu.memory_space<vmem>>
      %dma_wait3A_116 = arith.constant 0 : i32
      %dma_wait3A_117 = tpu.memref_slice %arg10[%add3A_96, %dma_wait3A_116] : memref<10112x128xf32, #tpu.memory_space<vmem_shared>> -> memref<128x128xf32, #tpu.memory_space<vmem_shared>>
      tpu.wait_dma2 semaphore(%run_scoped3A : memref<!tpu.dma_semaphore, #tpu.memory_space<semaphore_mem>>) src(%dma_wait3A_117 : memref<128x128xf32, #tpu.memory_space<vmem_shared>>) dst(%dma_wait3A_115 : memref<128x128xf32, #tpu.memory_space<vmem>>)
      tpu.yield
    }) : () -> ()
    "tpu.region"() ({
      %run_scoped3A = tpu.sem_alloc : memref<!tpu.dma_semaphore, #tpu.memory_space<semaphore_mem>>
      %dma_start3A_99 = arith.constant 0 : i32
      %dma_start3A_100 = arith.constant 0 : i32
      %dma_start3A_101 = tpu.memref_slice %arg8[%dma_start3A_99, %dma_start3A_100] : memref<128x128xf32, #tpu.memory_space<vmem>> -> memref<128x128xf32, #tpu.memory_space<vmem>>
      %dma_start3A_102 = arith.constant 0 : i32
      %dma_start3A_103 = arith.constant 0 : i32
      %dma_start3A_104 = tpu.memref_slice %arg5[%arg0, %dma_start3A_102, %dma_start3A_103] : memref<2x10112x128xf32, #tpu.memory_space<hbm>> -> memref<1x10112x128xf32, #tpu.memory_space<hbm>>
      %dma_start3A_105 = tpu.memref_squeeze %dma_start3A_104 : memref<1x10112x128xf32, #tpu.memory_space<hbm>> -> memref<10112x128xf32, #tpu.memory_space<hbm>>
      %dma_start3A_106 = arith.constant 0 : i32
      %dma_start3A_107 = tpu.memref_slice %dma_start3A_105[%add3A_96, %dma_start3A_106] : memref<10112x128xf32, #tpu.memory_space<hbm>> -> memref<128x128xf32, #tpu.memory_space<hbm>>
      %dma_start3A_108 = arith.constant 0 : i32
      %dma_start3A_109 = arith.constant 0 : i32
      %dma_start3A_110 = tpu.memref_slice %arg5[%arg0, %dma_start3A_108, %dma_start3A_109] : memref<2x10112x128xf32, #tpu.memory_space<hbm>> -> memref<1x10112x128xf32, #tpu.memory_space<hbm>>
      %dma_start3A_111 = tpu.memref_squeeze %dma_start3A_110 : memref<1x10112x128xf32, #tpu.memory_space<hbm>> -> memref<10112x128xf32, #tpu.memory_space<hbm>>
      %dma_start3A_112 = arith.constant 0 : i32
      %dma_start3A_113 = tpu.memref_slice %dma_start3A_111[%add3A_96, %dma_start3A_112] : memref<10112x128xf32, #tpu.memory_space<hbm>> -> memref<128x128xf32, #tpu.memory_space<hbm>>
      %dma_start3A_114 = arith.constant 0 : i32
      %dma_start3A_115 = arith.constant 0 : i32
      %dma_start3A_116 = tpu.memref_slice %arg8[%dma_start3A_114, %dma_start3A_115] : memref<128x128xf32, #tpu.memory_space<vmem>> -> memref<128x128xf32, #tpu.memory_space<vmem>>
      tpu.enqueue_dma source(%dma_start3A_116 : memref<128x128xf32, #tpu.memory_space<vmem>>) target(%dma_start3A_113 : memref<128x128xf32, #tpu.memory_space<hbm>>) target_semaphore(%run_scoped3A : memref<!tpu.dma_semaphore, #tpu.memory_space<semaphore_mem>>)
      %dma_wait3A = arith.constant 0 : i32
      %dma_wait3A_117 = arith.constant 0 : i32
      %dma_wait3A_118 = tpu.memref_slice %arg8[%dma_wait3A, %dma_wait3A_117] : memref<128x128xf32, #tpu.memory_space<vmem>> -> memref<128x128xf32, #tpu.memory_space<vmem>>
      %dma_wait3A_119 = arith.constant 0 : i32
      %dma_wait3A_120 = arith.constant 0 : i32
      %dma_wait3A_121 = tpu.memref_slice %arg5[%arg0, %dma_wait3A_119, %dma_wait3A_120] : memref<2x10112x128xf32, #tpu.memory_space<hbm>> -> memref<1x10112x128xf32, #tpu.memory_space<hbm>>
      %dma_wait3A_122 = tpu.memref_squeeze %dma_wait3A_121 : memref<1x10112x128xf32, #tpu.memory_space<hbm>> -> memref<10112x128xf32, #tpu.memory_space<hbm>>
      %dma_wait3A_123 = arith.constant 0 : i32
      %dma_wait3A_124 = tpu.memref_slice %dma_wait3A_122[%add3A_96, %dma_wait3A_123] : memref<10112x128xf32, #tpu.memory_space<hbm>> -> memref<128x128xf32, #tpu.memory_space<hbm>>
      %dma_wait3A_125 = arith.constant 0 : i32
      %dma_wait3A_126 = arith.constant 0 : i32
      %dma_wait3A_127 = tpu.memref_slice %arg5[%arg0, %dma_wait3A_125, %dma_wait3A_126] : memref<2x10112x128xf32, #tpu.memory_space<hbm>> -> memref<1x10112x128xf32, #tpu.memory_space<hbm>>
      %dma_wait3A_128 = tpu.memref_squeeze %dma_wait3A_127 : memref<1x10112x128xf32, #tpu.memory_space<hbm>> -> memref<10112x128xf32, #tpu.memory_space<hbm>>
      %dma_wait3A_129 = arith.constant 0 : i32
      %dma_wait3A_130 = tpu.memref_slice %dma_wait3A_128[%add3A_96, %dma_wait3A_129] : memref<10112x128xf32, #tpu.memory_space<hbm>> -> memref<128x128xf32, #tpu.memory_space<hbm>>
      %dma_wait3A_131 = arith.constant 0 : i32
      %dma_wait3A_132 = arith.constant 0 : i32
      %dma_wait3A_133 = tpu.memref_slice %arg8[%dma_wait3A_131, %dma_wait3A_132] : memref<128x128xf32, #tpu.memory_space<vmem>> -> memref<128x128xf32, #tpu.memory_space<vmem>>
      tpu.wait_dma2 semaphore(%run_scoped3A : memref<!tpu.dma_semaphore, #tpu.memory_space<semaphore_mem>>) src(%dma_wait3A_133 : memref<128x128xf32, #tpu.memory_space<vmem>>) dst(%dma_wait3A_130 : memref<128x128xf32, #tpu.memory_space<hbm>>)
      tpu.yield
    }) : () -> ()
    %add3A_97 = arith.constant 512 : i32
    %add3A_98 = arith.addi %mul3A_4, %add3A_97 : i32
    "tpu.region"() ({
      %run_scoped3A = tpu.sem_alloc : memref<!tpu.dma_semaphore, #tpu.memory_space<semaphore_mem>>
      %dma_start3A_99 = arith.constant 0 : i32
      %dma_start3A_100 = arith.constant 0 : i32
      %dma_start3A_101 = tpu.memref_slice %arg8[%dma_start3A_99, %dma_start3A_100] : memref<128x128xf32, #tpu.memory_space<vmem>> -> memref<120x128xf32, #tpu.memory_space<vmem>>
      %dma_start3A_102 = arith.constant 0 : i32
      %dma_start3A_103 = tpu.memref_slice %arg10[%add3A_98, %dma_start3A_102] : memref<10112x128xf32, #tpu.memory_space<vmem_shared>> -> memref<120x128xf32, #tpu.memory_space<vmem_shared>>
      %dma_start3A_104 = arith.constant 0 : i32
      %dma_start3A_105 = arith.constant 0 : i32
      %dma_start3A_106 = tpu.memref_slice %arg8[%dma_start3A_104, %dma_start3A_105] : memref<128x128xf32, #tpu.memory_space<vmem>> -> memref<120x128xf32, #tpu.memory_space<vmem>>
      %dma_start3A_107 = arith.constant 0 : i32
      %dma_start3A_108 = tpu.memref_slice %arg10[%add3A_98, %dma_start3A_107] : memref<10112x128xf32, #tpu.memory_space<vmem_shared>> -> memref<120x128xf32, #tpu.memory_space<vmem_shared>>
      tpu.enqueue_dma source(%dma_start3A_108 : memref<120x128xf32, #tpu.memory_space<vmem_shared>>) target(%dma_start3A_106 : memref<120x128xf32, #tpu.memory_space<vmem>>) target_semaphore(%run_scoped3A : memref<!tpu.dma_semaphore, #tpu.memory_space<semaphore_mem>>)
      %dma_wait3A = arith.constant 0 : i32
      %dma_wait3A_109 = arith.constant 0 : i32
      %dma_wait3A_110 = tpu.memref_slice %arg8[%dma_wait3A, %dma_wait3A_109] : memref<128x128xf32, #tpu.memory_space<vmem>> -> memref<120x128xf32, #tpu.memory_space<vmem>>
      %dma_wait3A_111 = arith.constant 0 : i32
      %dma_wait3A_112 = tpu.memref_slice %arg10[%add3A_98, %dma_wait3A_111] : memref<10112x128xf32, #tpu.memory_space<vmem_shared>> -> memref<120x128xf32, #tpu.memory_space<vmem_shared>>
      %dma_wait3A_113 = arith.constant 0 : i32
      %dma_wait3A_114 = arith.constant 0 : i32
      %dma_wait3A_115 = tpu.memref_slice %arg8[%dma_wait3A_113, %dma_wait3A_114] : memref<128x128xf32, #tpu.memory_space<vmem>> -> memref<120x128xf32, #tpu.memory_space<vmem>>
      %dma_wait3A_116 = arith.constant 0 : i32
      %dma_wait3A_117 = tpu.memref_slice %arg10[%add3A_98, %dma_wait3A_116] : memref<10112x128xf32, #tpu.memory_space<vmem_shared>> -> memref<120x128xf32, #tpu.memory_space<vmem_shared>>
      tpu.wait_dma2 semaphore(%run_scoped3A : memref<!tpu.dma_semaphore, #tpu.memory_space<semaphore_mem>>) src(%dma_wait3A_117 : memref<120x128xf32, #tpu.memory_space<vmem_shared>>) dst(%dma_wait3A_115 : memref<120x128xf32, #tpu.memory_space<vmem>>)
      tpu.yield
    }) : () -> ()
    "tpu.region"() ({
      %run_scoped3A = tpu.sem_alloc : memref<!tpu.dma_semaphore, #tpu.memory_space<semaphore_mem>>
      %dma_start3A_99 = arith.constant 0 : i32
      %dma_start3A_100 = arith.constant 0 : i32
      %dma_start3A_101 = tpu.memref_slice %arg8[%dma_start3A_99, %dma_start3A_100] : memref<128x128xf32, #tpu.memory_space<vmem>> -> memref<120x128xf32, #tpu.memory_space<vmem>>
      %dma_start3A_102 = arith.constant 0 : i32
      %dma_start3A_103 = arith.constant 0 : i32
      %dma_start3A_104 = tpu.memref_slice %arg5[%arg0, %dma_start3A_102, %dma_start3A_103] : memref<2x10112x128xf32, #tpu.memory_space<hbm>> -> memref<1x10112x128xf32, #tpu.memory_space<hbm>>
      %dma_start3A_105 = tpu.memref_squeeze %dma_start3A_104 : memref<1x10112x128xf32, #tpu.memory_space<hbm>> -> memref<10112x128xf32, #tpu.memory_space<hbm>>
      %dma_start3A_106 = arith.constant 0 : i32
      %dma_start3A_107 = tpu.memref_slice %dma_start3A_105[%add3A_98, %dma_start3A_106] : memref<10112x128xf32, #tpu.memory_space<hbm>> -> memref<120x128xf32, #tpu.memory_space<hbm>>
      %dma_start3A_108 = arith.constant 0 : i32
      %dma_start3A_109 = arith.constant 0 : i32
      %dma_start3A_110 = tpu.memref_slice %arg5[%arg0, %dma_start3A_108, %dma_start3A_109] : memref<2x10112x128xf32, #tpu.memory_space<hbm>> -> memref<1x10112x128xf32, #tpu.memory_space<hbm>>
      %dma_start3A_111 = tpu.memref_squeeze %dma_start3A_110 : memref<1x10112x128xf32, #tpu.memory_space<hbm>> -> memref<10112x128xf32, #tpu.memory_space<hbm>>
      %dma_start3A_112 = arith.constant 0 : i32
      %dma_start3A_113 = tpu.memref_slice %dma_start3A_111[%add3A_98, %dma_start3A_112] : memref<10112x128xf32, #tpu.memory_space<hbm>> -> memref<120x128xf32, #tpu.memory_space<hbm>>
      %dma_start3A_114 = arith.constant 0 : i32
      %dma_start3A_115 = arith.constant 0 : i32
      %dma_start3A_116 = tpu.memref_slice %arg8[%dma_start3A_114, %dma_start3A_115] : memref<128x128xf32, #tpu.memory_space<vmem>> -> memref<120x128xf32, #tpu.memory_space<vmem>>
      tpu.enqueue_dma source(%dma_start3A_116 : memref<120x128xf32, #tpu.memory_space<vmem>>) target(%dma_start3A_113 : memref<120x128xf32, #tpu.memory_space<hbm>>) target_semaphore(%run_scoped3A : memref<!tpu.dma_semaphore, #tpu.memory_space<semaphore_mem>>)
      %dma_wait3A = arith.constant 0 : i32
      %dma_wait3A_117 = arith.constant 0 : i32
      %dma_wait3A_118 = tpu.memref_slice %arg8[%dma_wait3A, %dma_wait3A_117] : memref<128x128xf32, #tpu.memory_space<vmem>> -> memref<120x128xf32, #tpu.memory_space<vmem>>
      %dma_wait3A_119 = arith.constant 0 : i32
      %dma_wait3A_120 = arith.constant 0 : i32
      %dma_wait3A_121 = tpu.memref_slice %arg5[%arg0, %dma_wait3A_119, %dma_wait3A_120] : memref<2x10112x128xf32, #tpu.memory_space<hbm>> -> memref<1x10112x128xf32, #tpu.memory_space<hbm>>
      %dma_wait3A_122 = tpu.memref_squeeze %dma_wait3A_121 : memref<1x10112x128xf32, #tpu.memory_space<hbm>> -> memref<10112x128xf32, #tpu.memory_space<hbm>>
      %dma_wait3A_123 = arith.constant 0 : i32
      %dma_wait3A_124 = tpu.memref_slice %dma_wait3A_122[%add3A_98, %dma_wait3A_123] : memref<10112x128xf32, #tpu.memory_space<hbm>> -> memref<120x128xf32, #tpu.memory_space<hbm>>
      %dma_wait3A_125 = arith.constant 0 : i32
      %dma_wait3A_126 = arith.constant 0 : i32
      %dma_wait3A_127 = tpu.memref_slice %arg5[%arg0, %dma_wait3A_125, %dma_wait3A_126] : memref<2x10112x128xf32, #tpu.memory_space<hbm>> -> memref<1x10112x128xf32, #tpu.memory_space<hbm>>
      %dma_wait3A_128 = tpu.memref_squeeze %dma_wait3A_127 : memref<1x10112x128xf32, #tpu.memory_space<hbm>> -> memref<10112x128xf32, #tpu.memory_space<hbm>>
      %dma_wait3A_129 = arith.constant 0 : i32
      %dma_wait3A_130 = tpu.memref_slice %dma_wait3A_128[%add3A_98, %dma_wait3A_129] : memref<10112x128xf32, #tpu.memory_space<hbm>> -> memref<120x128xf32, #tpu.memory_space<hbm>>
      %dma_wait3A_131 = arith.constant 0 : i32
      %dma_wait3A_132 = arith.constant 0 : i32
      %dma_wait3A_133 = tpu.memref_slice %arg8[%dma_wait3A_131, %dma_wait3A_132] : memref<128x128xf32, #tpu.memory_space<vmem>> -> memref<120x128xf32, #tpu.memory_space<vmem>>
      tpu.wait_dma2 semaphore(%run_scoped3A : memref<!tpu.dma_semaphore, #tpu.memory_space<semaphore_mem>>) src(%dma_wait3A_133 : memref<120x128xf32, #tpu.memory_space<vmem>>) dst(%dma_wait3A_130 : memref<120x128xf32, #tpu.memory_space<hbm>>)
      tpu.yield
    }) : () -> ()
    return
  }
}

#map = affine_map<(d0, d1) -> (0, 0)>
#map1 = affine_map<(d0, d1) -> (0, 0, 0, 0)>
#map2 = affine_map<(d0, d1) -> (0, 0, 0)>
module attributes {stable_mosaic.version = 14 : i64} {
  func.func @seg_sum(%arg0: i32, %arg1: i32, %arg2: memref<10000x128xf32, #tpu.memory_space<hbm>>, %arg3: memref<2x16x80x128xi32, #tpu.memory_space<hbm>>, %arg4: memref<2x16x80x128xi32, #tpu.memory_space<hbm>>, %arg5: memref<2x10112x128xf32, #tpu.memory_space<hbm>>, %arg6: memref<80x128xi32, #tpu.memory_space<vmem>>, %arg7: memref<4x128xi32, #tpu.memory_space<vmem>>, %arg8: memref<128x128xf32, #tpu.memory_space<vmem>>, %arg9: memref<128x128xf32, #tpu.memory_space<vmem>>, %arg10: memref<10112x128xf32, #tpu.memory_space<vmem_shared>>, %arg11: memref<!tpu.dma_semaphore, #tpu.memory_space<semaphore_mem>>, %arg12: memref<!tpu.dma_semaphore, #tpu.memory_space<semaphore_mem>>, %arg13: memref<!tpu.dma_semaphore, #tpu.memory_space<semaphore_mem>>, %arg14: memref<!tpu.dma_semaphore, #tpu.memory_space<semaphore_mem>>, %arg15: memref<!tpu.dma_semaphore, #tpu.memory_space<semaphore_mem>>, %arg16: memref<!tpu.dma_semaphore, #tpu.memory_space<semaphore_mem>>) attributes {dimension_semantics = [#tpu.dimension_semantics<core_parallel>, #tpu.dimension_semantics<subcore_parallel>], iteration_bounds = array<i64: 2, 16>, scalar_prefetch = 0 : i64, scratch_operands = 11 : i64, tpu.core_type = #tpu.core_type<sc_vector_subcore>, window_params = [{transform_indices = #map}, {transform_indices = #map1}, {transform_indices = #map1}, {transform_indices = #map2}]} {
    "tpu.region"() ({
      %run_scoped3A = tpu.sem_alloc : memref<!tpu.dma_semaphore, #tpu.memory_space<semaphore_mem>>
      %dma_start3A_99 = arith.constant 0 : i32
      %dma_start3A_100 = arith.constant 0 : i32
      %dma_start3A_101 = tpu.memref_slice %arg3[%arg0, %arg1, %dma_start3A_99, %dma_start3A_100] : memref<2x16x80x128xi32, #tpu.memory_space<hbm>> -> memref<1x1x80x128xi32, #tpu.memory_space<hbm>>
      %dma_start3A_102 = tpu.memref_squeeze %dma_start3A_101 : memref<1x1x80x128xi32, #tpu.memory_space<hbm>> -> memref<80x128xi32, #tpu.memory_space<hbm>>
      %dma_start3A_103 = arith.constant 0 : i32
      %dma_start3A_104 = arith.constant 0 : i32
      %dma_start3A_105 = tpu.memref_slice %arg3[%arg0, %arg1, %dma_start3A_103, %dma_start3A_104] : memref<2x16x80x128xi32, #tpu.memory_space<hbm>> -> memref<1x1x80x128xi32, #tpu.memory_space<hbm>>
      %dma_start3A_106 = tpu.memref_squeeze %dma_start3A_105 : memref<1x1x80x128xi32, #tpu.memory_space<hbm>> -> memref<80x128xi32, #tpu.memory_space<hbm>>
      tpu.enqueue_dma source(%dma_start3A_106 : memref<80x128xi32, #tpu.memory_space<hbm>>) target(%arg6 : memref<80x128xi32, #tpu.memory_space<vmem>>) target_semaphore(%run_scoped3A : memref<!tpu.dma_semaphore, #tpu.memory_space<semaphore_mem>>)
      %dma_wait3A = arith.constant 0 : i32
      %dma_wait3A_107 = arith.constant 0 : i32
      %dma_wait3A_108 = tpu.memref_slice %arg3[%arg0, %arg1, %dma_wait3A, %dma_wait3A_107] : memref<2x16x80x128xi32, #tpu.memory_space<hbm>> -> memref<1x1x80x128xi32, #tpu.memory_space<hbm>>
      %dma_wait3A_109 = tpu.memref_squeeze %dma_wait3A_108 : memref<1x1x80x128xi32, #tpu.memory_space<hbm>> -> memref<80x128xi32, #tpu.memory_space<hbm>>
      %dma_wait3A_110 = arith.constant 0 : i32
      %dma_wait3A_111 = arith.constant 0 : i32
      %dma_wait3A_112 = tpu.memref_slice %arg3[%arg0, %arg1, %dma_wait3A_110, %dma_wait3A_111] : memref<2x16x80x128xi32, #tpu.memory_space<hbm>> -> memref<1x1x80x128xi32, #tpu.memory_space<hbm>>
      %dma_wait3A_113 = tpu.memref_squeeze %dma_wait3A_112 : memref<1x1x80x128xi32, #tpu.memory_space<hbm>> -> memref<80x128xi32, #tpu.memory_space<hbm>>
      tpu.wait_dma2 semaphore(%run_scoped3A : memref<!tpu.dma_semaphore, #tpu.memory_space<semaphore_mem>>) src(%dma_wait3A_113 : memref<80x128xi32, #tpu.memory_space<hbm>>) dst(%arg6 : memref<80x128xi32, #tpu.memory_space<vmem>>)
      tpu.yield
    }) : () -> ()
    %scan3A = arith.constant 0 : i32
    %scan3A_0 = arith.constant 128 : i32
    %scan3A_1 = arith.addi %scan3A, %scan3A_0 : i32
    %scan3A_2 = arith.constant 1 : i32
    scf.for %scan3A_99 = %scan3A to %scan3A_1 step %scan3A_2  : i32 {
      %mul3A_100 = arith.constant 1 : i32
      %mul3A_101 = arith.muli %scan3A_99, %mul3A_100 : i32
      %add3A_102 = arith.constant 0 : i32
      %add3A_103 = arith.addi %add3A_102, %mul3A_101 : i32
      %broadcast_in_dim3A = arith.constant 0.000000e+00 : f32
      %broadcast_in_dim3A_104 = vector.broadcast %broadcast_in_dim3A : f32 to vector<16xf32>
      %swap3A = arith.index_cast %add3A_103 : i32 to index
      %swap3A_105 = arith.constant 0 : index
      %swap3A_106 = tpu.vector_load %arg8[%swap3A, %swap3A_105] {strides = array<i32>} : memref<128x128xf32, #tpu.memory_space<vmem>>, vector<1x16xf32>,
      %swap3A_107 = vector.shape_cast %swap3A_106 : vector<1x16xf32> to vector<16xf32>
      %swap3A_108 = vector.shape_cast %broadcast_in_dim3A_104 : vector<16xf32> to vector<1x16xf32>
      tpu.vector_store %arg8[%swap3A, %swap3A_105], %swap3A_108 {strides = array<i32>} : memref<128x128xf32, #tpu.memory_space<vmem>>, vector<1x16xf32>,
      %broadcast_in_dim3A_109 = arith.constant 0.000000e+00 : f32
      %broadcast_in_dim3A_110 = vector.broadcast %broadcast_in_dim3A_109 : f32 to vector<16xf32>
      %swap3A_111 = arith.index_cast %add3A_103 : i32 to index
      %swap3A_112 = arith.constant 16 : index
      %swap3A_113 = tpu.vector_load %arg8[%swap3A_111, %swap3A_112] {strides = array<i32>} : memref<128x128xf32, #tpu.memory_space<vmem>>, vector<1x16xf32>,
      %swap3A_114 = vector.shape_cast %swap3A_113 : vector<1x16xf32> to vector<16xf32>
      %swap3A_115 = vector.shape_cast %broadcast_in_dim3A_110 : vector<16xf32> to vector<1x16xf32>
      tpu.vector_store %arg8[%swap3A_111, %swap3A_112], %swap3A_115 {strides = array<i32>} : memref<128x128xf32, #tpu.memory_space<vmem>>, vector<1x16xf32>,
      %broadcast_in_dim3A_116 = arith.constant 0.000000e+00 : f32
      %broadcast_in_dim3A_117 = vector.broadcast %broadcast_in_dim3A_116 : f32 to vector<16xf32>
      %swap3A_118 = arith.index_cast %add3A_103 : i32 to index
      %swap3A_119 = arith.constant 32 : index
      %swap3A_120 = tpu.vector_load %arg8[%swap3A_118, %swap3A_119] {strides = array<i32>} : memref<128x128xf32, #tpu.memory_space<vmem>>, vector<1x16xf32>,
      %swap3A_121 = vector.shape_cast %swap3A_120 : vector<1x16xf32> to vector<16xf32>
      %swap3A_122 = vector.shape_cast %broadcast_in_dim3A_117 : vector<16xf32> to vector<1x16xf32>
      tpu.vector_store %arg8[%swap3A_118, %swap3A_119], %swap3A_122 {strides = array<i32>} : memref<128x128xf32, #tpu.memory_space<vmem>>, vector<1x16xf32>,
      %broadcast_in_dim3A_123 = arith.constant 0.000000e+00 : f32
      %broadcast_in_dim3A_124 = vector.broadcast %broadcast_in_dim3A_123 : f32 to vector<16xf32>
      %swap3A_125 = arith.index_cast %add3A_103 : i32 to index
      %swap3A_126 = arith.constant 48 : index
      %swap3A_127 = tpu.vector_load %arg8[%swap3A_125, %swap3A_126] {strides = array<i32>} : memref<128x128xf32, #tpu.memory_space<vmem>>, vector<1x16xf32>,
      %swap3A_128 = vector.shape_cast %swap3A_127 : vector<1x16xf32> to vector<16xf32>
      %swap3A_129 = vector.shape_cast %broadcast_in_dim3A_124 : vector<16xf32> to vector<1x16xf32>
      tpu.vector_store %arg8[%swap3A_125, %swap3A_126], %swap3A_129 {strides = array<i32>} : memref<128x128xf32, #tpu.memory_space<vmem>>, vector<1x16xf32>,
      %broadcast_in_dim3A_130 = arith.constant 0.000000e+00 : f32
      %broadcast_in_dim3A_131 = vector.broadcast %broadcast_in_dim3A_130 : f32 to vector<16xf32>
      %swap3A_132 = arith.index_cast %add3A_103 : i32 to index
      %swap3A_133 = arith.constant 64 : index
      %swap3A_134 = tpu.vector_load %arg8[%swap3A_132, %swap3A_133] {strides = array<i32>} : memref<128x128xf32, #tpu.memory_space<vmem>>, vector<1x16xf32>,
      %swap3A_135 = vector.shape_cast %swap3A_134 : vector<1x16xf32> to vector<16xf32>
      %swap3A_136 = vector.shape_cast %broadcast_in_dim3A_131 : vector<16xf32> to vector<1x16xf32>
      tpu.vector_store %arg8[%swap3A_132, %swap3A_133], %swap3A_136 {strides = array<i32>} : memref<128x128xf32, #tpu.memory_space<vmem>>, vector<1x16xf32>,
      %broadcast_in_dim3A_137 = arith.constant 0.000000e+00 : f32
      %broadcast_in_dim3A_138 = vector.broadcast %broadcast_in_dim3A_137 : f32 to vector<16xf32>
      %swap3A_139 = arith.index_cast %add3A_103 : i32 to index
      %swap3A_140 = arith.constant 80 : index
      %swap3A_141 = tpu.vector_load %arg8[%swap3A_139, %swap3A_140] {strides = array<i32>} : memref<128x128xf32, #tpu.memory_space<vmem>>, vector<1x16xf32>,
      %swap3A_142 = vector.shape_cast %swap3A_141 : vector<1x16xf32> to vector<16xf32>
      %swap3A_143 = vector.shape_cast %broadcast_in_dim3A_138 : vector<16xf32> to vector<1x16xf32>
      tpu.vector_store %arg8[%swap3A_139, %swap3A_140], %swap3A_143 {strides = array<i32>} : memref<128x128xf32, #tpu.memory_space<vmem>>, vector<1x16xf32>,
      %broadcast_in_dim3A_144 = arith.constant 0.000000e+00 : f32
      %broadcast_in_dim3A_145 = vector.broadcast %broadcast_in_dim3A_144 : f32 to vector<16xf32>
      %swap3A_146 = arith.index_cast %add3A_103 : i32 to index
      %swap3A_147 = arith.constant 96 : index
      %swap3A_148 = tpu.vector_load %arg8[%swap3A_146, %swap3A_147] {strides = array<i32>} : memref<128x128xf32, #tpu.memory_space<vmem>>, vector<1x16xf32>,
      %swap3A_149 = vector.shape_cast %swap3A_148 : vector<1x16xf32> to vector<16xf32>
      %swap3A_150 = vector.shape_cast %broadcast_in_dim3A_145 : vector<16xf32> to vector<1x16xf32>
      tpu.vector_store %arg8[%swap3A_146, %swap3A_147], %swap3A_150 {strides = array<i32>} : memref<128x128xf32, #tpu.memory_space<vmem>>, vector<1x16xf32>,
      %broadcast_in_dim3A_151 = arith.constant 0.000000e+00 : f32
      %broadcast_in_dim3A_152 = vector.broadcast %broadcast_in_dim3A_151 : f32 to vector<16xf32>
      %swap3A_153 = arith.index_cast %add3A_103 : i32 to index
      %swap3A_154 = arith.constant 112 : index
      %swap3A_155 = tpu.vector_load %arg8[%swap3A_153, %swap3A_154] {strides = array<i32>} : memref<128x128xf32, #tpu.memory_space<vmem>>, vector<1x16xf32>,
      %swap3A_156 = vector.shape_cast %swap3A_155 : vector<1x16xf32> to vector<16xf32>
      %swap3A_157 = vector.shape_cast %broadcast_in_dim3A_152 : vector<16xf32> to vector<1x16xf32>
      tpu.vector_store %arg8[%swap3A_153, %swap3A_154], %swap3A_157 {strides = array<i32>} : memref<128x128xf32, #tpu.memory_space<vmem>>, vector<1x16xf32>,
    }
    %scan3A_3 = arith.constant 128 : i32
    %mul3A = arith.constant 632 : i32
    %mul3A_4 = arith.muli %arg1, %mul3A : i32
    %add3A = arith.constant 0 : i32
    %add3A_5 = arith.addi %mul3A_4, %add3A : i32
    "tpu.region"() ({
      %run_scoped3A = tpu.sem_alloc : memref<!tpu.dma_semaphore, #tpu.memory_space<semaphore_mem>>
      %dma_start3A_99 = arith.constant 0 : i32
      %dma_start3A_100 = tpu.memref_slice %arg10[%add3A_5, %dma_start3A_99] : memref<10112x128xf32, #tpu.memory_space<vmem_shared>> -> memref<128x128xf32, #tpu.memory_space<vmem_shared>>
      %dma_start3A_101 = arith.constant 0 : i32
      %dma_start3A_102 = tpu.memref_slice %arg10[%add3A_5, %dma_start3A_101] : memref<10112x128xf32, #tpu.memory_space<vmem_shared>> -> memref<128x128xf32, #tpu.memory_space<vmem_shared>>
      tpu.enqueue_dma source(%arg8 : memref<128x128xf32, #tpu.memory_space<vmem>>) target(%dma_start3A_102 : memref<128x128xf32, #tpu.memory_space<vmem_shared>>) target_semaphore(%run_scoped3A : memref<!tpu.dma_semaphore, #tpu.memory_space<semaphore_mem>>)
      %dma_wait3A = arith.constant 0 : i32
      %dma_wait3A_103 = tpu.memref_slice %arg10[%add3A_5, %dma_wait3A] : memref<10112x128xf32, #tpu.memory_space<vmem_shared>> -> memref<128x128xf32, #tpu.memory_space<vmem_shared>>
      %dma_wait3A_104 = arith.constant 0 : i32
      %dma_wait3A_105 = tpu.memref_slice %arg10[%add3A_5, %dma_wait3A_104] : memref<10112x128xf32, #tpu.memory_space<vmem_shared>> -> memref<128x128xf32, #tpu.memory_space<vmem_shared>>
      tpu.wait_dma2 semaphore(%run_scoped3A : memref<!tpu.dma_semaphore, #tpu.memory_space<semaphore_mem>>) src(%arg8 : memref<128x128xf32, #tpu.memory_space<vmem>>) dst(%dma_wait3A_105 : memref<128x128xf32, #tpu.memory_space<vmem_shared>>)
      tpu.yield
    }) : () -> ()
    %add3A_6 = arith.constant 128 : i32
    %add3A_7 = arith.addi %mul3A_4, %add3A_6 : i32
    "tpu.region"() ({
      %run_scoped3A = tpu.sem_alloc : memref<!tpu.dma_semaphore, #tpu.memory_space<semaphore_mem>>
      %dma_start3A_99 = arith.constant 0 : i32
      %dma_start3A_100 = tpu.memref_slice %arg10[%add3A_7, %dma_start3A_99] : memref<10112x128xf32, #tpu.memory_space<vmem_shared>> -> memref<128x128xf32, #tpu.memory_space<vmem_shared>>
      %dma_start3A_101 = arith.constant 0 : i32
      %dma_start3A_102 = tpu.memref_slice %arg10[%add3A_7, %dma_start3A_101] : memref<10112x128xf32, #tpu.memory_space<vmem_shared>> -> memref<128x128xf32, #tpu.memory_space<vmem_shared>>
      tpu.enqueue_dma source(%arg8 : memref<128x128xf32, #tpu.memory_space<vmem>>) target(%dma_start3A_102 : memref<128x128xf32, #tpu.memory_space<vmem_shared>>) target_semaphore(%run_scoped3A : memref<!tpu.dma_semaphore, #tpu.memory_space<semaphore_mem>>)
      %dma_wait3A = arith.constant 0 : i32
      %dma_wait3A_103 = tpu.memref_slice %arg10[%add3A_7, %dma_wait3A] : memref<10112x128xf32, #tpu.memory_space<vmem_shared>> -> memref<128x128xf32, #tpu.memory_space<vmem_shared>>
      %dma_wait3A_104 = arith.constant 0 : i32
      %dma_wait3A_105 = tpu.memref_slice %arg10[%add3A_7, %dma_wait3A_104] : memref<10112x128xf32, #tpu.memory_space<vmem_shared>> -> memref<128x128xf32, #tpu.memory_space<vmem_shared>>
      tpu.wait_dma2 semaphore(%run_scoped3A : memref<!tpu.dma_semaphore, #tpu.memory_space<semaphore_mem>>) src(%arg8 : memref<128x128xf32, #tpu.memory_space<vmem>>) dst(%dma_wait3A_105 : memref<128x128xf32, #tpu.memory_space<vmem_shared>>)
      tpu.yield
    }) : () -> ()
    %add3A_8 = arith.constant 256 : i32
    %add3A_9 = arith.addi %mul3A_4, %add3A_8 : i32
    "tpu.region"() ({
      %run_scoped3A = tpu.sem_alloc : memref<!tpu.dma_semaphore, #tpu.memory_space<semaphore_mem>>
      %dma_start3A_99 = arith.constant 0 : i32
      %dma_start3A_100 = tpu.memref_slice %arg10[%add3A_9, %dma_start3A_99] : memref<10112x128xf32, #tpu.memory_space<vmem_shared>> -> memref<128x128xf32, #tpu.memory_space<vmem_shared>>
      %dma_start3A_101 = arith.constant 0 : i32
      %dma_start3A_102 = tpu.memref_slice %arg10[%add3A_9, %dma_start3A_101] : memref<10112x128xf32, #tpu.memory_space<vmem_shared>> -> memref<128x128xf32, #tpu.memory_space<vmem_shared>>
      tpu.enqueue_dma source(%arg8 : memref<128x128xf32, #tpu.memory_space<vmem>>) target(%dma_start3A_102 : memref<128x128xf32, #tpu.memory_space<vmem_shared>>) target_semaphore(%run_scoped3A : memref<!tpu.dma_semaphore, #tpu.memory_space<semaphore_mem>>)
      %dma_wait3A = arith.constant 0 : i32
      %dma_wait3A_103 = tpu.memref_slice %arg10[%add3A_9, %dma_wait3A] : memref<10112x128xf32, #tpu.memory_space<vmem_shared>> -> memref<128x128xf32, #tpu.memory_space<vmem_shared>>
      %dma_wait3A_104 = arith.constant 0 : i32
      %dma_wait3A_105 = tpu.memref_slice %arg10[%add3A_9, %dma_wait3A_104] : memref<10112x128xf32, #tpu.memory_space<vmem_shared>> -> memref<128x128xf32, #tpu.memory_space<vmem_shared>>
      tpu.wait_dma2 semaphore(%run_scoped3A : memref<!tpu.dma_semaphore, #tpu.memory_space<semaphore_mem>>) src(%arg8 : memref<128x128xf32, #tpu.memory_space<vmem>>) dst(%dma_wait3A_105 : memref<128x128xf32, #tpu.memory_space<vmem_shared>>)
      tpu.yield
    }) : () -> ()
    %add3A_10 = arith.constant 384 : i32
    %add3A_11 = arith.addi %mul3A_4, %add3A_10 : i32
    "tpu.region"() ({
      %run_scoped3A = tpu.sem_alloc : memref<!tpu.dma_semaphore, #tpu.memory_space<semaphore_mem>>
      %dma_start3A_99 = arith.constant 0 : i32
      %dma_start3A_100 = tpu.memref_slice %arg10[%add3A_11, %dma_start3A_99] : memref<10112x128xf32, #tpu.memory_space<vmem_shared>> -> memref<128x128xf32, #tpu.memory_space<vmem_shared>>
      %dma_start3A_101 = arith.constant 0 : i32
      %dma_start3A_102 = tpu.memref_slice %arg10[%add3A_11, %dma_start3A_101] : memref<10112x128xf32, #tpu.memory_space<vmem_shared>> -> memref<128x128xf32, #tpu.memory_space<vmem_shared>>
      tpu.enqueue_dma source(%arg8 : memref<128x128xf32, #tpu.memory_space<vmem>>) target(%dma_start3A_102 : memref<128x128xf32, #tpu.memory_space<vmem_shared>>) target_semaphore(%run_scoped3A : memref<!tpu.dma_semaphore, #tpu.memory_space<semaphore_mem>>)
      %dma_wait3A = arith.constant 0 : i32
      %dma_wait3A_103 = tpu.memref_slice %arg10[%add3A_11, %dma_wait3A] : memref<10112x128xf32, #tpu.memory_space<vmem_shared>> -> memref<128x128xf32, #tpu.memory_space<vmem_shared>>
      %dma_wait3A_104 = arith.constant 0 : i32
      %dma_wait3A_105 = tpu.memref_slice %arg10[%add3A_11, %dma_wait3A_104] : memref<10112x128xf32, #tpu.memory_space<vmem_shared>> -> memref<128x128xf32, #tpu.memory_space<vmem_shared>>
      tpu.wait_dma2 semaphore(%run_scoped3A : memref<!tpu.dma_semaphore, #tpu.memory_space<semaphore_mem>>) src(%arg8 : memref<128x128xf32, #tpu.memory_space<vmem>>) dst(%dma_wait3A_105 : memref<128x128xf32, #tpu.memory_space<vmem_shared>>)
      tpu.yield
    }) : () -> ()
    %add3A_12 = arith.constant 512 : i32
    %add3A_13 = arith.addi %mul3A_4, %add3A_12 : i32
    "tpu.region"() ({
      %run_scoped3A = tpu.sem_alloc : memref<!tpu.dma_semaphore, #tpu.memory_space<semaphore_mem>>
      %dma_start3A_99 = arith.constant 0 : i32
      %dma_start3A_100 = arith.constant 0 : i32
      %dma_start3A_101 = tpu.memref_slice %arg8[%dma_start3A_99, %dma_start3A_100] : memref<128x128xf32, #tpu.memory_space<vmem>> -> memref<120x128xf32, #tpu.memory_space<vmem>>
      %dma_start3A_102 = arith.constant 0 : i32
      %dma_start3A_103 = tpu.memref_slice %arg10[%add3A_13, %dma_start3A_102] : memref<10112x128xf32, #tpu.memory_space<vmem_shared>> -> memref<120x128xf32, #tpu.memory_space<vmem_shared>>
      %dma_start3A_104 = arith.constant 0 : i32
      %dma_start3A_105 = tpu.memref_slice %arg10[%add3A_13, %dma_start3A_104] : memref<10112x128xf32, #tpu.memory_space<vmem_shared>> -> memref<120x128xf32, #tpu.memory_space<vmem_shared>>
      %dma_start3A_106 = arith.constant 0 : i32
      %dma_start3A_107 = arith.constant 0 : i32
      %dma_start3A_108 = tpu.memref_slice %arg8[%dma_start3A_106, %dma_start3A_107] : memref<128x128xf32, #tpu.memory_space<vmem>> -> memref<120x128xf32, #tpu.memory_space<vmem>>
      tpu.enqueue_dma source(%dma_start3A_108 : memref<120x128xf32, #tpu.memory_space<vmem>>) target(%dma_start3A_105 : memref<120x128xf32, #tpu.memory_space<vmem_shared>>) target_semaphore(%run_scoped3A : memref<!tpu.dma_semaphore, #tpu.memory_space<semaphore_mem>>)
      %dma_wait3A = arith.constant 0 : i32
      %dma_wait3A_109 = arith.constant 0 : i32
      %dma_wait3A_110 = tpu.memref_slice %arg8[%dma_wait3A, %dma_wait3A_109] : memref<128x128xf32, #tpu.memory_space<vmem>> -> memref<120x128xf32, #tpu.memory_space<vmem>>
      %dma_wait3A_111 = arith.constant 0 : i32
      %dma_wait3A_112 = tpu.memref_slice %arg10[%add3A_13, %dma_wait3A_111] : memref<10112x128xf32, #tpu.memory_space<vmem_shared>> -> memref<120x128xf32, #tpu.memory_space<vmem_shared>>
      %dma_wait3A_113 = arith.constant 0 : i32
      %dma_wait3A_114 = tpu.memref_slice %arg10[%add3A_13, %dma_wait3A_113] : memref<10112x128xf32, #tpu.memory_space<vmem_shared>> -> memref<120x128xf32, #tpu.memory_space<vmem_shared>>
      %dma_wait3A_115 = arith.constant 0 : i32
      %dma_wait3A_116 = arith.constant 0 : i32
      %dma_wait3A_117 = tpu.memref_slice %arg8[%dma_wait3A_115, %dma_wait3A_116] : memref<128x128xf32, #tpu.memory_space<vmem>> -> memref<120x128xf32, #tpu.memory_space<vmem>>
      tpu.wait_dma2 semaphore(%run_scoped3A : memref<!tpu.dma_semaphore, #tpu.memory_space<semaphore_mem>>) src(%dma_wait3A_117 : memref<120x128xf32, #tpu.memory_space<vmem>>) dst(%dma_wait3A_114 : memref<120x128xf32, #tpu.memory_space<vmem_shared>>)
      tpu.yield
    }) : () -> ()
    %barrier3A = arith.constant 0 : index
    tpu.barrier barrier_id(%barrier3A)
    %dma_start3A = arith.constant 0 : i32
    %dma_start3A_14 = arith.constant 0 : i32
    %dma_start3A_15 = arith.constant 0 : i32
    %dma_start3A_16 = tpu.memref_slice %arg7[%dma_start3A_14, %dma_start3A_15] : memref<4x128xi32, #tpu.memory_space<vmem>> -> memref<1x128xi32, #tpu.memory_space<vmem>>
    %dma_start3A_17 = tpu.memref_squeeze %dma_start3A_16 : memref<1x128xi32, #tpu.memory_space<vmem>> -> memref<128xi32, #tpu.memory_space<vmem>>
    %dma_start3A_18 = arith.constant 0 : i32
    %dma_start3A_19 = tpu.memref_slice %arg4[%arg0, %arg1, %dma_start3A, %dma_start3A_18] : memref<2x16x80x128xi32, #tpu.memory_space<hbm>> -> memref<1x1x1x128xi32, #tpu.memory_space<hbm>>
    %dma_start3A_20 = tpu.memref_squeeze %dma_start3A_19 : memref<1x1x1x128xi32, #tpu.memory_space<hbm>> -> memref<128xi32, #tpu.memory_space<hbm>>
    %dma_start3A_21 = arith.constant 0 : i32
    %dma_start3A_22 = tpu.memref_slice %arg7[%dma_start3A_14, %dma_start3A_21] : memref<4x128xi32, #tpu.memory_space<vmem>> -> memref<1x128xi32, #tpu.memory_space<vmem>>
    %dma_start3A_23 = tpu.memref_squeeze %dma_start3A_22 : memref<1x128xi32, #tpu.memory_space<vmem>> -> memref<128xi32, #tpu.memory_space<vmem>>
    %dma_start3A_24 = arith.constant 0 : i32
    %dma_start3A_25 = tpu.memref_slice %arg4[%arg0, %arg1, %dma_start3A, %dma_start3A_24] : memref<2x16x80x128xi32, #tpu.memory_space<hbm>> -> memref<1x1x1x128xi32, #tpu.memory_space<hbm>>
    %dma_start3A_26 = tpu.memref_squeeze %dma_start3A_25 : memref<1x1x1x128xi32, #tpu.memory_space<hbm>> -> memref<128xi32, #tpu.memory_space<hbm>>
    tpu.enqueue_dma source(%dma_start3A_26 : memref<128xi32, #tpu.memory_space<hbm>>) target(%dma_start3A_23 : memref<128xi32, #tpu.memory_space<vmem>>) target_semaphore(%arg13 : memref<!tpu.dma_semaphore, #tpu.memory_space<semaphore_mem>>)
    %dma_start3A_27 = arith.constant 1 : i32
    %dma_start3A_28 = arith.constant 1 : i32
    %dma_start3A_29 = arith.constant 0 : i32
    %dma_start3A_30 = tpu.memref_slice %arg7[%dma_start3A_28, %dma_start3A_29] : memref<4x128xi32, #tpu.memory_space<vmem>> -> memref<1x128xi32, #tpu.memory_space<vmem>>
    %dma_start3A_31 = tpu.memref_squeeze %dma_start3A_30 : memref<1x128xi32, #tpu.memory_space<vmem>> -> memref<128xi32, #tpu.memory_space<vmem>>
    %dma_start3A_32 = arith.constant 0 : i32
    %dma_start3A_33 = tpu.memref_slice %arg4[%arg0, %arg1, %dma_start3A_27, %dma_start3A_32] : memref<2x16x80x128xi32, #tpu.memory_space<hbm>> -> memref<1x1x1x128xi32, #tpu.memory_space<hbm>>
    %dma_start3A_34 = tpu.memref_squeeze %dma_start3A_33 : memref<1x1x1x128xi32, #tpu.memory_space<hbm>> -> memref<128xi32, #tpu.memory_space<hbm>>
    %dma_start3A_35 = arith.constant 0 : i32
    %dma_start3A_36 = tpu.memref_slice %arg7[%dma_start3A_28, %dma_start3A_35] : memref<4x128xi32, #tpu.memory_space<vmem>> -> memref<1x128xi32, #tpu.memory_space<vmem>>
    %dma_start3A_37 = tpu.memref_squeeze %dma_start3A_36 : memref<1x128xi32, #tpu.memory_space<vmem>> -> memref<128xi32, #tpu.memory_space<vmem>>
    %dma_start3A_38 = arith.constant 0 : i32
    %dma_start3A_39 = tpu.memref_slice %arg4[%arg0, %arg1, %dma_start3A_27, %dma_start3A_38] : memref<2x16x80x128xi32, #tpu.memory_space<hbm>> -> memref<1x1x1x128xi32, #tpu.memory_space<hbm>>
    %dma_start3A_40 = tpu.memref_squeeze %dma_start3A_39 : memref<1x1x1x128xi32, #tpu.memory_space<hbm>> -> memref<128xi32, #tpu.memory_space<hbm>>
    tpu.enqueue_dma source(%dma_start3A_40 : memref<128xi32, #tpu.memory_space<hbm>>) target(%dma_start3A_37 : memref<128xi32, #tpu.memory_space<vmem>>) target_semaphore(%arg14 : memref<!tpu.dma_semaphore, #tpu.memory_space<semaphore_mem>>)
    %dma_start3A_41 = arith.constant 2 : i32
    %dma_start3A_42 = arith.constant 2 : i32
    %dma_start3A_43 = arith.constant 0 : i32
    %dma_start3A_44 = tpu.memref_slice %arg7[%dma_start3A_42, %dma_start3A_43] : memref<4x128xi32, #tpu.memory_space<vmem>> -> memref<1x128xi32, #tpu.memory_space<vmem>>
    %dma_start3A_45 = tpu.memref_squeeze %dma_start3A_44 : memref<1x128xi32, #tpu.memory_space<vmem>> -> memref<128xi32, #tpu.memory_space<vmem>>
    %dma_start3A_46 = arith.constant 0 : i32
    %dma_start3A_47 = tpu.memref_slice %arg4[%arg0, %arg1, %dma_start3A_41, %dma_start3A_46] : memref<2x16x80x128xi32, #tpu.memory_space<hbm>> -> memref<1x1x1x128xi32, #tpu.memory_space<hbm>>
    %dma_start3A_48 = tpu.memref_squeeze %dma_start3A_47 : memref<1x1x1x128xi32, #tpu.memory_space<hbm>> -> memref<128xi32, #tpu.memory_space<hbm>>
    %dma_start3A_49 = arith.constant 0 : i32
    %dma_start3A_50 = tpu.memref_slice %arg7[%dma_start3A_42, %dma_start3A_49] : memref<4x128xi32, #tpu.memory_space<vmem>> -> memref<1x128xi32, #tpu.memory_space<vmem>>
    %dma_start3A_51 = tpu.memref_squeeze %dma_start3A_50 : memref<1x128xi32, #tpu.memory_space<vmem>> -> memref<128xi32, #tpu.memory_space<vmem>>
    %dma_start3A_52 = arith.constant 0 : i32
    %dma_start3A_53 = tpu.memref_slice %arg4[%arg0, %arg1, %dma_start3A_41, %dma_start3A_52] : memref<2x16x80x128xi32, #tpu.memory_space<hbm>> -> memref<1x1x1x128xi32, #tpu.memory_space<hbm>>
    %dma_start3A_54 = tpu.memref_squeeze %dma_start3A_53 : memref<1x1x1x128xi32, #tpu.memory_space<hbm>> -> memref<128xi32, #tpu.memory_space<hbm>>
    tpu.enqueue_dma source(%dma_start3A_54 : memref<128xi32, #tpu.memory_space<hbm>>) target(%dma_start3A_51 : memref<128xi32, #tpu.memory_space<vmem>>) target_semaphore(%arg15 : memref<!tpu.dma_semaphore, #tpu.memory_space<semaphore_mem>>)
    %dma_start3A_55 = arith.constant 3 : i32
    %dma_start3A_56 = arith.constant 3 : i32
    %dma_start3A_57 = arith.constant 0 : i32
    %dma_start3A_58 = tpu.memref_slice %arg7[%dma_start3A_56, %dma_start3A_57] : memref<4x128xi32, #tpu.memory_space<vmem>> -> memref<1x128xi32, #tpu.memory_space<vmem>>
    %dma_start3A_59 = tpu.memref_squeeze %dma_start3A_58 : memref<1x128xi32, #tpu.memory_space<vmem>> -> memref<128xi32, #tpu.memory_space<vmem>>
    %dma_start3A_60 = arith.constant 0 : i32
    %dma_start3A_61 = tpu.memref_slice %arg4[%arg0, %arg1, %dma_start3A_55, %dma_start3A_60] : memref<2x16x80x128xi32, #tpu.memory_space<hbm>> -> memref<1x1x1x128xi32, #tpu.memory_space<hbm>>
    %dma_start3A_62 = tpu.memref_squeeze %dma_start3A_61 : memref<1x1x1x128xi32, #tpu.memory_space<hbm>> -> memref<128xi32, #tpu.memory_space<hbm>>
    %dma_start3A_63 = arith.constant 0 : i32
    %dma_start3A_64 = tpu.memref_slice %arg7[%dma_start3A_56, %dma_start3A_63] : memref<4x128xi32, #tpu.memory_space<vmem>> -> memref<1x128xi32, #tpu.memory_space<vmem>>
    %dma_start3A_65 = tpu.memref_squeeze %dma_start3A_64 : memref<1x128xi32, #tpu.memory_space<vmem>> -> memref<128xi32, #tpu.memory_space<vmem>>
    %dma_start3A_66 = arith.constant 0 : i32
    %dma_start3A_67 = tpu.memref_slice %arg4[%arg0, %arg1, %dma_start3A_55, %dma_start3A_66] : memref<2x16x80x128xi32, #tpu.memory_space<hbm>> -> memref<1x1x1x128xi32, #tpu.memory_space<hbm>>
    %dma_start3A_68 = tpu.memref_squeeze %dma_start3A_67 : memref<1x1x1x128xi32, #tpu.memory_space<hbm>> -> memref<128xi32, #tpu.memory_space<hbm>>
    tpu.enqueue_dma source(%dma_start3A_68 : memref<128xi32, #tpu.memory_space<hbm>>) target(%dma_start3A_65 : memref<128xi32, #tpu.memory_space<vmem>>) target_semaphore(%arg16 : memref<!tpu.dma_semaphore, #tpu.memory_space<semaphore_mem>>)
    %dma_start3A_69 = arith.constant 0 : i32
    %dma_start3A_70 = arith.constant 0 : i32
    %dma_start3A_71 = tpu.memref_slice %arg6[%dma_start3A_69, %dma_start3A_70] : memref<80x128xi32, #tpu.memory_space<vmem>> -> memref<1x128xi32, #tpu.memory_space<vmem>>
    %dma_start3A_72 = tpu.memref_squeeze %dma_start3A_71 : memref<1x128xi32, #tpu.memory_space<vmem>> -> memref<128xi32, #tpu.memory_space<vmem>>
    %dma_start3A_73 = arith.constant 0 : i32
    %dma_start3A_74 = arith.constant 0 : i32
    %dma_start3A_75 = tpu.memref_slice %arg2[%dma_start3A_73, %dma_start3A_74] : memref<10000x128xf32, #tpu.memory_space<hbm>> -> memref<10000x128xf32, #tpu.memory_space<hbm>>
    tpu.enqueue_indirect_dma source(%dma_start3A_75 : memref<10000x128xf32, #tpu.memory_space<hbm>>) target(%arg8 : memref<128x128xf32, #tpu.memory_space<vmem>>) offsets(%dma_start3A_72 : memref<128xi32, #tpu.memory_space<vmem>>) semaphore(%arg11 : memref<!tpu.dma_semaphore, #tpu.memory_space<semaphore_mem>>)
    %dma_start3A_76 = arith.constant 1 : i32
    %dma_start3A_77 = arith.constant 0 : i32
    %dma_start3A_78 = tpu.memref_slice %arg6[%dma_start3A_76, %dma_start3A_77] : memref<80x128xi32, #tpu.memory_space<vmem>> -> memref<1x128xi32, #tpu.memory_space<vmem>>
    %dma_start3A_79 = tpu.memref_squeeze %dma_start3A_78 : memref<1x128xi32, #tpu.memory_space<vmem>> -> memref<128xi32, #tpu.memory_space<vmem>>
    %dma_start3A_80 = arith.constant 0 : i32
    %dma_start3A_81 = arith.constant 0 : i32
    %dma_start3A_82 = tpu.memref_slice %arg2[%dma_start3A_80, %dma_start3A_81] : memref<10000x128xf32, #tpu.memory_space<hbm>> -> memref<10000x128xf32, #tpu.memory_space<hbm>>
    tpu.enqueue_indirect_dma source(%dma_start3A_82 : memref<10000x128xf32, #tpu.memory_space<hbm>>) target(%arg9 : memref<128x128xf32, #tpu.memory_space<vmem>>) offsets(%dma_start3A_79 : memref<128xi32, #tpu.memory_space<vmem>>) semaphore(%arg12 : memref<!tpu.dma_semaphore, #tpu.memory_space<semaphore_mem>>)
    %scan3A_83 = arith.constant 0 : i32
    %scan3A_84 = arith.constant 20 : i32
    %scan3A_85 = arith.addi %scan3A_83, %scan3A_84 : i32
    %scan3A_86 = arith.constant 1 : i32
    scf.for %scan3A_99 = %scan3A_83 to %scan3A_85 step %scan3A_86  : i32 {
      %mul3A_100 = arith.constant 1 : i32
      %mul3A_101 = arith.muli %scan3A_99, %mul3A_100 : i32
      %add3A_102 = arith.constant 0 : i32
      %add3A_103 = arith.addi %add3A_102, %mul3A_101 : i32
      %mul3A_104 = arith.constant 4 : i32
      %mul3A_105 = arith.muli %add3A_103, %mul3A_104 : i32
      %add3A_106 = arith.constant 0 : i32
      %add3A_107 = arith.addi %mul3A_105, %add3A_106 : i32
      %dma_wait3A = arith.constant 0 : i32
      %dma_wait3A_108 = tpu.memref_slice %arg6[%add3A_107, %dma_wait3A] : memref<80x128xi32, #tpu.memory_space<vmem>> -> memref<1x128xi32, #tpu.memory_space<vmem>>
      %dma_wait3A_109 = tpu.memref_squeeze %dma_wait3A_108 : memref<1x128xi32, #tpu.memory_space<vmem>> -> memref<128xi32, #tpu.memory_space<vmem>>
      %dma_wait3A_110 = arith.constant 0 : i32
      %dma_wait3A_111 = arith.constant 0 : i32
      %dma_wait3A_112 = tpu.memref_slice %arg2[%dma_wait3A_110, %dma_wait3A_111] : memref<10000x128xf32, #tpu.memory_space<hbm>> -> memref<10000x128xf32, #tpu.memory_space<hbm>>
      tpu.wait_indirect_dma semaphore(%arg11 : memref<!tpu.dma_semaphore, #tpu.memory_space<semaphore_mem>>) src(%dma_wait3A_112 : memref<10000x128xf32, #tpu.memory_space<hbm>>) dst(%arg8 : memref<128x128xf32, #tpu.memory_space<vmem>>)
      %dma_wait3A_113 = arith.constant 0 : i32
      %dma_wait3A_114 = arith.constant 0 : i32
      %dma_wait3A_115 = tpu.memref_slice %arg7[%dma_wait3A_113, %dma_wait3A_114] : memref<4x128xi32, #tpu.memory_space<vmem>> -> memref<1x128xi32, #tpu.memory_space<vmem>>
      %dma_wait3A_116 = tpu.memref_squeeze %dma_wait3A_115 : memref<1x128xi32, #tpu.memory_space<vmem>> -> memref<128xi32, #tpu.memory_space<vmem>>
      %dma_wait3A_117 = arith.constant 0 : i32
      %dma_wait3A_118 = tpu.memref_slice %arg4[%arg0, %arg1, %add3A_107, %dma_wait3A_117] : memref<2x16x80x128xi32, #tpu.memory_space<hbm>> -> memref<1x1x1x128xi32, #tpu.memory_space<hbm>>
      %dma_wait3A_119 = tpu.memref_squeeze %dma_wait3A_118 : memref<1x1x1x128xi32, #tpu.memory_space<hbm>> -> memref<128xi32, #tpu.memory_space<hbm>>
      %dma_wait3A_120 = arith.constant 0 : i32
      %dma_wait3A_121 = tpu.memref_slice %arg7[%dma_wait3A_113, %dma_wait3A_120] : memref<4x128xi32, #tpu.memory_space<vmem>> -> memref<1x128xi32, #tpu.memory_space<vmem>>
      %dma_wait3A_122 = tpu.memref_squeeze %dma_wait3A_121 : memref<1x128xi32, #tpu.memory_space<vmem>> -> memref<128xi32, #tpu.memory_space<vmem>>
      %dma_wait3A_123 = arith.constant 0 : i32
      %dma_wait3A_124 = tpu.memref_slice %arg4[%arg0, %arg1, %add3A_107, %dma_wait3A_123] : memref<2x16x80x128xi32, #tpu.memory_space<hbm>> -> memref<1x1x1x128xi32, #tpu.memory_space<hbm>>
      %dma_wait3A_125 = tpu.memref_squeeze %dma_wait3A_124 : memref<1x1x1x128xi32, #tpu.memory_space<hbm>> -> memref<128xi32, #tpu.memory_space<hbm>>
      tpu.wait_dma2 semaphore(%arg13 : memref<!tpu.dma_semaphore, #tpu.memory_space<semaphore_mem>>) src(%dma_wait3A_125 : memref<128xi32, #tpu.memory_space<hbm>>) dst(%dma_wait3A_122 : memref<128xi32, #tpu.memory_space<vmem>>)
      %run_scoped3A = arith.constant 0 : i32
      "tpu.region"() ({
        %run_scoped3A_251 = tpu.sem_alloc : memref<!tpu.dma_semaphore, #tpu.memory_space<semaphore_mem>>
        %dma_start3A_252 = arith.constant 0 : i32
        %dma_start3A_253 = tpu.memref_slice %arg7[%run_scoped3A, %dma_start3A_252] : memref<4x128xi32, #tpu.memory_space<vmem>> -> memref<1x128xi32, #tpu.memory_space<vmem>>
        %dma_start3A_254 = tpu.memref_squeeze %dma_start3A_253 : memref<1x128xi32, #tpu.memory_space<vmem>> -> memref<128xi32, #tpu.memory_space<vmem>>
        %dma_start3A_255 = arith.constant 0 : i32
        %dma_start3A_256 = arith.constant 0 : i32
        %dma_start3A_257 = tpu.memref_slice %arg10[%dma_start3A_255, %dma_start3A_256] : memref<10112x128xf32, #tpu.memory_space<vmem_shared>> -> memref<10112x128xf32, #tpu.memory_space<vmem_shared>>
        tpu.enqueue_indirect_dma source(%arg8 : memref<128x128xf32, #tpu.memory_space<vmem>>) target(%dma_start3A_257 : memref<10112x128xf32, #tpu.memory_space<vmem_shared>>) offsets(%dma_start3A_254 : memref<128xi32, #tpu.memory_space<vmem>>) semaphore(%run_scoped3A_251 : memref<!tpu.dma_semaphore, #tpu.memory_space<semaphore_mem>>) {add = true}
        %dma_wait3A_258 = arith.constant 0 : i32
        %dma_wait3A_259 = tpu.memref_slice %arg7[%run_scoped3A, %dma_wait3A_258] : memref<4x128xi32, #tpu.memory_space<vmem>> -> memref<1x128xi32, #tpu.memory_space<vmem>>
        %dma_wait3A_260 = tpu.memref_squeeze %dma_wait3A_259 : memref<1x128xi32, #tpu.memory_space<vmem>> -> memref<128xi32, #tpu.memory_space<vmem>>
        %dma_wait3A_261 = arith.constant 0 : i32
        %dma_wait3A_262 = arith.constant 0 : i32
        %dma_wait3A_263 = tpu.memref_slice %arg10[%dma_wait3A_261, %dma_wait3A_262] : memref<10112x128xf32, #tpu.memory_space<vmem_shared>> -> memref<10112x128xf32, #tpu.memory_space<vmem_shared>>
        tpu.wait_indirect_dma semaphore(%run_scoped3A_251 : memref<!tpu.dma_semaphore, #tpu.memory_space<semaphore_mem>>) src(%arg8 : memref<128x128xf32, #tpu.memory_space<vmem>>) dst(%dma_wait3A_263 : memref<10112x128xf32, #tpu.memory_space<vmem_shared>>)
        tpu.yield
      }) : () -> ()
      %add3A_126 = arith.constant 2 : i32
      %add3A_127 = arith.addi %add3A_107, %add3A_126 : i32
      %lt3A = arith.constant 80 : i32
      %lt3A_128 = arith.cmpi slt, %add3A_127, %lt3A : i32
      %convert_element_type3A = arith.extui %lt3A_128 : i1 to i32
      %cond3A = arith.constant 0 : i32
      %cond3A_129 = arith.cmpi ne, %convert_element_type3A, %cond3A : i32
      scf.if %cond3A_129 {
        %add3A_251 = arith.constant 2 : i32
        %add3A_252 = arith.addi %add3A_107, %add3A_251 : i32
        %dma_start3A_253 = arith.constant 0 : i32
        %dma_start3A_254 = tpu.memref_slice %arg6[%add3A_252, %dma_start3A_253] : memref<80x128xi32, #tpu.memory_space<vmem>> -> memref<1x128xi32, #tpu.memory_space<vmem>>
        %dma_start3A_255 = tpu.memref_squeeze %dma_start3A_254 : memref<1x128xi32, #tpu.memory_space<vmem>> -> memref<128xi32, #tpu.memory_space<vmem>>
        %dma_start3A_256 = arith.constant 0 : i32
        %dma_start3A_257 = arith.constant 0 : i32
        %dma_start3A_258 = tpu.memref_slice %arg2[%dma_start3A_256, %dma_start3A_257] : memref<10000x128xf32, #tpu.memory_space<hbm>> -> memref<10000x128xf32, #tpu.memory_space<hbm>>
        tpu.enqueue_indirect_dma source(%dma_start3A_258 : memref<10000x128xf32, #tpu.memory_space<hbm>>) target(%arg8 : memref<128x128xf32, #tpu.memory_space<vmem>>) offsets(%dma_start3A_255 : memref<128xi32, #tpu.memory_space<vmem>>) semaphore(%arg11 : memref<!tpu.dma_semaphore, #tpu.memory_space<semaphore_mem>>)
      } else {
      }
      %add3A_130 = arith.constant 4 : i32
      %add3A_131 = arith.addi %add3A_107, %add3A_130 : i32
      %lt3A_132 = arith.constant 80 : i32
      %lt3A_133 = arith.cmpi slt, %add3A_131, %lt3A_132 : i32
      %convert_element_type3A_134 = arith.extui %lt3A_133 : i1 to i32
      %cond3A_135 = arith.constant 0 : i32
      %cond3A_136 = arith.cmpi ne, %convert_element_type3A_134, %cond3A_135 : i32
      scf.if %cond3A_136 {
        %add3A_251 = arith.constant 4 : i32
        %add3A_252 = arith.addi %add3A_107, %add3A_251 : i32
        %dma_start3A_253 = arith.constant 0 : i32
        %dma_start3A_254 = arith.constant 0 : i32
        %dma_start3A_255 = tpu.memref_slice %arg7[%dma_start3A_253, %dma_start3A_254] : memref<4x128xi32, #tpu.memory_space<vmem>> -> memref<1x128xi32, #tpu.memory_space<vmem>>
        %dma_start3A_256 = tpu.memref_squeeze %dma_start3A_255 : memref<1x128xi32, #tpu.memory_space<vmem>> -> memref<128xi32, #tpu.memory_space<vmem>>
        %dma_start3A_257 = arith.constant 0 : i32
        %dma_start3A_258 = tpu.memref_slice %arg4[%arg0, %arg1, %add3A_252, %dma_start3A_257] : memref<2x16x80x128xi32, #tpu.memory_space<hbm>> -> memref<1x1x1x128xi32, #tpu.memory_space<hbm>>
        %dma_start3A_259 = tpu.memref_squeeze %dma_start3A_258 : memref<1x1x1x128xi32, #tpu.memory_space<hbm>> -> memref<128xi32, #tpu.memory_space<hbm>>
        %dma_start3A_260 = arith.constant 0 : i32
        %dma_start3A_261 = tpu.memref_slice %arg7[%dma_start3A_253, %dma_start3A_260] : memref<4x128xi32, #tpu.memory_space<vmem>> -> memref<1x128xi32, #tpu.memory_space<vmem>>
        %dma_start3A_262 = tpu.memref_squeeze %dma_start3A_261 : memref<1x128xi32, #tpu.memory_space<vmem>> -> memref<128xi32, #tpu.memory_space<vmem>>
        %dma_start3A_263 = arith.constant 0 : i32
        %dma_start3A_264 = tpu.memref_slice %arg4[%arg0, %arg1, %add3A_252, %dma_start3A_263] : memref<2x16x80x128xi32, #tpu.memory_space<hbm>> -> memref<1x1x1x128xi32, #tpu.memory_space<hbm>>
        %dma_start3A_265 = tpu.memref_squeeze %dma_start3A_264 : memref<1x1x1x128xi32, #tpu.memory_space<hbm>> -> memref<128xi32, #tpu.memory_space<hbm>>
        tpu.enqueue_dma source(%dma_start3A_265 : memref<128xi32, #tpu.memory_space<hbm>>) target(%dma_start3A_262 : memref<128xi32, #tpu.memory_space<vmem>>) target_semaphore(%arg13 : memref<!tpu.dma_semaphore, #tpu.memory_space<semaphore_mem>>)
      } else {
      }
      %mul3A_137 = arith.constant 4 : i32
      %mul3A_138 = arith.muli %add3A_103, %mul3A_137 : i32
      %add3A_139 = arith.constant 1 : i32
      %add3A_140 = arith.addi %mul3A_138, %add3A_139 : i32
      %dma_wait3A_141 = arith.constant 0 : i32
      %dma_wait3A_142 = tpu.memref_slice %arg6[%add3A_140, %dma_wait3A_141] : memref<80x128xi32, #tpu.memory_space<vmem>> -> memref<1x128xi32, #tpu.memory_space<vmem>>
      %dma_wait3A_143 = tpu.memref_squeeze %dma_wait3A_142 : memref<1x128xi32, #tpu.memory_space<vmem>> -> memref<128xi32, #tpu.memory_space<vmem>>
      %dma_wait3A_144 = arith.constant 0 : i32
      %dma_wait3A_145 = arith.constant 0 : i32
      %dma_wait3A_146 = tpu.memref_slice %arg2[%dma_wait3A_144, %dma_wait3A_145] : memref<10000x128xf32, #tpu.memory_space<hbm>> -> memref<10000x128xf32, #tpu.memory_space<hbm>>
      tpu.wait_indirect_dma semaphore(%arg12 : memref<!tpu.dma_semaphore, #tpu.memory_space<semaphore_mem>>) src(%dma_wait3A_146 : memref<10000x128xf32, #tpu.memory_space<hbm>>) dst(%arg9 : memref<128x128xf32, #tpu.memory_space<vmem>>)
      %dma_wait3A_147 = arith.constant 1 : i32
      %dma_wait3A_148 = arith.constant 0 : i32
      %dma_wait3A_149 = tpu.memref_slice %arg7[%dma_wait3A_147, %dma_wait3A_148] : memref<4x128xi32, #tpu.memory_space<vmem>> -> memref<1x128xi32, #tpu.memory_space<vmem>>
      %dma_wait3A_150 = tpu.memref_squeeze %dma_wait3A_149 : memref<1x128xi32, #tpu.memory_space<vmem>> -> memref<128xi32, #tpu.memory_space<vmem>>
      %dma_wait3A_151 = arith.constant 0 : i32
      %dma_wait3A_152 = tpu.memref_slice %arg4[%arg0, %arg1, %add3A_140, %dma_wait3A_151] : memref<2x16x80x128xi32, #tpu.memory_space<hbm>> -> memref<1x1x1x128xi32, #tpu.memory_space<hbm>>
      %dma_wait3A_153 = tpu.memref_squeeze %dma_wait3A_152 : memref<1x1x1x128xi32, #tpu.memory_space<hbm>> -> memref<128xi32, #tpu.memory_space<hbm>>
      %dma_wait3A_154 = arith.constant 0 : i32
      %dma_wait3A_155 = tpu.memref_slice %arg7[%dma_wait3A_147, %dma_wait3A_154] : memref<4x128xi32, #tpu.memory_space<vmem>> -> memref<1x128xi32, #tpu.memory_space<vmem>>
      %dma_wait3A_156 = tpu.memref_squeeze %dma_wait3A_155 : memref<1x128xi32, #tpu.memory_space<vmem>> -> memref<128xi32, #tpu.memory_space<vmem>>
      %dma_wait3A_157 = arith.constant 0 : i32
      %dma_wait3A_158 = tpu.memref_slice %arg4[%arg0, %arg1, %add3A_140, %dma_wait3A_157] : memref<2x16x80x128xi32, #tpu.memory_space<hbm>> -> memref<1x1x1x128xi32, #tpu.memory_space<hbm>>
      %dma_wait3A_159 = tpu.memref_squeeze %dma_wait3A_158 : memref<1x1x1x128xi32, #tpu.memory_space<hbm>> -> memref<128xi32, #tpu.memory_space<hbm>>
      tpu.wait_dma2 semaphore(%arg14 : memref<!tpu.dma_semaphore, #tpu.memory_space<semaphore_mem>>) src(%dma_wait3A_159 : memref<128xi32, #tpu.memory_space<hbm>>) dst(%dma_wait3A_156 : memref<128xi32, #tpu.memory_space<vmem>>)
      %run_scoped3A_160 = arith.constant 1 : i32
      "tpu.region"() ({
        %run_scoped3A_251 = tpu.sem_alloc : memref<!tpu.dma_semaphore, #tpu.memory_space<semaphore_mem>>
        %dma_start3A_252 = arith.constant 0 : i32
        %dma_start3A_253 = tpu.memref_slice %arg7[%run_scoped3A_160, %dma_start3A_252] : memref<4x128xi32, #tpu.memory_space<vmem>> -> memref<1x128xi32, #tpu.memory_space<vmem>>
        %dma_start3A_254 = tpu.memref_squeeze %dma_start3A_253 : memref<1x128xi32, #tpu.memory_space<vmem>> -> memref<128xi32, #tpu.memory_space<vmem>>
        %dma_start3A_255 = arith.constant 0 : i32
        %dma_start3A_256 = arith.constant 0 : i32
        %dma_start3A_257 = tpu.memref_slice %arg10[%dma_start3A_255, %dma_start3A_256] : memref<10112x128xf32, #tpu.memory_space<vmem_shared>> -> memref<10112x128xf32, #tpu.memory_space<vmem_shared>>
        tpu.enqueue_indirect_dma source(%arg9 : memref<128x128xf32, #tpu.memory_space<vmem>>) target(%dma_start3A_257 : memref<10112x128xf32, #tpu.memory_space<vmem_shared>>) offsets(%dma_start3A_254 : memref<128xi32, #tpu.memory_space<vmem>>) semaphore(%run_scoped3A_251 : memref<!tpu.dma_semaphore, #tpu.memory_space<semaphore_mem>>) {add = true}
        %dma_wait3A_258 = arith.constant 0 : i32
        %dma_wait3A_259 = tpu.memref_slice %arg7[%run_scoped3A_160, %dma_wait3A_258] : memref<4x128xi32, #tpu.memory_space<vmem>> -> memref<1x128xi32, #tpu.memory_space<vmem>>
        %dma_wait3A_260 = tpu.memref_squeeze %dma_wait3A_259 : memref<1x128xi32, #tpu.memory_space<vmem>> -> memref<128xi32, #tpu.memory_space<vmem>>
        %dma_wait3A_261 = arith.constant 0 : i32
        %dma_wait3A_262 = arith.constant 0 : i32
        %dma_wait3A_263 = tpu.memref_slice %arg10[%dma_wait3A_261, %dma_wait3A_262] : memref<10112x128xf32, #tpu.memory_space<vmem_shared>> -> memref<10112x128xf32, #tpu.memory_space<vmem_shared>>
        tpu.wait_indirect_dma semaphore(%run_scoped3A_251 : memref<!tpu.dma_semaphore, #tpu.memory_space<semaphore_mem>>) src(%arg9 : memref<128x128xf32, #tpu.memory_space<vmem>>) dst(%dma_wait3A_263 : memref<10112x128xf32, #tpu.memory_space<vmem_shared>>)
        tpu.yield
      }) : () -> ()
      %add3A_161 = arith.constant 2 : i32
      %add3A_162 = arith.addi %add3A_140, %add3A_161 : i32
      %lt3A_163 = arith.constant 80 : i32
      %lt3A_164 = arith.cmpi slt, %add3A_162, %lt3A_163 : i32
      %convert_element_type3A_165 = arith.extui %lt3A_164 : i1 to i32
      %cond3A_166 = arith.constant 0 : i32
      %cond3A_167 = arith.cmpi ne, %convert_element_type3A_165, %cond3A_166 : i32
      scf.if %cond3A_167 {
        %add3A_251 = arith.constant 2 : i32
        %add3A_252 = arith.addi %add3A_140, %add3A_251 : i32
        %dma_start3A_253 = arith.constant 0 : i32
        %dma_start3A_254 = tpu.memref_slice %arg6[%add3A_252, %dma_start3A_253] : memref<80x128xi32, #tpu.memory_space<vmem>> -> memref<1x128xi32, #tpu.memory_space<vmem>>
        %dma_start3A_255 = tpu.memref_squeeze %dma_start3A_254 : memref<1x128xi32, #tpu.memory_space<vmem>> -> memref<128xi32, #tpu.memory_space<vmem>>
        %dma_start3A_256 = arith.constant 0 : i32
        %dma_start3A_257 = arith.constant 0 : i32
        %dma_start3A_258 = tpu.memref_slice %arg2[%dma_start3A_256, %dma_start3A_257] : memref<10000x128xf32, #tpu.memory_space<hbm>> -> memref<10000x128xf32, #tpu.memory_space<hbm>>
        tpu.enqueue_indirect_dma source(%dma_start3A_258 : memref<10000x128xf32, #tpu.memory_space<hbm>>) target(%arg9 : memref<128x128xf32, #tpu.memory_space<vmem>>) offsets(%dma_start3A_255 : memref<128xi32, #tpu.memory_space<vmem>>) semaphore(%arg12 : memref<!tpu.dma_semaphore, #tpu.memory_space<semaphore_mem>>)
      } else {
      }
      %add3A_168 = arith.constant 4 : i32
      %add3A_169 = arith.addi %add3A_140, %add3A_168 : i32
      %lt3A_170 = arith.constant 80 : i32
      %lt3A_171 = arith.cmpi slt, %add3A_169, %lt3A_170 : i32
      %convert_element_type3A_172 = arith.extui %lt3A_171 : i1 to i32
      %cond3A_173 = arith.constant 0 : i32
      %cond3A_174 = arith.cmpi ne, %convert_element_type3A_172, %cond3A_173 : i32
      scf.if %cond3A_174 {
        %add3A_251 = arith.constant 4 : i32
        %add3A_252 = arith.addi %add3A_140, %add3A_251 : i32
        %dma_start3A_253 = arith.constant 1 : i32
        %dma_start3A_254 = arith.constant 0 : i32
        %dma_start3A_255 = tpu.memref_slice %arg7[%dma_start3A_253, %dma_start3A_254] : memref<4x128xi32, #tpu.memory_space<vmem>> -> memref<1x128xi32, #tpu.memory_space<vmem>>
        %dma_start3A_256 = tpu.memref_squeeze %dma_start3A_255 : memref<1x128xi32, #tpu.memory_space<vmem>> -> memref<128xi32, #tpu.memory_space<vmem>>
        %dma_start3A_257 = arith.constant 0 : i32
        %dma_start3A_258 = tpu.memref_slice %arg4[%arg0, %arg1, %add3A_252, %dma_start3A_257] : memref<2x16x80x128xi32, #tpu.memory_space<hbm>> -> memref<1x1x1x128xi32, #tpu.memory_space<hbm>>
        %dma_start3A_259 = tpu.memref_squeeze %dma_start3A_258 : memref<1x1x1x128xi32, #tpu.memory_space<hbm>> -> memref<128xi32, #tpu.memory_space<hbm>>
        %dma_start3A_260 = arith.constant 0 : i32
        %dma_start3A_261 = tpu.memref_slice %arg7[%dma_start3A_253, %dma_start3A_260] : memref<4x128xi32, #tpu.memory_space<vmem>> -> memref<1x128xi32, #tpu.memory_space<vmem>>
        %dma_start3A_262 = tpu.memref_squeeze %dma_start3A_261 : memref<1x128xi32, #tpu.memory_space<vmem>> -> memref<128xi32, #tpu.memory_space<vmem>>
        %dma_start3A_263 = arith.constant 0 : i32
        %dma_start3A_264 = tpu.memref_slice %arg4[%arg0, %arg1, %add3A_252, %dma_start3A_263] : memref<2x16x80x128xi32, #tpu.memory_space<hbm>> -> memref<1x1x1x128xi32, #tpu.memory_space<hbm>>
        %dma_start3A_265 = tpu.memref_squeeze %dma_start3A_264 : memref<1x1x1x128xi32, #tpu.memory_space<hbm>> -> memref<128xi32, #tpu.memory_space<hbm>>
        tpu.enqueue_dma source(%dma_start3A_265 : memref<128xi32, #tpu.memory_space<hbm>>) target(%dma_start3A_262 : memref<128xi32, #tpu.memory_space<vmem>>) target_semaphore(%arg14 : memref<!tpu.dma_semaphore, #tpu.memory_space<semaphore_mem>>)
      } else {
      }
      %mul3A_175 = arith.constant 4 : i32
      %mul3A_176 = arith.muli %add3A_103, %mul3A_175 : i32
      %add3A_177 = arith.constant 2 : i32
      %add3A_178 = arith.addi %mul3A_176, %add3A_177 : i32
      %dma_wait3A_179 = arith.constant 0 : i32
      %dma_wait3A_180 = tpu.memref_slice %arg6[%add3A_178, %dma_wait3A_179] : memref<80x128xi32, #tpu.memory_space<vmem>> -> memref<1x128xi32, #tpu.memory_space<vmem>>
      %dma_wait3A_181 = tpu.memref_squeeze %dma_wait3A_180 : memref<1x128xi32, #tpu.memory_space<vmem>> -> memref<128xi32, #tpu.memory_space<vmem>>
      %dma_wait3A_182 = arith.constant 0 : i32
      %dma_wait3A_183 = arith.constant 0 : i32
      %dma_wait3A_184 = tpu.memref_slice %arg2[%dma_wait3A_182, %dma_wait3A_183] : memref<10000x128xf32, #tpu.memory_space<hbm>> -> memref<10000x128xf32, #tpu.memory_space<hbm>>
      tpu.wait_indirect_dma semaphore(%arg11 : memref<!tpu.dma_semaphore, #tpu.memory_space<semaphore_mem>>) src(%dma_wait3A_184 : memref<10000x128xf32, #tpu.memory_space<hbm>>) dst(%arg8 : memref<128x128xf32, #tpu.memory_space<vmem>>)
      %dma_wait3A_185 = arith.constant 2 : i32
      %dma_wait3A_186 = arith.constant 0 : i32
      %dma_wait3A_187 = tpu.memref_slice %arg7[%dma_wait3A_185, %dma_wait3A_186] : memref<4x128xi32, #tpu.memory_space<vmem>> -> memref<1x128xi32, #tpu.memory_space<vmem>>
      %dma_wait3A_188 = tpu.memref_squeeze %dma_wait3A_187 : memref<1x128xi32, #tpu.memory_space<vmem>> -> memref<128xi32, #tpu.memory_space<vmem>>
      %dma_wait3A_189 = arith.constant 0 : i32
      %dma_wait3A_190 = tpu.memref_slice %arg4[%arg0, %arg1, %add3A_178, %dma_wait3A_189] : memref<2x16x80x128xi32, #tpu.memory_space<hbm>> -> memref<1x1x1x128xi32, #tpu.memory_space<hbm>>
      %dma_wait3A_191 = tpu.memref_squeeze %dma_wait3A_190 : memref<1x1x1x128xi32, #tpu.memory_space<hbm>> -> memref<128xi32, #tpu.memory_space<hbm>>
      %dma_wait3A_192 = arith.constant 0 : i32
      %dma_wait3A_193 = tpu.memref_slice %arg7[%dma_wait3A_185, %dma_wait3A_192] : memref<4x128xi32, #tpu.memory_space<vmem>> -> memref<1x128xi32, #tpu.memory_space<vmem>>
      %dma_wait3A_194 = tpu.memref_squeeze %dma_wait3A_193 : memref<1x128xi32, #tpu.memory_space<vmem>> -> memref<128xi32, #tpu.memory_space<vmem>>
      %dma_wait3A_195 = arith.constant 0 : i32
      %dma_wait3A_196 = tpu.memref_slice %arg4[%arg0, %arg1, %add3A_178, %dma_wait3A_195] : memref<2x16x80x128xi32, #tpu.memory_space<hbm>> -> memref<1x1x1x128xi32, #tpu.memory_space<hbm>>
      %dma_wait3A_197 = tpu.memref_squeeze %dma_wait3A_196 : memref<1x1x1x128xi32, #tpu.memory_space<hbm>> -> memref<128xi32, #tpu.memory_space<hbm>>
      tpu.wait_dma2 semaphore(%arg15 : memref<!tpu.dma_semaphore, #tpu.memory_space<semaphore_mem>>) src(%dma_wait3A_197 : memref<128xi32, #tpu.memory_space<hbm>>) dst(%dma_wait3A_194 : memref<128xi32, #tpu.memory_space<vmem>>)
      %run_scoped3A_198 = arith.constant 2 : i32
      "tpu.region"() ({
        %run_scoped3A_251 = tpu.sem_alloc : memref<!tpu.dma_semaphore, #tpu.memory_space<semaphore_mem>>
        %dma_start3A_252 = arith.constant 0 : i32
        %dma_start3A_253 = tpu.memref_slice %arg7[%run_scoped3A_198, %dma_start3A_252] : memref<4x128xi32, #tpu.memory_space<vmem>> -> memref<1x128xi32, #tpu.memory_space<vmem>>
        %dma_start3A_254 = tpu.memref_squeeze %dma_start3A_253 : memref<1x128xi32, #tpu.memory_space<vmem>> -> memref<128xi32, #tpu.memory_space<vmem>>
        %dma_start3A_255 = arith.constant 0 : i32
        %dma_start3A_256 = arith.constant 0 : i32
        %dma_start3A_257 = tpu.memref_slice %arg10[%dma_start3A_255, %dma_start3A_256] : memref<10112x128xf32, #tpu.memory_space<vmem_shared>> -> memref<10112x128xf32, #tpu.memory_space<vmem_shared>>
        tpu.enqueue_indirect_dma source(%arg8 : memref<128x128xf32, #tpu.memory_space<vmem>>) target(%dma_start3A_257 : memref<10112x128xf32, #tpu.memory_space<vmem_shared>>) offsets(%dma_start3A_254 : memref<128xi32, #tpu.memory_space<vmem>>) semaphore(%run_scoped3A_251 : memref<!tpu.dma_semaphore, #tpu.memory_space<semaphore_mem>>) {add = true}
        %dma_wait3A_258 = arith.constant 0 : i32
        %dma_wait3A_259 = tpu.memref_slice %arg7[%run_scoped3A_198, %dma_wait3A_258] : memref<4x128xi32, #tpu.memory_space<vmem>> -> memref<1x128xi32, #tpu.memory_space<vmem>>
        %dma_wait3A_260 = tpu.memref_squeeze %dma_wait3A_259 : memref<1x128xi32, #tpu.memory_space<vmem>> -> memref<128xi32, #tpu.memory_space<vmem>>
        %dma_wait3A_261 = arith.constant 0 : i32
        %dma_wait3A_262 = arith.constant 0 : i32
        %dma_wait3A_263 = tpu.memref_slice %arg10[%dma_wait3A_261, %dma_wait3A_262] : memref<10112x128xf32, #tpu.memory_space<vmem_shared>> -> memref<10112x128xf32, #tpu.memory_space<vmem_shared>>
        tpu.wait_indirect_dma semaphore(%run_scoped3A_251 : memref<!tpu.dma_semaphore, #tpu.memory_space<semaphore_mem>>) src(%arg8 : memref<128x128xf32, #tpu.memory_space<vmem>>) dst(%dma_wait3A_263 : memref<10112x128xf32, #tpu.memory_space<vmem_shared>>)
        tpu.yield
      }) : () -> ()
      %add3A_199 = arith.constant 2 : i32
      %add3A_200 = arith.addi %add3A_178, %add3A_199 : i32
      %lt3A_201 = arith.constant 80 : i32
      %lt3A_202 = arith.cmpi slt, %add3A_200, %lt3A_201 : i32
      %convert_element_type3A_203 = arith.extui %lt3A_202 : i1 to i32
      %cond3A_204 = arith.constant 0 : i32
      %cond3A_205 = arith.cmpi ne, %convert_element_type3A_203, %cond3A_204 : i32
      scf.if %cond3A_205 {
        %add3A_251 = arith.constant 2 : i32
        %add3A_252 = arith.addi %add3A_178, %add3A_251 : i32
        %dma_start3A_253 = arith.constant 0 : i32
        %dma_start3A_254 = tpu.memref_slice %arg6[%add3A_252, %dma_start3A_253] : memref<80x128xi32, #tpu.memory_space<vmem>> -> memref<1x128xi32, #tpu.memory_space<vmem>>
        %dma_start3A_255 = tpu.memref_squeeze %dma_start3A_254 : memref<1x128xi32, #tpu.memory_space<vmem>> -> memref<128xi32, #tpu.memory_space<vmem>>
        %dma_start3A_256 = arith.constant 0 : i32
        %dma_start3A_257 = arith.constant 0 : i32
        %dma_start3A_258 = tpu.memref_slice %arg2[%dma_start3A_256, %dma_start3A_257] : memref<10000x128xf32, #tpu.memory_space<hbm>> -> memref<10000x128xf32, #tpu.memory_space<hbm>>
        tpu.enqueue_indirect_dma source(%dma_start3A_258 : memref<10000x128xf32, #tpu.memory_space<hbm>>) target(%arg8 : memref<128x128xf32, #tpu.memory_space<vmem>>) offsets(%dma_start3A_255 : memref<128xi32, #tpu.memory_space<vmem>>) semaphore(%arg11 : memref<!tpu.dma_semaphore, #tpu.memory_space<semaphore_mem>>)
      } else {
      }
      %add3A_206 = arith.constant 4 : i32
      %add3A_207 = arith.addi %add3A_178, %add3A_206 : i32
      %lt3A_208 = arith.constant 80 : i32
      %lt3A_209 = arith.cmpi slt, %add3A_207, %lt3A_208 : i32
      %convert_element_type3A_210 = arith.extui %lt3A_209 : i1 to i32
      %cond3A_211 = arith.constant 0 : i32
      %cond3A_212 = arith.cmpi ne, %convert_element_type3A_210, %cond3A_211 : i32
      scf.if %cond3A_212 {
        %add3A_251 = arith.constant 4 : i32
        %add3A_252 = arith.addi %add3A_178, %add3A_251 : i32
        %dma_start3A_253 = arith.constant 2 : i32
        %dma_start3A_254 = arith.constant 0 : i32
        %dma_start3A_255 = tpu.memref_slice %arg7[%dma_start3A_253, %dma_start3A_254] : memref<4x128xi32, #tpu.memory_space<vmem>> -> memref<1x128xi32, #tpu.memory_space<vmem>>
        %dma_start3A_256 = tpu.memref_squeeze %dma_start3A_255 : memref<1x128xi32, #tpu.memory_space<vmem>> -> memref<128xi32, #tpu.memory_space<vmem>>
        %dma_start3A_257 = arith.constant 0 : i32
        %dma_start3A_258 = tpu.memref_slice %arg4[%arg0, %arg1, %add3A_252, %dma_start3A_257] : memref<2x16x80x128xi32, #tpu.memory_space<hbm>> -> memref<1x1x1x128xi32, #tpu.memory_space<hbm>>
        %dma_start3A_259 = tpu.memref_squeeze %dma_start3A_258 : memref<1x1x1x128xi32, #tpu.memory_space<hbm>> -> memref<128xi32, #tpu.memory_space<hbm>>
        %dma_start3A_260 = arith.constant 0 : i32
        %dma_start3A_261 = tpu.memref_slice %arg7[%dma_start3A_253, %dma_start3A_260] : memref<4x128xi32, #tpu.memory_space<vmem>> -> memref<1x128xi32, #tpu.memory_space<vmem>>
        %dma_start3A_262 = tpu.memref_squeeze %dma_start3A_261 : memref<1x128xi32, #tpu.memory_space<vmem>> -> memref<128xi32, #tpu.memory_space<vmem>>
        %dma_start3A_263 = arith.constant 0 : i32
        %dma_start3A_264 = tpu.memref_slice %arg4[%arg0, %arg1, %add3A_252, %dma_start3A_263] : memref<2x16x80x128xi32, #tpu.memory_space<hbm>> -> memref<1x1x1x128xi32, #tpu.memory_space<hbm>>
        %dma_start3A_265 = tpu.memref_squeeze %dma_start3A_264 : memref<1x1x1x128xi32, #tpu.memory_space<hbm>> -> memref<128xi32, #tpu.memory_space<hbm>>
        tpu.enqueue_dma source(%dma_start3A_265 : memref<128xi32, #tpu.memory_space<hbm>>) target(%dma_start3A_262 : memref<128xi32, #tpu.memory_space<vmem>>) target_semaphore(%arg15 : memref<!tpu.dma_semaphore, #tpu.memory_space<semaphore_mem>>)
      } else {
      }
      %mul3A_213 = arith.constant 4 : i32
      %mul3A_214 = arith.muli %add3A_103, %mul3A_213 : i32
      %add3A_215 = arith.constant 3 : i32
      %add3A_216 = arith.addi %mul3A_214, %add3A_215 : i32
      %dma_wait3A_217 = arith.constant 0 : i32
      %dma_wait3A_218 = tpu.memref_slice %arg6[%add3A_216, %dma_wait3A_217] : memref<80x128xi32, #tpu.memory_space<vmem>> -> memref<1x128xi32, #tpu.memory_space<vmem>>
      %dma_wait3A_219 = tpu.memref_squeeze %dma_wait3A_218 : memref<1x128xi32, #tpu.memory_space<vmem>> -> memref<128xi32, #tpu.memory_space<vmem>>
      %dma_wait3A_220 = arith.constant 0 : i32
      %dma_wait3A_221 = arith.constant 0 : i32
      %dma_wait3A_222 = tpu.memref_slice %arg2[%dma_wait3A_220, %dma_wait3A_221] : memref<10000x128xf32, #tpu.memory_space<hbm>> -> memref<10000x128xf32, #tpu.memory_space<hbm>>
      tpu.wait_indirect_dma semaphore(%arg12 : memref<!tpu.dma_semaphore, #tpu.memory_space<semaphore_mem>>) src(%dma_wait3A_222 : memref<10000x128xf32, #tpu.memory_space<hbm>>) dst(%arg9 : memref<128x128xf32, #tpu.memory_space<vmem>>)
      %dma_wait3A_223 = arith.constant 3 : i32
      %dma_wait3A_224 = arith.constant 0 : i32
      %dma_wait3A_225 = tpu.memref_slice %arg7[%dma_wait3A_223, %dma_wait3A_224] : memref<4x128xi32, #tpu.memory_space<vmem>> -> memref<1x128xi32, #tpu.memory_space<vmem>>
      %dma_wait3A_226 = tpu.memref_squeeze %dma_wait3A_225 : memref<1x128xi32, #tpu.memory_space<vmem>> -> memref<128xi32, #tpu.memory_space<vmem>>
      %dma_wait3A_227 = arith.constant 0 : i32
      %dma_wait3A_228 = tpu.memref_slice %arg4[%arg0, %arg1, %add3A_216, %dma_wait3A_227] : memref<2x16x80x128xi32, #tpu.memory_space<hbm>> -> memref<1x1x1x128xi32, #tpu.memory_space<hbm>>
      %dma_wait3A_229 = tpu.memref_squeeze %dma_wait3A_228 : memref<1x1x1x128xi32, #tpu.memory_space<hbm>> -> memref<128xi32, #tpu.memory_space<hbm>>
      %dma_wait3A_230 = arith.constant 0 : i32
      %dma_wait3A_231 = tpu.memref_slice %arg7[%dma_wait3A_223, %dma_wait3A_230] : memref<4x128xi32, #tpu.memory_space<vmem>> -> memref<1x128xi32, #tpu.memory_space<vmem>>
      %dma_wait3A_232 = tpu.memref_squeeze %dma_wait3A_231 : memref<1x128xi32, #tpu.memory_space<vmem>> -> memref<128xi32, #tpu.memory_space<vmem>>
      %dma_wait3A_233 = arith.constant 0 : i32
      %dma_wait3A_234 = tpu.memref_slice %arg4[%arg0, %arg1, %add3A_216, %dma_wait3A_233] : memref<2x16x80x128xi32, #tpu.memory_space<hbm>> -> memref<1x1x1x128xi32, #tpu.memory_space<hbm>>
      %dma_wait3A_235 = tpu.memref_squeeze %dma_wait3A_234 : memref<1x1x1x128xi32, #tpu.memory_space<hbm>> -> memref<128xi32, #tpu.memory_space<hbm>>
      tpu.wait_dma2 semaphore(%arg16 : memref<!tpu.dma_semaphore, #tpu.memory_space<semaphore_mem>>) src(%dma_wait3A_235 : memref<128xi32, #tpu.memory_space<hbm>>) dst(%dma_wait3A_232 : memref<128xi32, #tpu.memory_space<vmem>>)
      %run_scoped3A_236 = arith.constant 3 : i32
      "tpu.region"() ({
        %run_scoped3A_251 = tpu.sem_alloc : memref<!tpu.dma_semaphore, #tpu.memory_space<semaphore_mem>>
        %dma_start3A_252 = arith.constant 0 : i32
        %dma_start3A_253 = tpu.memref_slice %arg7[%run_scoped3A_236, %dma_start3A_252] : memref<4x128xi32, #tpu.memory_space<vmem>> -> memref<1x128xi32, #tpu.memory_space<vmem>>
        %dma_start3A_254 = tpu.memref_squeeze %dma_start3A_253 : memref<1x128xi32, #tpu.memory_space<vmem>> -> memref<128xi32, #tpu.memory_space<vmem>>
        %dma_start3A_255 = arith.constant 0 : i32
        %dma_start3A_256 = arith.constant 0 : i32
        %dma_start3A_257 = tpu.memref_slice %arg10[%dma_start3A_255, %dma_start3A_256] : memref<10112x128xf32, #tpu.memory_space<vmem_shared>> -> memref<10112x128xf32, #tpu.memory_space<vmem_shared>>
        tpu.enqueue_indirect_dma source(%arg9 : memref<128x128xf32, #tpu.memory_space<vmem>>) target(%dma_start3A_257 : memref<10112x128xf32, #tpu.memory_space<vmem_shared>>) offsets(%dma_start3A_254 : memref<128xi32, #tpu.memory_space<vmem>>) semaphore(%run_scoped3A_251 : memref<!tpu.dma_semaphore, #tpu.memory_space<semaphore_mem>>) {add = true}
        %dma_wait3A_258 = arith.constant 0 : i32
        %dma_wait3A_259 = tpu.memref_slice %arg7[%run_scoped3A_236, %dma_wait3A_258] : memref<4x128xi32, #tpu.memory_space<vmem>> -> memref<1x128xi32, #tpu.memory_space<vmem>>
        %dma_wait3A_260 = tpu.memref_squeeze %dma_wait3A_259 : memref<1x128xi32, #tpu.memory_space<vmem>> -> memref<128xi32, #tpu.memory_space<vmem>>
        %dma_wait3A_261 = arith.constant 0 : i32
        %dma_wait3A_262 = arith.constant 0 : i32
        %dma_wait3A_263 = tpu.memref_slice %arg10[%dma_wait3A_261, %dma_wait3A_262] : memref<10112x128xf32, #tpu.memory_space<vmem_shared>> -> memref<10112x128xf32, #tpu.memory_space<vmem_shared>>
        tpu.wait_indirect_dma semaphore(%run_scoped3A_251 : memref<!tpu.dma_semaphore, #tpu.memory_space<semaphore_mem>>) src(%arg9 : memref<128x128xf32, #tpu.memory_space<vmem>>) dst(%dma_wait3A_263 : memref<10112x128xf32, #tpu.memory_space<vmem_shared>>)
        tpu.yield
      }) : () -> ()
      %add3A_237 = arith.constant 2 : i32
      %add3A_238 = arith.addi %add3A_216, %add3A_237 : i32
      %lt3A_239 = arith.constant 80 : i32
      %lt3A_240 = arith.cmpi slt, %add3A_238, %lt3A_239 : i32
      %convert_element_type3A_241 = arith.extui %lt3A_240 : i1 to i32
      %cond3A_242 = arith.constant 0 : i32
      %cond3A_243 = arith.cmpi ne, %convert_element_type3A_241, %cond3A_242 : i32
      scf.if %cond3A_243 {
        %add3A_251 = arith.constant 2 : i32
        %add3A_252 = arith.addi %add3A_216, %add3A_251 : i32
        %dma_start3A_253 = arith.constant 0 : i32
        %dma_start3A_254 = tpu.memref_slice %arg6[%add3A_252, %dma_start3A_253] : memref<80x128xi32, #tpu.memory_space<vmem>> -> memref<1x128xi32, #tpu.memory_space<vmem>>
        %dma_start3A_255 = tpu.memref_squeeze %dma_start3A_254 : memref<1x128xi32, #tpu.memory_space<vmem>> -> memref<128xi32, #tpu.memory_space<vmem>>
        %dma_start3A_256 = arith.constant 0 : i32
        %dma_start3A_257 = arith.constant 0 : i32
        %dma_start3A_258 = tpu.memref_slice %arg2[%dma_start3A_256, %dma_start3A_257] : memref<10000x128xf32, #tpu.memory_space<hbm>> -> memref<10000x128xf32, #tpu.memory_space<hbm>>
        tpu.enqueue_indirect_dma source(%dma_start3A_258 : memref<10000x128xf32, #tpu.memory_space<hbm>>) target(%arg9 : memref<128x128xf32, #tpu.memory_space<vmem>>) offsets(%dma_start3A_255 : memref<128xi32, #tpu.memory_space<vmem>>) semaphore(%arg12 : memref<!tpu.dma_semaphore, #tpu.memory_space<semaphore_mem>>)
      } else {
      }
      %add3A_244 = arith.constant 4 : i32
      %add3A_245 = arith.addi %add3A_216, %add3A_244 : i32
      %lt3A_246 = arith.constant 80 : i32
      %lt3A_247 = arith.cmpi slt, %add3A_245, %lt3A_246 : i32
      %convert_element_type3A_248 = arith.extui %lt3A_247 : i1 to i32
      %cond3A_249 = arith.constant 0 : i32
      %cond3A_250 = arith.cmpi ne, %convert_element_type3A_248, %cond3A_249 : i32
      scf.if %cond3A_250 {
        %add3A_251 = arith.constant 4 : i32
        %add3A_252 = arith.addi %add3A_216, %add3A_251 : i32
        %dma_start3A_253 = arith.constant 3 : i32
        %dma_start3A_254 = arith.constant 0 : i32
        %dma_start3A_255 = tpu.memref_slice %arg7[%dma_start3A_253, %dma_start3A_254] : memref<4x128xi32, #tpu.memory_space<vmem>> -> memref<1x128xi32, #tpu.memory_space<vmem>>
        %dma_start3A_256 = tpu.memref_squeeze %dma_start3A_255 : memref<1x128xi32, #tpu.memory_space<vmem>> -> memref<128xi32, #tpu.memory_space<vmem>>
        %dma_start3A_257 = arith.constant 0 : i32
        %dma_start3A_258 = tpu.memref_slice %arg4[%arg0, %arg1, %add3A_252, %dma_start3A_257] : memref<2x16x80x128xi32, #tpu.memory_space<hbm>> -> memref<1x1x1x128xi32, #tpu.memory_space<hbm>>
        %dma_start3A_259 = tpu.memref_squeeze %dma_start3A_258 : memref<1x1x1x128xi32, #tpu.memory_space<hbm>> -> memref<128xi32, #tpu.memory_space<hbm>>
        %dma_start3A_260 = arith.constant 0 : i32
        %dma_start3A_261 = tpu.memref_slice %arg7[%dma_start3A_253, %dma_start3A_260] : memref<4x128xi32, #tpu.memory_space<vmem>> -> memref<1x128xi32, #tpu.memory_space<vmem>>
        %dma_start3A_262 = tpu.memref_squeeze %dma_start3A_261 : memref<1x128xi32, #tpu.memory_space<vmem>> -> memref<128xi32, #tpu.memory_space<vmem>>
        %dma_start3A_263 = arith.constant 0 : i32
        %dma_start3A_264 = tpu.memref_slice %arg4[%arg0, %arg1, %add3A_252, %dma_start3A_263] : memref<2x16x80x128xi32, #tpu.memory_space<hbm>> -> memref<1x1x1x128xi32, #tpu.memory_space<hbm>>
        %dma_start3A_265 = tpu.memref_squeeze %dma_start3A_264 : memref<1x1x1x128xi32, #tpu.memory_space<hbm>> -> memref<128xi32, #tpu.memory_space<hbm>>
        tpu.enqueue_dma source(%dma_start3A_265 : memref<128xi32, #tpu.memory_space<hbm>>) target(%dma_start3A_262 : memref<128xi32, #tpu.memory_space<vmem>>) target_semaphore(%arg16 : memref<!tpu.dma_semaphore, #tpu.memory_space<semaphore_mem>>)
      } else {
      }
    }
    %scan3A_87 = arith.constant 20 : i32
    %barrier3A_88 = arith.constant 0 : index
    tpu.barrier barrier_id(%barrier3A_88)
    %add3A_89 = arith.constant 0 : i32
    %add3A_90 = arith.addi %mul3A_4, %add3A_89 : i32
    "tpu.region"() ({
      %run_scoped3A = tpu.sem_alloc : memref<!tpu.dma_semaphore, #tpu.memory_space<semaphore_mem>>
      %dma_start3A_99 = arith.constant 0 : i32
      %dma_start3A_100 = arith.constant 0 : i32
      %dma_start3A_101 = tpu.memref_slice %arg8[%dma_start3A_99, %dma_start3A_100] : memref<128x128xf32, #tpu.memory_space<vmem>> -> memref<128x128xf32, #tpu.memory_space<vmem>>
      %dma_start3A_102 = arith.constant 0 : i32
      %dma_start3A_103 = tpu.memref_slice %arg10[%add3A_90, %dma_start3A_102] : memref<10112x128xf32, #tpu.memory_space<vmem_shared>> -> memref<128x128xf32, #tpu.memory_space<vmem_shared>>
      %dma_start3A_104 = arith.constant 0 : i32
      %dma_start3A_105 = arith.constant 0 : i32
      %dma_start3A_106 = tpu.memref_slice %arg8[%dma_start3A_104, %dma_start3A_105] : memref<128x128xf32, #tpu.memory_space<vmem>> -> memref<128x128xf32, #tpu.memory_space<vmem>>
      %dma_start3A_107 = arith.constant 0 : i32
      %dma_start3A_108 = tpu.memref_slice %arg10[%add3A_90, %dma_start3A_107] : memref<10112x128xf32, #tpu.memory_space<vmem_shared>> -> memref<128x128xf32, #tpu.memory_space<vmem_shared>>
      tpu.enqueue_dma source(%dma_start3A_108 : memref<128x128xf32, #tpu.memory_space<vmem_shared>>) target(%dma_start3A_106 : memref<128x128xf32, #tpu.memory_space<vmem>>) target_semaphore(%run_scoped3A : memref<!tpu.dma_semaphore, #tpu.memory_space<semaphore_mem>>)
      %dma_wait3A = arith.constant 0 : i32
      %dma_wait3A_109 = arith.constant 0 : i32
      %dma_wait3A_110 = tpu.memref_slice %arg8[%dma_wait3A, %dma_wait3A_109] : memref<128x128xf32, #tpu.memory_space<vmem>> -> memref<128x128xf32, #tpu.memory_space<vmem>>
      %dma_wait3A_111 = arith.constant 0 : i32
      %dma_wait3A_112 = tpu.memref_slice %arg10[%add3A_90, %dma_wait3A_111] : memref<10112x128xf32, #tpu.memory_space<vmem_shared>> -> memref<128x128xf32, #tpu.memory_space<vmem_shared>>
      %dma_wait3A_113 = arith.constant 0 : i32
      %dma_wait3A_114 = arith.constant 0 : i32
      %dma_wait3A_115 = tpu.memref_slice %arg8[%dma_wait3A_113, %dma_wait3A_114] : memref<128x128xf32, #tpu.memory_space<vmem>> -> memref<128x128xf32, #tpu.memory_space<vmem>>
      %dma_wait3A_116 = arith.constant 0 : i32
      %dma_wait3A_117 = tpu.memref_slice %arg10[%add3A_90, %dma_wait3A_116] : memref<10112x128xf32, #tpu.memory_space<vmem_shared>> -> memref<128x128xf32, #tpu.memory_space<vmem_shared>>
      tpu.wait_dma2 semaphore(%run_scoped3A : memref<!tpu.dma_semaphore, #tpu.memory_space<semaphore_mem>>) src(%dma_wait3A_117 : memref<128x128xf32, #tpu.memory_space<vmem_shared>>) dst(%dma_wait3A_115 : memref<128x128xf32, #tpu.memory_space<vmem>>)
      tpu.yield
    }) : () -> ()
    "tpu.region"() ({
      %run_scoped3A = tpu.sem_alloc : memref<!tpu.dma_semaphore, #tpu.memory_space<semaphore_mem>>
      %dma_start3A_99 = arith.constant 0 : i32
      %dma_start3A_100 = arith.constant 0 : i32
      %dma_start3A_101 = tpu.memref_slice %arg8[%dma_start3A_99, %dma_start3A_100] : memref<128x128xf32, #tpu.memory_space<vmem>> -> memref<128x128xf32, #tpu.memory_space<vmem>>
      %dma_start3A_102 = arith.constant 0 : i32
      %dma_start3A_103 = arith.constant 0 : i32
      %dma_start3A_104 = tpu.memref_slice %arg5[%arg0, %dma_start3A_102, %dma_start3A_103] : memref<2x10112x128xf32, #tpu.memory_space<hbm>> -> memref<1x10112x128xf32, #tpu.memory_space<hbm>>
      %dma_start3A_105 = tpu.memref_squeeze %dma_start3A_104 : memref<1x10112x128xf32, #tpu.memory_space<hbm>> -> memref<10112x128xf32, #tpu.memory_space<hbm>>
      %dma_start3A_106 = arith.constant 0 : i32
      %dma_start3A_107 = tpu.memref_slice %dma_start3A_105[%add3A_90, %dma_start3A_106] : memref<10112x128xf32, #tpu.memory_space<hbm>> -> memref<128x128xf32, #tpu.memory_space<hbm>>
      %dma_start3A_108 = arith.constant 0 : i32
      %dma_start3A_109 = arith.constant 0 : i32
      %dma_start3A_110 = tpu.memref_slice %arg5[%arg0, %dma_start3A_108, %dma_start3A_109] : memref<2x10112x128xf32, #tpu.memory_space<hbm>> -> memref<1x10112x128xf32, #tpu.memory_space<hbm>>
      %dma_start3A_111 = tpu.memref_squeeze %dma_start3A_110 : memref<1x10112x128xf32, #tpu.memory_space<hbm>> -> memref<10112x128xf32, #tpu.memory_space<hbm>>
      %dma_start3A_112 = arith.constant 0 : i32
      %dma_start3A_113 = tpu.memref_slice %dma_start3A_111[%add3A_90, %dma_start3A_112] : memref<10112x128xf32, #tpu.memory_space<hbm>> -> memref<128x128xf32, #tpu.memory_space<hbm>>
      %dma_start3A_114 = arith.constant 0 : i32
      %dma_start3A_115 = arith.constant 0 : i32
      %dma_start3A_116 = tpu.memref_slice %arg8[%dma_start3A_114, %dma_start3A_115] : memref<128x128xf32, #tpu.memory_space<vmem>> -> memref<128x128xf32, #tpu.memory_space<vmem>>
      tpu.enqueue_dma source(%dma_start3A_116 : memref<128x128xf32, #tpu.memory_space<vmem>>) target(%dma_start3A_113 : memref<128x128xf32, #tpu.memory_space<hbm>>) target_semaphore(%run_scoped3A : memref<!tpu.dma_semaphore, #tpu.memory_space<semaphore_mem>>)
      %dma_wait3A = arith.constant 0 : i32
      %dma_wait3A_117 = arith.constant 0 : i32
      %dma_wait3A_118 = tpu.memref_slice %arg8[%dma_wait3A, %dma_wait3A_117] : memref<128x128xf32, #tpu.memory_space<vmem>> -> memref<128x128xf32, #tpu.memory_space<vmem>>
      %dma_wait3A_119 = arith.constant 0 : i32
      %dma_wait3A_120 = arith.constant 0 : i32
      %dma_wait3A_121 = tpu.memref_slice %arg5[%arg0, %dma_wait3A_119, %dma_wait3A_120] : memref<2x10112x128xf32, #tpu.memory_space<hbm>> -> memref<1x10112x128xf32, #tpu.memory_space<hbm>>
      %dma_wait3A_122 = tpu.memref_squeeze %dma_wait3A_121 : memref<1x10112x128xf32, #tpu.memory_space<hbm>> -> memref<10112x128xf32, #tpu.memory_space<hbm>>
      %dma_wait3A_123 = arith.constant 0 : i32
      %dma_wait3A_124 = tpu.memref_slice %dma_wait3A_122[%add3A_90, %dma_wait3A_123] : memref<10112x128xf32, #tpu.memory_space<hbm>> -> memref<128x128xf32, #tpu.memory_space<hbm>>
      %dma_wait3A_125 = arith.constant 0 : i32
      %dma_wait3A_126 = arith.constant 0 : i32
      %dma_wait3A_127 = tpu.memref_slice %arg5[%arg0, %dma_wait3A_125, %dma_wait3A_126] : memref<2x10112x128xf32, #tpu.memory_space<hbm>> -> memref<1x10112x128xf32, #tpu.memory_space<hbm>>
      %dma_wait3A_128 = tpu.memref_squeeze %dma_wait3A_127 : memref<1x10112x128xf32, #tpu.memory_space<hbm>> -> memref<10112x128xf32, #tpu.memory_space<hbm>>
      %dma_wait3A_129 = arith.constant 0 : i32
      %dma_wait3A_130 = tpu.memref_slice %dma_wait3A_128[%add3A_90, %dma_wait3A_129] : memref<10112x128xf32, #tpu.memory_space<hbm>> -> memref<128x128xf32, #tpu.memory_space<hbm>>
      %dma_wait3A_131 = arith.constant 0 : i32
      %dma_wait3A_132 = arith.constant 0 : i32
      %dma_wait3A_133 = tpu.memref_slice %arg8[%dma_wait3A_131, %dma_wait3A_132] : memref<128x128xf32, #tpu.memory_space<vmem>> -> memref<128x128xf32, #tpu.memory_space<vmem>>
      tpu.wait_dma2 semaphore(%run_scoped3A : memref<!tpu.dma_semaphore, #tpu.memory_space<semaphore_mem>>) src(%dma_wait3A_133 : memref<128x128xf32, #tpu.memory_space<vmem>>) dst(%dma_wait3A_130 : memref<128x128xf32, #tpu.memory_space<hbm>>)
      tpu.yield
    }) : () -> ()
    %add3A_91 = arith.constant 128 : i32
    %add3A_92 = arith.addi %mul3A_4, %add3A_91 : i32
    "tpu.region"() ({
      %run_scoped3A = tpu.sem_alloc : memref<!tpu.dma_semaphore, #tpu.memory_space<semaphore_mem>>
      %dma_start3A_99 = arith.constant 0 : i32
      %dma_start3A_100 = arith.constant 0 : i32
      %dma_start3A_101 = tpu.memref_slice %arg8[%dma_start3A_99, %dma_start3A_100] : memref<128x128xf32, #tpu.memory_space<vmem>> -> memref<128x128xf32, #tpu.memory_space<vmem>>
      %dma_start3A_102 = arith.constant 0 : i32
      %dma_start3A_103 = tpu.memref_slice %arg10[%add3A_92, %dma_start3A_102] : memref<10112x128xf32, #tpu.memory_space<vmem_shared>> -> memref<128x128xf32, #tpu.memory_space<vmem_shared>>
      %dma_start3A_104 = arith.constant 0 : i32
      %dma_start3A_105 = arith.constant 0 : i32
      %dma_start3A_106 = tpu.memref_slice %arg8[%dma_start3A_104, %dma_start3A_105] : memref<128x128xf32, #tpu.memory_space<vmem>> -> memref<128x128xf32, #tpu.memory_space<vmem>>
      %dma_start3A_107 = arith.constant 0 : i32
      %dma_start3A_108 = tpu.memref_slice %arg10[%add3A_92, %dma_start3A_107] : memref<10112x128xf32, #tpu.memory_space<vmem_shared>> -> memref<128x128xf32, #tpu.memory_space<vmem_shared>>
      tpu.enqueue_dma source(%dma_start3A_108 : memref<128x128xf32, #tpu.memory_space<vmem_shared>>) target(%dma_start3A_106 : memref<128x128xf32, #tpu.memory_space<vmem>>) target_semaphore(%run_scoped3A : memref<!tpu.dma_semaphore, #tpu.memory_space<semaphore_mem>>)
      %dma_wait3A = arith.constant 0 : i32
      %dma_wait3A_109 = arith.constant 0 : i32
      %dma_wait3A_110 = tpu.memref_slice %arg8[%dma_wait3A, %dma_wait3A_109] : memref<128x128xf32, #tpu.memory_space<vmem>> -> memref<128x128xf32, #tpu.memory_space<vmem>>
      %dma_wait3A_111 = arith.constant 0 : i32
      %dma_wait3A_112 = tpu.memref_slice %arg10[%add3A_92, %dma_wait3A_111] : memref<10112x128xf32, #tpu.memory_space<vmem_shared>> -> memref<128x128xf32, #tpu.memory_space<vmem_shared>>
      %dma_wait3A_113 = arith.constant 0 : i32
      %dma_wait3A_114 = arith.constant 0 : i32
      %dma_wait3A_115 = tpu.memref_slice %arg8[%dma_wait3A_113, %dma_wait3A_114] : memref<128x128xf32, #tpu.memory_space<vmem>> -> memref<128x128xf32, #tpu.memory_space<vmem>>
      %dma_wait3A_116 = arith.constant 0 : i32
      %dma_wait3A_117 = tpu.memref_slice %arg10[%add3A_92, %dma_wait3A_116] : memref<10112x128xf32, #tpu.memory_space<vmem_shared>> -> memref<128x128xf32, #tpu.memory_space<vmem_shared>>
      tpu.wait_dma2 semaphore(%run_scoped3A : memref<!tpu.dma_semaphore, #tpu.memory_space<semaphore_mem>>) src(%dma_wait3A_117 : memref<128x128xf32, #tpu.memory_space<vmem_shared>>) dst(%dma_wait3A_115 : memref<128x128xf32, #tpu.memory_space<vmem>>)
      tpu.yield
    }) : () -> ()
    "tpu.region"() ({
      %run_scoped3A = tpu.sem_alloc : memref<!tpu.dma_semaphore, #tpu.memory_space<semaphore_mem>>
      %dma_start3A_99 = arith.constant 0 : i32
      %dma_start3A_100 = arith.constant 0 : i32
      %dma_start3A_101 = tpu.memref_slice %arg8[%dma_start3A_99, %dma_start3A_100] : memref<128x128xf32, #tpu.memory_space<vmem>> -> memref<128x128xf32, #tpu.memory_space<vmem>>
      %dma_start3A_102 = arith.constant 0 : i32
      %dma_start3A_103 = arith.constant 0 : i32
      %dma_start3A_104 = tpu.memref_slice %arg5[%arg0, %dma_start3A_102, %dma_start3A_103] : memref<2x10112x128xf32, #tpu.memory_space<hbm>> -> memref<1x10112x128xf32, #tpu.memory_space<hbm>>
      %dma_start3A_105 = tpu.memref_squeeze %dma_start3A_104 : memref<1x10112x128xf32, #tpu.memory_space<hbm>> -> memref<10112x128xf32, #tpu.memory_space<hbm>>
      %dma_start3A_106 = arith.constant 0 : i32
      %dma_start3A_107 = tpu.memref_slice %dma_start3A_105[%add3A_92, %dma_start3A_106] : memref<10112x128xf32, #tpu.memory_space<hbm>> -> memref<128x128xf32, #tpu.memory_space<hbm>>
      %dma_start3A_108 = arith.constant 0 : i32
      %dma_start3A_109 = arith.constant 0 : i32
      %dma_start3A_110 = tpu.memref_slice %arg5[%arg0, %dma_start3A_108, %dma_start3A_109] : memref<2x10112x128xf32, #tpu.memory_space<hbm>> -> memref<1x10112x128xf32, #tpu.memory_space<hbm>>
      %dma_start3A_111 = tpu.memref_squeeze %dma_start3A_110 : memref<1x10112x128xf32, #tpu.memory_space<hbm>> -> memref<10112x128xf32, #tpu.memory_space<hbm>>
      %dma_start3A_112 = arith.constant 0 : i32
      %dma_start3A_113 = tpu.memref_slice %dma_start3A_111[%add3A_92, %dma_start3A_112] : memref<10112x128xf32, #tpu.memory_space<hbm>> -> memref<128x128xf32, #tpu.memory_space<hbm>>
      %dma_start3A_114 = arith.constant 0 : i32
      %dma_start3A_115 = arith.constant 0 : i32
      %dma_start3A_116 = tpu.memref_slice %arg8[%dma_start3A_114, %dma_start3A_115] : memref<128x128xf32, #tpu.memory_space<vmem>> -> memref<128x128xf32, #tpu.memory_space<vmem>>
      tpu.enqueue_dma source(%dma_start3A_116 : memref<128x128xf32, #tpu.memory_space<vmem>>) target(%dma_start3A_113 : memref<128x128xf32, #tpu.memory_space<hbm>>) target_semaphore(%run_scoped3A : memref<!tpu.dma_semaphore, #tpu.memory_space<semaphore_mem>>)
      %dma_wait3A = arith.constant 0 : i32
      %dma_wait3A_117 = arith.constant 0 : i32
      %dma_wait3A_118 = tpu.memref_slice %arg8[%dma_wait3A, %dma_wait3A_117] : memref<128x128xf32, #tpu.memory_space<vmem>> -> memref<128x128xf32, #tpu.memory_space<vmem>>
      %dma_wait3A_119 = arith.constant 0 : i32
      %dma_wait3A_120 = arith.constant 0 : i32
      %dma_wait3A_121 = tpu.memref_slice %arg5[%arg0, %dma_wait3A_119, %dma_wait3A_120] : memref<2x10112x128xf32, #tpu.memory_space<hbm>> -> memref<1x10112x128xf32, #tpu.memory_space<hbm>>
      %dma_wait3A_122 = tpu.memref_squeeze %dma_wait3A_121 : memref<1x10112x128xf32, #tpu.memory_space<hbm>> -> memref<10112x128xf32, #tpu.memory_space<hbm>>
      %dma_wait3A_123 = arith.constant 0 : i32
      %dma_wait3A_124 = tpu.memref_slice %dma_wait3A_122[%add3A_92, %dma_wait3A_123] : memref<10112x128xf32, #tpu.memory_space<hbm>> -> memref<128x128xf32, #tpu.memory_space<hbm>>
      %dma_wait3A_125 = arith.constant 0 : i32
      %dma_wait3A_126 = arith.constant 0 : i32
      %dma_wait3A_127 = tpu.memref_slice %arg5[%arg0, %dma_wait3A_125, %dma_wait3A_126] : memref<2x10112x128xf32, #tpu.memory_space<hbm>> -> memref<1x10112x128xf32, #tpu.memory_space<hbm>>
      %dma_wait3A_128 = tpu.memref_squeeze %dma_wait3A_127 : memref<1x10112x128xf32, #tpu.memory_space<hbm>> -> memref<10112x128xf32, #tpu.memory_space<hbm>>
      %dma_wait3A_129 = arith.constant 0 : i32
      %dma_wait3A_130 = tpu.memref_slice %dma_wait3A_128[%add3A_92, %dma_wait3A_129] : memref<10112x128xf32, #tpu.memory_space<hbm>> -> memref<128x128xf32, #tpu.memory_space<hbm>>
      %dma_wait3A_131 = arith.constant 0 : i32
      %dma_wait3A_132 = arith.constant 0 : i32
      %dma_wait3A_133 = tpu.memref_slice %arg8[%dma_wait3A_131, %dma_wait3A_132] : memref<128x128xf32, #tpu.memory_space<vmem>> -> memref<128x128xf32, #tpu.memory_space<vmem>>
      tpu.wait_dma2 semaphore(%run_scoped3A : memref<!tpu.dma_semaphore, #tpu.memory_space<semaphore_mem>>) src(%dma_wait3A_133 : memref<128x128xf32, #tpu.memory_space<vmem>>) dst(%dma_wait3A_130 : memref<128x128xf32, #tpu.memory_space<hbm>>)
      tpu.yield
    }) : () -> ()
    %add3A_93 = arith.constant 256 : i32
    %add3A_94 = arith.addi %mul3A_4, %add3A_93 : i32
    "tpu.region"() ({
      %run_scoped3A = tpu.sem_alloc : memref<!tpu.dma_semaphore, #tpu.memory_space<semaphore_mem>>
      %dma_start3A_99 = arith.constant 0 : i32
      %dma_start3A_100 = arith.constant 0 : i32
      %dma_start3A_101 = tpu.memref_slice %arg8[%dma_start3A_99, %dma_start3A_100] : memref<128x128xf32, #tpu.memory_space<vmem>> -> memref<128x128xf32, #tpu.memory_space<vmem>>
      %dma_start3A_102 = arith.constant 0 : i32
      %dma_start3A_103 = tpu.memref_slice %arg10[%add3A_94, %dma_start3A_102] : memref<10112x128xf32, #tpu.memory_space<vmem_shared>> -> memref<128x128xf32, #tpu.memory_space<vmem_shared>>
      %dma_start3A_104 = arith.constant 0 : i32
      %dma_start3A_105 = arith.constant 0 : i32
      %dma_start3A_106 = tpu.memref_slice %arg8[%dma_start3A_104, %dma_start3A_105] : memref<128x128xf32, #tpu.memory_space<vmem>> -> memref<128x128xf32, #tpu.memory_space<vmem>>
      %dma_start3A_107 = arith.constant 0 : i32
      %dma_start3A_108 = tpu.memref_slice %arg10[%add3A_94, %dma_start3A_107] : memref<10112x128xf32, #tpu.memory_space<vmem_shared>> -> memref<128x128xf32, #tpu.memory_space<vmem_shared>>
      tpu.enqueue_dma source(%dma_start3A_108 : memref<128x128xf32, #tpu.memory_space<vmem_shared>>) target(%dma_start3A_106 : memref<128x128xf32, #tpu.memory_space<vmem>>) target_semaphore(%run_scoped3A : memref<!tpu.dma_semaphore, #tpu.memory_space<semaphore_mem>>)
      %dma_wait3A = arith.constant 0 : i32
      %dma_wait3A_109 = arith.constant 0 : i32
      %dma_wait3A_110 = tpu.memref_slice %arg8[%dma_wait3A, %dma_wait3A_109] : memref<128x128xf32, #tpu.memory_space<vmem>> -> memref<128x128xf32, #tpu.memory_space<vmem>>
      %dma_wait3A_111 = arith.constant 0 : i32
      %dma_wait3A_112 = tpu.memref_slice %arg10[%add3A_94, %dma_wait3A_111] : memref<10112x128xf32, #tpu.memory_space<vmem_shared>> -> memref<128x128xf32, #tpu.memory_space<vmem_shared>>
      %dma_wait3A_113 = arith.constant 0 : i32
      %dma_wait3A_114 = arith.constant 0 : i32
      %dma_wait3A_115 = tpu.memref_slice %arg8[%dma_wait3A_113, %dma_wait3A_114] : memref<128x128xf32, #tpu.memory_space<vmem>> -> memref<128x128xf32, #tpu.memory_space<vmem>>
      %dma_wait3A_116 = arith.constant 0 : i32
      %dma_wait3A_117 = tpu.memref_slice %arg10[%add3A_94, %dma_wait3A_116] : memref<10112x128xf32, #tpu.memory_space<vmem_shared>> -> memref<128x128xf32, #tpu.memory_space<vmem_shared>>
      tpu.wait_dma2 semaphore(%run_scoped3A : memref<!tpu.dma_semaphore, #tpu.memory_space<semaphore_mem>>) src(%dma_wait3A_117 : memref<128x128xf32, #tpu.memory_space<vmem_shared>>) dst(%dma_wait3A_115 : memref<128x128xf32, #tpu.memory_space<vmem>>)
      tpu.yield
    }) : () -> ()
    "tpu.region"() ({
      %run_scoped3A = tpu.sem_alloc : memref<!tpu.dma_semaphore, #tpu.memory_space<semaphore_mem>>
      %dma_start3A_99 = arith.constant 0 : i32
      %dma_start3A_100 = arith.constant 0 : i32
      %dma_start3A_101 = tpu.memref_slice %arg8[%dma_start3A_99, %dma_start3A_100] : memref<128x128xf32, #tpu.memory_space<vmem>> -> memref<128x128xf32, #tpu.memory_space<vmem>>
      %dma_start3A_102 = arith.constant 0 : i32
      %dma_start3A_103 = arith.constant 0 : i32
      %dma_start3A_104 = tpu.memref_slice %arg5[%arg0, %dma_start3A_102, %dma_start3A_103] : memref<2x10112x128xf32, #tpu.memory_space<hbm>> -> memref<1x10112x128xf32, #tpu.memory_space<hbm>>
      %dma_start3A_105 = tpu.memref_squeeze %dma_start3A_104 : memref<1x10112x128xf32, #tpu.memory_space<hbm>> -> memref<10112x128xf32, #tpu.memory_space<hbm>>
      %dma_start3A_106 = arith.constant 0 : i32
      %dma_start3A_107 = tpu.memref_slice %dma_start3A_105[%add3A_94, %dma_start3A_106] : memref<10112x128xf32, #tpu.memory_space<hbm>> -> memref<128x128xf32, #tpu.memory_space<hbm>>
      %dma_start3A_108 = arith.constant 0 : i32
      %dma_start3A_109 = arith.constant 0 : i32
      %dma_start3A_110 = tpu.memref_slice %arg5[%arg0, %dma_start3A_108, %dma_start3A_109] : memref<2x10112x128xf32, #tpu.memory_space<hbm>> -> memref<1x10112x128xf32, #tpu.memory_space<hbm>>
      %dma_start3A_111 = tpu.memref_squeeze %dma_start3A_110 : memref<1x10112x128xf32, #tpu.memory_space<hbm>> -> memref<10112x128xf32, #tpu.memory_space<hbm>>
      %dma_start3A_112 = arith.constant 0 : i32
      %dma_start3A_113 = tpu.memref_slice %dma_start3A_111[%add3A_94, %dma_start3A_112] : memref<10112x128xf32, #tpu.memory_space<hbm>> -> memref<128x128xf32, #tpu.memory_space<hbm>>
      %dma_start3A_114 = arith.constant 0 : i32
      %dma_start3A_115 = arith.constant 0 : i32
      %dma_start3A_116 = tpu.memref_slice %arg8[%dma_start3A_114, %dma_start3A_115] : memref<128x128xf32, #tpu.memory_space<vmem>> -> memref<128x128xf32, #tpu.memory_space<vmem>>
      tpu.enqueue_dma source(%dma_start3A_116 : memref<128x128xf32, #tpu.memory_space<vmem>>) target(%dma_start3A_113 : memref<128x128xf32, #tpu.memory_space<hbm>>) target_semaphore(%run_scoped3A : memref<!tpu.dma_semaphore, #tpu.memory_space<semaphore_mem>>)
      %dma_wait3A = arith.constant 0 : i32
      %dma_wait3A_117 = arith.constant 0 : i32
      %dma_wait3A_118 = tpu.memref_slice %arg8[%dma_wait3A, %dma_wait3A_117] : memref<128x128xf32, #tpu.memory_space<vmem>> -> memref<128x128xf32, #tpu.memory_space<vmem>>
      %dma_wait3A_119 = arith.constant 0 : i32
      %dma_wait3A_120 = arith.constant 0 : i32
      %dma_wait3A_121 = tpu.memref_slice %arg5[%arg0, %dma_wait3A_119, %dma_wait3A_120] : memref<2x10112x128xf32, #tpu.memory_space<hbm>> -> memref<1x10112x128xf32, #tpu.memory_space<hbm>>
      %dma_wait3A_122 = tpu.memref_squeeze %dma_wait3A_121 : memref<1x10112x128xf32, #tpu.memory_space<hbm>> -> memref<10112x128xf32, #tpu.memory_space<hbm>>
      %dma_wait3A_123 = arith.constant 0 : i32
      %dma_wait3A_124 = tpu.memref_slice %dma_wait3A_122[%add3A_94, %dma_wait3A_123] : memref<10112x128xf32, #tpu.memory_space<hbm>> -> memref<128x128xf32, #tpu.memory_space<hbm>>
      %dma_wait3A_125 = arith.constant 0 : i32
      %dma_wait3A_126 = arith.constant 0 : i32
      %dma_wait3A_127 = tpu.memref_slice %arg5[%arg0, %dma_wait3A_125, %dma_wait3A_126] : memref<2x10112x128xf32, #tpu.memory_space<hbm>> -> memref<1x10112x128xf32, #tpu.memory_space<hbm>>
      %dma_wait3A_128 = tpu.memref_squeeze %dma_wait3A_127 : memref<1x10112x128xf32, #tpu.memory_space<hbm>> -> memref<10112x128xf32, #tpu.memory_space<hbm>>
      %dma_wait3A_129 = arith.constant 0 : i32
      %dma_wait3A_130 = tpu.memref_slice %dma_wait3A_128[%add3A_94, %dma_wait3A_129] : memref<10112x128xf32, #tpu.memory_space<hbm>> -> memref<128x128xf32, #tpu.memory_space<hbm>>
      %dma_wait3A_131 = arith.constant 0 : i32
      %dma_wait3A_132 = arith.constant 0 : i32
      %dma_wait3A_133 = tpu.memref_slice %arg8[%dma_wait3A_131, %dma_wait3A_132] : memref<128x128xf32, #tpu.memory_space<vmem>> -> memref<128x128xf32, #tpu.memory_space<vmem>>
      tpu.wait_dma2 semaphore(%run_scoped3A : memref<!tpu.dma_semaphore, #tpu.memory_space<semaphore_mem>>) src(%dma_wait3A_133 : memref<128x128xf32, #tpu.memory_space<vmem>>) dst(%dma_wait3A_130 : memref<128x128xf32, #tpu.memory_space<hbm>>)
      tpu.yield
    }) : () -> ()
    %add3A_95 = arith.constant 384 : i32
    %add3A_96 = arith.addi %mul3A_4, %add3A_95 : i32
    "tpu.region"() ({
      %run_scoped3A = tpu.sem_alloc : memref<!tpu.dma_semaphore, #tpu.memory_space<semaphore_mem>>
      %dma_start3A_99 = arith.constant 0 : i32
      %dma_start3A_100 = arith.constant 0 : i32
      %dma_start3A_101 = tpu.memref_slice %arg8[%dma_start3A_99, %dma_start3A_100] : memref<128x128xf32, #tpu.memory_space<vmem>> -> memref<128x128xf32, #tpu.memory_space<vmem>>
      %dma_start3A_102 = arith.constant 0 : i32
      %dma_start3A_103 = tpu.memref_slice %arg10[%add3A_96, %dma_start3A_102] : memref<10112x128xf32, #tpu.memory_space<vmem_shared>> -> memref<128x128xf32, #tpu.memory_space<vmem_shared>>
      %dma_start3A_104 = arith.constant 0 : i32
      %dma_start3A_105 = arith.constant 0 : i32
      %dma_start3A_106 = tpu.memref_slice %arg8[%dma_start3A_104, %dma_start3A_105] : memref<128x128xf32, #tpu.memory_space<vmem>> -> memref<128x128xf32, #tpu.memory_space<vmem>>
      %dma_start3A_107 = arith.constant 0 : i32
      %dma_start3A_108 = tpu.memref_slice %arg10[%add3A_96, %dma_start3A_107] : memref<10112x128xf32, #tpu.memory_space<vmem_shared>> -> memref<128x128xf32, #tpu.memory_space<vmem_shared>>
      tpu.enqueue_dma source(%dma_start3A_108 : memref<128x128xf32, #tpu.memory_space<vmem_shared>>) target(%dma_start3A_106 : memref<128x128xf32, #tpu.memory_space<vmem>>) target_semaphore(%run_scoped3A : memref<!tpu.dma_semaphore, #tpu.memory_space<semaphore_mem>>)
      %dma_wait3A = arith.constant 0 : i32
      %dma_wait3A_109 = arith.constant 0 : i32
      %dma_wait3A_110 = tpu.memref_slice %arg8[%dma_wait3A, %dma_wait3A_109] : memref<128x128xf32, #tpu.memory_space<vmem>> -> memref<128x128xf32, #tpu.memory_space<vmem>>
      %dma_wait3A_111 = arith.constant 0 : i32
      %dma_wait3A_112 = tpu.memref_slice %arg10[%add3A_96, %dma_wait3A_111] : memref<10112x128xf32, #tpu.memory_space<vmem_shared>> -> memref<128x128xf32, #tpu.memory_space<vmem_shared>>
      %dma_wait3A_113 = arith.constant 0 : i32
      %dma_wait3A_114 = arith.constant 0 : i32
      %dma_wait3A_115 = tpu.memref_slice %arg8[%dma_wait3A_113, %dma_wait3A_114] : memref<128x128xf32, #tpu.memory_space<vmem>> -> memref<128x128xf32, #tpu.memory_space<vmem>>
      %dma_wait3A_116 = arith.constant 0 : i32
      %dma_wait3A_117 = tpu.memref_slice %arg10[%add3A_96, %dma_wait3A_116] : memref<10112x128xf32, #tpu.memory_space<vmem_shared>> -> memref<128x128xf32, #tpu.memory_space<vmem_shared>>
      tpu.wait_dma2 semaphore(%run_scoped3A : memref<!tpu.dma_semaphore, #tpu.memory_space<semaphore_mem>>) src(%dma_wait3A_117 : memref<128x128xf32, #tpu.memory_space<vmem_shared>>) dst(%dma_wait3A_115 : memref<128x128xf32, #tpu.memory_space<vmem>>)
      tpu.yield
    }) : () -> ()
    "tpu.region"() ({
      %run_scoped3A = tpu.sem_alloc : memref<!tpu.dma_semaphore, #tpu.memory_space<semaphore_mem>>
      %dma_start3A_99 = arith.constant 0 : i32
      %dma_start3A_100 = arith.constant 0 : i32
      %dma_start3A_101 = tpu.memref_slice %arg8[%dma_start3A_99, %dma_start3A_100] : memref<128x128xf32, #tpu.memory_space<vmem>> -> memref<128x128xf32, #tpu.memory_space<vmem>>
      %dma_start3A_102 = arith.constant 0 : i32
      %dma_start3A_103 = arith.constant 0 : i32
      %dma_start3A_104 = tpu.memref_slice %arg5[%arg0, %dma_start3A_102, %dma_start3A_103] : memref<2x10112x128xf32, #tpu.memory_space<hbm>> -> memref<1x10112x128xf32, #tpu.memory_space<hbm>>
      %dma_start3A_105 = tpu.memref_squeeze %dma_start3A_104 : memref<1x10112x128xf32, #tpu.memory_space<hbm>> -> memref<10112x128xf32, #tpu.memory_space<hbm>>
      %dma_start3A_106 = arith.constant 0 : i32
      %dma_start3A_107 = tpu.memref_slice %dma_start3A_105[%add3A_96, %dma_start3A_106] : memref<10112x128xf32, #tpu.memory_space<hbm>> -> memref<128x128xf32, #tpu.memory_space<hbm>>
      %dma_start3A_108 = arith.constant 0 : i32
      %dma_start3A_109 = arith.constant 0 : i32
      %dma_start3A_110 = tpu.memref_slice %arg5[%arg0, %dma_start3A_108, %dma_start3A_109] : memref<2x10112x128xf32, #tpu.memory_space<hbm>> -> memref<1x10112x128xf32, #tpu.memory_space<hbm>>
      %dma_start3A_111 = tpu.memref_squeeze %dma_start3A_110 : memref<1x10112x128xf32, #tpu.memory_space<hbm>> -> memref<10112x128xf32, #tpu.memory_space<hbm>>
      %dma_start3A_112 = arith.constant 0 : i32
      %dma_start3A_113 = tpu.memref_slice %dma_start3A_111[%add3A_96, %dma_start3A_112] : memref<10112x128xf32, #tpu.memory_space<hbm>> -> memref<128x128xf32, #tpu.memory_space<hbm>>
      %dma_start3A_114 = arith.constant 0 : i32
      %dma_start3A_115 = arith.constant 0 : i32
      %dma_start3A_116 = tpu.memref_slice %arg8[%dma_start3A_114, %dma_start3A_115] : memref<128x128xf32, #tpu.memory_space<vmem>> -> memref<128x128xf32, #tpu.memory_space<vmem>>
      tpu.enqueue_dma source(%dma_start3A_116 : memref<128x128xf32, #tpu.memory_space<vmem>>) target(%dma_start3A_113 : memref<128x128xf32, #tpu.memory_space<hbm>>) target_semaphore(%run_scoped3A : memref<!tpu.dma_semaphore, #tpu.memory_space<semaphore_mem>>)
      %dma_wait3A = arith.constant 0 : i32
      %dma_wait3A_117 = arith.constant 0 : i32
      %dma_wait3A_118 = tpu.memref_slice %arg8[%dma_wait3A, %dma_wait3A_117] : memref<128x128xf32, #tpu.memory_space<vmem>> -> memref<128x128xf32, #tpu.memory_space<vmem>>
      %dma_wait3A_119 = arith.constant 0 : i32
      %dma_wait3A_120 = arith.constant 0 : i32
      %dma_wait3A_121 = tpu.memref_slice %arg5[%arg0, %dma_wait3A_119, %dma_wait3A_120] : memref<2x10112x128xf32, #tpu.memory_space<hbm>> -> memref<1x10112x128xf32, #tpu.memory_space<hbm>>
      %dma_wait3A_122 = tpu.memref_squeeze %dma_wait3A_121 : memref<1x10112x128xf32, #tpu.memory_space<hbm>> -> memref<10112x128xf32, #tpu.memory_space<hbm>>
      %dma_wait3A_123 = arith.constant 0 : i32
      %dma_wait3A_124 = tpu.memref_slice %dma_wait3A_122[%add3A_96, %dma_wait3A_123] : memref<10112x128xf32, #tpu.memory_space<hbm>> -> memref<128x128xf32, #tpu.memory_space<hbm>>
      %dma_wait3A_125 = arith.constant 0 : i32
      %dma_wait3A_126 = arith.constant 0 : i32
      %dma_wait3A_127 = tpu.memref_slice %arg5[%arg0, %dma_wait3A_125, %dma_wait3A_126] : memref<2x10112x128xf32, #tpu.memory_space<hbm>> -> memref<1x10112x128xf32, #tpu.memory_space<hbm>>
      %dma_wait3A_128 = tpu.memref_squeeze %dma_wait3A_127 : memref<1x10112x128xf32, #tpu.memory_space<hbm>> -> memref<10112x128xf32, #tpu.memory_space<hbm>>
      %dma_wait3A_129 = arith.constant 0 : i32
      %dma_wait3A_130 = tpu.memref_slice %dma_wait3A_128[%add3A_96, %dma_wait3A_129] : memref<10112x128xf32, #tpu.memory_space<hbm>> -> memref<128x128xf32, #tpu.memory_space<hbm>>
      %dma_wait3A_131 = arith.constant 0 : i32
      %dma_wait3A_132 = arith.constant 0 : i32
      %dma_wait3A_133 = tpu.memref_slice %arg8[%dma_wait3A_131, %dma_wait3A_132] : memref<128x128xf32, #tpu.memory_space<vmem>> -> memref<128x128xf32, #tpu.memory_space<vmem>>
      tpu.wait_dma2 semaphore(%run_scoped3A : memref<!tpu.dma_semaphore, #tpu.memory_space<semaphore_mem>>) src(%dma_wait3A_133 : memref<128x128xf32, #tpu.memory_space<vmem>>) dst(%dma_wait3A_130 : memref<128x128xf32, #tpu.memory_space<hbm>>)
      tpu.yield
    }) : () -> ()
    %add3A_97 = arith.constant 512 : i32
    %add3A_98 = arith.addi %mul3A_4, %add3A_97 : i32
    "tpu.region"() ({
      %run_scoped3A = tpu.sem_alloc : memref<!tpu.dma_semaphore, #tpu.memory_space<semaphore_mem>>
      %dma_start3A_99 = arith.constant 0 : i32
      %dma_start3A_100 = arith.constant 0 : i32
      %dma_start3A_101 = tpu.memref_slice %arg8[%dma_start3A_99, %dma_start3A_100] : memref<128x128xf32, #tpu.memory_space<vmem>> -> memref<120x128xf32, #tpu.memory_space<vmem>>
      %dma_start3A_102 = arith.constant 0 : i32
      %dma_start3A_103 = tpu.memref_slice %arg10[%add3A_98, %dma_start3A_102] : memref<10112x128xf32, #tpu.memory_space<vmem_shared>> -> memref<120x128xf32, #tpu.memory_space<vmem_shared>>
      %dma_start3A_104 = arith.constant 0 : i32
      %dma_start3A_105 = arith.constant 0 : i32
      %dma_start3A_106 = tpu.memref_slice %arg8[%dma_start3A_104, %dma_start3A_105] : memref<128x128xf32, #tpu.memory_space<vmem>> -> memref<120x128xf32, #tpu.memory_space<vmem>>
      %dma_start3A_107 = arith.constant 0 : i32
      %dma_start3A_108 = tpu.memref_slice %arg10[%add3A_98, %dma_start3A_107] : memref<10112x128xf32, #tpu.memory_space<vmem_shared>> -> memref<120x128xf32, #tpu.memory_space<vmem_shared>>
      tpu.enqueue_dma source(%dma_start3A_108 : memref<120x128xf32, #tpu.memory_space<vmem_shared>>) target(%dma_start3A_106 : memref<120x128xf32, #tpu.memory_space<vmem>>) target_semaphore(%run_scoped3A : memref<!tpu.dma_semaphore, #tpu.memory_space<semaphore_mem>>)
      %dma_wait3A = arith.constant 0 : i32
      %dma_wait3A_109 = arith.constant 0 : i32
      %dma_wait3A_110 = tpu.memref_slice %arg8[%dma_wait3A, %dma_wait3A_109] : memref<128x128xf32, #tpu.memory_space<vmem>> -> memref<120x128xf32, #tpu.memory_space<vmem>>
      %dma_wait3A_111 = arith.constant 0 : i32
      %dma_wait3A_112 = tpu.memref_slice %arg10[%add3A_98, %dma_wait3A_111] : memref<10112x128xf32, #tpu.memory_space<vmem_shared>> -> memref<120x128xf32, #tpu.memory_space<vmem_shared>>
      %dma_wait3A_113 = arith.constant 0 : i32
      %dma_wait3A_114 = arith.constant 0 : i32
      %dma_wait3A_115 = tpu.memref_slice %arg8[%dma_wait3A_113, %dma_wait3A_114] : memref<128x128xf32, #tpu.memory_space<vmem>> -> memref<120x128xf32, #tpu.memory_space<vmem>>
      %dma_wait3A_116 = arith.constant 0 : i32
      %dma_wait3A_117 = tpu.memref_slice %arg10[%add3A_98, %dma_wait3A_116] : memref<10112x128xf32, #tpu.memory_space<vmem_shared>> -> memref<120x128xf32, #tpu.memory_space<vmem_shared>>
      tpu.wait_dma2 semaphore(%run_scoped3A : memref<!tpu.dma_semaphore, #tpu.memory_space<semaphore_mem>>) src(%dma_wait3A_117 : memref<120x128xf32, #tpu.memory_space<vmem_shared>>) dst(%dma_wait3A_115 : memref<120x128xf32, #tpu.memory_space<vmem>>)
      tpu.yield
    }) : () -> ()
    "tpu.region"() ({
      %run_scoped3A = tpu.sem_alloc : memref<!tpu.dma_semaphore, #tpu.memory_space<semaphore_mem>>
      %dma_start3A_99 = arith.constant 0 : i32
      %dma_start3A_100 = arith.constant 0 : i32
      %dma_start3A_101 = tpu.memref_slice %arg8[%dma_start3A_99, %dma_start3A_100] : memref<128x128xf32, #tpu.memory_space<vmem>> -> memref<120x128xf32, #tpu.memory_space<vmem>>
      %dma_start3A_102 = arith.constant 0 : i32
      %dma_start3A_103 = arith.constant 0 : i32
      %dma_start3A_104 = tpu.memref_slice %arg5[%arg0, %dma_start3A_102, %dma_start3A_103] : memref<2x10112x128xf32, #tpu.memory_space<hbm>> -> memref<1x10112x128xf32, #tpu.memory_space<hbm>>
      %dma_start3A_105 = tpu.memref_squeeze %dma_start3A_104 : memref<1x10112x128xf32, #tpu.memory_space<hbm>> -> memref<10112x128xf32, #tpu.memory_space<hbm>>
      %dma_start3A_106 = arith.constant 0 : i32
      %dma_start3A_107 = tpu.memref_slice %dma_start3A_105[%add3A_98, %dma_start3A_106] : memref<10112x128xf32, #tpu.memory_space<hbm>> -> memref<120x128xf32, #tpu.memory_space<hbm>>
      %dma_start3A_108 = arith.constant 0 : i32
      %dma_start3A_109 = arith.constant 0 : i32
      %dma_start3A_110 = tpu.memref_slice %arg5[%arg0, %dma_start3A_108, %dma_start3A_109] : memref<2x10112x128xf32, #tpu.memory_space<hbm>> -> memref<1x10112x128xf32, #tpu.memory_space<hbm>>
      %dma_start3A_111 = tpu.memref_squeeze %dma_start3A_110 : memref<1x10112x128xf32, #tpu.memory_space<hbm>> -> memref<10112x128xf32, #tpu.memory_space<hbm>>
      %dma_start3A_112 = arith.constant 0 : i32
      %dma_start3A_113 = tpu.memref_slice %dma_start3A_111[%add3A_98, %dma_start3A_112] : memref<10112x128xf32, #tpu.memory_space<hbm>> -> memref<120x128xf32, #tpu.memory_space<hbm>>
      %dma_start3A_114 = arith.constant 0 : i32
      %dma_start3A_115 = arith.constant 0 : i32
      %dma_start3A_116 = tpu.memref_slice %arg8[%dma_start3A_114, %dma_start3A_115] : memref<128x128xf32, #tpu.memory_space<vmem>> -> memref<120x128xf32, #tpu.memory_space<vmem>>
      tpu.enqueue_dma source(%dma_start3A_116 : memref<120x128xf32, #tpu.memory_space<vmem>>) target(%dma_start3A_113 : memref<120x128xf32, #tpu.memory_space<hbm>>) target_semaphore(%run_scoped3A : memref<!tpu.dma_semaphore, #tpu.memory_space<semaphore_mem>>)
      %dma_wait3A = arith.constant 0 : i32
      %dma_wait3A_117 = arith.constant 0 : i32
      %dma_wait3A_118 = tpu.memref_slice %arg8[%dma_wait3A, %dma_wait3A_117] : memref<128x128xf32, #tpu.memory_space<vmem>> -> memref<120x128xf32, #tpu.memory_space<vmem>>
      %dma_wait3A_119 = arith.constant 0 : i32
      %dma_wait3A_120 = arith.constant 0 : i32
      %dma_wait3A_121 = tpu.memref_slice %arg5[%arg0, %dma_wait3A_119, %dma_wait3A_120] : memref<2x10112x128xf32, #tpu.memory_space<hbm>> -> memref<1x10112x128xf32, #tpu.memory_space<hbm>>
      %dma_wait3A_122 = tpu.memref_squeeze %dma_wait3A_121 : memref<1x10112x128xf32, #tpu.memory_space<hbm>> -> memref<10112x128xf32, #tpu.memory_space<hbm>>
      %dma_wait3A_123 = arith.constant 0 : i32
      %dma_wait3A_124 = tpu.memref_slice %dma_wait3A_122[%add3A_98, %dma_wait3A_123] : memref<10112x128xf32, #tpu.memory_space<hbm>> -> memref<120x128xf32, #tpu.memory_space<hbm>>
      %dma_wait3A_125 = arith.constant 0 : i32
      %dma_wait3A_126 = arith.constant 0 : i32
      %dma_wait3A_127 = tpu.memref_slice %arg5[%arg0, %dma_wait3A_125, %dma_wait3A_126] : memref<2x10112x128xf32, #tpu.memory_space<hbm>> -> memref<1x10112x128xf32, #tpu.memory_space<hbm>>
      %dma_wait3A_128 = tpu.memref_squeeze %dma_wait3A_127 : memref<1x10112x128xf32, #tpu.memory_space<hbm>> -> memref<10112x128xf32, #tpu.memory_space<hbm>>
      %dma_wait3A_129 = arith.constant 0 : i32
      %dma_wait3A_130 = tpu.memref_slice %dma_wait3A_128[%add3A_98, %dma_wait3A_129] : memref<10112x128xf32, #tpu.memory_space<hbm>> -> memref<120x128xf32, #tpu.memory_space<hbm>>
      %dma_wait3A_131 = arith.constant 0 : i32
      %dma_wait3A_132 = arith.constant 0 : i32
      %dma_wait3A_133 = tpu.memref_slice %arg8[%dma_wait3A_131, %dma_wait3A_132] : memref<128x128xf32, #tpu.memory_space<vmem>> -> memref<120x128xf32, #tpu.memory_space<vmem>>
      tpu.wait_dma2 semaphore(%run_scoped3A : memref<!tpu.dma_semaphore, #tpu.memory_space<semaphore_mem>>) src(%dma_wait3A_133 : memref<120x128xf32, #tpu.memory_space<vmem>>) dst(%dma_wait3A_130 : memref<120x128xf32, #tpu.memory_space<hbm>>)
      tpu.yield
    }) : () -> ()
    return
  }
}

#map = affine_map<(d0, d1) -> (0, 0)>
#map1 = affine_map<(d0, d1) -> (0, 0, 0, 0)>
#map2 = affine_map<(d0, d1) -> (0, 0, 0)>
module attributes {stable_mosaic.version = 14 : i64} {
  func.func @seg_sum(%arg0: i32, %arg1: i32, %arg2: memref<10000x128xf32, #tpu.memory_space<hbm>>, %arg3: memref<2x16x80x128xi32, #tpu.memory_space<hbm>>, %arg4: memref<2x16x80x128xi32, #tpu.memory_space<hbm>>, %arg5: memref<2x10112x128xf32, #tpu.memory_space<hbm>>, %arg6: memref<80x128xi32, #tpu.memory_space<vmem>>, %arg7: memref<4x128xi32, #tpu.memory_space<vmem>>, %arg8: memref<128x128xf32, #tpu.memory_space<vmem>>, %arg9: memref<128x128xf32, #tpu.memory_space<vmem>>, %arg10: memref<10112x128xf32, #tpu.memory_space<vmem_shared>>, %arg11: memref<!tpu.dma_semaphore, #tpu.memory_space<semaphore_mem>>, %arg12: memref<!tpu.dma_semaphore, #tpu.memory_space<semaphore_mem>>, %arg13: memref<!tpu.dma_semaphore, #tpu.memory_space<semaphore_mem>>, %arg14: memref<!tpu.dma_semaphore, #tpu.memory_space<semaphore_mem>>, %arg15: memref<!tpu.dma_semaphore, #tpu.memory_space<semaphore_mem>>, %arg16: memref<!tpu.dma_semaphore, #tpu.memory_space<semaphore_mem>>) attributes {dimension_semantics = [#tpu.dimension_semantics<core_parallel>, #tpu.dimension_semantics<subcore_parallel>], iteration_bounds = array<i64: 2, 16>, scalar_prefetch = 0 : i64, scratch_operands = 11 : i64, tpu.core_type = #tpu.core_type<sc_vector_subcore>, window_params = [{transform_indices = #map}, {transform_indices = #map1}, {transform_indices = #map1}, {transform_indices = #map2}]} {
    "tpu.region"() ({
      %run_scoped3A = tpu.sem_alloc : memref<!tpu.dma_semaphore, #tpu.memory_space<semaphore_mem>>
      %dma_start3A_99 = arith.constant 0 : i32
      %dma_start3A_100 = arith.constant 0 : i32
      %dma_start3A_101 = tpu.memref_slice %arg3[%arg0, %arg1, %dma_start3A_99, %dma_start3A_100] : memref<2x16x80x128xi32, #tpu.memory_space<hbm>> -> memref<1x1x80x128xi32, #tpu.memory_space<hbm>>
      %dma_start3A_102 = tpu.memref_squeeze %dma_start3A_101 : memref<1x1x80x128xi32, #tpu.memory_space<hbm>> -> memref<80x128xi32, #tpu.memory_space<hbm>>
      %dma_start3A_103 = arith.constant 0 : i32
      %dma_start3A_104 = arith.constant 0 : i32
      %dma_start3A_105 = tpu.memref_slice %arg3[%arg0, %arg1, %dma_start3A_103, %dma_start3A_104] : memref<2x16x80x128xi32, #tpu.memory_space<hbm>> -> memref<1x1x80x128xi32, #tpu.memory_space<hbm>>
      %dma_start3A_106 = tpu.memref_squeeze %dma_start3A_105 : memref<1x1x80x128xi32, #tpu.memory_space<hbm>> -> memref<80x128xi32, #tpu.memory_space<hbm>>
      tpu.enqueue_dma source(%dma_start3A_106 : memref<80x128xi32, #tpu.memory_space<hbm>>) target(%arg6 : memref<80x128xi32, #tpu.memory_space<vmem>>) target_semaphore(%run_scoped3A : memref<!tpu.dma_semaphore, #tpu.memory_space<semaphore_mem>>)
      %dma_wait3A = arith.constant 0 : i32
      %dma_wait3A_107 = arith.constant 0 : i32
      %dma_wait3A_108 = tpu.memref_slice %arg3[%arg0, %arg1, %dma_wait3A, %dma_wait3A_107] : memref<2x16x80x128xi32, #tpu.memory_space<hbm>> -> memref<1x1x80x128xi32, #tpu.memory_space<hbm>>
      %dma_wait3A_109 = tpu.memref_squeeze %dma_wait3A_108 : memref<1x1x80x128xi32, #tpu.memory_space<hbm>> -> memref<80x128xi32, #tpu.memory_space<hbm>>
      %dma_wait3A_110 = arith.constant 0 : i32
      %dma_wait3A_111 = arith.constant 0 : i32
      %dma_wait3A_112 = tpu.memref_slice %arg3[%arg0, %arg1, %dma_wait3A_110, %dma_wait3A_111] : memref<2x16x80x128xi32, #tpu.memory_space<hbm>> -> memref<1x1x80x128xi32, #tpu.memory_space<hbm>>
      %dma_wait3A_113 = tpu.memref_squeeze %dma_wait3A_112 : memref<1x1x80x128xi32, #tpu.memory_space<hbm>> -> memref<80x128xi32, #tpu.memory_space<hbm>>
      tpu.wait_dma2 semaphore(%run_scoped3A : memref<!tpu.dma_semaphore, #tpu.memory_space<semaphore_mem>>) src(%dma_wait3A_113 : memref<80x128xi32, #tpu.memory_space<hbm>>) dst(%arg6 : memref<80x128xi32, #tpu.memory_space<vmem>>)
      tpu.yield
    }) : () -> ()
    %scan3A = arith.constant 0 : i32
    %scan3A_0 = arith.constant 128 : i32
    %scan3A_1 = arith.addi %scan3A, %scan3A_0 : i32
    %scan3A_2 = arith.constant 1 : i32
    scf.for %scan3A_99 = %scan3A to %scan3A_1 step %scan3A_2  : i32 {
      %mul3A_100 = arith.constant 1 : i32
      %mul3A_101 = arith.muli %scan3A_99, %mul3A_100 : i32
      %add3A_102 = arith.constant 0 : i32
      %add3A_103 = arith.addi %add3A_102, %mul3A_101 : i32
      %broadcast_in_dim3A = arith.constant 0.000000e+00 : f32
      %broadcast_in_dim3A_104 = vector.broadcast %broadcast_in_dim3A : f32 to vector<16xf32>
      %swap3A = arith.index_cast %add3A_103 : i32 to index
      %swap3A_105 = arith.constant 0 : index
      %swap3A_106 = tpu.vector_load %arg8[%swap3A, %swap3A_105] {strides = array<i32>} : memref<128x128xf32, #tpu.memory_space<vmem>>, vector<1x16xf32>,
      %swap3A_107 = vector.shape_cast %swap3A_106 : vector<1x16xf32> to vector<16xf32>
      %swap3A_108 = vector.shape_cast %broadcast_in_dim3A_104 : vector<16xf32> to vector<1x16xf32>
      tpu.vector_store %arg8[%swap3A, %swap3A_105], %swap3A_108 {strides = array<i32>} : memref<128x128xf32, #tpu.memory_space<vmem>>, vector<1x16xf32>,
      %broadcast_in_dim3A_109 = arith.constant 0.000000e+00 : f32
      %broadcast_in_dim3A_110 = vector.broadcast %broadcast_in_dim3A_109 : f32 to vector<16xf32>
      %swap3A_111 = arith.index_cast %add3A_103 : i32 to index
      %swap3A_112 = arith.constant 16 : index
      %swap3A_113 = tpu.vector_load %arg8[%swap3A_111, %swap3A_112] {strides = array<i32>} : memref<128x128xf32, #tpu.memory_space<vmem>>, vector<1x16xf32>,
      %swap3A_114 = vector.shape_cast %swap3A_113 : vector<1x16xf32> to vector<16xf32>
      %swap3A_115 = vector.shape_cast %broadcast_in_dim3A_110 : vector<16xf32> to vector<1x16xf32>
      tpu.vector_store %arg8[%swap3A_111, %swap3A_112], %swap3A_115 {strides = array<i32>} : memref<128x128xf32, #tpu.memory_space<vmem>>, vector<1x16xf32>,
      %broadcast_in_dim3A_116 = arith.constant 0.000000e+00 : f32
      %broadcast_in_dim3A_117 = vector.broadcast %broadcast_in_dim3A_116 : f32 to vector<16xf32>
      %swap3A_118 = arith.index_cast %add3A_103 : i32 to index
      %swap3A_119 = arith.constant 32 : index
      %swap3A_120 = tpu.vector_load %arg8[%swap3A_118, %swap3A_119] {strides = array<i32>} : memref<128x128xf32, #tpu.memory_space<vmem>>, vector<1x16xf32>,
      %swap3A_121 = vector.shape_cast %swap3A_120 : vector<1x16xf32> to vector<16xf32>
      %swap3A_122 = vector.shape_cast %broadcast_in_dim3A_117 : vector<16xf32> to vector<1x16xf32>
      tpu.vector_store %arg8[%swap3A_118, %swap3A_119], %swap3A_122 {strides = array<i32>} : memref<128x128xf32, #tpu.memory_space<vmem>>, vector<1x16xf32>,
      %broadcast_in_dim3A_123 = arith.constant 0.000000e+00 : f32
      %broadcast_in_dim3A_124 = vector.broadcast %broadcast_in_dim3A_123 : f32 to vector<16xf32>
      %swap3A_125 = arith.index_cast %add3A_103 : i32 to index
      %swap3A_126 = arith.constant 48 : index
      %swap3A_127 = tpu.vector_load %arg8[%swap3A_125, %swap3A_126] {strides = array<i32>} : memref<128x128xf32, #tpu.memory_space<vmem>>, vector<1x16xf32>,
      %swap3A_128 = vector.shape_cast %swap3A_127 : vector<1x16xf32> to vector<16xf32>
      %swap3A_129 = vector.shape_cast %broadcast_in_dim3A_124 : vector<16xf32> to vector<1x16xf32>
      tpu.vector_store %arg8[%swap3A_125, %swap3A_126], %swap3A_129 {strides = array<i32>} : memref<128x128xf32, #tpu.memory_space<vmem>>, vector<1x16xf32>,
      %broadcast_in_dim3A_130 = arith.constant 0.000000e+00 : f32
      %broadcast_in_dim3A_131 = vector.broadcast %broadcast_in_dim3A_130 : f32 to vector<16xf32>
      %swap3A_132 = arith.index_cast %add3A_103 : i32 to index
      %swap3A_133 = arith.constant 64 : index
      %swap3A_134 = tpu.vector_load %arg8[%swap3A_132, %swap3A_133] {strides = array<i32>} : memref<128x128xf32, #tpu.memory_space<vmem>>, vector<1x16xf32>,
      %swap3A_135 = vector.shape_cast %swap3A_134 : vector<1x16xf32> to vector<16xf32>
      %swap3A_136 = vector.shape_cast %broadcast_in_dim3A_131 : vector<16xf32> to vector<1x16xf32>
      tpu.vector_store %arg8[%swap3A_132, %swap3A_133], %swap3A_136 {strides = array<i32>} : memref<128x128xf32, #tpu.memory_space<vmem>>, vector<1x16xf32>,
      %broadcast_in_dim3A_137 = arith.constant 0.000000e+00 : f32
      %broadcast_in_dim3A_138 = vector.broadcast %broadcast_in_dim3A_137 : f32 to vector<16xf32>
      %swap3A_139 = arith.index_cast %add3A_103 : i32 to index
      %swap3A_140 = arith.constant 80 : index
      %swap3A_141 = tpu.vector_load %arg8[%swap3A_139, %swap3A_140] {strides = array<i32>} : memref<128x128xf32, #tpu.memory_space<vmem>>, vector<1x16xf32>,
      %swap3A_142 = vector.shape_cast %swap3A_141 : vector<1x16xf32> to vector<16xf32>
      %swap3A_143 = vector.shape_cast %broadcast_in_dim3A_138 : vector<16xf32> to vector<1x16xf32>
      tpu.vector_store %arg8[%swap3A_139, %swap3A_140], %swap3A_143 {strides = array<i32>} : memref<128x128xf32, #tpu.memory_space<vmem>>, vector<1x16xf32>,
      %broadcast_in_dim3A_144 = arith.constant 0.000000e+00 : f32
      %broadcast_in_dim3A_145 = vector.broadcast %broadcast_in_dim3A_144 : f32 to vector<16xf32>
      %swap3A_146 = arith.index_cast %add3A_103 : i32 to index
      %swap3A_147 = arith.constant 96 : index
      %swap3A_148 = tpu.vector_load %arg8[%swap3A_146, %swap3A_147] {strides = array<i32>} : memref<128x128xf32, #tpu.memory_space<vmem>>, vector<1x16xf32>,
      %swap3A_149 = vector.shape_cast %swap3A_148 : vector<1x16xf32> to vector<16xf32>
      %swap3A_150 = vector.shape_cast %broadcast_in_dim3A_145 : vector<16xf32> to vector<1x16xf32>
      tpu.vector_store %arg8[%swap3A_146, %swap3A_147], %swap3A_150 {strides = array<i32>} : memref<128x128xf32, #tpu.memory_space<vmem>>, vector<1x16xf32>,
      %broadcast_in_dim3A_151 = arith.constant 0.000000e+00 : f32
      %broadcast_in_dim3A_152 = vector.broadcast %broadcast_in_dim3A_151 : f32 to vector<16xf32>
      %swap3A_153 = arith.index_cast %add3A_103 : i32 to index
      %swap3A_154 = arith.constant 112 : index
      %swap3A_155 = tpu.vector_load %arg8[%swap3A_153, %swap3A_154] {strides = array<i32>} : memref<128x128xf32, #tpu.memory_space<vmem>>, vector<1x16xf32>,
      %swap3A_156 = vector.shape_cast %swap3A_155 : vector<1x16xf32> to vector<16xf32>
      %swap3A_157 = vector.shape_cast %broadcast_in_dim3A_152 : vector<16xf32> to vector<1x16xf32>
      tpu.vector_store %arg8[%swap3A_153, %swap3A_154], %swap3A_157 {strides = array<i32>} : memref<128x128xf32, #tpu.memory_space<vmem>>, vector<1x16xf32>,
    }
    %scan3A_3 = arith.constant 128 : i32
    %mul3A = arith.constant 632 : i32
    %mul3A_4 = arith.muli %arg1, %mul3A : i32
    %add3A = arith.constant 0 : i32
    %add3A_5 = arith.addi %mul3A_4, %add3A : i32
    "tpu.region"() ({
      %run_scoped3A = tpu.sem_alloc : memref<!tpu.dma_semaphore, #tpu.memory_space<semaphore_mem>>
      %dma_start3A_99 = arith.constant 0 : i32
      %dma_start3A_100 = tpu.memref_slice %arg10[%add3A_5, %dma_start3A_99] : memref<10112x128xf32, #tpu.memory_space<vmem_shared>> -> memref<128x128xf32, #tpu.memory_space<vmem_shared>>
      %dma_start3A_101 = arith.constant 0 : i32
      %dma_start3A_102 = tpu.memref_slice %arg10[%add3A_5, %dma_start3A_101] : memref<10112x128xf32, #tpu.memory_space<vmem_shared>> -> memref<128x128xf32, #tpu.memory_space<vmem_shared>>
      tpu.enqueue_dma source(%arg8 : memref<128x128xf32, #tpu.memory_space<vmem>>) target(%dma_start3A_102 : memref<128x128xf32, #tpu.memory_space<vmem_shared>>) target_semaphore(%run_scoped3A : memref<!tpu.dma_semaphore, #tpu.memory_space<semaphore_mem>>)
      %dma_wait3A = arith.constant 0 : i32
      %dma_wait3A_103 = tpu.memref_slice %arg10[%add3A_5, %dma_wait3A] : memref<10112x128xf32, #tpu.memory_space<vmem_shared>> -> memref<128x128xf32, #tpu.memory_space<vmem_shared>>
      %dma_wait3A_104 = arith.constant 0 : i32
      %dma_wait3A_105 = tpu.memref_slice %arg10[%add3A_5, %dma_wait3A_104] : memref<10112x128xf32, #tpu.memory_space<vmem_shared>> -> memref<128x128xf32, #tpu.memory_space<vmem_shared>>
      tpu.wait_dma2 semaphore(%run_scoped3A : memref<!tpu.dma_semaphore, #tpu.memory_space<semaphore_mem>>) src(%arg8 : memref<128x128xf32, #tpu.memory_space<vmem>>) dst(%dma_wait3A_105 : memref<128x128xf32, #tpu.memory_space<vmem_shared>>)
      tpu.yield
    }) : () -> ()
    %add3A_6 = arith.constant 128 : i32
    %add3A_7 = arith.addi %mul3A_4, %add3A_6 : i32
    "tpu.region"() ({
      %run_scoped3A = tpu.sem_alloc : memref<!tpu.dma_semaphore, #tpu.memory_space<semaphore_mem>>
      %dma_start3A_99 = arith.constant 0 : i32
      %dma_start3A_100 = tpu.memref_slice %arg10[%add3A_7, %dma_start3A_99] : memref<10112x128xf32, #tpu.memory_space<vmem_shared>> -> memref<128x128xf32, #tpu.memory_space<vmem_shared>>
      %dma_start3A_101 = arith.constant 0 : i32
      %dma_start3A_102 = tpu.memref_slice %arg10[%add3A_7, %dma_start3A_101] : memref<10112x128xf32, #tpu.memory_space<vmem_shared>> -> memref<128x128xf32, #tpu.memory_space<vmem_shared>>
      tpu.enqueue_dma source(%arg8 : memref<128x128xf32, #tpu.memory_space<vmem>>) target(%dma_start3A_102 : memref<128x128xf32, #tpu.memory_space<vmem_shared>>) target_semaphore(%run_scoped3A : memref<!tpu.dma_semaphore, #tpu.memory_space<semaphore_mem>>)
      %dma_wait3A = arith.constant 0 : i32
      %dma_wait3A_103 = tpu.memref_slice %arg10[%add3A_7, %dma_wait3A] : memref<10112x128xf32, #tpu.memory_space<vmem_shared>> -> memref<128x128xf32, #tpu.memory_space<vmem_shared>>
      %dma_wait3A_104 = arith.constant 0 : i32
      %dma_wait3A_105 = tpu.memref_slice %arg10[%add3A_7, %dma_wait3A_104] : memref<10112x128xf32, #tpu.memory_space<vmem_shared>> -> memref<128x128xf32, #tpu.memory_space<vmem_shared>>
      tpu.wait_dma2 semaphore(%run_scoped3A : memref<!tpu.dma_semaphore, #tpu.memory_space<semaphore_mem>>) src(%arg8 : memref<128x128xf32, #tpu.memory_space<vmem>>) dst(%dma_wait3A_105 : memref<128x128xf32, #tpu.memory_space<vmem_shared>>)
      tpu.yield
    }) : () -> ()
    %add3A_8 = arith.constant 256 : i32
    %add3A_9 = arith.addi %mul3A_4, %add3A_8 : i32
    "tpu.region"() ({
      %run_scoped3A = tpu.sem_alloc : memref<!tpu.dma_semaphore, #tpu.memory_space<semaphore_mem>>
      %dma_start3A_99 = arith.constant 0 : i32
      %dma_start3A_100 = tpu.memref_slice %arg10[%add3A_9, %dma_start3A_99] : memref<10112x128xf32, #tpu.memory_space<vmem_shared>> -> memref<128x128xf32, #tpu.memory_space<vmem_shared>>
      %dma_start3A_101 = arith.constant 0 : i32
      %dma_start3A_102 = tpu.memref_slice %arg10[%add3A_9, %dma_start3A_101] : memref<10112x128xf32, #tpu.memory_space<vmem_shared>> -> memref<128x128xf32, #tpu.memory_space<vmem_shared>>
      tpu.enqueue_dma source(%arg8 : memref<128x128xf32, #tpu.memory_space<vmem>>) target(%dma_start3A_102 : memref<128x128xf32, #tpu.memory_space<vmem_shared>>) target_semaphore(%run_scoped3A : memref<!tpu.dma_semaphore, #tpu.memory_space<semaphore_mem>>)
      %dma_wait3A = arith.constant 0 : i32
      %dma_wait3A_103 = tpu.memref_slice %arg10[%add3A_9, %dma_wait3A] : memref<10112x128xf32, #tpu.memory_space<vmem_shared>> -> memref<128x128xf32, #tpu.memory_space<vmem_shared>>
      %dma_wait3A_104 = arith.constant 0 : i32
      %dma_wait3A_105 = tpu.memref_slice %arg10[%add3A_9, %dma_wait3A_104] : memref<10112x128xf32, #tpu.memory_space<vmem_shared>> -> memref<128x128xf32, #tpu.memory_space<vmem_shared>>
      tpu.wait_dma2 semaphore(%run_scoped3A : memref<!tpu.dma_semaphore, #tpu.memory_space<semaphore_mem>>) src(%arg8 : memref<128x128xf32, #tpu.memory_space<vmem>>) dst(%dma_wait3A_105 : memref<128x128xf32, #tpu.memory_space<vmem_shared>>)
      tpu.yield
    }) : () -> ()
    %add3A_10 = arith.constant 384 : i32
    %add3A_11 = arith.addi %mul3A_4, %add3A_10 : i32
    "tpu.region"() ({
      %run_scoped3A = tpu.sem_alloc : memref<!tpu.dma_semaphore, #tpu.memory_space<semaphore_mem>>
      %dma_start3A_99 = arith.constant 0 : i32
      %dma_start3A_100 = tpu.memref_slice %arg10[%add3A_11, %dma_start3A_99] : memref<10112x128xf32, #tpu.memory_space<vmem_shared>> -> memref<128x128xf32, #tpu.memory_space<vmem_shared>>
      %dma_start3A_101 = arith.constant 0 : i32
      %dma_start3A_102 = tpu.memref_slice %arg10[%add3A_11, %dma_start3A_101] : memref<10112x128xf32, #tpu.memory_space<vmem_shared>> -> memref<128x128xf32, #tpu.memory_space<vmem_shared>>
      tpu.enqueue_dma source(%arg8 : memref<128x128xf32, #tpu.memory_space<vmem>>) target(%dma_start3A_102 : memref<128x128xf32, #tpu.memory_space<vmem_shared>>) target_semaphore(%run_scoped3A : memref<!tpu.dma_semaphore, #tpu.memory_space<semaphore_mem>>)
      %dma_wait3A = arith.constant 0 : i32
      %dma_wait3A_103 = tpu.memref_slice %arg10[%add3A_11, %dma_wait3A] : memref<10112x128xf32, #tpu.memory_space<vmem_shared>> -> memref<128x128xf32, #tpu.memory_space<vmem_shared>>
      %dma_wait3A_104 = arith.constant 0 : i32
      %dma_wait3A_105 = tpu.memref_slice %arg10[%add3A_11, %dma_wait3A_104] : memref<10112x128xf32, #tpu.memory_space<vmem_shared>> -> memref<128x128xf32, #tpu.memory_space<vmem_shared>>
      tpu.wait_dma2 semaphore(%run_scoped3A : memref<!tpu.dma_semaphore, #tpu.memory_space<semaphore_mem>>) src(%arg8 : memref<128x128xf32, #tpu.memory_space<vmem>>) dst(%dma_wait3A_105 : memref<128x128xf32, #tpu.memory_space<vmem_shared>>)
      tpu.yield
    }) : () -> ()
    %add3A_12 = arith.constant 512 : i32
    %add3A_13 = arith.addi %mul3A_4, %add3A_12 : i32
    "tpu.region"() ({
      %run_scoped3A = tpu.sem_alloc : memref<!tpu.dma_semaphore, #tpu.memory_space<semaphore_mem>>
      %dma_start3A_99 = arith.constant 0 : i32
      %dma_start3A_100 = arith.constant 0 : i32
      %dma_start3A_101 = tpu.memref_slice %arg8[%dma_start3A_99, %dma_start3A_100] : memref<128x128xf32, #tpu.memory_space<vmem>> -> memref<120x128xf32, #tpu.memory_space<vmem>>
      %dma_start3A_102 = arith.constant 0 : i32
      %dma_start3A_103 = tpu.memref_slice %arg10[%add3A_13, %dma_start3A_102] : memref<10112x128xf32, #tpu.memory_space<vmem_shared>> -> memref<120x128xf32, #tpu.memory_space<vmem_shared>>
      %dma_start3A_104 = arith.constant 0 : i32
      %dma_start3A_105 = tpu.memref_slice %arg10[%add3A_13, %dma_start3A_104] : memref<10112x128xf32, #tpu.memory_space<vmem_shared>> -> memref<120x128xf32, #tpu.memory_space<vmem_shared>>
      %dma_start3A_106 = arith.constant 0 : i32
      %dma_start3A_107 = arith.constant 0 : i32
      %dma_start3A_108 = tpu.memref_slice %arg8[%dma_start3A_106, %dma_start3A_107] : memref<128x128xf32, #tpu.memory_space<vmem>> -> memref<120x128xf32, #tpu.memory_space<vmem>>
      tpu.enqueue_dma source(%dma_start3A_108 : memref<120x128xf32, #tpu.memory_space<vmem>>) target(%dma_start3A_105 : memref<120x128xf32, #tpu.memory_space<vmem_shared>>) target_semaphore(%run_scoped3A : memref<!tpu.dma_semaphore, #tpu.memory_space<semaphore_mem>>)
      %dma_wait3A = arith.constant 0 : i32
      %dma_wait3A_109 = arith.constant 0 : i32
      %dma_wait3A_110 = tpu.memref_slice %arg8[%dma_wait3A, %dma_wait3A_109] : memref<128x128xf32, #tpu.memory_space<vmem>> -> memref<120x128xf32, #tpu.memory_space<vmem>>
      %dma_wait3A_111 = arith.constant 0 : i32
      %dma_wait3A_112 = tpu.memref_slice %arg10[%add3A_13, %dma_wait3A_111] : memref<10112x128xf32, #tpu.memory_space<vmem_shared>> -> memref<120x128xf32, #tpu.memory_space<vmem_shared>>
      %dma_wait3A_113 = arith.constant 0 : i32
      %dma_wait3A_114 = tpu.memref_slice %arg10[%add3A_13, %dma_wait3A_113] : memref<10112x128xf32, #tpu.memory_space<vmem_shared>> -> memref<120x128xf32, #tpu.memory_space<vmem_shared>>
      %dma_wait3A_115 = arith.constant 0 : i32
      %dma_wait3A_116 = arith.constant 0 : i32
      %dma_wait3A_117 = tpu.memref_slice %arg8[%dma_wait3A_115, %dma_wait3A_116] : memref<128x128xf32, #tpu.memory_space<vmem>> -> memref<120x128xf32, #tpu.memory_space<vmem>>
      tpu.wait_dma2 semaphore(%run_scoped3A : memref<!tpu.dma_semaphore, #tpu.memory_space<semaphore_mem>>) src(%dma_wait3A_117 : memref<120x128xf32, #tpu.memory_space<vmem>>) dst(%dma_wait3A_114 : memref<120x128xf32, #tpu.memory_space<vmem_shared>>)
      tpu.yield
    }) : () -> ()
    %barrier3A = arith.constant 0 : index
    tpu.barrier barrier_id(%barrier3A)
    %dma_start3A = arith.constant 0 : i32
    %dma_start3A_14 = arith.constant 0 : i32
    %dma_start3A_15 = arith.constant 0 : i32
    %dma_start3A_16 = tpu.memref_slice %arg7[%dma_start3A_14, %dma_start3A_15] : memref<4x128xi32, #tpu.memory_space<vmem>> -> memref<1x128xi32, #tpu.memory_space<vmem>>
    %dma_start3A_17 = tpu.memref_squeeze %dma_start3A_16 : memref<1x128xi32, #tpu.memory_space<vmem>> -> memref<128xi32, #tpu.memory_space<vmem>>
    %dma_start3A_18 = arith.constant 0 : i32
    %dma_start3A_19 = tpu.memref_slice %arg4[%arg0, %arg1, %dma_start3A, %dma_start3A_18] : memref<2x16x80x128xi32, #tpu.memory_space<hbm>> -> memref<1x1x1x128xi32, #tpu.memory_space<hbm>>
    %dma_start3A_20 = tpu.memref_squeeze %dma_start3A_19 : memref<1x1x1x128xi32, #tpu.memory_space<hbm>> -> memref<128xi32, #tpu.memory_space<hbm>>
    %dma_start3A_21 = arith.constant 0 : i32
    %dma_start3A_22 = tpu.memref_slice %arg7[%dma_start3A_14, %dma_start3A_21] : memref<4x128xi32, #tpu.memory_space<vmem>> -> memref<1x128xi32, #tpu.memory_space<vmem>>
    %dma_start3A_23 = tpu.memref_squeeze %dma_start3A_22 : memref<1x128xi32, #tpu.memory_space<vmem>> -> memref<128xi32, #tpu.memory_space<vmem>>
    %dma_start3A_24 = arith.constant 0 : i32
    %dma_start3A_25 = tpu.memref_slice %arg4[%arg0, %arg1, %dma_start3A, %dma_start3A_24] : memref<2x16x80x128xi32, #tpu.memory_space<hbm>> -> memref<1x1x1x128xi32, #tpu.memory_space<hbm>>
    %dma_start3A_26 = tpu.memref_squeeze %dma_start3A_25 : memref<1x1x1x128xi32, #tpu.memory_space<hbm>> -> memref<128xi32, #tpu.memory_space<hbm>>
    tpu.enqueue_dma source(%dma_start3A_26 : memref<128xi32, #tpu.memory_space<hbm>>) target(%dma_start3A_23 : memref<128xi32, #tpu.memory_space<vmem>>) target_semaphore(%arg13 : memref<!tpu.dma_semaphore, #tpu.memory_space<semaphore_mem>>)
    %dma_start3A_27 = arith.constant 1 : i32
    %dma_start3A_28 = arith.constant 1 : i32
    %dma_start3A_29 = arith.constant 0 : i32
    %dma_start3A_30 = tpu.memref_slice %arg7[%dma_start3A_28, %dma_start3A_29] : memref<4x128xi32, #tpu.memory_space<vmem>> -> memref<1x128xi32, #tpu.memory_space<vmem>>
    %dma_start3A_31 = tpu.memref_squeeze %dma_start3A_30 : memref<1x128xi32, #tpu.memory_space<vmem>> -> memref<128xi32, #tpu.memory_space<vmem>>
    %dma_start3A_32 = arith.constant 0 : i32
    %dma_start3A_33 = tpu.memref_slice %arg4[%arg0, %arg1, %dma_start3A_27, %dma_start3A_32] : memref<2x16x80x128xi32, #tpu.memory_space<hbm>> -> memref<1x1x1x128xi32, #tpu.memory_space<hbm>>
    %dma_start3A_34 = tpu.memref_squeeze %dma_start3A_33 : memref<1x1x1x128xi32, #tpu.memory_space<hbm>> -> memref<128xi32, #tpu.memory_space<hbm>>
    %dma_start3A_35 = arith.constant 0 : i32
    %dma_start3A_36 = tpu.memref_slice %arg7[%dma_start3A_28, %dma_start3A_35] : memref<4x128xi32, #tpu.memory_space<vmem>> -> memref<1x128xi32, #tpu.memory_space<vmem>>
    %dma_start3A_37 = tpu.memref_squeeze %dma_start3A_36 : memref<1x128xi32, #tpu.memory_space<vmem>> -> memref<128xi32, #tpu.memory_space<vmem>>
    %dma_start3A_38 = arith.constant 0 : i32
    %dma_start3A_39 = tpu.memref_slice %arg4[%arg0, %arg1, %dma_start3A_27, %dma_start3A_38] : memref<2x16x80x128xi32, #tpu.memory_space<hbm>> -> memref<1x1x1x128xi32, #tpu.memory_space<hbm>>
    %dma_start3A_40 = tpu.memref_squeeze %dma_start3A_39 : memref<1x1x1x128xi32, #tpu.memory_space<hbm>> -> memref<128xi32, #tpu.memory_space<hbm>>
    tpu.enqueue_dma source(%dma_start3A_40 : memref<128xi32, #tpu.memory_space<hbm>>) target(%dma_start3A_37 : memref<128xi32, #tpu.memory_space<vmem>>) target_semaphore(%arg14 : memref<!tpu.dma_semaphore, #tpu.memory_space<semaphore_mem>>)
    %dma_start3A_41 = arith.constant 2 : i32
    %dma_start3A_42 = arith.constant 2 : i32
    %dma_start3A_43 = arith.constant 0 : i32
    %dma_start3A_44 = tpu.memref_slice %arg7[%dma_start3A_42, %dma_start3A_43] : memref<4x128xi32, #tpu.memory_space<vmem>> -> memref<1x128xi32, #tpu.memory_space<vmem>>
    %dma_start3A_45 = tpu.memref_squeeze %dma_start3A_44 : memref<1x128xi32, #tpu.memory_space<vmem>> -> memref<128xi32, #tpu.memory_space<vmem>>
    %dma_start3A_46 = arith.constant 0 : i32
    %dma_start3A_47 = tpu.memref_slice %arg4[%arg0, %arg1, %dma_start3A_41, %dma_start3A_46] : memref<2x16x80x128xi32, #tpu.memory_space<hbm>> -> memref<1x1x1x128xi32, #tpu.memory_space<hbm>>
    %dma_start3A_48 = tpu.memref_squeeze %dma_start3A_47 : memref<1x1x1x128xi32, #tpu.memory_space<hbm>> -> memref<128xi32, #tpu.memory_space<hbm>>
    %dma_start3A_49 = arith.constant 0 : i32
    %dma_start3A_50 = tpu.memref_slice %arg7[%dma_start3A_42, %dma_start3A_49] : memref<4x128xi32, #tpu.memory_space<vmem>> -> memref<1x128xi32, #tpu.memory_space<vmem>>
    %dma_start3A_51 = tpu.memref_squeeze %dma_start3A_50 : memref<1x128xi32, #tpu.memory_space<vmem>> -> memref<128xi32, #tpu.memory_space<vmem>>
    %dma_start3A_52 = arith.constant 0 : i32
    %dma_start3A_53 = tpu.memref_slice %arg4[%arg0, %arg1, %dma_start3A_41, %dma_start3A_52] : memref<2x16x80x128xi32, #tpu.memory_space<hbm>> -> memref<1x1x1x128xi32, #tpu.memory_space<hbm>>
    %dma_start3A_54 = tpu.memref_squeeze %dma_start3A_53 : memref<1x1x1x128xi32, #tpu.memory_space<hbm>> -> memref<128xi32, #tpu.memory_space<hbm>>
    tpu.enqueue_dma source(%dma_start3A_54 : memref<128xi32, #tpu.memory_space<hbm>>) target(%dma_start3A_51 : memref<128xi32, #tpu.memory_space<vmem>>) target_semaphore(%arg15 : memref<!tpu.dma_semaphore, #tpu.memory_space<semaphore_mem>>)
    %dma_start3A_55 = arith.constant 3 : i32
    %dma_start3A_56 = arith.constant 3 : i32
    %dma_start3A_57 = arith.constant 0 : i32
    %dma_start3A_58 = tpu.memref_slice %arg7[%dma_start3A_56, %dma_start3A_57] : memref<4x128xi32, #tpu.memory_space<vmem>> -> memref<1x128xi32, #tpu.memory_space<vmem>>
    %dma_start3A_59 = tpu.memref_squeeze %dma_start3A_58 : memref<1x128xi32, #tpu.memory_space<vmem>> -> memref<128xi32, #tpu.memory_space<vmem>>
    %dma_start3A_60 = arith.constant 0 : i32
    %dma_start3A_61 = tpu.memref_slice %arg4[%arg0, %arg1, %dma_start3A_55, %dma_start3A_60] : memref<2x16x80x128xi32, #tpu.memory_space<hbm>> -> memref<1x1x1x128xi32, #tpu.memory_space<hbm>>
    %dma_start3A_62 = tpu.memref_squeeze %dma_start3A_61 : memref<1x1x1x128xi32, #tpu.memory_space<hbm>> -> memref<128xi32, #tpu.memory_space<hbm>>
    %dma_start3A_63 = arith.constant 0 : i32
    %dma_start3A_64 = tpu.memref_slice %arg7[%dma_start3A_56, %dma_start3A_63] : memref<4x128xi32, #tpu.memory_space<vmem>> -> memref<1x128xi32, #tpu.memory_space<vmem>>
    %dma_start3A_65 = tpu.memref_squeeze %dma_start3A_64 : memref<1x128xi32, #tpu.memory_space<vmem>> -> memref<128xi32, #tpu.memory_space<vmem>>
    %dma_start3A_66 = arith.constant 0 : i32
    %dma_start3A_67 = tpu.memref_slice %arg4[%arg0, %arg1, %dma_start3A_55, %dma_start3A_66] : memref<2x16x80x128xi32, #tpu.memory_space<hbm>> -> memref<1x1x1x128xi32, #tpu.memory_space<hbm>>
    %dma_start3A_68 = tpu.memref_squeeze %dma_start3A_67 : memref<1x1x1x128xi32, #tpu.memory_space<hbm>> -> memref<128xi32, #tpu.memory_space<hbm>>
    tpu.enqueue_dma source(%dma_start3A_68 : memref<128xi32, #tpu.memory_space<hbm>>) target(%dma_start3A_65 : memref<128xi32, #tpu.memory_space<vmem>>) target_semaphore(%arg16 : memref<!tpu.dma_semaphore, #tpu.memory_space<semaphore_mem>>)
    %dma_start3A_69 = arith.constant 0 : i32
    %dma_start3A_70 = arith.constant 0 : i32
    %dma_start3A_71 = tpu.memref_slice %arg6[%dma_start3A_69, %dma_start3A_70] : memref<80x128xi32, #tpu.memory_space<vmem>> -> memref<1x128xi32, #tpu.memory_space<vmem>>
    %dma_start3A_72 = tpu.memref_squeeze %dma_start3A_71 : memref<1x128xi32, #tpu.memory_space<vmem>> -> memref<128xi32, #tpu.memory_space<vmem>>
    %dma_start3A_73 = arith.constant 0 : i32
    %dma_start3A_74 = arith.constant 0 : i32
    %dma_start3A_75 = tpu.memref_slice %arg2[%dma_start3A_73, %dma_start3A_74] : memref<10000x128xf32, #tpu.memory_space<hbm>> -> memref<10000x128xf32, #tpu.memory_space<hbm>>
    tpu.enqueue_indirect_dma source(%dma_start3A_75 : memref<10000x128xf32, #tpu.memory_space<hbm>>) target(%arg8 : memref<128x128xf32, #tpu.memory_space<vmem>>) offsets(%dma_start3A_72 : memref<128xi32, #tpu.memory_space<vmem>>) semaphore(%arg11 : memref<!tpu.dma_semaphore, #tpu.memory_space<semaphore_mem>>)
    %dma_start3A_76 = arith.constant 1 : i32
    %dma_start3A_77 = arith.constant 0 : i32
    %dma_start3A_78 = tpu.memref_slice %arg6[%dma_start3A_76, %dma_start3A_77] : memref<80x128xi32, #tpu.memory_space<vmem>> -> memref<1x128xi32, #tpu.memory_space<vmem>>
    %dma_start3A_79 = tpu.memref_squeeze %dma_start3A_78 : memref<1x128xi32, #tpu.memory_space<vmem>> -> memref<128xi32, #tpu.memory_space<vmem>>
    %dma_start3A_80 = arith.constant 0 : i32
    %dma_start3A_81 = arith.constant 0 : i32
    %dma_start3A_82 = tpu.memref_slice %arg2[%dma_start3A_80, %dma_start3A_81] : memref<10000x128xf32, #tpu.memory_space<hbm>> -> memref<10000x128xf32, #tpu.memory_space<hbm>>
    tpu.enqueue_indirect_dma source(%dma_start3A_82 : memref<10000x128xf32, #tpu.memory_space<hbm>>) target(%arg9 : memref<128x128xf32, #tpu.memory_space<vmem>>) offsets(%dma_start3A_79 : memref<128xi32, #tpu.memory_space<vmem>>) semaphore(%arg12 : memref<!tpu.dma_semaphore, #tpu.memory_space<semaphore_mem>>)
    %scan3A_83 = arith.constant 0 : i32
    %scan3A_84 = arith.constant 20 : i32
    %scan3A_85 = arith.addi %scan3A_83, %scan3A_84 : i32
    %scan3A_86 = arith.constant 1 : i32
    scf.for %scan3A_99 = %scan3A_83 to %scan3A_85 step %scan3A_86  : i32 {
      %mul3A_100 = arith.constant 1 : i32
      %mul3A_101 = arith.muli %scan3A_99, %mul3A_100 : i32
      %add3A_102 = arith.constant 0 : i32
      %add3A_103 = arith.addi %add3A_102, %mul3A_101 : i32
      %mul3A_104 = arith.constant 4 : i32
      %mul3A_105 = arith.muli %add3A_103, %mul3A_104 : i32
      %add3A_106 = arith.constant 0 : i32
      %add3A_107 = arith.addi %mul3A_105, %add3A_106 : i32
      %dma_wait3A = arith.constant 0 : i32
      %dma_wait3A_108 = tpu.memref_slice %arg6[%add3A_107, %dma_wait3A] : memref<80x128xi32, #tpu.memory_space<vmem>> -> memref<1x128xi32, #tpu.memory_space<vmem>>
      %dma_wait3A_109 = tpu.memref_squeeze %dma_wait3A_108 : memref<1x128xi32, #tpu.memory_space<vmem>> -> memref<128xi32, #tpu.memory_space<vmem>>
      %dma_wait3A_110 = arith.constant 0 : i32
      %dma_wait3A_111 = arith.constant 0 : i32
      %dma_wait3A_112 = tpu.memref_slice %arg2[%dma_wait3A_110, %dma_wait3A_111] : memref<10000x128xf32, #tpu.memory_space<hbm>> -> memref<10000x128xf32, #tpu.memory_space<hbm>>
      tpu.wait_indirect_dma semaphore(%arg11 : memref<!tpu.dma_semaphore, #tpu.memory_space<semaphore_mem>>) src(%dma_wait3A_112 : memref<10000x128xf32, #tpu.memory_space<hbm>>) dst(%arg8 : memref<128x128xf32, #tpu.memory_space<vmem>>)
      %dma_wait3A_113 = arith.constant 0 : i32
      %dma_wait3A_114 = arith.constant 0 : i32
      %dma_wait3A_115 = tpu.memref_slice %arg7[%dma_wait3A_113, %dma_wait3A_114] : memref<4x128xi32, #tpu.memory_space<vmem>> -> memref<1x128xi32, #tpu.memory_space<vmem>>
      %dma_wait3A_116 = tpu.memref_squeeze %dma_wait3A_115 : memref<1x128xi32, #tpu.memory_space<vmem>> -> memref<128xi32, #tpu.memory_space<vmem>>
      %dma_wait3A_117 = arith.constant 0 : i32
      %dma_wait3A_118 = tpu.memref_slice %arg4[%arg0, %arg1, %add3A_107, %dma_wait3A_117] : memref<2x16x80x128xi32, #tpu.memory_space<hbm>> -> memref<1x1x1x128xi32, #tpu.memory_space<hbm>>
      %dma_wait3A_119 = tpu.memref_squeeze %dma_wait3A_118 : memref<1x1x1x128xi32, #tpu.memory_space<hbm>> -> memref<128xi32, #tpu.memory_space<hbm>>
      %dma_wait3A_120 = arith.constant 0 : i32
      %dma_wait3A_121 = tpu.memref_slice %arg7[%dma_wait3A_113, %dma_wait3A_120] : memref<4x128xi32, #tpu.memory_space<vmem>> -> memref<1x128xi32, #tpu.memory_space<vmem>>
      %dma_wait3A_122 = tpu.memref_squeeze %dma_wait3A_121 : memref<1x128xi32, #tpu.memory_space<vmem>> -> memref<128xi32, #tpu.memory_space<vmem>>
      %dma_wait3A_123 = arith.constant 0 : i32
      %dma_wait3A_124 = tpu.memref_slice %arg4[%arg0, %arg1, %add3A_107, %dma_wait3A_123] : memref<2x16x80x128xi32, #tpu.memory_space<hbm>> -> memref<1x1x1x128xi32, #tpu.memory_space<hbm>>
      %dma_wait3A_125 = tpu.memref_squeeze %dma_wait3A_124 : memref<1x1x1x128xi32, #tpu.memory_space<hbm>> -> memref<128xi32, #tpu.memory_space<hbm>>
      tpu.wait_dma2 semaphore(%arg13 : memref<!tpu.dma_semaphore, #tpu.memory_space<semaphore_mem>>) src(%dma_wait3A_125 : memref<128xi32, #tpu.memory_space<hbm>>) dst(%dma_wait3A_122 : memref<128xi32, #tpu.memory_space<vmem>>)
      %run_scoped3A = arith.constant 0 : i32
      "tpu.region"() ({
        %run_scoped3A_251 = tpu.sem_alloc : memref<!tpu.dma_semaphore, #tpu.memory_space<semaphore_mem>>
        %dma_start3A_252 = arith.constant 0 : i32
        %dma_start3A_253 = tpu.memref_slice %arg7[%run_scoped3A, %dma_start3A_252] : memref<4x128xi32, #tpu.memory_space<vmem>> -> memref<1x128xi32, #tpu.memory_space<vmem>>
        %dma_start3A_254 = tpu.memref_squeeze %dma_start3A_253 : memref<1x128xi32, #tpu.memory_space<vmem>> -> memref<128xi32, #tpu.memory_space<vmem>>
        %dma_start3A_255 = arith.constant 0 : i32
        %dma_start3A_256 = arith.constant 0 : i32
        %dma_start3A_257 = tpu.memref_slice %arg10[%dma_start3A_255, %dma_start3A_256] : memref<10112x128xf32, #tpu.memory_space<vmem_shared>> -> memref<10112x128xf32, #tpu.memory_space<vmem_shared>>
        tpu.enqueue_indirect_dma source(%arg8 : memref<128x128xf32, #tpu.memory_space<vmem>>) target(%dma_start3A_257 : memref<10112x128xf32, #tpu.memory_space<vmem_shared>>) offsets(%dma_start3A_254 : memref<128xi32, #tpu.memory_space<vmem>>) semaphore(%run_scoped3A_251 : memref<!tpu.dma_semaphore, #tpu.memory_space<semaphore_mem>>) {add = true}
        %dma_wait3A_258 = arith.constant 0 : i32
        %dma_wait3A_259 = tpu.memref_slice %arg7[%run_scoped3A, %dma_wait3A_258] : memref<4x128xi32, #tpu.memory_space<vmem>> -> memref<1x128xi32, #tpu.memory_space<vmem>>
        %dma_wait3A_260 = tpu.memref_squeeze %dma_wait3A_259 : memref<1x128xi32, #tpu.memory_space<vmem>> -> memref<128xi32, #tpu.memory_space<vmem>>
        %dma_wait3A_261 = arith.constant 0 : i32
        %dma_wait3A_262 = arith.constant 0 : i32
        %dma_wait3A_263 = tpu.memref_slice %arg10[%dma_wait3A_261, %dma_wait3A_262] : memref<10112x128xf32, #tpu.memory_space<vmem_shared>> -> memref<10112x128xf32, #tpu.memory_space<vmem_shared>>
        tpu.wait_indirect_dma semaphore(%run_scoped3A_251 : memref<!tpu.dma_semaphore, #tpu.memory_space<semaphore_mem>>) src(%arg8 : memref<128x128xf32, #tpu.memory_space<vmem>>) dst(%dma_wait3A_263 : memref<10112x128xf32, #tpu.memory_space<vmem_shared>>)
        tpu.yield
      }) : () -> ()
      %add3A_126 = arith.constant 2 : i32
      %add3A_127 = arith.addi %add3A_107, %add3A_126 : i32
      %lt3A = arith.constant 80 : i32
      %lt3A_128 = arith.cmpi slt, %add3A_127, %lt3A : i32
      %convert_element_type3A = arith.extui %lt3A_128 : i1 to i32
      %cond3A = arith.constant 0 : i32
      %cond3A_129 = arith.cmpi ne, %convert_element_type3A, %cond3A : i32
      scf.if %cond3A_129 {
        %add3A_251 = arith.constant 2 : i32
        %add3A_252 = arith.addi %add3A_107, %add3A_251 : i32
        %dma_start3A_253 = arith.constant 0 : i32
        %dma_start3A_254 = tpu.memref_slice %arg6[%add3A_252, %dma_start3A_253] : memref<80x128xi32, #tpu.memory_space<vmem>> -> memref<1x128xi32, #tpu.memory_space<vmem>>
        %dma_start3A_255 = tpu.memref_squeeze %dma_start3A_254 : memref<1x128xi32, #tpu.memory_space<vmem>> -> memref<128xi32, #tpu.memory_space<vmem>>
        %dma_start3A_256 = arith.constant 0 : i32
        %dma_start3A_257 = arith.constant 0 : i32
        %dma_start3A_258 = tpu.memref_slice %arg2[%dma_start3A_256, %dma_start3A_257] : memref<10000x128xf32, #tpu.memory_space<hbm>> -> memref<10000x128xf32, #tpu.memory_space<hbm>>
        tpu.enqueue_indirect_dma source(%dma_start3A_258 : memref<10000x128xf32, #tpu.memory_space<hbm>>) target(%arg8 : memref<128x128xf32, #tpu.memory_space<vmem>>) offsets(%dma_start3A_255 : memref<128xi32, #tpu.memory_space<vmem>>) semaphore(%arg11 : memref<!tpu.dma_semaphore, #tpu.memory_space<semaphore_mem>>)
      } else {
      }
      %add3A_130 = arith.constant 4 : i32
      %add3A_131 = arith.addi %add3A_107, %add3A_130 : i32
      %lt3A_132 = arith.constant 80 : i32
      %lt3A_133 = arith.cmpi slt, %add3A_131, %lt3A_132 : i32
      %convert_element_type3A_134 = arith.extui %lt3A_133 : i1 to i32
      %cond3A_135 = arith.constant 0 : i32
      %cond3A_136 = arith.cmpi ne, %convert_element_type3A_134, %cond3A_135 : i32
      scf.if %cond3A_136 {
        %add3A_251 = arith.constant 4 : i32
        %add3A_252 = arith.addi %add3A_107, %add3A_251 : i32
        %dma_start3A_253 = arith.constant 0 : i32
        %dma_start3A_254 = arith.constant 0 : i32
        %dma_start3A_255 = tpu.memref_slice %arg7[%dma_start3A_253, %dma_start3A_254] : memref<4x128xi32, #tpu.memory_space<vmem>> -> memref<1x128xi32, #tpu.memory_space<vmem>>
        %dma_start3A_256 = tpu.memref_squeeze %dma_start3A_255 : memref<1x128xi32, #tpu.memory_space<vmem>> -> memref<128xi32, #tpu.memory_space<vmem>>
        %dma_start3A_257 = arith.constant 0 : i32
        %dma_start3A_258 = tpu.memref_slice %arg4[%arg0, %arg1, %add3A_252, %dma_start3A_257] : memref<2x16x80x128xi32, #tpu.memory_space<hbm>> -> memref<1x1x1x128xi32, #tpu.memory_space<hbm>>
        %dma_start3A_259 = tpu.memref_squeeze %dma_start3A_258 : memref<1x1x1x128xi32, #tpu.memory_space<hbm>> -> memref<128xi32, #tpu.memory_space<hbm>>
        %dma_start3A_260 = arith.constant 0 : i32
        %dma_start3A_261 = tpu.memref_slice %arg7[%dma_start3A_253, %dma_start3A_260] : memref<4x128xi32, #tpu.memory_space<vmem>> -> memref<1x128xi32, #tpu.memory_space<vmem>>
        %dma_start3A_262 = tpu.memref_squeeze %dma_start3A_261 : memref<1x128xi32, #tpu.memory_space<vmem>> -> memref<128xi32, #tpu.memory_space<vmem>>
        %dma_start3A_263 = arith.constant 0 : i32
        %dma_start3A_264 = tpu.memref_slice %arg4[%arg0, %arg1, %add3A_252, %dma_start3A_263] : memref<2x16x80x128xi32, #tpu.memory_space<hbm>> -> memref<1x1x1x128xi32, #tpu.memory_space<hbm>>
        %dma_start3A_265 = tpu.memref_squeeze %dma_start3A_264 : memref<1x1x1x128xi32, #tpu.memory_space<hbm>> -> memref<128xi32, #tpu.memory_space<hbm>>
        tpu.enqueue_dma source(%dma_start3A_265 : memref<128xi32, #tpu.memory_space<hbm>>) target(%dma_start3A_262 : memref<128xi32, #tpu.memory_space<vmem>>) target_semaphore(%arg13 : memref<!tpu.dma_semaphore, #tpu.memory_space<semaphore_mem>>)
      } else {
      }
      %mul3A_137 = arith.constant 4 : i32
      %mul3A_138 = arith.muli %add3A_103, %mul3A_137 : i32
      %add3A_139 = arith.constant 1 : i32
      %add3A_140 = arith.addi %mul3A_138, %add3A_139 : i32
      %dma_wait3A_141 = arith.constant 0 : i32
      %dma_wait3A_142 = tpu.memref_slice %arg6[%add3A_140, %dma_wait3A_141] : memref<80x128xi32, #tpu.memory_space<vmem>> -> memref<1x128xi32, #tpu.memory_space<vmem>>
      %dma_wait3A_143 = tpu.memref_squeeze %dma_wait3A_142 : memref<1x128xi32, #tpu.memory_space<vmem>> -> memref<128xi32, #tpu.memory_space<vmem>>
      %dma_wait3A_144 = arith.constant 0 : i32
      %dma_wait3A_145 = arith.constant 0 : i32
      %dma_wait3A_146 = tpu.memref_slice %arg2[%dma_wait3A_144, %dma_wait3A_145] : memref<10000x128xf32, #tpu.memory_space<hbm>> -> memref<10000x128xf32, #tpu.memory_space<hbm>>
      tpu.wait_indirect_dma semaphore(%arg12 : memref<!tpu.dma_semaphore, #tpu.memory_space<semaphore_mem>>) src(%dma_wait3A_146 : memref<10000x128xf32, #tpu.memory_space<hbm>>) dst(%arg9 : memref<128x128xf32, #tpu.memory_space<vmem>>)
      %dma_wait3A_147 = arith.constant 1 : i32
      %dma_wait3A_148 = arith.constant 0 : i32
      %dma_wait3A_149 = tpu.memref_slice %arg7[%dma_wait3A_147, %dma_wait3A_148] : memref<4x128xi32, #tpu.memory_space<vmem>> -> memref<1x128xi32, #tpu.memory_space<vmem>>
      %dma_wait3A_150 = tpu.memref_squeeze %dma_wait3A_149 : memref<1x128xi32, #tpu.memory_space<vmem>> -> memref<128xi32, #tpu.memory_space<vmem>>
      %dma_wait3A_151 = arith.constant 0 : i32
      %dma_wait3A_152 = tpu.memref_slice %arg4[%arg0, %arg1, %add3A_140, %dma_wait3A_151] : memref<2x16x80x128xi32, #tpu.memory_space<hbm>> -> memref<1x1x1x128xi32, #tpu.memory_space<hbm>>
      %dma_wait3A_153 = tpu.memref_squeeze %dma_wait3A_152 : memref<1x1x1x128xi32, #tpu.memory_space<hbm>> -> memref<128xi32, #tpu.memory_space<hbm>>
      %dma_wait3A_154 = arith.constant 0 : i32
      %dma_wait3A_155 = tpu.memref_slice %arg7[%dma_wait3A_147, %dma_wait3A_154] : memref<4x128xi32, #tpu.memory_space<vmem>> -> memref<1x128xi32, #tpu.memory_space<vmem>>
      %dma_wait3A_156 = tpu.memref_squeeze %dma_wait3A_155 : memref<1x128xi32, #tpu.memory_space<vmem>> -> memref<128xi32, #tpu.memory_space<vmem>>
      %dma_wait3A_157 = arith.constant 0 : i32
      %dma_wait3A_158 = tpu.memref_slice %arg4[%arg0, %arg1, %add3A_140, %dma_wait3A_157] : memref<2x16x80x128xi32, #tpu.memory_space<hbm>> -> memref<1x1x1x128xi32, #tpu.memory_space<hbm>>
      %dma_wait3A_159 = tpu.memref_squeeze %dma_wait3A_158 : memref<1x1x1x128xi32, #tpu.memory_space<hbm>> -> memref<128xi32, #tpu.memory_space<hbm>>
      tpu.wait_dma2 semaphore(%arg14 : memref<!tpu.dma_semaphore, #tpu.memory_space<semaphore_mem>>) src(%dma_wait3A_159 : memref<128xi32, #tpu.memory_space<hbm>>) dst(%dma_wait3A_156 : memref<128xi32, #tpu.memory_space<vmem>>)
      %run_scoped3A_160 = arith.constant 1 : i32
      "tpu.region"() ({
        %run_scoped3A_251 = tpu.sem_alloc : memref<!tpu.dma_semaphore, #tpu.memory_space<semaphore_mem>>
        %dma_start3A_252 = arith.constant 0 : i32
        %dma_start3A_253 = tpu.memref_slice %arg7[%run_scoped3A_160, %dma_start3A_252] : memref<4x128xi32, #tpu.memory_space<vmem>> -> memref<1x128xi32, #tpu.memory_space<vmem>>
        %dma_start3A_254 = tpu.memref_squeeze %dma_start3A_253 : memref<1x128xi32, #tpu.memory_space<vmem>> -> memref<128xi32, #tpu.memory_space<vmem>>
        %dma_start3A_255 = arith.constant 0 : i32
        %dma_start3A_256 = arith.constant 0 : i32
        %dma_start3A_257 = tpu.memref_slice %arg10[%dma_start3A_255, %dma_start3A_256] : memref<10112x128xf32, #tpu.memory_space<vmem_shared>> -> memref<10112x128xf32, #tpu.memory_space<vmem_shared>>
        tpu.enqueue_indirect_dma source(%arg9 : memref<128x128xf32, #tpu.memory_space<vmem>>) target(%dma_start3A_257 : memref<10112x128xf32, #tpu.memory_space<vmem_shared>>) offsets(%dma_start3A_254 : memref<128xi32, #tpu.memory_space<vmem>>) semaphore(%run_scoped3A_251 : memref<!tpu.dma_semaphore, #tpu.memory_space<semaphore_mem>>) {add = true}
        %dma_wait3A_258 = arith.constant 0 : i32
        %dma_wait3A_259 = tpu.memref_slice %arg7[%run_scoped3A_160, %dma_wait3A_258] : memref<4x128xi32, #tpu.memory_space<vmem>> -> memref<1x128xi32, #tpu.memory_space<vmem>>
        %dma_wait3A_260 = tpu.memref_squeeze %dma_wait3A_259 : memref<1x128xi32, #tpu.memory_space<vmem>> -> memref<128xi32, #tpu.memory_space<vmem>>
        %dma_wait3A_261 = arith.constant 0 : i32
        %dma_wait3A_262 = arith.constant 0 : i32
        %dma_wait3A_263 = tpu.memref_slice %arg10[%dma_wait3A_261, %dma_wait3A_262] : memref<10112x128xf32, #tpu.memory_space<vmem_shared>> -> memref<10112x128xf32, #tpu.memory_space<vmem_shared>>
        tpu.wait_indirect_dma semaphore(%run_scoped3A_251 : memref<!tpu.dma_semaphore, #tpu.memory_space<semaphore_mem>>) src(%arg9 : memref<128x128xf32, #tpu.memory_space<vmem>>) dst(%dma_wait3A_263 : memref<10112x128xf32, #tpu.memory_space<vmem_shared>>)
        tpu.yield
      }) : () -> ()
      %add3A_161 = arith.constant 2 : i32
      %add3A_162 = arith.addi %add3A_140, %add3A_161 : i32
      %lt3A_163 = arith.constant 80 : i32
      %lt3A_164 = arith.cmpi slt, %add3A_162, %lt3A_163 : i32
      %convert_element_type3A_165 = arith.extui %lt3A_164 : i1 to i32
      %cond3A_166 = arith.constant 0 : i32
      %cond3A_167 = arith.cmpi ne, %convert_element_type3A_165, %cond3A_166 : i32
      scf.if %cond3A_167 {
        %add3A_251 = arith.constant 2 : i32
        %add3A_252 = arith.addi %add3A_140, %add3A_251 : i32
        %dma_start3A_253 = arith.constant 0 : i32
        %dma_start3A_254 = tpu.memref_slice %arg6[%add3A_252, %dma_start3A_253] : memref<80x128xi32, #tpu.memory_space<vmem>> -> memref<1x128xi32, #tpu.memory_space<vmem>>
        %dma_start3A_255 = tpu.memref_squeeze %dma_start3A_254 : memref<1x128xi32, #tpu.memory_space<vmem>> -> memref<128xi32, #tpu.memory_space<vmem>>
        %dma_start3A_256 = arith.constant 0 : i32
        %dma_start3A_257 = arith.constant 0 : i32
        %dma_start3A_258 = tpu.memref_slice %arg2[%dma_start3A_256, %dma_start3A_257] : memref<10000x128xf32, #tpu.memory_space<hbm>> -> memref<10000x128xf32, #tpu.memory_space<hbm>>
        tpu.enqueue_indirect_dma source(%dma_start3A_258 : memref<10000x128xf32, #tpu.memory_space<hbm>>) target(%arg9 : memref<128x128xf32, #tpu.memory_space<vmem>>) offsets(%dma_start3A_255 : memref<128xi32, #tpu.memory_space<vmem>>) semaphore(%arg12 : memref<!tpu.dma_semaphore, #tpu.memory_space<semaphore_mem>>)
      } else {
      }
      %add3A_168 = arith.constant 4 : i32
      %add3A_169 = arith.addi %add3A_140, %add3A_168 : i32
      %lt3A_170 = arith.constant 80 : i32
      %lt3A_171 = arith.cmpi slt, %add3A_169, %lt3A_170 : i32
      %convert_element_type3A_172 = arith.extui %lt3A_171 : i1 to i32
      %cond3A_173 = arith.constant 0 : i32
      %cond3A_174 = arith.cmpi ne, %convert_element_type3A_172, %cond3A_173 : i32
      scf.if %cond3A_174 {
        %add3A_251 = arith.constant 4 : i32
        %add3A_252 = arith.addi %add3A_140, %add3A_251 : i32
        %dma_start3A_253 = arith.constant 1 : i32
        %dma_start3A_254 = arith.constant 0 : i32
        %dma_start3A_255 = tpu.memref_slice %arg7[%dma_start3A_253, %dma_start3A_254] : memref<4x128xi32, #tpu.memory_space<vmem>> -> memref<1x128xi32, #tpu.memory_space<vmem>>
        %dma_start3A_256 = tpu.memref_squeeze %dma_start3A_255 : memref<1x128xi32, #tpu.memory_space<vmem>> -> memref<128xi32, #tpu.memory_space<vmem>>
        %dma_start3A_257 = arith.constant 0 : i32
        %dma_start3A_258 = tpu.memref_slice %arg4[%arg0, %arg1, %add3A_252, %dma_start3A_257] : memref<2x16x80x128xi32, #tpu.memory_space<hbm>> -> memref<1x1x1x128xi32, #tpu.memory_space<hbm>>
        %dma_start3A_259 = tpu.memref_squeeze %dma_start3A_258 : memref<1x1x1x128xi32, #tpu.memory_space<hbm>> -> memref<128xi32, #tpu.memory_space<hbm>>
        %dma_start3A_260 = arith.constant 0 : i32
        %dma_start3A_261 = tpu.memref_slice %arg7[%dma_start3A_253, %dma_start3A_260] : memref<4x128xi32, #tpu.memory_space<vmem>> -> memref<1x128xi32, #tpu.memory_space<vmem>>
        %dma_start3A_262 = tpu.memref_squeeze %dma_start3A_261 : memref<1x128xi32, #tpu.memory_space<vmem>> -> memref<128xi32, #tpu.memory_space<vmem>>
        %dma_start3A_263 = arith.constant 0 : i32
        %dma_start3A_264 = tpu.memref_slice %arg4[%arg0, %arg1, %add3A_252, %dma_start3A_263] : memref<2x16x80x128xi32, #tpu.memory_space<hbm>> -> memref<1x1x1x128xi32, #tpu.memory_space<hbm>>
        %dma_start3A_265 = tpu.memref_squeeze %dma_start3A_264 : memref<1x1x1x128xi32, #tpu.memory_space<hbm>> -> memref<128xi32, #tpu.memory_space<hbm>>
        tpu.enqueue_dma source(%dma_start3A_265 : memref<128xi32, #tpu.memory_space<hbm>>) target(%dma_start3A_262 : memref<128xi32, #tpu.memory_space<vmem>>) target_semaphore(%arg14 : memref<!tpu.dma_semaphore, #tpu.memory_space<semaphore_mem>>)
      } else {
      }
      %mul3A_175 = arith.constant 4 : i32
      %mul3A_176 = arith.muli %add3A_103, %mul3A_175 : i32
      %add3A_177 = arith.constant 2 : i32
      %add3A_178 = arith.addi %mul3A_176, %add3A_177 : i32
      %dma_wait3A_179 = arith.constant 0 : i32
      %dma_wait3A_180 = tpu.memref_slice %arg6[%add3A_178, %dma_wait3A_179] : memref<80x128xi32, #tpu.memory_space<vmem>> -> memref<1x128xi32, #tpu.memory_space<vmem>>
      %dma_wait3A_181 = tpu.memref_squeeze %dma_wait3A_180 : memref<1x128xi32, #tpu.memory_space<vmem>> -> memref<128xi32, #tpu.memory_space<vmem>>
      %dma_wait3A_182 = arith.constant 0 : i32
      %dma_wait3A_183 = arith.constant 0 : i32
      %dma_wait3A_184 = tpu.memref_slice %arg2[%dma_wait3A_182, %dma_wait3A_183] : memref<10000x128xf32, #tpu.memory_space<hbm>> -> memref<10000x128xf32, #tpu.memory_space<hbm>>
      tpu.wait_indirect_dma semaphore(%arg11 : memref<!tpu.dma_semaphore, #tpu.memory_space<semaphore_mem>>) src(%dma_wait3A_184 : memref<10000x128xf32, #tpu.memory_space<hbm>>) dst(%arg8 : memref<128x128xf32, #tpu.memory_space<vmem>>)
      %dma_wait3A_185 = arith.constant 2 : i32
      %dma_wait3A_186 = arith.constant 0 : i32
      %dma_wait3A_187 = tpu.memref_slice %arg7[%dma_wait3A_185, %dma_wait3A_186] : memref<4x128xi32, #tpu.memory_space<vmem>> -> memref<1x128xi32, #tpu.memory_space<vmem>>
      %dma_wait3A_188 = tpu.memref_squeeze %dma_wait3A_187 : memref<1x128xi32, #tpu.memory_space<vmem>> -> memref<128xi32, #tpu.memory_space<vmem>>
      %dma_wait3A_189 = arith.constant 0 : i32
      %dma_wait3A_190 = tpu.memref_slice %arg4[%arg0, %arg1, %add3A_178, %dma_wait3A_189] : memref<2x16x80x128xi32, #tpu.memory_space<hbm>> -> memref<1x1x1x128xi32, #tpu.memory_space<hbm>>
      %dma_wait3A_191 = tpu.memref_squeeze %dma_wait3A_190 : memref<1x1x1x128xi32, #tpu.memory_space<hbm>> -> memref<128xi32, #tpu.memory_space<hbm>>
      %dma_wait3A_192 = arith.constant 0 : i32
      %dma_wait3A_193 = tpu.memref_slice %arg7[%dma_wait3A_185, %dma_wait3A_192] : memref<4x128xi32, #tpu.memory_space<vmem>> -> memref<1x128xi32, #tpu.memory_space<vmem>>
      %dma_wait3A_194 = tpu.memref_squeeze %dma_wait3A_193 : memref<1x128xi32, #tpu.memory_space<vmem>> -> memref<128xi32, #tpu.memory_space<vmem>>
      %dma_wait3A_195 = arith.constant 0 : i32
      %dma_wait3A_196 = tpu.memref_slice %arg4[%arg0, %arg1, %add3A_178, %dma_wait3A_195] : memref<2x16x80x128xi32, #tpu.memory_space<hbm>> -> memref<1x1x1x128xi32, #tpu.memory_space<hbm>>
      %dma_wait3A_197 = tpu.memref_squeeze %dma_wait3A_196 : memref<1x1x1x128xi32, #tpu.memory_space<hbm>> -> memref<128xi32, #tpu.memory_space<hbm>>
      tpu.wait_dma2 semaphore(%arg15 : memref<!tpu.dma_semaphore, #tpu.memory_space<semaphore_mem>>) src(%dma_wait3A_197 : memref<128xi32, #tpu.memory_space<hbm>>) dst(%dma_wait3A_194 : memref<128xi32, #tpu.memory_space<vmem>>)
      %run_scoped3A_198 = arith.constant 2 : i32
      "tpu.region"() ({
        %run_scoped3A_251 = tpu.sem_alloc : memref<!tpu.dma_semaphore, #tpu.memory_space<semaphore_mem>>
        %dma_start3A_252 = arith.constant 0 : i32
        %dma_start3A_253 = tpu.memref_slice %arg7[%run_scoped3A_198, %dma_start3A_252] : memref<4x128xi32, #tpu.memory_space<vmem>> -> memref<1x128xi32, #tpu.memory_space<vmem>>
        %dma_start3A_254 = tpu.memref_squeeze %dma_start3A_253 : memref<1x128xi32, #tpu.memory_space<vmem>> -> memref<128xi32, #tpu.memory_space<vmem>>
        %dma_start3A_255 = arith.constant 0 : i32
        %dma_start3A_256 = arith.constant 0 : i32
        %dma_start3A_257 = tpu.memref_slice %arg10[%dma_start3A_255, %dma_start3A_256] : memref<10112x128xf32, #tpu.memory_space<vmem_shared>> -> memref<10112x128xf32, #tpu.memory_space<vmem_shared>>
        tpu.enqueue_indirect_dma source(%arg8 : memref<128x128xf32, #tpu.memory_space<vmem>>) target(%dma_start3A_257 : memref<10112x128xf32, #tpu.memory_space<vmem_shared>>) offsets(%dma_start3A_254 : memref<128xi32, #tpu.memory_space<vmem>>) semaphore(%run_scoped3A_251 : memref<!tpu.dma_semaphore, #tpu.memory_space<semaphore_mem>>) {add = true}
        %dma_wait3A_258 = arith.constant 0 : i32
        %dma_wait3A_259 = tpu.memref_slice %arg7[%run_scoped3A_198, %dma_wait3A_258] : memref<4x128xi32, #tpu.memory_space<vmem>> -> memref<1x128xi32, #tpu.memory_space<vmem>>
        %dma_wait3A_260 = tpu.memref_squeeze %dma_wait3A_259 : memref<1x128xi32, #tpu.memory_space<vmem>> -> memref<128xi32, #tpu.memory_space<vmem>>
        %dma_wait3A_261 = arith.constant 0 : i32
        %dma_wait3A_262 = arith.constant 0 : i32
        %dma_wait3A_263 = tpu.memref_slice %arg10[%dma_wait3A_261, %dma_wait3A_262] : memref<10112x128xf32, #tpu.memory_space<vmem_shared>> -> memref<10112x128xf32, #tpu.memory_space<vmem_shared>>
        tpu.wait_indirect_dma semaphore(%run_scoped3A_251 : memref<!tpu.dma_semaphore, #tpu.memory_space<semaphore_mem>>) src(%arg8 : memref<128x128xf32, #tpu.memory_space<vmem>>) dst(%dma_wait3A_263 : memref<10112x128xf32, #tpu.memory_space<vmem_shared>>)
        tpu.yield
      }) : () -> ()
      %add3A_199 = arith.constant 2 : i32
      %add3A_200 = arith.addi %add3A_178, %add3A_199 : i32
      %lt3A_201 = arith.constant 80 : i32
      %lt3A_202 = arith.cmpi slt, %add3A_200, %lt3A_201 : i32
      %convert_element_type3A_203 = arith.extui %lt3A_202 : i1 to i32
      %cond3A_204 = arith.constant 0 : i32
      %cond3A_205 = arith.cmpi ne, %convert_element_type3A_203, %cond3A_204 : i32
      scf.if %cond3A_205 {
        %add3A_251 = arith.constant 2 : i32
        %add3A_252 = arith.addi %add3A_178, %add3A_251 : i32
        %dma_start3A_253 = arith.constant 0 : i32
        %dma_start3A_254 = tpu.memref_slice %arg6[%add3A_252, %dma_start3A_253] : memref<80x128xi32, #tpu.memory_space<vmem>> -> memref<1x128xi32, #tpu.memory_space<vmem>>
        %dma_start3A_255 = tpu.memref_squeeze %dma_start3A_254 : memref<1x128xi32, #tpu.memory_space<vmem>> -> memref<128xi32, #tpu.memory_space<vmem>>
        %dma_start3A_256 = arith.constant 0 : i32
        %dma_start3A_257 = arith.constant 0 : i32
        %dma_start3A_258 = tpu.memref_slice %arg2[%dma_start3A_256, %dma_start3A_257] : memref<10000x128xf32, #tpu.memory_space<hbm>> -> memref<10000x128xf32, #tpu.memory_space<hbm>>
        tpu.enqueue_indirect_dma source(%dma_start3A_258 : memref<10000x128xf32, #tpu.memory_space<hbm>>) target(%arg8 : memref<128x128xf32, #tpu.memory_space<vmem>>) offsets(%dma_start3A_255 : memref<128xi32, #tpu.memory_space<vmem>>) semaphore(%arg11 : memref<!tpu.dma_semaphore, #tpu.memory_space<semaphore_mem>>)
      } else {
      }
      %add3A_206 = arith.constant 4 : i32
      %add3A_207 = arith.addi %add3A_178, %add3A_206 : i32
      %lt3A_208 = arith.constant 80 : i32
      %lt3A_209 = arith.cmpi slt, %add3A_207, %lt3A_208 : i32
      %convert_element_type3A_210 = arith.extui %lt3A_209 : i1 to i32
      %cond3A_211 = arith.constant 0 : i32
      %cond3A_212 = arith.cmpi ne, %convert_element_type3A_210, %cond3A_211 : i32
      scf.if %cond3A_212 {
        %add3A_251 = arith.constant 4 : i32
        %add3A_252 = arith.addi %add3A_178, %add3A_251 : i32
        %dma_start3A_253 = arith.constant 2 : i32
        %dma_start3A_254 = arith.constant 0 : i32
        %dma_start3A_255 = tpu.memref_slice %arg7[%dma_start3A_253, %dma_start3A_254] : memref<4x128xi32, #tpu.memory_space<vmem>> -> memref<1x128xi32, #tpu.memory_space<vmem>>
        %dma_start3A_256 = tpu.memref_squeeze %dma_start3A_255 : memref<1x128xi32, #tpu.memory_space<vmem>> -> memref<128xi32, #tpu.memory_space<vmem>>
        %dma_start3A_257 = arith.constant 0 : i32
        %dma_start3A_258 = tpu.memref_slice %arg4[%arg0, %arg1, %add3A_252, %dma_start3A_257] : memref<2x16x80x128xi32, #tpu.memory_space<hbm>> -> memref<1x1x1x128xi32, #tpu.memory_space<hbm>>
        %dma_start3A_259 = tpu.memref_squeeze %dma_start3A_258 : memref<1x1x1x128xi32, #tpu.memory_space<hbm>> -> memref<128xi32, #tpu.memory_space<hbm>>
        %dma_start3A_260 = arith.constant 0 : i32
        %dma_start3A_261 = tpu.memref_slice %arg7[%dma_start3A_253, %dma_start3A_260] : memref<4x128xi32, #tpu.memory_space<vmem>> -> memref<1x128xi32, #tpu.memory_space<vmem>>
        %dma_start3A_262 = tpu.memref_squeeze %dma_start3A_261 : memref<1x128xi32, #tpu.memory_space<vmem>> -> memref<128xi32, #tpu.memory_space<vmem>>
        %dma_start3A_263 = arith.constant 0 : i32
        %dma_start3A_264 = tpu.memref_slice %arg4[%arg0, %arg1, %add3A_252, %dma_start3A_263] : memref<2x16x80x128xi32, #tpu.memory_space<hbm>> -> memref<1x1x1x128xi32, #tpu.memory_space<hbm>>
        %dma_start3A_265 = tpu.memref_squeeze %dma_start3A_264 : memref<1x1x1x128xi32, #tpu.memory_space<hbm>> -> memref<128xi32, #tpu.memory_space<hbm>>
        tpu.enqueue_dma source(%dma_start3A_265 : memref<128xi32, #tpu.memory_space<hbm>>) target(%dma_start3A_262 : memref<128xi32, #tpu.memory_space<vmem>>) target_semaphore(%arg15 : memref<!tpu.dma_semaphore, #tpu.memory_space<semaphore_mem>>)
      } else {
      }
      %mul3A_213 = arith.constant 4 : i32
      %mul3A_214 = arith.muli %add3A_103, %mul3A_213 : i32
      %add3A_215 = arith.constant 3 : i32
      %add3A_216 = arith.addi %mul3A_214, %add3A_215 : i32
      %dma_wait3A_217 = arith.constant 0 : i32
      %dma_wait3A_218 = tpu.memref_slice %arg6[%add3A_216, %dma_wait3A_217] : memref<80x128xi32, #tpu.memory_space<vmem>> -> memref<1x128xi32, #tpu.memory_space<vmem>>
      %dma_wait3A_219 = tpu.memref_squeeze %dma_wait3A_218 : memref<1x128xi32, #tpu.memory_space<vmem>> -> memref<128xi32, #tpu.memory_space<vmem>>
      %dma_wait3A_220 = arith.constant 0 : i32
      %dma_wait3A_221 = arith.constant 0 : i32
      %dma_wait3A_222 = tpu.memref_slice %arg2[%dma_wait3A_220, %dma_wait3A_221] : memref<10000x128xf32, #tpu.memory_space<hbm>> -> memref<10000x128xf32, #tpu.memory_space<hbm>>
      tpu.wait_indirect_dma semaphore(%arg12 : memref<!tpu.dma_semaphore, #tpu.memory_space<semaphore_mem>>) src(%dma_wait3A_222 : memref<10000x128xf32, #tpu.memory_space<hbm>>) dst(%arg9 : memref<128x128xf32, #tpu.memory_space<vmem>>)
      %dma_wait3A_223 = arith.constant 3 : i32
      %dma_wait3A_224 = arith.constant 0 : i32
      %dma_wait3A_225 = tpu.memref_slice %arg7[%dma_wait3A_223, %dma_wait3A_224] : memref<4x128xi32, #tpu.memory_space<vmem>> -> memref<1x128xi32, #tpu.memory_space<vmem>>
      %dma_wait3A_226 = tpu.memref_squeeze %dma_wait3A_225 : memref<1x128xi32, #tpu.memory_space<vmem>> -> memref<128xi32, #tpu.memory_space<vmem>>
      %dma_wait3A_227 = arith.constant 0 : i32
      %dma_wait3A_228 = tpu.memref_slice %arg4[%arg0, %arg1, %add3A_216, %dma_wait3A_227] : memref<2x16x80x128xi32, #tpu.memory_space<hbm>> -> memref<1x1x1x128xi32, #tpu.memory_space<hbm>>
      %dma_wait3A_229 = tpu.memref_squeeze %dma_wait3A_228 : memref<1x1x1x128xi32, #tpu.memory_space<hbm>> -> memref<128xi32, #tpu.memory_space<hbm>>
      %dma_wait3A_230 = arith.constant 0 : i32
      %dma_wait3A_231 = tpu.memref_slice %arg7[%dma_wait3A_223, %dma_wait3A_230] : memref<4x128xi32, #tpu.memory_space<vmem>> -> memref<1x128xi32, #tpu.memory_space<vmem>>
      %dma_wait3A_232 = tpu.memref_squeeze %dma_wait3A_231 : memref<1x128xi32, #tpu.memory_space<vmem>> -> memref<128xi32, #tpu.memory_space<vmem>>
      %dma_wait3A_233 = arith.constant 0 : i32
      %dma_wait3A_234 = tpu.memref_slice %arg4[%arg0, %arg1, %add3A_216, %dma_wait3A_233] : memref<2x16x80x128xi32, #tpu.memory_space<hbm>> -> memref<1x1x1x128xi32, #tpu.memory_space<hbm>>
      %dma_wait3A_235 = tpu.memref_squeeze %dma_wait3A_234 : memref<1x1x1x128xi32, #tpu.memory_space<hbm>> -> memref<128xi32, #tpu.memory_space<hbm>>
      tpu.wait_dma2 semaphore(%arg16 : memref<!tpu.dma_semaphore, #tpu.memory_space<semaphore_mem>>) src(%dma_wait3A_235 : memref<128xi32, #tpu.memory_space<hbm>>) dst(%dma_wait3A_232 : memref<128xi32, #tpu.memory_space<vmem>>)
      %run_scoped3A_236 = arith.constant 3 : i32
      "tpu.region"() ({
        %run_scoped3A_251 = tpu.sem_alloc : memref<!tpu.dma_semaphore, #tpu.memory_space<semaphore_mem>>
        %dma_start3A_252 = arith.constant 0 : i32
        %dma_start3A_253 = tpu.memref_slice %arg7[%run_scoped3A_236, %dma_start3A_252] : memref<4x128xi32, #tpu.memory_space<vmem>> -> memref<1x128xi32, #tpu.memory_space<vmem>>
        %dma_start3A_254 = tpu.memref_squeeze %dma_start3A_253 : memref<1x128xi32, #tpu.memory_space<vmem>> -> memref<128xi32, #tpu.memory_space<vmem>>
        %dma_start3A_255 = arith.constant 0 : i32
        %dma_start3A_256 = arith.constant 0 : i32
        %dma_start3A_257 = tpu.memref_slice %arg10[%dma_start3A_255, %dma_start3A_256] : memref<10112x128xf32, #tpu.memory_space<vmem_shared>> -> memref<10112x128xf32, #tpu.memory_space<vmem_shared>>
        tpu.enqueue_indirect_dma source(%arg9 : memref<128x128xf32, #tpu.memory_space<vmem>>) target(%dma_start3A_257 : memref<10112x128xf32, #tpu.memory_space<vmem_shared>>) offsets(%dma_start3A_254 : memref<128xi32, #tpu.memory_space<vmem>>) semaphore(%run_scoped3A_251 : memref<!tpu.dma_semaphore, #tpu.memory_space<semaphore_mem>>) {add = true}
        %dma_wait3A_258 = arith.constant 0 : i32
        %dma_wait3A_259 = tpu.memref_slice %arg7[%run_scoped3A_236, %dma_wait3A_258] : memref<4x128xi32, #tpu.memory_space<vmem>> -> memref<1x128xi32, #tpu.memory_space<vmem>>
        %dma_wait3A_260 = tpu.memref_squeeze %dma_wait3A_259 : memref<1x128xi32, #tpu.memory_space<vmem>> -> memref<128xi32, #tpu.memory_space<vmem>>
        %dma_wait3A_261 = arith.constant 0 : i32
        %dma_wait3A_262 = arith.constant 0 : i32
        %dma_wait3A_263 = tpu.memref_slice %arg10[%dma_wait3A_261, %dma_wait3A_262] : memref<10112x128xf32, #tpu.memory_space<vmem_shared>> -> memref<10112x128xf32, #tpu.memory_space<vmem_shared>>
        tpu.wait_indirect_dma semaphore(%run_scoped3A_251 : memref<!tpu.dma_semaphore, #tpu.memory_space<semaphore_mem>>) src(%arg9 : memref<128x128xf32, #tpu.memory_space<vmem>>) dst(%dma_wait3A_263 : memref<10112x128xf32, #tpu.memory_space<vmem_shared>>)
        tpu.yield
      }) : () -> ()
      %add3A_237 = arith.constant 2 : i32
      %add3A_238 = arith.addi %add3A_216, %add3A_237 : i32
      %lt3A_239 = arith.constant 80 : i32
      %lt3A_240 = arith.cmpi slt, %add3A_238, %lt3A_239 : i32
      %convert_element_type3A_241 = arith.extui %lt3A_240 : i1 to i32
      %cond3A_242 = arith.constant 0 : i32
      %cond3A_243 = arith.cmpi ne, %convert_element_type3A_241, %cond3A_242 : i32
      scf.if %cond3A_243 {
        %add3A_251 = arith.constant 2 : i32
        %add3A_252 = arith.addi %add3A_216, %add3A_251 : i32
        %dma_start3A_253 = arith.constant 0 : i32
        %dma_start3A_254 = tpu.memref_slice %arg6[%add3A_252, %dma_start3A_253] : memref<80x128xi32, #tpu.memory_space<vmem>> -> memref<1x128xi32, #tpu.memory_space<vmem>>
        %dma_start3A_255 = tpu.memref_squeeze %dma_start3A_254 : memref<1x128xi32, #tpu.memory_space<vmem>> -> memref<128xi32, #tpu.memory_space<vmem>>
        %dma_start3A_256 = arith.constant 0 : i32
        %dma_start3A_257 = arith.constant 0 : i32
        %dma_start3A_258 = tpu.memref_slice %arg2[%dma_start3A_256, %dma_start3A_257] : memref<10000x128xf32, #tpu.memory_space<hbm>> -> memref<10000x128xf32, #tpu.memory_space<hbm>>
        tpu.enqueue_indirect_dma source(%dma_start3A_258 : memref<10000x128xf32, #tpu.memory_space<hbm>>) target(%arg9 : memref<128x128xf32, #tpu.memory_space<vmem>>) offsets(%dma_start3A_255 : memref<128xi32, #tpu.memory_space<vmem>>) semaphore(%arg12 : memref<!tpu.dma_semaphore, #tpu.memory_space<semaphore_mem>>)
      } else {
      }
      %add3A_244 = arith.constant 4 : i32
      %add3A_245 = arith.addi %add3A_216, %add3A_244 : i32
      %lt3A_246 = arith.constant 80 : i32
      %lt3A_247 = arith.cmpi slt, %add3A_245, %lt3A_246 : i32
      %convert_element_type3A_248 = arith.extui %lt3A_247 : i1 to i32
      %cond3A_249 = arith.constant 0 : i32
      %cond3A_250 = arith.cmpi ne, %convert_element_type3A_248, %cond3A_249 : i32
      scf.if %cond3A_250 {
        %add3A_251 = arith.constant 4 : i32
        %add3A_252 = arith.addi %add3A_216, %add3A_251 : i32
        %dma_start3A_253 = arith.constant 3 : i32
        %dma_start3A_254 = arith.constant 0 : i32
        %dma_start3A_255 = tpu.memref_slice %arg7[%dma_start3A_253, %dma_start3A_254] : memref<4x128xi32, #tpu.memory_space<vmem>> -> memref<1x128xi32, #tpu.memory_space<vmem>>
        %dma_start3A_256 = tpu.memref_squeeze %dma_start3A_255 : memref<1x128xi32, #tpu.memory_space<vmem>> -> memref<128xi32, #tpu.memory_space<vmem>>
        %dma_start3A_257 = arith.constant 0 : i32
        %dma_start3A_258 = tpu.memref_slice %arg4[%arg0, %arg1, %add3A_252, %dma_start3A_257] : memref<2x16x80x128xi32, #tpu.memory_space<hbm>> -> memref<1x1x1x128xi32, #tpu.memory_space<hbm>>
        %dma_start3A_259 = tpu.memref_squeeze %dma_start3A_258 : memref<1x1x1x128xi32, #tpu.memory_space<hbm>> -> memref<128xi32, #tpu.memory_space<hbm>>
        %dma_start3A_260 = arith.constant 0 : i32
        %dma_start3A_261 = tpu.memref_slice %arg7[%dma_start3A_253, %dma_start3A_260] : memref<4x128xi32, #tpu.memory_space<vmem>> -> memref<1x128xi32, #tpu.memory_space<vmem>>
        %dma_start3A_262 = tpu.memref_squeeze %dma_start3A_261 : memref<1x128xi32, #tpu.memory_space<vmem>> -> memref<128xi32, #tpu.memory_space<vmem>>
        %dma_start3A_263 = arith.constant 0 : i32
        %dma_start3A_264 = tpu.memref_slice %arg4[%arg0, %arg1, %add3A_252, %dma_start3A_263] : memref<2x16x80x128xi32, #tpu.memory_space<hbm>> -> memref<1x1x1x128xi32, #tpu.memory_space<hbm>>
        %dma_start3A_265 = tpu.memref_squeeze %dma_start3A_264 : memref<1x1x1x128xi32, #tpu.memory_space<hbm>> -> memref<128xi32, #tpu.memory_space<hbm>>
        tpu.enqueue_dma source(%dma_start3A_265 : memref<128xi32, #tpu.memory_space<hbm>>) target(%dma_start3A_262 : memref<128xi32, #tpu.memory_space<vmem>>) target_semaphore(%arg16 : memref<!tpu.dma_semaphore, #tpu.memory_space<semaphore_mem>>)
      } else {
      }
    }
    %scan3A_87 = arith.constant 20 : i32
    %barrier3A_88 = arith.constant 0 : index
    tpu.barrier barrier_id(%barrier3A_88)
    %add3A_89 = arith.constant 0 : i32
    %add3A_90 = arith.addi %mul3A_4, %add3A_89 : i32
    "tpu.region"() ({
      %run_scoped3A = tpu.sem_alloc : memref<!tpu.dma_semaphore, #tpu.memory_space<semaphore_mem>>
      %dma_start3A_99 = arith.constant 0 : i32
      %dma_start3A_100 = arith.constant 0 : i32
      %dma_start3A_101 = tpu.memref_slice %arg8[%dma_start3A_99, %dma_start3A_100] : memref<128x128xf32, #tpu.memory_space<vmem>> -> memref<128x128xf32, #tpu.memory_space<vmem>>
      %dma_start3A_102 = arith.constant 0 : i32
      %dma_start3A_103 = tpu.memref_slice %arg10[%add3A_90, %dma_start3A_102] : memref<10112x128xf32, #tpu.memory_space<vmem_shared>> -> memref<128x128xf32, #tpu.memory_space<vmem_shared>>
      %dma_start3A_104 = arith.constant 0 : i32
      %dma_start3A_105 = arith.constant 0 : i32
      %dma_start3A_106 = tpu.memref_slice %arg8[%dma_start3A_104, %dma_start3A_105] : memref<128x128xf32, #tpu.memory_space<vmem>> -> memref<128x128xf32, #tpu.memory_space<vmem>>
      %dma_start3A_107 = arith.constant 0 : i32
      %dma_start3A_108 = tpu.memref_slice %arg10[%add3A_90, %dma_start3A_107] : memref<10112x128xf32, #tpu.memory_space<vmem_shared>> -> memref<128x128xf32, #tpu.memory_space<vmem_shared>>
      tpu.enqueue_dma source(%dma_start3A_108 : memref<128x128xf32, #tpu.memory_space<vmem_shared>>) target(%dma_start3A_106 : memref<128x128xf32, #tpu.memory_space<vmem>>) target_semaphore(%run_scoped3A : memref<!tpu.dma_semaphore, #tpu.memory_space<semaphore_mem>>)
      %dma_wait3A = arith.constant 0 : i32
      %dma_wait3A_109 = arith.constant 0 : i32
      %dma_wait3A_110 = tpu.memref_slice %arg8[%dma_wait3A, %dma_wait3A_109] : memref<128x128xf32, #tpu.memory_space<vmem>> -> memref<128x128xf32, #tpu.memory_space<vmem>>
      %dma_wait3A_111 = arith.constant 0 : i32
      %dma_wait3A_112 = tpu.memref_slice %arg10[%add3A_90, %dma_wait3A_111] : memref<10112x128xf32, #tpu.memory_space<vmem_shared>> -> memref<128x128xf32, #tpu.memory_space<vmem_shared>>
      %dma_wait3A_113 = arith.constant 0 : i32
      %dma_wait3A_114 = arith.constant 0 : i32
      %dma_wait3A_115 = tpu.memref_slice %arg8[%dma_wait3A_113, %dma_wait3A_114] : memref<128x128xf32, #tpu.memory_space<vmem>> -> memref<128x128xf32, #tpu.memory_space<vmem>>
      %dma_wait3A_116 = arith.constant 0 : i32
      %dma_wait3A_117 = tpu.memref_slice %arg10[%add3A_90, %dma_wait3A_116] : memref<10112x128xf32, #tpu.memory_space<vmem_shared>> -> memref<128x128xf32, #tpu.memory_space<vmem_shared>>
      tpu.wait_dma2 semaphore(%run_scoped3A : memref<!tpu.dma_semaphore, #tpu.memory_space<semaphore_mem>>) src(%dma_wait3A_117 : memref<128x128xf32, #tpu.memory_space<vmem_shared>>) dst(%dma_wait3A_115 : memref<128x128xf32, #tpu.memory_space<vmem>>)
      tpu.yield
    }) : () -> ()
    "tpu.region"() ({
      %run_scoped3A = tpu.sem_alloc : memref<!tpu.dma_semaphore, #tpu.memory_space<semaphore_mem>>
      %dma_start3A_99 = arith.constant 0 : i32
      %dma_start3A_100 = arith.constant 0 : i32
      %dma_start3A_101 = tpu.memref_slice %arg8[%dma_start3A_99, %dma_start3A_100] : memref<128x128xf32, #tpu.memory_space<vmem>> -> memref<128x128xf32, #tpu.memory_space<vmem>>
      %dma_start3A_102 = arith.constant 0 : i32
      %dma_start3A_103 = arith.constant 0 : i32
      %dma_start3A_104 = tpu.memref_slice %arg5[%arg0, %dma_start3A_102, %dma_start3A_103] : memref<2x10112x128xf32, #tpu.memory_space<hbm>> -> memref<1x10112x128xf32, #tpu.memory_space<hbm>>
      %dma_start3A_105 = tpu.memref_squeeze %dma_start3A_104 : memref<1x10112x128xf32, #tpu.memory_space<hbm>> -> memref<10112x128xf32, #tpu.memory_space<hbm>>
      %dma_start3A_106 = arith.constant 0 : i32
      %dma_start3A_107 = tpu.memref_slice %dma_start3A_105[%add3A_90, %dma_start3A_106] : memref<10112x128xf32, #tpu.memory_space<hbm>> -> memref<128x128xf32, #tpu.memory_space<hbm>>
      %dma_start3A_108 = arith.constant 0 : i32
      %dma_start3A_109 = arith.constant 0 : i32
      %dma_start3A_110 = tpu.memref_slice %arg5[%arg0, %dma_start3A_108, %dma_start3A_109] : memref<2x10112x128xf32, #tpu.memory_space<hbm>> -> memref<1x10112x128xf32, #tpu.memory_space<hbm>>
      %dma_start3A_111 = tpu.memref_squeeze %dma_start3A_110 : memref<1x10112x128xf32, #tpu.memory_space<hbm>> -> memref<10112x128xf32, #tpu.memory_space<hbm>>
      %dma_start3A_112 = arith.constant 0 : i32
      %dma_start3A_113 = tpu.memref_slice %dma_start3A_111[%add3A_90, %dma_start3A_112] : memref<10112x128xf32, #tpu.memory_space<hbm>> -> memref<128x128xf32, #tpu.memory_space<hbm>>
      %dma_start3A_114 = arith.constant 0 : i32
      %dma_start3A_115 = arith.constant 0 : i32
      %dma_start3A_116 = tpu.memref_slice %arg8[%dma_start3A_114, %dma_start3A_115] : memref<128x128xf32, #tpu.memory_space<vmem>> -> memref<128x128xf32, #tpu.memory_space<vmem>>
      tpu.enqueue_dma source(%dma_start3A_116 : memref<128x128xf32, #tpu.memory_space<vmem>>) target(%dma_start3A_113 : memref<128x128xf32, #tpu.memory_space<hbm>>) target_semaphore(%run_scoped3A : memref<!tpu.dma_semaphore, #tpu.memory_space<semaphore_mem>>)
      %dma_wait3A = arith.constant 0 : i32
      %dma_wait3A_117 = arith.constant 0 : i32
      %dma_wait3A_118 = tpu.memref_slice %arg8[%dma_wait3A, %dma_wait3A_117] : memref<128x128xf32, #tpu.memory_space<vmem>> -> memref<128x128xf32, #tpu.memory_space<vmem>>
      %dma_wait3A_119 = arith.constant 0 : i32
      %dma_wait3A_120 = arith.constant 0 : i32
      %dma_wait3A_121 = tpu.memref_slice %arg5[%arg0, %dma_wait3A_119, %dma_wait3A_120] : memref<2x10112x128xf32, #tpu.memory_space<hbm>> -> memref<1x10112x128xf32, #tpu.memory_space<hbm>>
      %dma_wait3A_122 = tpu.memref_squeeze %dma_wait3A_121 : memref<1x10112x128xf32, #tpu.memory_space<hbm>> -> memref<10112x128xf32, #tpu.memory_space<hbm>>
      %dma_wait3A_123 = arith.constant 0 : i32
      %dma_wait3A_124 = tpu.memref_slice %dma_wait3A_122[%add3A_90, %dma_wait3A_123] : memref<10112x128xf32, #tpu.memory_space<hbm>> -> memref<128x128xf32, #tpu.memory_space<hbm>>
      %dma_wait3A_125 = arith.constant 0 : i32
      %dma_wait3A_126 = arith.constant 0 : i32
      %dma_wait3A_127 = tpu.memref_slice %arg5[%arg0, %dma_wait3A_125, %dma_wait3A_126] : memref<2x10112x128xf32, #tpu.memory_space<hbm>> -> memref<1x10112x128xf32, #tpu.memory_space<hbm>>
      %dma_wait3A_128 = tpu.memref_squeeze %dma_wait3A_127 : memref<1x10112x128xf32, #tpu.memory_space<hbm>> -> memref<10112x128xf32, #tpu.memory_space<hbm>>
      %dma_wait3A_129 = arith.constant 0 : i32
      %dma_wait3A_130 = tpu.memref_slice %dma_wait3A_128[%add3A_90, %dma_wait3A_129] : memref<10112x128xf32, #tpu.memory_space<hbm>> -> memref<128x128xf32, #tpu.memory_space<hbm>>
      %dma_wait3A_131 = arith.constant 0 : i32
      %dma_wait3A_132 = arith.constant 0 : i32
      %dma_wait3A_133 = tpu.memref_slice %arg8[%dma_wait3A_131, %dma_wait3A_132] : memref<128x128xf32, #tpu.memory_space<vmem>> -> memref<128x128xf32, #tpu.memory_space<vmem>>
      tpu.wait_dma2 semaphore(%run_scoped3A : memref<!tpu.dma_semaphore, #tpu.memory_space<semaphore_mem>>) src(%dma_wait3A_133 : memref<128x128xf32, #tpu.memory_space<vmem>>) dst(%dma_wait3A_130 : memref<128x128xf32, #tpu.memory_space<hbm>>)
      tpu.yield
    }) : () -> ()
    %add3A_91 = arith.constant 128 : i32
    %add3A_92 = arith.addi %mul3A_4, %add3A_91 : i32
    "tpu.region"() ({
      %run_scoped3A = tpu.sem_alloc : memref<!tpu.dma_semaphore, #tpu.memory_space<semaphore_mem>>
      %dma_start3A_99 = arith.constant 0 : i32
      %dma_start3A_100 = arith.constant 0 : i32
      %dma_start3A_101 = tpu.memref_slice %arg8[%dma_start3A_99, %dma_start3A_100] : memref<128x128xf32, #tpu.memory_space<vmem>> -> memref<128x128xf32, #tpu.memory_space<vmem>>
      %dma_start3A_102 = arith.constant 0 : i32
      %dma_start3A_103 = tpu.memref_slice %arg10[%add3A_92, %dma_start3A_102] : memref<10112x128xf32, #tpu.memory_space<vmem_shared>> -> memref<128x128xf32, #tpu.memory_space<vmem_shared>>
      %dma_start3A_104 = arith.constant 0 : i32
      %dma_start3A_105 = arith.constant 0 : i32
      %dma_start3A_106 = tpu.memref_slice %arg8[%dma_start3A_104, %dma_start3A_105] : memref<128x128xf32, #tpu.memory_space<vmem>> -> memref<128x128xf32, #tpu.memory_space<vmem>>
      %dma_start3A_107 = arith.constant 0 : i32
      %dma_start3A_108 = tpu.memref_slice %arg10[%add3A_92, %dma_start3A_107] : memref<10112x128xf32, #tpu.memory_space<vmem_shared>> -> memref<128x128xf32, #tpu.memory_space<vmem_shared>>
      tpu.enqueue_dma source(%dma_start3A_108 : memref<128x128xf32, #tpu.memory_space<vmem_shared>>) target(%dma_start3A_106 : memref<128x128xf32, #tpu.memory_space<vmem>>) target_semaphore(%run_scoped3A : memref<!tpu.dma_semaphore, #tpu.memory_space<semaphore_mem>>)
      %dma_wait3A = arith.constant 0 : i32
      %dma_wait3A_109 = arith.constant 0 : i32
      %dma_wait3A_110 = tpu.memref_slice %arg8[%dma_wait3A, %dma_wait3A_109] : memref<128x128xf32, #tpu.memory_space<vmem>> -> memref<128x128xf32, #tpu.memory_space<vmem>>
      %dma_wait3A_111 = arith.constant 0 : i32
      %dma_wait3A_112 = tpu.memref_slice %arg10[%add3A_92, %dma_wait3A_111] : memref<10112x128xf32, #tpu.memory_space<vmem_shared>> -> memref<128x128xf32, #tpu.memory_space<vmem_shared>>
      %dma_wait3A_113 = arith.constant 0 : i32
      %dma_wait3A_114 = arith.constant 0 : i32
      %dma_wait3A_115 = tpu.memref_slice %arg8[%dma_wait3A_113, %dma_wait3A_114] : memref<128x128xf32, #tpu.memory_space<vmem>> -> memref<128x128xf32, #tpu.memory_space<vmem>>
      %dma_wait3A_116 = arith.constant 0 : i32
      %dma_wait3A_117 = tpu.memref_slice %arg10[%add3A_92, %dma_wait3A_116] : memref<10112x128xf32, #tpu.memory_space<vmem_shared>> -> memref<128x128xf32, #tpu.memory_space<vmem_shared>>
      tpu.wait_dma2 semaphore(%run_scoped3A : memref<!tpu.dma_semaphore, #tpu.memory_space<semaphore_mem>>) src(%dma_wait3A_117 : memref<128x128xf32, #tpu.memory_space<vmem_shared>>) dst(%dma_wait3A_115 : memref<128x128xf32, #tpu.memory_space<vmem>>)
      tpu.yield
    }) : () -> ()
    "tpu.region"() ({
      %run_scoped3A = tpu.sem_alloc : memref<!tpu.dma_semaphore, #tpu.memory_space<semaphore_mem>>
      %dma_start3A_99 = arith.constant 0 : i32
      %dma_start3A_100 = arith.constant 0 : i32
      %dma_start3A_101 = tpu.memref_slice %arg8[%dma_start3A_99, %dma_start3A_100] : memref<128x128xf32, #tpu.memory_space<vmem>> -> memref<128x128xf32, #tpu.memory_space<vmem>>
      %dma_start3A_102 = arith.constant 0 : i32
      %dma_start3A_103 = arith.constant 0 : i32
      %dma_start3A_104 = tpu.memref_slice %arg5[%arg0, %dma_start3A_102, %dma_start3A_103] : memref<2x10112x128xf32, #tpu.memory_space<hbm>> -> memref<1x10112x128xf32, #tpu.memory_space<hbm>>
      %dma_start3A_105 = tpu.memref_squeeze %dma_start3A_104 : memref<1x10112x128xf32, #tpu.memory_space<hbm>> -> memref<10112x128xf32, #tpu.memory_space<hbm>>
      %dma_start3A_106 = arith.constant 0 : i32
      %dma_start3A_107 = tpu.memref_slice %dma_start3A_105[%add3A_92, %dma_start3A_106] : memref<10112x128xf32, #tpu.memory_space<hbm>> -> memref<128x128xf32, #tpu.memory_space<hbm>>
      %dma_start3A_108 = arith.constant 0 : i32
      %dma_start3A_109 = arith.constant 0 : i32
      %dma_start3A_110 = tpu.memref_slice %arg5[%arg0, %dma_start3A_108, %dma_start3A_109] : memref<2x10112x128xf32, #tpu.memory_space<hbm>> -> memref<1x10112x128xf32, #tpu.memory_space<hbm>>
      %dma_start3A_111 = tpu.memref_squeeze %dma_start3A_110 : memref<1x10112x128xf32, #tpu.memory_space<hbm>> -> memref<10112x128xf32, #tpu.memory_space<hbm>>
      %dma_start3A_112 = arith.constant 0 : i32
      %dma_start3A_113 = tpu.memref_slice %dma_start3A_111[%add3A_92, %dma_start3A_112] : memref<10112x128xf32, #tpu.memory_space<hbm>> -> memref<128x128xf32, #tpu.memory_space<hbm>>
      %dma_start3A_114 = arith.constant 0 : i32
      %dma_start3A_115 = arith.constant 0 : i32
      %dma_start3A_116 = tpu.memref_slice %arg8[%dma_start3A_114, %dma_start3A_115] : memref<128x128xf32, #tpu.memory_space<vmem>> -> memref<128x128xf32, #tpu.memory_space<vmem>>
      tpu.enqueue_dma source(%dma_start3A_116 : memref<128x128xf32, #tpu.memory_space<vmem>>) target(%dma_start3A_113 : memref<128x128xf32, #tpu.memory_space<hbm>>) target_semaphore(%run_scoped3A : memref<!tpu.dma_semaphore, #tpu.memory_space<semaphore_mem>>)
      %dma_wait3A = arith.constant 0 : i32
      %dma_wait3A_117 = arith.constant 0 : i32
      %dma_wait3A_118 = tpu.memref_slice %arg8[%dma_wait3A, %dma_wait3A_117] : memref<128x128xf32, #tpu.memory_space<vmem>> -> memref<128x128xf32, #tpu.memory_space<vmem>>
      %dma_wait3A_119 = arith.constant 0 : i32
      %dma_wait3A_120 = arith.constant 0 : i32
      %dma_wait3A_121 = tpu.memref_slice %arg5[%arg0, %dma_wait3A_119, %dma_wait3A_120] : memref<2x10112x128xf32, #tpu.memory_space<hbm>> -> memref<1x10112x128xf32, #tpu.memory_space<hbm>>
      %dma_wait3A_122 = tpu.memref_squeeze %dma_wait3A_121 : memref<1x10112x128xf32, #tpu.memory_space<hbm>> -> memref<10112x128xf32, #tpu.memory_space<hbm>>
      %dma_wait3A_123 = arith.constant 0 : i32
      %dma_wait3A_124 = tpu.memref_slice %dma_wait3A_122[%add3A_92, %dma_wait3A_123] : memref<10112x128xf32, #tpu.memory_space<hbm>> -> memref<128x128xf32, #tpu.memory_space<hbm>>
      %dma_wait3A_125 = arith.constant 0 : i32
      %dma_wait3A_126 = arith.constant 0 : i32
      %dma_wait3A_127 = tpu.memref_slice %arg5[%arg0, %dma_wait3A_125, %dma_wait3A_126] : memref<2x10112x128xf32, #tpu.memory_space<hbm>> -> memref<1x10112x128xf32, #tpu.memory_space<hbm>>
      %dma_wait3A_128 = tpu.memref_squeeze %dma_wait3A_127 : memref<1x10112x128xf32, #tpu.memory_space<hbm>> -> memref<10112x128xf32, #tpu.memory_space<hbm>>
      %dma_wait3A_129 = arith.constant 0 : i32
      %dma_wait3A_130 = tpu.memref_slice %dma_wait3A_128[%add3A_92, %dma_wait3A_129] : memref<10112x128xf32, #tpu.memory_space<hbm>> -> memref<128x128xf32, #tpu.memory_space<hbm>>
      %dma_wait3A_131 = arith.constant 0 : i32
      %dma_wait3A_132 = arith.constant 0 : i32
      %dma_wait3A_133 = tpu.memref_slice %arg8[%dma_wait3A_131, %dma_wait3A_132] : memref<128x128xf32, #tpu.memory_space<vmem>> -> memref<128x128xf32, #tpu.memory_space<vmem>>
      tpu.wait_dma2 semaphore(%run_scoped3A : memref<!tpu.dma_semaphore, #tpu.memory_space<semaphore_mem>>) src(%dma_wait3A_133 : memref<128x128xf32, #tpu.memory_space<vmem>>) dst(%dma_wait3A_130 : memref<128x128xf32, #tpu.memory_space<hbm>>)
      tpu.yield
    }) : () -> ()
    %add3A_93 = arith.constant 256 : i32
    %add3A_94 = arith.addi %mul3A_4, %add3A_93 : i32
    "tpu.region"() ({
      %run_scoped3A = tpu.sem_alloc : memref<!tpu.dma_semaphore, #tpu.memory_space<semaphore_mem>>
      %dma_start3A_99 = arith.constant 0 : i32
      %dma_start3A_100 = arith.constant 0 : i32
      %dma_start3A_101 = tpu.memref_slice %arg8[%dma_start3A_99, %dma_start3A_100] : memref<128x128xf32, #tpu.memory_space<vmem>> -> memref<128x128xf32, #tpu.memory_space<vmem>>
      %dma_start3A_102 = arith.constant 0 : i32
      %dma_start3A_103 = tpu.memref_slice %arg10[%add3A_94, %dma_start3A_102] : memref<10112x128xf32, #tpu.memory_space<vmem_shared>> -> memref<128x128xf32, #tpu.memory_space<vmem_shared>>
      %dma_start3A_104 = arith.constant 0 : i32
      %dma_start3A_105 = arith.constant 0 : i32
      %dma_start3A_106 = tpu.memref_slice %arg8[%dma_start3A_104, %dma_start3A_105] : memref<128x128xf32, #tpu.memory_space<vmem>> -> memref<128x128xf32, #tpu.memory_space<vmem>>
      %dma_start3A_107 = arith.constant 0 : i32
      %dma_start3A_108 = tpu.memref_slice %arg10[%add3A_94, %dma_start3A_107] : memref<10112x128xf32, #tpu.memory_space<vmem_shared>> -> memref<128x128xf32, #tpu.memory_space<vmem_shared>>
      tpu.enqueue_dma source(%dma_start3A_108 : memref<128x128xf32, #tpu.memory_space<vmem_shared>>) target(%dma_start3A_106 : memref<128x128xf32, #tpu.memory_space<vmem>>) target_semaphore(%run_scoped3A : memref<!tpu.dma_semaphore, #tpu.memory_space<semaphore_mem>>)
      %dma_wait3A = arith.constant 0 : i32
      %dma_wait3A_109 = arith.constant 0 : i32
      %dma_wait3A_110 = tpu.memref_slice %arg8[%dma_wait3A, %dma_wait3A_109] : memref<128x128xf32, #tpu.memory_space<vmem>> -> memref<128x128xf32, #tpu.memory_space<vmem>>
      %dma_wait3A_111 = arith.constant 0 : i32
      %dma_wait3A_112 = tpu.memref_slice %arg10[%add3A_94, %dma_wait3A_111] : memref<10112x128xf32, #tpu.memory_space<vmem_shared>> -> memref<128x128xf32, #tpu.memory_space<vmem_shared>>
      %dma_wait3A_113 = arith.constant 0 : i32
      %dma_wait3A_114 = arith.constant 0 : i32
      %dma_wait3A_115 = tpu.memref_slice %arg8[%dma_wait3A_113, %dma_wait3A_114] : memref<128x128xf32, #tpu.memory_space<vmem>> -> memref<128x128xf32, #tpu.memory_space<vmem>>
      %dma_wait3A_116 = arith.constant 0 : i32
      %dma_wait3A_117 = tpu.memref_slice %arg10[%add3A_94, %dma_wait3A_116] : memref<10112x128xf32, #tpu.memory_space<vmem_shared>> -> memref<128x128xf32, #tpu.memory_space<vmem_shared>>
      tpu.wait_dma2 semaphore(%run_scoped3A : memref<!tpu.dma_semaphore, #tpu.memory_space<semaphore_mem>>) src(%dma_wait3A_117 : memref<128x128xf32, #tpu.memory_space<vmem_shared>>) dst(%dma_wait3A_115 : memref<128x128xf32, #tpu.memory_space<vmem>>)
      tpu.yield
    }) : () -> ()
    "tpu.region"() ({
      %run_scoped3A = tpu.sem_alloc : memref<!tpu.dma_semaphore, #tpu.memory_space<semaphore_mem>>
      %dma_start3A_99 = arith.constant 0 : i32
      %dma_start3A_100 = arith.constant 0 : i32
      %dma_start3A_101 = tpu.memref_slice %arg8[%dma_start3A_99, %dma_start3A_100] : memref<128x128xf32, #tpu.memory_space<vmem>> -> memref<128x128xf32, #tpu.memory_space<vmem>>
      %dma_start3A_102 = arith.constant 0 : i32
      %dma_start3A_103 = arith.constant 0 : i32
      %dma_start3A_104 = tpu.memref_slice %arg5[%arg0, %dma_start3A_102, %dma_start3A_103] : memref<2x10112x128xf32, #tpu.memory_space<hbm>> -> memref<1x10112x128xf32, #tpu.memory_space<hbm>>
      %dma_start3A_105 = tpu.memref_squeeze %dma_start3A_104 : memref<1x10112x128xf32, #tpu.memory_space<hbm>> -> memref<10112x128xf32, #tpu.memory_space<hbm>>
      %dma_start3A_106 = arith.constant 0 : i32
      %dma_start3A_107 = tpu.memref_slice %dma_start3A_105[%add3A_94, %dma_start3A_106] : memref<10112x128xf32, #tpu.memory_space<hbm>> -> memref<128x128xf32, #tpu.memory_space<hbm>>
      %dma_start3A_108 = arith.constant 0 : i32
      %dma_start3A_109 = arith.constant 0 : i32
      %dma_start3A_110 = tpu.memref_slice %arg5[%arg0, %dma_start3A_108, %dma_start3A_109] : memref<2x10112x128xf32, #tpu.memory_space<hbm>> -> memref<1x10112x128xf32, #tpu.memory_space<hbm>>
      %dma_start3A_111 = tpu.memref_squeeze %dma_start3A_110 : memref<1x10112x128xf32, #tpu.memory_space<hbm>> -> memref<10112x128xf32, #tpu.memory_space<hbm>>
      %dma_start3A_112 = arith.constant 0 : i32
      %dma_start3A_113 = tpu.memref_slice %dma_start3A_111[%add3A_94, %dma_start3A_112] : memref<10112x128xf32, #tpu.memory_space<hbm>> -> memref<128x128xf32, #tpu.memory_space<hbm>>
      %dma_start3A_114 = arith.constant 0 : i32
      %dma_start3A_115 = arith.constant 0 : i32
      %dma_start3A_116 = tpu.memref_slice %arg8[%dma_start3A_114, %dma_start3A_115] : memref<128x128xf32, #tpu.memory_space<vmem>> -> memref<128x128xf32, #tpu.memory_space<vmem>>
      tpu.enqueue_dma source(%dma_start3A_116 : memref<128x128xf32, #tpu.memory_space<vmem>>) target(%dma_start3A_113 : memref<128x128xf32, #tpu.memory_space<hbm>>) target_semaphore(%run_scoped3A : memref<!tpu.dma_semaphore, #tpu.memory_space<semaphore_mem>>)
      %dma_wait3A = arith.constant 0 : i32
      %dma_wait3A_117 = arith.constant 0 : i32
      %dma_wait3A_118 = tpu.memref_slice %arg8[%dma_wait3A, %dma_wait3A_117] : memref<128x128xf32, #tpu.memory_space<vmem>> -> memref<128x128xf32, #tpu.memory_space<vmem>>
      %dma_wait3A_119 = arith.constant 0 : i32
      %dma_wait3A_120 = arith.constant 0 : i32
      %dma_wait3A_121 = tpu.memref_slice %arg5[%arg0, %dma_wait3A_119, %dma_wait3A_120] : memref<2x10112x128xf32, #tpu.memory_space<hbm>> -> memref<1x10112x128xf32, #tpu.memory_space<hbm>>
      %dma_wait3A_122 = tpu.memref_squeeze %dma_wait3A_121 : memref<1x10112x128xf32, #tpu.memory_space<hbm>> -> memref<10112x128xf32, #tpu.memory_space<hbm>>
      %dma_wait3A_123 = arith.constant 0 : i32
      %dma_wait3A_124 = tpu.memref_slice %dma_wait3A_122[%add3A_94, %dma_wait3A_123] : memref<10112x128xf32, #tpu.memory_space<hbm>> -> memref<128x128xf32, #tpu.memory_space<hbm>>
      %dma_wait3A_125 = arith.constant 0 : i32
      %dma_wait3A_126 = arith.constant 0 : i32
      %dma_wait3A_127 = tpu.memref_slice %arg5[%arg0, %dma_wait3A_125, %dma_wait3A_126] : memref<2x10112x128xf32, #tpu.memory_space<hbm>> -> memref<1x10112x128xf32, #tpu.memory_space<hbm>>
      %dma_wait3A_128 = tpu.memref_squeeze %dma_wait3A_127 : memref<1x10112x128xf32, #tpu.memory_space<hbm>> -> memref<10112x128xf32, #tpu.memory_space<hbm>>
      %dma_wait3A_129 = arith.constant 0 : i32
      %dma_wait3A_130 = tpu.memref_slice %dma_wait3A_128[%add3A_94, %dma_wait3A_129] : memref<10112x128xf32, #tpu.memory_space<hbm>> -> memref<128x128xf32, #tpu.memory_space<hbm>>
      %dma_wait3A_131 = arith.constant 0 : i32
      %dma_wait3A_132 = arith.constant 0 : i32
      %dma_wait3A_133 = tpu.memref_slice %arg8[%dma_wait3A_131, %dma_wait3A_132] : memref<128x128xf32, #tpu.memory_space<vmem>> -> memref<128x128xf32, #tpu.memory_space<vmem>>
      tpu.wait_dma2 semaphore(%run_scoped3A : memref<!tpu.dma_semaphore, #tpu.memory_space<semaphore_mem>>) src(%dma_wait3A_133 : memref<128x128xf32, #tpu.memory_space<vmem>>) dst(%dma_wait3A_130 : memref<128x128xf32, #tpu.memory_space<hbm>>)
      tpu.yield
    }) : () -> ()
    %add3A_95 = arith.constant 384 : i32
    %add3A_96 = arith.addi %mul3A_4, %add3A_95 : i32
    "tpu.region"() ({
      %run_scoped3A = tpu.sem_alloc : memref<!tpu.dma_semaphore, #tpu.memory_space<semaphore_mem>>
      %dma_start3A_99 = arith.constant 0 : i32
      %dma_start3A_100 = arith.constant 0 : i32
      %dma_start3A_101 = tpu.memref_slice %arg8[%dma_start3A_99, %dma_start3A_100] : memref<128x128xf32, #tpu.memory_space<vmem>> -> memref<128x128xf32, #tpu.memory_space<vmem>>
      %dma_start3A_102 = arith.constant 0 : i32
      %dma_start3A_103 = tpu.memref_slice %arg10[%add3A_96, %dma_start3A_102] : memref<10112x128xf32, #tpu.memory_space<vmem_shared>> -> memref<128x128xf32, #tpu.memory_space<vmem_shared>>
      %dma_start3A_104 = arith.constant 0 : i32
      %dma_start3A_105 = arith.constant 0 : i32
      %dma_start3A_106 = tpu.memref_slice %arg8[%dma_start3A_104, %dma_start3A_105] : memref<128x128xf32, #tpu.memory_space<vmem>> -> memref<128x128xf32, #tpu.memory_space<vmem>>
      %dma_start3A_107 = arith.constant 0 : i32
      %dma_start3A_108 = tpu.memref_slice %arg10[%add3A_96, %dma_start3A_107] : memref<10112x128xf32, #tpu.memory_space<vmem_shared>> -> memref<128x128xf32, #tpu.memory_space<vmem_shared>>
      tpu.enqueue_dma source(%dma_start3A_108 : memref<128x128xf32, #tpu.memory_space<vmem_shared>>) target(%dma_start3A_106 : memref<128x128xf32, #tpu.memory_space<vmem>>) target_semaphore(%run_scoped3A : memref<!tpu.dma_semaphore, #tpu.memory_space<semaphore_mem>>)
      %dma_wait3A = arith.constant 0 : i32
      %dma_wait3A_109 = arith.constant 0 : i32
      %dma_wait3A_110 = tpu.memref_slice %arg8[%dma_wait3A, %dma_wait3A_109] : memref<128x128xf32, #tpu.memory_space<vmem>> -> memref<128x128xf32, #tpu.memory_space<vmem>>
      %dma_wait3A_111 = arith.constant 0 : i32
      %dma_wait3A_112 = tpu.memref_slice %arg10[%add3A_96, %dma_wait3A_111] : memref<10112x128xf32, #tpu.memory_space<vmem_shared>> -> memref<128x128xf32, #tpu.memory_space<vmem_shared>>
      %dma_wait3A_113 = arith.constant 0 : i32
      %dma_wait3A_114 = arith.constant 0 : i32
      %dma_wait3A_115 = tpu.memref_slice %arg8[%dma_wait3A_113, %dma_wait3A_114] : memref<128x128xf32, #tpu.memory_space<vmem>> -> memref<128x128xf32, #tpu.memory_space<vmem>>
      %dma_wait3A_116 = arith.constant 0 : i32
      %dma_wait3A_117 = tpu.memref_slice %arg10[%add3A_96, %dma_wait3A_116] : memref<10112x128xf32, #tpu.memory_space<vmem_shared>> -> memref<128x128xf32, #tpu.memory_space<vmem_shared>>
      tpu.wait_dma2 semaphore(%run_scoped3A : memref<!tpu.dma_semaphore, #tpu.memory_space<semaphore_mem>>) src(%dma_wait3A_117 : memref<128x128xf32, #tpu.memory_space<vmem_shared>>) dst(%dma_wait3A_115 : memref<128x128xf32, #tpu.memory_space<vmem>>)
      tpu.yield
    }) : () -> ()
    "tpu.region"() ({
      %run_scoped3A = tpu.sem_alloc : memref<!tpu.dma_semaphore, #tpu.memory_space<semaphore_mem>>
      %dma_start3A_99 = arith.constant 0 : i32
      %dma_start3A_100 = arith.constant 0 : i32
      %dma_start3A_101 = tpu.memref_slice %arg8[%dma_start3A_99, %dma_start3A_100] : memref<128x128xf32, #tpu.memory_space<vmem>> -> memref<128x128xf32, #tpu.memory_space<vmem>>
      %dma_start3A_102 = arith.constant 0 : i32
      %dma_start3A_103 = arith.constant 0 : i32
      %dma_start3A_104 = tpu.memref_slice %arg5[%arg0, %dma_start3A_102, %dma_start3A_103] : memref<2x10112x128xf32, #tpu.memory_space<hbm>> -> memref<1x10112x128xf32, #tpu.memory_space<hbm>>
      %dma_start3A_105 = tpu.memref_squeeze %dma_start3A_104 : memref<1x10112x128xf32, #tpu.memory_space<hbm>> -> memref<10112x128xf32, #tpu.memory_space<hbm>>
      %dma_start3A_106 = arith.constant 0 : i32
      %dma_start3A_107 = tpu.memref_slice %dma_start3A_105[%add3A_96, %dma_start3A_106] : memref<10112x128xf32, #tpu.memory_space<hbm>> -> memref<128x128xf32, #tpu.memory_space<hbm>>
      %dma_start3A_108 = arith.constant 0 : i32
      %dma_start3A_109 = arith.constant 0 : i32
      %dma_start3A_110 = tpu.memref_slice %arg5[%arg0, %dma_start3A_108, %dma_start3A_109] : memref<2x10112x128xf32, #tpu.memory_space<hbm>> -> memref<1x10112x128xf32, #tpu.memory_space<hbm>>
      %dma_start3A_111 = tpu.memref_squeeze %dma_start3A_110 : memref<1x10112x128xf32, #tpu.memory_space<hbm>> -> memref<10112x128xf32, #tpu.memory_space<hbm>>
      %dma_start3A_112 = arith.constant 0 : i32
      %dma_start3A_113 = tpu.memref_slice %dma_start3A_111[%add3A_96, %dma_start3A_112] : memref<10112x128xf32, #tpu.memory_space<hbm>> -> memref<128x128xf32, #tpu.memory_space<hbm>>
      %dma_start3A_114 = arith.constant 0 : i32
      %dma_start3A_115 = arith.constant 0 : i32
      %dma_start3A_116 = tpu.memref_slice %arg8[%dma_start3A_114, %dma_start3A_115] : memref<128x128xf32, #tpu.memory_space<vmem>> -> memref<128x128xf32, #tpu.memory_space<vmem>>
      tpu.enqueue_dma source(%dma_start3A_116 : memref<128x128xf32, #tpu.memory_space<vmem>>) target(%dma_start3A_113 : memref<128x128xf32, #tpu.memory_space<hbm>>) target_semaphore(%run_scoped3A : memref<!tpu.dma_semaphore, #tpu.memory_space<semaphore_mem>>)
      %dma_wait3A = arith.constant 0 : i32
      %dma_wait3A_117 = arith.constant 0 : i32
      %dma_wait3A_118 = tpu.memref_slice %arg8[%dma_wait3A, %dma_wait3A_117] : memref<128x128xf32, #tpu.memory_space<vmem>> -> memref<128x128xf32, #tpu.memory_space<vmem>>
      %dma_wait3A_119 = arith.constant 0 : i32
      %dma_wait3A_120 = arith.constant 0 : i32
      %dma_wait3A_121 = tpu.memref_slice %arg5[%arg0, %dma_wait3A_119, %dma_wait3A_120] : memref<2x10112x128xf32, #tpu.memory_space<hbm>> -> memref<1x10112x128xf32, #tpu.memory_space<hbm>>
      %dma_wait3A_122 = tpu.memref_squeeze %dma_wait3A_121 : memref<1x10112x128xf32, #tpu.memory_space<hbm>> -> memref<10112x128xf32, #tpu.memory_space<hbm>>
      %dma_wait3A_123 = arith.constant 0 : i32
      %dma_wait3A_124 = tpu.memref_slice %dma_wait3A_122[%add3A_96, %dma_wait3A_123] : memref<10112x128xf32, #tpu.memory_space<hbm>> -> memref<128x128xf32, #tpu.memory_space<hbm>>
      %dma_wait3A_125 = arith.constant 0 : i32
      %dma_wait3A_126 = arith.constant 0 : i32
      %dma_wait3A_127 = tpu.memref_slice %arg5[%arg0, %dma_wait3A_125, %dma_wait3A_126] : memref<2x10112x128xf32, #tpu.memory_space<hbm>> -> memref<1x10112x128xf32, #tpu.memory_space<hbm>>
      %dma_wait3A_128 = tpu.memref_squeeze %dma_wait3A_127 : memref<1x10112x128xf32, #tpu.memory_space<hbm>> -> memref<10112x128xf32, #tpu.memory_space<hbm>>
      %dma_wait3A_129 = arith.constant 0 : i32
      %dma_wait3A_130 = tpu.memref_slice %dma_wait3A_128[%add3A_96, %dma_wait3A_129] : memref<10112x128xf32, #tpu.memory_space<hbm>> -> memref<128x128xf32, #tpu.memory_space<hbm>>
      %dma_wait3A_131 = arith.constant 0 : i32
      %dma_wait3A_132 = arith.constant 0 : i32
      %dma_wait3A_133 = tpu.memref_slice %arg8[%dma_wait3A_131, %dma_wait3A_132] : memref<128x128xf32, #tpu.memory_space<vmem>> -> memref<128x128xf32, #tpu.memory_space<vmem>>
      tpu.wait_dma2 semaphore(%run_scoped3A : memref<!tpu.dma_semaphore, #tpu.memory_space<semaphore_mem>>) src(%dma_wait3A_133 : memref<128x128xf32, #tpu.memory_space<vmem>>) dst(%dma_wait3A_130 : memref<128x128xf32, #tpu.memory_space<hbm>>)
      tpu.yield
    }) : () -> ()
    %add3A_97 = arith.constant 512 : i32
    %add3A_98 = arith.addi %mul3A_4, %add3A_97 : i32
    "tpu.region"() ({
      %run_scoped3A = tpu.sem_alloc : memref<!tpu.dma_semaphore, #tpu.memory_space<semaphore_mem>>
      %dma_start3A_99 = arith.constant 0 : i32
      %dma_start3A_100 = arith.constant 0 : i32
      %dma_start3A_101 = tpu.memref_slice %arg8[%dma_start3A_99, %dma_start3A_100] : memref<128x128xf32, #tpu.memory_space<vmem>> -> memref<120x128xf32, #tpu.memory_space<vmem>>
      %dma_start3A_102 = arith.constant 0 : i32
      %dma_start3A_103 = tpu.memref_slice %arg10[%add3A_98, %dma_start3A_102] : memref<10112x128xf32, #tpu.memory_space<vmem_shared>> -> memref<120x128xf32, #tpu.memory_space<vmem_shared>>
      %dma_start3A_104 = arith.constant 0 : i32
      %dma_start3A_105 = arith.constant 0 : i32
      %dma_start3A_106 = tpu.memref_slice %arg8[%dma_start3A_104, %dma_start3A_105] : memref<128x128xf32, #tpu.memory_space<vmem>> -> memref<120x128xf32, #tpu.memory_space<vmem>>
      %dma_start3A_107 = arith.constant 0 : i32
      %dma_start3A_108 = tpu.memref_slice %arg10[%add3A_98, %dma_start3A_107] : memref<10112x128xf32, #tpu.memory_space<vmem_shared>> -> memref<120x128xf32, #tpu.memory_space<vmem_shared>>
      tpu.enqueue_dma source(%dma_start3A_108 : memref<120x128xf32, #tpu.memory_space<vmem_shared>>) target(%dma_start3A_106 : memref<120x128xf32, #tpu.memory_space<vmem>>) target_semaphore(%run_scoped3A : memref<!tpu.dma_semaphore, #tpu.memory_space<semaphore_mem>>)
      %dma_wait3A = arith.constant 0 : i32
      %dma_wait3A_109 = arith.constant 0 : i32
      %dma_wait3A_110 = tpu.memref_slice %arg8[%dma_wait3A, %dma_wait3A_109] : memref<128x128xf32, #tpu.memory_space<vmem>> -> memref<120x128xf32, #tpu.memory_space<vmem>>
      %dma_wait3A_111 = arith.constant 0 : i32
      %dma_wait3A_112 = tpu.memref_slice %arg10[%add3A_98, %dma_wait3A_111] : memref<10112x128xf32, #tpu.memory_space<vmem_shared>> -> memref<120x128xf32, #tpu.memory_space<vmem_shared>>
      %dma_wait3A_113 = arith.constant 0 : i32
      %dma_wait3A_114 = arith.constant 0 : i32
      %dma_wait3A_115 = tpu.memref_slice %arg8[%dma_wait3A_113, %dma_wait3A_114] : memref<128x128xf32, #tpu.memory_space<vmem>> -> memref<120x128xf32, #tpu.memory_space<vmem>>
      %dma_wait3A_116 = arith.constant 0 : i32
      %dma_wait3A_117 = tpu.memref_slice %arg10[%add3A_98, %dma_wait3A_116] : memref<10112x128xf32, #tpu.memory_space<vmem_shared>> -> memref<120x128xf32, #tpu.memory_space<vmem_shared>>
      tpu.wait_dma2 semaphore(%run_scoped3A : memref<!tpu.dma_semaphore, #tpu.memory_space<semaphore_mem>>) src(%dma_wait3A_117 : memref<120x128xf32, #tpu.memory_space<vmem_shared>>) dst(%dma_wait3A_115 : memref<120x128xf32, #tpu.memory_space<vmem>>)
      tpu.yield
    }) : () -> ()
    "tpu.region"() ({
      %run_scoped3A = tpu.sem_alloc : memref<!tpu.dma_semaphore, #tpu.memory_space<semaphore_mem>>
      %dma_start3A_99 = arith.constant 0 : i32
      %dma_start3A_100 = arith.constant 0 : i32
      %dma_start3A_101 = tpu.memref_slice %arg8[%dma_start3A_99, %dma_start3A_100] : memref<128x128xf32, #tpu.memory_space<vmem>> -> memref<120x128xf32, #tpu.memory_space<vmem>>
      %dma_start3A_102 = arith.constant 0 : i32
      %dma_start3A_103 = arith.constant 0 : i32
      %dma_start3A_104 = tpu.memref_slice %arg5[%arg0, %dma_start3A_102, %dma_start3A_103] : memref<2x10112x128xf32, #tpu.memory_space<hbm>> -> memref<1x10112x128xf32, #tpu.memory_space<hbm>>
      %dma_start3A_105 = tpu.memref_squeeze %dma_start3A_104 : memref<1x10112x128xf32, #tpu.memory_space<hbm>> -> memref<10112x128xf32, #tpu.memory_space<hbm>>
      %dma_start3A_106 = arith.constant 0 : i32
      %dma_start3A_107 = tpu.memref_slice %dma_start3A_105[%add3A_98, %dma_start3A_106] : memref<10112x128xf32, #tpu.memory_space<hbm>> -> memref<120x128xf32, #tpu.memory_space<hbm>>
      %dma_start3A_108 = arith.constant 0 : i32
      %dma_start3A_109 = arith.constant 0 : i32
      %dma_start3A_110 = tpu.memref_slice %arg5[%arg0, %dma_start3A_108, %dma_start3A_109] : memref<2x10112x128xf32, #tpu.memory_space<hbm>> -> memref<1x10112x128xf32, #tpu.memory_space<hbm>>
      %dma_start3A_111 = tpu.memref_squeeze %dma_start3A_110 : memref<1x10112x128xf32, #tpu.memory_space<hbm>> -> memref<10112x128xf32, #tpu.memory_space<hbm>>
      %dma_start3A_112 = arith.constant 0 : i32
      %dma_start3A_113 = tpu.memref_slice %dma_start3A_111[%add3A_98, %dma_start3A_112] : memref<10112x128xf32, #tpu.memory_space<hbm>> -> memref<120x128xf32, #tpu.memory_space<hbm>>
      %dma_start3A_114 = arith.constant 0 : i32
      %dma_start3A_115 = arith.constant 0 : i32
      %dma_start3A_116 = tpu.memref_slice %arg8[%dma_start3A_114, %dma_start3A_115] : memref<128x128xf32, #tpu.memory_space<vmem>> -> memref<120x128xf32, #tpu.memory_space<vmem>>
      tpu.enqueue_dma source(%dma_start3A_116 : memref<120x128xf32, #tpu.memory_space<vmem>>) target(%dma_start3A_113 : memref<120x128xf32, #tpu.memory_space<hbm>>) target_semaphore(%run_scoped3A : memref<!tpu.dma_semaphore, #tpu.memory_space<semaphore_mem>>)
      %dma_wait3A = arith.constant 0 : i32
      %dma_wait3A_117 = arith.constant 0 : i32
      %dma_wait3A_118 = tpu.memref_slice %arg8[%dma_wait3A, %dma_wait3A_117] : memref<128x128xf32, #tpu.memory_space<vmem>> -> memref<120x128xf32, #tpu.memory_space<vmem>>
      %dma_wait3A_119 = arith.constant 0 : i32
      %dma_wait3A_120 = arith.constant 0 : i32
      %dma_wait3A_121 = tpu.memref_slice %arg5[%arg0, %dma_wait3A_119, %dma_wait3A_120] : memref<2x10112x128xf32, #tpu.memory_space<hbm>> -> memref<1x10112x128xf32, #tpu.memory_space<hbm>>
      %dma_wait3A_122 = tpu.memref_squeeze %dma_wait3A_121 : memref<1x10112x128xf32, #tpu.memory_space<hbm>> -> memref<10112x128xf32, #tpu.memory_space<hbm>>
      %dma_wait3A_123 = arith.constant 0 : i32
      %dma_wait3A_124 = tpu.memref_slice %dma_wait3A_122[%add3A_98, %dma_wait3A_123] : memref<10112x128xf32, #tpu.memory_space<hbm>> -> memref<120x128xf32, #tpu.memory_space<hbm>>
      %dma_wait3A_125 = arith.constant 0 : i32
      %dma_wait3A_126 = arith.constant 0 : i32
      %dma_wait3A_127 = tpu.memref_slice %arg5[%arg0, %dma_wait3A_125, %dma_wait3A_126] : memref<2x10112x128xf32, #tpu.memory_space<hbm>> -> memref<1x10112x128xf32, #tpu.memory_space<hbm>>
      %dma_wait3A_128 = tpu.memref_squeeze %dma_wait3A_127 : memref<1x10112x128xf32, #tpu.memory_space<hbm>> -> memref<10112x128xf32, #tpu.memory_space<hbm>>
      %dma_wait3A_129 = arith.constant 0 : i32
      %dma_wait3A_130 = tpu.memref_slice %dma_wait3A_128[%add3A_98, %dma_wait3A_129] : memref<10112x128xf32, #tpu.memory_space<hbm>> -> memref<120x128xf32, #tpu.memory_space<hbm>>
      %dma_wait3A_131 = arith.constant 0 : i32
      %dma_wait3A_132 = arith.constant 0 : i32
      %dma_wait3A_133 = tpu.memref_slice %arg8[%dma_wait3A_131, %dma_wait3A_132] : memref<128x128xf32, #tpu.memory_space<vmem>> -> memref<120x128xf32, #tpu.memory_space<vmem>>
      tpu.wait_dma2 semaphore(%run_scoped3A : memref<!tpu.dma_semaphore, #tpu.memory_space<semaphore_mem>>) src(%dma_wait3A_133 : memref<120x128xf32, #tpu.memory_space<vmem>>) dst(%dma_wait3A_130 : memref<120x128xf32, #tpu.memory_space<hbm>>)
      tpu.yield
    }) : () -> ()
    return
  }
}

module attributes {stable_mosaic.version = 14 : i64} {
  func.func @_mlp_final_body(%arg0: memref<10000x128xf32, #tpu.memory_space<vmem>>, %arg1: memref<10000x128xf32, #tpu.memory_space<vmem>>, %arg2: memref<10000x128xf32, #tpu.memory_space<vmem>>, %arg3: memref<128x128xf32, #tpu.memory_space<vmem>>, %arg4: memref<1x128xf32, #tpu.memory_space<vmem>>, %arg5: memref<1x128xf32, #tpu.memory_space<vmem>>, %arg6: memref<1x128xf32, #tpu.memory_space<vmem>>, %arg7: memref<128x128xf32, #tpu.memory_space<vmem>>, %arg8: memref<1x128xf32, #tpu.memory_space<vmem>>, %arg9: memref<128x128xf32, #tpu.memory_space<vmem>>, %arg10: memref<1x128xf32, #tpu.memory_space<vmem>>, %arg11: memref<128x64xf32, #tpu.memory_space<vmem>>, %arg12: memref<1x64xf32, #tpu.memory_space<vmem>>, %arg13: memref<10000x64xf32, #tpu.memory_space<vmem>>) attributes {dimension_semantics = [], scalar_prefetch = 0 : i64, scratch_operands = 0 : i64, tpu.core_type = #tpu.core_type<tc>} {
    %get3A = arith.constant 0 : index
    %get3A_0 = arith.constant 0 : index
    %get3A_1 = vector.load %arg0[%get3A, %get3A_0] : memref<10000x128xf32, #tpu.memory_space<vmem>>, vector<10000x128xf32>
    %get3A_2 = arith.constant 0 : index
    %get3A_3 = arith.constant 0 : index
    %get3A_4 = vector.load %arg1[%get3A_2, %get3A_3] : memref<10000x128xf32, #tpu.memory_space<vmem>>, vector<10000x128xf32>
    %add3A = arith.addf %get3A_1, %get3A_4 : vector<10000x128xf32>
    %get3A_5 = arith.constant 0 : index
    %get3A_6 = arith.constant 0 : index
    %get3A_7 = vector.load %arg2[%get3A_5, %get3A_6] : memref<10000x128xf32, #tpu.memory_space<vmem>>, vector<10000x128xf32>
    %add3A_8 = arith.addf %add3A, %get3A_7 : vector<10000x128xf32>
    %get3A_9 = arith.constant 0 : index
    %get3A_10 = arith.constant 0 : index
    %get3A_11 = vector.load %arg3[%get3A_9, %get3A_10] : memref<128x128xf32, #tpu.memory_space<vmem>>, vector<128x128xf32>
    %dot_general3A = arith.constant dense<0.000000e+00> : vector<10000x128xf32>
    %dot_general3A_12 = tpu.matmul %add3A_8, %get3A_11, %dot_general3A {dimension_numbers = #tpu.dot_dimension_numbers<[1], [0], [0], [1], [0, 0, 1, 1], [], []>, transpose_lhs_hint = false} : vector<10000x128xf32>, vector<128x128xf32>, vector<10000x128xf32> -> vector<10000x128xf32>
    %get3A_13 = arith.constant 0 : index
    %get3A_14 = arith.constant 0 : index
    %get3A_15 = vector.load %arg4[%get3A_13, %get3A_14] : memref<1x128xf32, #tpu.memory_space<vmem>>, vector<1x128xf32>
    %add3A_16 = vector.broadcast %get3A_15 : vector<1x128xf32> to vector<10000x128xf32>
    %add3A_17 = arith.addf %dot_general3A_12, %add3A_16 : vector<10000x128xf32>
    %reduce_sum3A = arith.constant dense<0.000000e+00> : vector<128xf32>
    %reduce_sum3A_18 = vector.multi_reduction <add>, %add3A_17, %reduce_sum3A [0] : vector<10000x128xf32> to vector<128xf32>
    %broadcast_in_dim3A = vector.shape_cast %reduce_sum3A_18 : vector<128xf32> to vector<1x128xf32>
    %div3A = arith.constant 1.000000e+04 : f32
    %div3A_19 = vector.broadcast %div3A : f32 to vector<1x128xf32>
    %div3A_20 = arith.divf %broadcast_in_dim3A, %div3A_19 : vector<1x128xf32>
    %sub3A = vector.broadcast %div3A_20 : vector<1x128xf32> to vector<10000x128xf32>
    %sub3A_21 = arith.subf %add3A_17, %sub3A : vector<10000x128xf32>
    %mul3A = arith.mulf %sub3A_21, %sub3A_21 : vector<10000x128xf32>
    %reduce_sum3A_22 = arith.constant dense<0.000000e+00> : vector<128xf32>
    %reduce_sum3A_23 = vector.multi_reduction <add>, %mul3A, %reduce_sum3A_22 [0] : vector<10000x128xf32> to vector<128xf32>
    %broadcast_in_dim3A_24 = vector.shape_cast %reduce_sum3A_23 : vector<128xf32> to vector<1x128xf32>
    %div3A_25 = arith.constant 1.000000e+04 : f32
    %div3A_26 = vector.broadcast %div3A_25 : f32 to vector<1x128xf32>
    %div3A_27 = arith.divf %broadcast_in_dim3A_24, %div3A_26 : vector<1x128xf32>
    %add3A_28 = arith.constant 9.99999974E-6 : f32
    %add3A_29 = vector.broadcast %add3A_28 : f32 to vector<1x128xf32>
    %add3A_30 = arith.addf %div3A_27, %add3A_29 : vector<1x128xf32>
    %rsqrt3A = math.rsqrt %add3A_30 : vector<1x128xf32>
    %mul3A_31 = vector.broadcast %rsqrt3A : vector<1x128xf32> to vector<10000x128xf32>
    %mul3A_32 = arith.mulf %sub3A_21, %mul3A_31 : vector<10000x128xf32>
    %get3A_33 = arith.constant 0 : index
    %get3A_34 = arith.constant 0 : index
    %get3A_35 = vector.load %arg5[%get3A_33, %get3A_34] : memref<1x128xf32, #tpu.memory_space<vmem>>, vector<1x128xf32>
    %mul3A_36 = vector.broadcast %get3A_35 : vector<1x128xf32> to vector<10000x128xf32>
    %mul3A_37 = arith.mulf %mul3A_32, %mul3A_36 : vector<10000x128xf32>
    %get3A_38 = arith.constant 0 : index
    %get3A_39 = arith.constant 0 : index
    %get3A_40 = vector.load %arg6[%get3A_38, %get3A_39] : memref<1x128xf32, #tpu.memory_space<vmem>>, vector<1x128xf32>
    %add3A_41 = vector.broadcast %get3A_40 : vector<1x128xf32> to vector<10000x128xf32>
    %add3A_42 = arith.addf %mul3A_37, %add3A_41 : vector<10000x128xf32>
    %max3A = arith.constant 0.000000e+00 : f32
    %max3A_43 = vector.broadcast %max3A : f32 to vector<10000x128xf32>
    %max3A_44 = arith.maximumf %add3A_42, %max3A_43 : vector<10000x128xf32>
    %get3A_45 = arith.constant 0 : index
    %get3A_46 = arith.constant 0 : index
    %get3A_47 = vector.load %arg7[%get3A_45, %get3A_46] : memref<128x128xf32, #tpu.memory_space<vmem>>, vector<128x128xf32>
    %dot_general3A_48 = arith.constant dense<0.000000e+00> : vector<10000x128xf32>
    %dot_general3A_49 = tpu.matmul %max3A_44, %get3A_47, %dot_general3A_48 {dimension_numbers = #tpu.dot_dimension_numbers<[1], [0], [0], [1], [0, 0, 1, 1], [], []>, transpose_lhs_hint = false} : vector<10000x128xf32>, vector<128x128xf32>, vector<10000x128xf32> -> vector<10000x128xf32>
    %get3A_50 = arith.constant 0 : index
    %get3A_51 = arith.constant 0 : index
    %get3A_52 = vector.load %arg8[%get3A_50, %get3A_51] : memref<1x128xf32, #tpu.memory_space<vmem>>, vector<1x128xf32>
    %add3A_53 = vector.broadcast %get3A_52 : vector<1x128xf32> to vector<10000x128xf32>
    %add3A_54 = arith.addf %dot_general3A_49, %add3A_53 : vector<10000x128xf32>
    %max3A_55 = arith.constant 0.000000e+00 : f32
    %max3A_56 = vector.broadcast %max3A_55 : f32 to vector<10000x128xf32>
    %max3A_57 = arith.maximumf %add3A_54, %max3A_56 : vector<10000x128xf32>
    %get3A_58 = arith.constant 0 : index
    %get3A_59 = arith.constant 0 : index
    %get3A_60 = vector.load %arg9[%get3A_58, %get3A_59] : memref<128x128xf32, #tpu.memory_space<vmem>>, vector<128x128xf32>
    %dot_general3A_61 = arith.constant dense<0.000000e+00> : vector<10000x128xf32>
    %dot_general3A_62 = tpu.matmul %max3A_57, %get3A_60, %dot_general3A_61 {dimension_numbers = #tpu.dot_dimension_numbers<[1], [0], [0], [1], [0, 0, 1, 1], [], []>, transpose_lhs_hint = false} : vector<10000x128xf32>, vector<128x128xf32>, vector<10000x128xf32> -> vector<10000x128xf32>
    %get3A_63 = arith.constant 0 : index
    %get3A_64 = arith.constant 0 : index
    %get3A_65 = vector.load %arg10[%get3A_63, %get3A_64] : memref<1x128xf32, #tpu.memory_space<vmem>>, vector<1x128xf32>
    %add3A_66 = vector.broadcast %get3A_65 : vector<1x128xf32> to vector<10000x128xf32>
    %add3A_67 = arith.addf %dot_general3A_62, %add3A_66 : vector<10000x128xf32>
    %max3A_68 = arith.constant 0.000000e+00 : f32
    %max3A_69 = vector.broadcast %max3A_68 : f32 to vector<10000x128xf32>
    %max3A_70 = arith.maximumf %add3A_67, %max3A_69 : vector<10000x128xf32>
    %get3A_71 = arith.constant 0 : index
    %get3A_72 = arith.constant 0 : index
    %get3A_73 = vector.load %arg11[%get3A_71, %get3A_72] : memref<128x64xf32, #tpu.memory_space<vmem>>, vector<128x64xf32>
    %dot_general3A_74 = arith.constant dense<0.000000e+00> : vector<10000x64xf32>
    %dot_general3A_75 = tpu.matmul %max3A_70, %get3A_73, %dot_general3A_74 {dimension_numbers = #tpu.dot_dimension_numbers<[1], [0], [0], [1], [0, 0, 1, 1], [], []>, transpose_lhs_hint = false} : vector<10000x128xf32>, vector<128x64xf32>, vector<10000x64xf32> -> vector<10000x64xf32>
    %get3A_76 = arith.constant 0 : index
    %get3A_77 = arith.constant 0 : index
    %get3A_78 = vector.load %arg12[%get3A_76, %get3A_77] : memref<1x64xf32, #tpu.memory_space<vmem>>, vector<1x64xf32>
    %add3A_79 = vector.broadcast %get3A_78 : vector<1x64xf32> to vector<10000x64xf32>
    %add3A_80 = arith.addf %dot_general3A_75, %add3A_79 : vector<10000x64xf32>
    %logistic3A = arith.negf %add3A_80 : vector<10000x64xf32>
    %logistic3A_81 = math.exp %logistic3A : vector<10000x64xf32>
    %logistic3A_82 = arith.constant 1.000000e+00 : f32
    %logistic3A_83 = vector.broadcast %logistic3A_82 : f32 to vector<10000x64xf32>
    %logistic3A_84 = arith.addf %logistic3A_83, %logistic3A_81 : vector<10000x64xf32>
    %logistic3A_85 = arith.divf %logistic3A_83, %logistic3A_84 : vector<10000x64xf32>
    %swap3A = arith.constant 0 : index
    %swap3A_86 = arith.constant 0 : index
    %swap3A_87 = vector.load %arg13[%swap3A, %swap3A_86] : memref<10000x64xf32, #tpu.memory_space<vmem>>, vector<10000x64xf32>
    tpu.vector_store %arg13[%swap3A, %swap3A_86], %logistic3A_85 {strides = array<i32>} : memref<10000x64xf32, #tpu.memory_space<vmem>>, vector<10000x64xf32>,
    return
  }
}

module attributes {stable_mosaic.version = 14 : i64} {
  func.func @_mlp_body(%arg0: memref<10000x128xf32, #tpu.memory_space<vmem>>, %arg1: memref<10000x128xf32, #tpu.memory_space<vmem>>, %arg2: memref<10000x128xf32, #tpu.memory_space<vmem>>, %arg3: memref<128x128xf32, #tpu.memory_space<vmem>>, %arg4: memref<1x128xf32, #tpu.memory_space<vmem>>, %arg5: memref<1x128xf32, #tpu.memory_space<vmem>>, %arg6: memref<1x128xf32, #tpu.memory_space<vmem>>, %arg7: memref<128x128xf32, #tpu.memory_space<vmem>>, %arg8: memref<1x128xf32, #tpu.memory_space<vmem>>, %arg9: memref<10000x128xf32, #tpu.memory_space<vmem>>) attributes {dimension_semantics = [], scalar_prefetch = 0 : i64, scratch_operands = 0 : i64, tpu.core_type = #tpu.core_type<tc>} {
    %get3A = arith.constant 0 : index
    %get3A_0 = arith.constant 0 : index
    %get3A_1 = vector.load %arg0[%get3A, %get3A_0] : memref<10000x128xf32, #tpu.memory_space<vmem>>, vector<10000x128xf32>
    %get3A_2 = arith.constant 0 : index
    %get3A_3 = arith.constant 0 : index
    %get3A_4 = vector.load %arg1[%get3A_2, %get3A_3] : memref<10000x128xf32, #tpu.memory_space<vmem>>, vector<10000x128xf32>
    %add3A = arith.addf %get3A_1, %get3A_4 : vector<10000x128xf32>
    %get3A_5 = arith.constant 0 : index
    %get3A_6 = arith.constant 0 : index
    %get3A_7 = vector.load %arg2[%get3A_5, %get3A_6] : memref<10000x128xf32, #tpu.memory_space<vmem>>, vector<10000x128xf32>
    %add3A_8 = arith.addf %add3A, %get3A_7 : vector<10000x128xf32>
    %get3A_9 = arith.constant 0 : index
    %get3A_10 = arith.constant 0 : index
    %get3A_11 = vector.load %arg3[%get3A_9, %get3A_10] : memref<128x128xf32, #tpu.memory_space<vmem>>, vector<128x128xf32>
    %dot_general3A = arith.constant dense<0.000000e+00> : vector<10000x128xf32>
    %dot_general3A_12 = tpu.matmul %add3A_8, %get3A_11, %dot_general3A {dimension_numbers = #tpu.dot_dimension_numbers<[1], [0], [0], [1], [0, 0, 1, 1], [], []>, transpose_lhs_hint = false} : vector<10000x128xf32>, vector<128x128xf32>, vector<10000x128xf32> -> vector<10000x128xf32>
    %get3A_13 = arith.constant 0 : index
    %get3A_14 = arith.constant 0 : index
    %get3A_15 = vector.load %arg4[%get3A_13, %get3A_14] : memref<1x128xf32, #tpu.memory_space<vmem>>, vector<1x128xf32>
    %add3A_16 = vector.broadcast %get3A_15 : vector<1x128xf32> to vector<10000x128xf32>
    %add3A_17 = arith.addf %dot_general3A_12, %add3A_16 : vector<10000x128xf32>
    %reduce_sum3A = arith.constant dense<0.000000e+00> : vector<128xf32>
    %reduce_sum3A_18 = vector.multi_reduction <add>, %add3A_17, %reduce_sum3A [0] : vector<10000x128xf32> to vector<128xf32>
    %broadcast_in_dim3A = vector.shape_cast %reduce_sum3A_18 : vector<128xf32> to vector<1x128xf32>
    %div3A = arith.constant 1.000000e+04 : f32
    %div3A_19 = vector.broadcast %div3A : f32 to vector<1x128xf32>
    %div3A_20 = arith.divf %broadcast_in_dim3A, %div3A_19 : vector<1x128xf32>
    %sub3A = vector.broadcast %div3A_20 : vector<1x128xf32> to vector<10000x128xf32>
    %sub3A_21 = arith.subf %add3A_17, %sub3A : vector<10000x128xf32>
    %mul3A = arith.mulf %sub3A_21, %sub3A_21 : vector<10000x128xf32>
    %reduce_sum3A_22 = arith.constant dense<0.000000e+00> : vector<128xf32>
    %reduce_sum3A_23 = vector.multi_reduction <add>, %mul3A, %reduce_sum3A_22 [0] : vector<10000x128xf32> to vector<128xf32>
    %broadcast_in_dim3A_24 = vector.shape_cast %reduce_sum3A_23 : vector<128xf32> to vector<1x128xf32>
    %div3A_25 = arith.constant 1.000000e+04 : f32
    %div3A_26 = vector.broadcast %div3A_25 : f32 to vector<1x128xf32>
    %div3A_27 = arith.divf %broadcast_in_dim3A_24, %div3A_26 : vector<1x128xf32>
    %add3A_28 = arith.constant 9.99999974E-6 : f32
    %add3A_29 = vector.broadcast %add3A_28 : f32 to vector<1x128xf32>
    %add3A_30 = arith.addf %div3A_27, %add3A_29 : vector<1x128xf32>
    %rsqrt3A = math.rsqrt %add3A_30 : vector<1x128xf32>
    %mul3A_31 = vector.broadcast %rsqrt3A : vector<1x128xf32> to vector<10000x128xf32>
    %mul3A_32 = arith.mulf %sub3A_21, %mul3A_31 : vector<10000x128xf32>
    %get3A_33 = arith.constant 0 : index
    %get3A_34 = arith.constant 0 : index
    %get3A_35 = vector.load %arg5[%get3A_33, %get3A_34] : memref<1x128xf32, #tpu.memory_space<vmem>>, vector<1x128xf32>
    %mul3A_36 = vector.broadcast %get3A_35 : vector<1x128xf32> to vector<10000x128xf32>
    %mul3A_37 = arith.mulf %mul3A_32, %mul3A_36 : vector<10000x128xf32>
    %get3A_38 = arith.constant 0 : index
    %get3A_39 = arith.constant 0 : index
    %get3A_40 = vector.load %arg6[%get3A_38, %get3A_39] : memref<1x128xf32, #tpu.memory_space<vmem>>, vector<1x128xf32>
    %add3A_41 = vector.broadcast %get3A_40 : vector<1x128xf32> to vector<10000x128xf32>
    %add3A_42 = arith.addf %mul3A_37, %add3A_41 : vector<10000x128xf32>
    %max3A = arith.constant 0.000000e+00 : f32
    %max3A_43 = vector.broadcast %max3A : f32 to vector<10000x128xf32>
    %max3A_44 = arith.maximumf %add3A_42, %max3A_43 : vector<10000x128xf32>
    %get3A_45 = arith.constant 0 : index
    %get3A_46 = arith.constant 0 : index
    %get3A_47 = vector.load %arg7[%get3A_45, %get3A_46] : memref<128x128xf32, #tpu.memory_space<vmem>>, vector<128x128xf32>
    %dot_general3A_48 = arith.constant dense<0.000000e+00> : vector<10000x128xf32>
    %dot_general3A_49 = tpu.matmul %max3A_44, %get3A_47, %dot_general3A_48 {dimension_numbers = #tpu.dot_dimension_numbers<[1], [0], [0], [1], [0, 0, 1, 1], [], []>, transpose_lhs_hint = false} : vector<10000x128xf32>, vector<128x128xf32>, vector<10000x128xf32> -> vector<10000x128xf32>
    %get3A_50 = arith.constant 0 : index
    %get3A_51 = arith.constant 0 : index
    %get3A_52 = vector.load %arg8[%get3A_50, %get3A_51] : memref<1x128xf32, #tpu.memory_space<vmem>>, vector<1x128xf32>
    %add3A_53 = vector.broadcast %get3A_52 : vector<1x128xf32> to vector<10000x128xf32>
    %add3A_54 = arith.addf %dot_general3A_49, %add3A_53 : vector<10000x128xf32>
    %max3A_55 = arith.constant 0.000000e+00 : f32
    %max3A_56 = vector.broadcast %max3A_55 : f32 to vector<10000x128xf32>
    %max3A_57 = arith.maximumf %add3A_54, %max3A_56 : vector<10000x128xf32>
    %swap3A = arith.constant 0 : index
    %swap3A_58 = arith.constant 0 : index
    %swap3A_59 = vector.load %arg9[%swap3A, %swap3A_58] : memref<10000x128xf32, #tpu.memory_space<vmem>>, vector<10000x128xf32>
    tpu.vector_store %arg9[%swap3A, %swap3A_58], %max3A_57 {strides = array<i32>} : memref<10000x128xf32, #tpu.memory_space<vmem>>, vector<10000x128xf32>,
    return
  }
}

</mosaic_0001>

<sc_bundles>
// kernel: kernel.11.cloned.1.call-start
scs
__scs_entry_jumppad:
0x0: {  	(pc) =	sbr.rel $0x88, $3  }
0x1: {  	(tag) =	ssettag $0x0;
	lr =	simm.s32 $0x1  }
0x2: {  	[smem:$0x3F89] =	sst lr;
	_ =	strace $0xD0000000  }
0x3: {  	_ = 	snop  }
0x4: {  	_ = 	snop  }
0x5: {  	_ = 	snop  }
0x6: {  	_ = 	snop  }
0x7: {  	_ = 	snop  }
__scs_overlays_trampoline_lowered:
0x8: {  	[smem:$0x3F98] =	sst s0  }
0x9: {  	[smem:$0x3F99] =	sst s1  }
0xa: {  	[smem:$0x3F9A] =	sst s2  }
0xb: {  	[smem:$0x3F9B] =	sst s3  }
0xc: {  	[smem:$0x3F9C] =	sst s4  }
0xd: {  	[smem:$0x3F9D] =	sst s5  }
0xe: {  	[smem:$0x3F9E] =	sst s6  }
0xf: {  	[smem:$0x3F9F] =	sst s7  }
0x10: {  	[smem:$0x3FA0] =	sst s8  }
0x11: {  	[smem:$0x3FA1] =	sst s9;
	s0 =	simm.s32 @!p0 $0x0  }
0x12: {  	s1 =	sld [smem:$0x3F87];
	s0 =	simm.s32 @p0 $0x1  }
0x13: {  	[smem:$0x3FA2] =	sst s0;
	s0 =	simm.s32 @!p1 $0x0  }
0x14: {  	s2 =	sld [smem:$0x3F86];
	s0 =	simm.s32 @p1 $0x1  }
0x15: {  	[smem:$0x3FA3] =	sst s0;
	s0 =	simm.s32 @!p2 $0x0  }
0x16: {  	s3 =	sld [smem:$0x3FDB];
	s0 =	simm.s32 @p2 $0x1  }
0x17: {  	s4 =	simm.s32 $0x1BF5;
	[smem:$0x3FA5] =	sst s0  }
0x18: {  	s0 =	sld [smem:$0x3F88];
	_ =	swait.ge [sflag:s4], $0x0  }
0x19: {  	s7 =	sld [smem:$0x3F89]  }
0x1a: {  	s8 =	sadd.s32 $0xFFFFE003, lr  }
0x1b: {  	s9 =	sadd.s32 $0xFFFFFEF7, lr;
	s5 =	simm.s32 $0xFFFFFFFF;
	p2 =	slt.u32 s8, $0xFFFFF086  }
0x1c: {  	p1 =	slt.u32 s9, $0xF7A;
	s5 =	simm.s32 @!p2 $0x0  }
0x1d: {  	s5 =	simm.s32 @p1 $0x1;
	p0 =	seq.s32 s7, s2  }
0x1e: {  	s7 =	smul.u32 @!p0 $0xF7A, s2;
	p2 =	seq.s32 @!p0 s5, $0x0  }
0x1f: {  	s9 =	smul.u32 $0xF7A, s1;
	s8 =	simm.s32 @!p0 $0x1BF5;
	p2 =	por !p2, p0  }
0x20: {  	[sflag:s8] =	ssyncset.s32 @!p0 $0xFFFFF086;
	s6 =	sadd.s32 @!p0 s3, s7;
	s7 =	simm.s32 @!p0 $0x108  }
0x21: {  	s3 =	sadd.s32 s3, s9;
	s6 =	sadd.s32 @!p0 $0x88, s6;
	s7 =	simm.s32 @p2 $0x1082  }
0x22: {  	[simem:s7], [sflag:s8] =	dma.local @!p0 [hbm:s6], $0xF7A  }
0x23: {  	s9 =	sor.u32 $0xD0000000, s2;
	s6 =	simm.s32 $0x108;
	_ =	swait.ge @!p0 [sflag:s8], $0x0  }
0x24: {  	s3 =	sadd.s32 $0x88, s3;
	s6 =	simm.s32 @!p1 $0x1082;
	[sflag:s4] =	ssyncset.s32 $0xFFFFF086  }
0x25: {  	[simem:s6], [sflag:s4] =	dma.local [hbm:s3], $0xF7A  }
0x26: {  	[smem:$0x3F89] =	sst s1;
	(tag) =	ssettag s2;
	_ =	strace s9  }
0x27: {  	s1 =	sld [smem:$0x3F99]  }
0x28: {  	s2 =	sld [smem:$0x3F9A]  }
0x29: {  	s4 =	sld [smem:$0x3F9C]  }
0x2a: {  	p0 =	seq.s32 s5, $0x0;
	s5 =	sld [smem:$0x3F9D]  }
0x2b: {  	s6 =	sld [smem:$0x3F9E]  }
0x2c: {  	s7 =	sld [smem:$0x3F9F]  }
0x2d: {  	s3 =	simm.s32 $0x108;
	s8 =	sld [smem:$0x3FA0]  }
0x2e: {  	s3 =	simm.s32 @!p0 $0x1082;
	s9 =	sld [smem:$0x3FA1]  }
0x2f: {  	lr =	sadd.s32 s0, s3;
	s0 =	sld [smem:$0x3F98]  }
0x30: {  	s3 =	sld [smem:$0x3F9B]  }
0x31: {  	[smem:$0x3FA4] =	sst s10  }
0x32: {  	s10 =	sld [smem:$0x3FA2];
	_ =	sdelay $0x3  }
0x33: {  	p0 =	seq.s32 s10, $0x1;
	s10 =	sld [smem:$0x3FA4];
	_ =	sdelay $0x3  }
0x34: {  	[smem:$0x3FA4] =	sst s10  }
0x35: {  	s10 =	sld [smem:$0x3FA3];
	_ =	sdelay $0x3  }
0x36: {  	p1 =	seq.s32 s10, $0x1;
	s10 =	sld [smem:$0x3FA4];
	_ =	sdelay $0x3  }
0x37: {  	[smem:$0x3FA4] =	sst s10  }
0x38: {  	s10 =	sld [smem:$0x3FA5]  }
0x39: {  	_ = 	snop;
	(pc) =	sbr.ind lr, $3  }
0x3a: {  	_ = 	snop  }
0x3b: {  	_ = 	snop  }
0x3c: {  	p2 =	seq.s32 s10, $0x1;
	s10 =	sld [smem:$0x3FA4]  }
0x3d: {  	_ =	shalt  }
0x3e: {  	_ =	shalt  }
0x3f: {  	_ =	shalt  }
0x40: {  	_ =	shalt  }
0x41: {  	_ =	shalt  }
0x42: {  	_ =	shalt  }
0x43: {  	_ =	shalt  }
0x44: {  	_ =	shalt  }
0x45: {  	_ =	shalt  }
0x46: {  	_ =	shalt  }
0x47: {  	_ =	shalt  }
0x48: {  	_ =	shalt  }
0x49: {  	_ =	shalt  }
0x4a: {  	_ =	shalt  }
0x4b: {  	_ =	shalt  }
0x4c: {  	_ =	shalt  }
0x4d: {  	_ =	shalt  }
0x4e: {  	_ =	shalt  }
0x4f: {  	_ =	shalt  }
0x50: {  	_ =	shalt  }
0x51: {  	_ =	shalt  }
0x52: {  	_ =	shalt  }
0x53: {  	_ =	shalt  }
0x54: {  	_ =	shalt  }
0x55: {  	_ =	shalt  }
0x56: {  	_ =	shalt  }
0x57: {  	_ =	shalt  }
0x58: {  	_ =	shalt  }
0x59: {  	_ =	shalt  }
0x5a: {  	_ =	shalt  }
0x5b: {  	_ =	shalt  }
0x5c: {  	_ =	shalt  }
0x5d: {  	_ =	shalt  }
0x5e: {  	_ =	shalt  }
0x5f: {  	_ =	shalt  }
0x60: {  	_ =	shalt  }
0x61: {  	_ =	shalt  }
0x62: {  	_ =	shalt  }
0x63: {  	_ =	shalt  }
0x64: {  	_ =	shalt  }
0x65: {  	_ =	shalt  }
0x66: {  	_ =	shalt  }
0x67: {  	_ =	shalt  }
0x68: {  	_ =	shalt  }
0x69: {  	_ =	shalt  }
0x6a: {  	_ =	shalt  }
0x6b: {  	_ =	shalt  }
0x6c: {  	_ =	shalt  }
0x6d: {  	_ =	shalt  }
0x6e: {  	_ =	shalt  }
0x6f: {  	_ =	shalt  }
0x70: {  	_ =	shalt  }
0x71: {  	_ =	shalt  }
0x72: {  	_ =	shalt  }
0x73: {  	_ =	shalt  }
0x74: {  	_ =	shalt  }
0x75: {  	_ =	shalt  }
0x76: {  	_ =	shalt  }
0x77: {  	_ =	shalt  }
0x78: {  	_ =	shalt  }
0x79: {  	_ =	shalt  }
0x7a: {  	_ =	shalt  }
0x7b: {  	_ =	shalt  }
0x7c: {  	_ =	shalt  }
0x7d: {  	_ =	shalt  }
0x7e: {  	_ =	shalt  }
0x7f: {  	_ =	shalt  }
0x80: {  	_ =	shalt  }
0x81: {  	_ =	shalt  }
0x82: {  	_ =	shalt  }
0x83: {  	_ =	shalt  }
0x84: {  	_ =	shalt  }
0x85: {  	_ =	shalt  }
0x86: {  	_ =	shalt  }
0x87: {  	_ =	shalt  }
.Lfunc_end0:
.L_simem_size_0:
called_computation.1_lowered:
.L_overlay_start_0:
0x88: {  	s2 =	sld [smem:$0x3FD9]  }
0x89: {  	s3 =	sld [smem:$0x3FFE];
	_ =	sdelay $0x1  }
0x8a: {  	s1 =	srdreg.scid  }
0x8b: {  	s0 =	sand.u32 $0x1, s1  }
0x8c: {  	s17 =	sshll.u32 s0, $0xA;
	s2 =	sadd.s32 s3, s2  }
0x8d: {  	s2 =	sadd.s32 s2, s17  }
0x8e: {  	[smem:$0x3FB0] =	sst s2  }
0x8f: {  	_ = 	snop  }
0x90: {  	s2 =	sld [smem:$0x3FD0];
	(tm) =	ssettm $0x1  }
0x91: {  	s18 =	sld [smem:$0x3FFB];
	_ =	sdelay $0x3  }
0x92: {  	_ =	strace s18  }
0x93: {  	s3 =	sld [smem:$0x3FFC];
	_ =	sdelay $0x3  }
0x94: {  	_ =	strace s3  }
0x95: {  	s3 =	sld [smem:$0x3FFD];
	_ =	sdelay $0x3  }
0x96: {  	_ =	strace s3  }
0x97: {  	_ =	strace $0x8FFFFFFF  }
0x98: {  	s19 =	sld [smem:$0x3FDB];
	_ =	sdelay $0x1  }
0x99: {  	s4 =	simm.s32 $_scs_section_size  }
0x9a: {  	s5 =	simm.s32 $_size__tile_overlayer_lowered;
	s6 =	simm.s32 $_tile_overlayer_lowered  }
0x9b: {  	s22 =	simm.s32 $0x1BFF;
	s21 =	sshll.u32 s6, $0x1;
	s3 =	sadd.s32 s4, s19  }
0x9c: {  	s7 =	simm.s32 $0x0;
	s20 =	sshll.u32 s5, $0x1;
	s5 =	sadd.s32 s21, s3  }
0x9d: {  	[timem:s7], [sflag:s22] =	dma.local [hbm:s5], s20  }
0x9e: {  	_ =	swait.ge [sflag:s22], s20  }
0x9f: {  	s4 =	ssub.s32 $0x0, s20;
	[sflag:s22] =	ssyncset.done $0x0  }
0xa0: {  	[sflag:s22] =	ssyncadd.s32 s4;
	_ =	sdelay $0x1  }
0xa1: {  	s23 =	simm.s32 $0x1B8B  }
0xa2: {  	_ =	swait.ge [sflag:s23], $0x1  }
0xa3: {  	[sflag:s23] =	ssyncset.done $0x0  }
0xa4: {  	s25 =	simm.s32 $0x1B8E;
	s24 =	sld [smem:$0x3FFE];
	[sflag:s23] =	ssyncadd.s32 $0xFFFFFFFF  }
0xa5: {  	s26 =	simm.s32 $execute0_lowered;
	[smem:$0x3FD2] =	sst s25  }
0xa6: {  	s5 =	sshll.u32 s26, $0x1;
	_ =	strace $0x80000049;
	[dreg:$0x1] =	wrdreg $0xFFFFFFFF  }
0xa7: {  	s28 =	simm.s32 $_size_execute0_lowered;
	s3 =	sadd.s32 s3, s5;
	[dreg:$0x0] =	wrdreg $0x0  }
0xa8: {  	s5 =	sshll.u32 s28, $0x1;
	[dreg:$0x2] =	wrdreg s3  }
0xa9: {  	[dreg:$0x3] =	wrdreg s5  }
0xaa: {  	[dreg:$0x4] =	wrdreg $0xC0  }
0xab: {  	_ =	task [dreg:s7], $0x5FFFF  }
0xac: {  	[dreg:$0x1] =	wrdreg $0xFFFFFFFF  }
0xad: {  	[dreg:$0x0] =	wrdreg $0x60  }
0xae: {  	[dreg:$0x2] =	wrdreg s24  }
0xaf: {  	[dreg:$0x3] =	wrdreg s2  }
0xb0: {  	[dreg:$0x4] =	wrdreg $0xAA000  }
0xb1: {  	[dreg:$0x5] =	wrdreg $0x9  }
0xb2: {  	_ =	task.clear_ibuf [dreg:s7], $0x6FFFF;
	_ =	strace $0x90000049  }
0xb3: {  	s29 =	simm.s32 $0x9;
	_ =	strace $0x8000004B  }
0xb4: {  	_ =	swait.ge [sflag:s29], $0x1  }
0xb5: {  	[sflag:s29] =	ssyncadd.s32 $0xFFFFFFFF  }
0xb6: {  	_ =	strace $0x9000004B  }
0xb7: {  	_ =	sfence  }
0xb8: {  	s30 =	sld [smem:$0x0];
	_ =	sdelay $0x2  }
0xb9: {  	s31 =	sshll.u32 s1, $0xD;
	s1 =	sshrl.u32 s1, $0x2  }
0xba: {  	s3 =	sand.u32 $0x4000, s31;
	s1 =	sadd.s32 s1, s30  }
0xbb: {  	s0 =	sor.u32 s3, s0;
	s1 =	sshll.u32 s1, $0x11  }
0xbc: {  	s0 =	sor.u32 s1, s0  }
0xbd: {  	s0 =	sadd.s32 $0x8F2B, s0  }
0xbe: {  	[sflag:s0] =	ssyncadd.remote.s32 $0x1  }
0xbf: {  	_ =	sfence.sel $0xFFFF  }
0xc0: {  	[dreg:$0x0] =	wrdreg $0xFFFFFFFF;
	(pc) =	sbr.abs _section_cstart, $3  }
0xc1: {  	[dreg:$0x1] =	wrdreg $0xFFFFFFFF  }
0xc2: {  	_ =	task.clear_ibuf [dreg:s7], $0x2FFFF;
	_ =	strace $0x9FFFFFFF  }
0xc3: {  	(tm) =	ssettm $0x7FFFFFFF  }
tec
execute0_lowered:
.L_overlay_start_1:
0x0: {  	(tag) =	ssettag $0x1  }
0x1: {  	s0 =	rddreg [dreg:$0x0]  }
0x2: {  	s2 =	rddreg [dreg:$0x1]  }
0x3: {  	s1 =	rddreg [dreg:$0x2]  }
0x4: {  	s4 =	srdreg.scid;
	s18 =	stileid.u32  }
0x5: {  	s3 =	simm.s32 $0x0;
	s29 =	simm.s32 $0x2980;
	s9 =	smul.u32 $0x2800, s18  }
0x6: {  	s30 =	simm.s32 $0x80;
	s31 =	simm.s32 $0x6A00;
	s11 =	smul.u32 $0x278, s18  }
0x7: {  	s28 =	simm.s32 $0x2;
	s6 =	sand.u32 $0x1, s4;
	s24 =	smul.u32 $0x4F000, s18  }
0x8: {  	[smem:$0x7FF] =	sst s3;
	s4 =	sadd.s32 $0xF200, s0;
	s23 =	smul.u32 $0x2780, s18  }
0x9: {  	s5 =	sadd.s32 $0x5200, s0;
	s18 =	simm.s32 $0x7;
	s7 =	smul.u32 $0x27800, s6  }
0xa: {  	s8 =	smul.u32 $0x28000, s6;
	_ =	strace $0x8000004A;
	s10 =	ssub.s32 $0x2, s6  }
0xb: {  	s12 =	sshrl.u32 s10, $0x1;
	s14 =	sadd.s32 $0x80, s11;
	s15 =	sadd.s32 $0x100, s11  }
0xc: {  	s16 =	sadd.s32 $0x180, s11;
	s17 =	sadd.s32 $0x200, s11;
	s6 =	sadd.s32 s9, s8  }
0xd: {  	s0 =	sadd.s32 s7, s0;
	s25 =	ssub.s32 s10, s12;
	s8 =	sshrl.u32 s24, $0x2  }
0xe: {  	s9 =	sshll.u32 s14, $0x7;
	s10 =	sshll.u32 s15, $0x7;
	s13 =	sshll.u32 s16, $0x7  }
0xf: {  	s19 =	sshll.u32 s17, $0x7;
	s14 =	sshll.u32 s14, $0x4;
	s15 =	sshll.u32 s15, $0x4  }
0x10: {  	s16 =	sshll.u32 s16, $0x4;
	s17 =	sshll.u32 s17, $0x4;
	s26 =	sshrl.u32 s6, $0x3  }
0x11: {  	s8 =	sadd.s32 s8, s1;
	s9 =	sadd.s32 s9, s1;
	s10 =	sadd.s32 s10, s1  }
0x12: {  	s11 =	sadd.s32 s13, s1;
	s13 =	sadd.s32 s19, s1;
	s7 =	smax.u32 s25, $0x1  }
0x13: {  	s0 =	sadd.s32 $0x36400, s0;
	s2 =	sadd.s32 s2, s26;
	[dreg:$0x8] =	wrdreg s7  }
0x14: {  	s19 =	simm.s32 $0x2A00;
	s24 =	sadd.s32 s14, s0;
	[dreg:$0x4] =	wrdreg s2  }
0x15: {  	s12 =	sadd.s32 s5, s26;
	s25 =	sadd.s32 s15, s0;
	[dreg:$0xa] =	wrdreg s24  }
0x16: {  	s26 =	sadd.s32 s16, s0;
	s7 =	simm.s32 $0x4;
	[dreg:$0xb] =	wrdreg s25  }
0x17: {  	s14 =	simm.s32 $0x6;
	s20 =	sadd.s32 $0x10, s12;
	[dreg:$0xc] =	wrdreg s26  }
.Ltmp0:
0x18: {  	s21 =	sadd.s32 $0x20, s12;
	[dreg:$0x5] =	wrdreg s20;
	(pc) =	sbr.rel .LBB2_1-.Ltmp0, $4  }
0x19: {  	s15 =	simm.s32 $0x0;
	s22 =	sadd.s32 $0x30, s12;
	[dreg:$0x6] =	wrdreg s21  }
0x1a: {  	s2 =	sadd.s32 s23, s0;
	s0 =	sadd.s32 s17, s0;
	[dreg:$0x7] =	wrdreg s22  }
0x1b: {  	s25 =	simm.s32 $0x2800;
	s26 =	simm.s32 $0x2880;
	[dreg:$0x9] =	wrdreg s2  }
0x1c: {  	v0 =	vimm.f32 $0.0e+00;
	[dreg:$0xd] =	wrdreg s0;
	s0 =	simm.s32 $0x1;
	s2 =	simm.s32 $0x3  }
.LBB2_6:
0x1d: {  	[bflag:$0x0] =	sbarrier.arrive $0xFFFF  }
0x1e: {  	[tilespmem:s19], [sflag:$0x7] =	stream.linear.gather [spmem:s8], $0x4000, $0x38;
	[tilespmem:$0x1E600] =	vst v63  }
0x1f: {  	_ =	swait.ge [sflag:s18], $0x4000  }
0x20: {  	[sflag:s18] =	ssyncset.done $0x0  }
0x21: {  	s16 =	rddreg [dreg:$0x9];
	[sflag:s18] =	ssyncadd.s32 $0xFFFFC000  }
0x22: {  	[hbm4b:s16+s3] =	stream.linear.scatter [tilespmem:s19], [sflag:$0x7], $0x4000, $0x38;
	[tilespmem:$0x1E600] =	vst v63  }
0x23: {  	_ =	swait.ge [sflag:s18], $0x4000  }
0x24: {  	[sflag:s18] =	ssyncset.done $0x0  }
0x25: {  	[sflag:s18] =	ssyncadd.s32 $0xFFFFC000  }
0x26: {  	[tilespmem:s19], [sflag:$0x7] =	stream.linear.gather [spmem:s9], $0x4000, $0x38;
	[tilespmem:$0x1E600] =	vst v63  }
0x27: {  	_ =	swait.ge [sflag:s18], $0x4000  }
0x28: {  	[sflag:s18] =	ssyncset.done $0x0  }
0x29: {  	s20 =	rddreg [dreg:$0xa];
	[sflag:s18] =	ssyncadd.s32 $0xFFFFC000  }
0x2a: {  	[hbm4b:s20+s3] =	stream.linear.scatter [tilespmem:s19], [sflag:$0x7], $0x4000, $0x38;
	[tilespmem:$0x1E600] =	vst v63  }
0x2b: {  	_ =	swait.ge [sflag:s18], $0x4000  }
0x2c: {  	[sflag:s18] =	ssyncset.done $0x0  }
0x2d: {  	[sflag:s18] =	ssyncadd.s32 $0xFFFFC000  }
0x2e: {  	[tilespmem:s19], [sflag:$0x7] =	stream.linear.gather [spmem:s10], $0x4000, $0x38;
	[tilespmem:$0x1E600] =	vst v63  }
0x2f: {  	_ =	swait.ge [sflag:s18], $0x4000  }
0x30: {  	[sflag:s18] =	ssyncset.done $0x0  }
0x31: {  	s21 =	rddreg [dreg:$0xb];
	[sflag:s18] =	ssyncadd.s32 $0xFFFFC000  }
0x32: {  	[hbm4b:s21+s3] =	stream.linear.scatter [tilespmem:s19], [sflag:$0x7], $0x4000, $0x38;
	[tilespmem:$0x1E600] =	vst v63  }
0x33: {  	_ =	swait.ge [sflag:s18], $0x4000  }
0x34: {  	[sflag:s18] =	ssyncset.done $0x0  }
0x35: {  	[sflag:s18] =	ssyncadd.s32 $0xFFFFC000  }
0x36: {  	[tilespmem:s19], [sflag:$0x7] =	stream.linear.gather [spmem:s11], $0x4000, $0x38;
	[tilespmem:$0x1E600] =	vst v63  }
0x37: {  	_ =	swait.ge [sflag:s18], $0x4000  }
0x38: {  	[sflag:s18] =	ssyncset.done $0x0  }
0x39: {  	s22 =	rddreg [dreg:$0xc];
	[sflag:s18] =	ssyncadd.s32 $0xFFFFC000  }
0x3a: {  	[hbm4b:s22+s3] =	stream.linear.scatter [tilespmem:s19], [sflag:$0x7], $0x4000, $0x38;
	[tilespmem:$0x1E600] =	vst v63  }
0x3b: {  	_ =	swait.ge [sflag:s18], $0x4000  }
0x3c: {  	[sflag:s18] =	ssyncset.done $0x0  }
0x3d: {  	[sflag:s18] =	ssyncadd.s32 $0xFFFFC000  }
0x3e: {  	[tilespmem:s19], [sflag:$0x7] =	stream.linear.gather [spmem:s13], $0x3C00, $0x38;
	[tilespmem:$0x1E600] =	vst v63  }
0x3f: {  	_ =	swait.ge [sflag:s18], $0x3C00  }
0x40: {  	[sflag:s18] =	ssyncset.done $0x0  }
0x41: {  	s23 =	rddreg [dreg:$0xd];
	[sflag:s18] =	ssyncadd.s32 $0xFFFFC400  }
0x42: {  	[hbm4b:s23+s3] =	stream.linear.scatter [tilespmem:s19], [sflag:$0x7], $0x3C00, $0x38;
	[tilespmem:$0x1E600] =	vst v63  }
0x43: {  	_ =	swait.ge [sflag:s18], $0x3C00  }
0x44: {  	s15 =	sadd.s32 $0x1, s15;
	s24 =	rddreg [dreg:$0x8]  }
0x45: {  	p0 =	sne.s32 s15, s24  }
.Ltmp1:
0x46: {  	_ = 	snop;
	(pc) =	sbr.rel @!p0 .LBB2_7-.Ltmp1, $3  }
0x47: {  	_ =	sdelay $0x1  }
0x48: {  	[sflag:s18] =	ssyncset.done $0x0  }
0x49: {  	[sflag:s18] =	ssyncadd.s32 $0xFFFFC400  }
.LBB2_1:
0x4a: {  	s16 =	rddreg [dreg:$0x4]  }
0x4b: {  	[tilespmem:s3], [sflag:$0x7] =	stream.linear.gather [hbm4b:s16+s3], $0x2800, $0x38;
	[tilespmem:$0x1E600] =	vst v63  }
0x4c: {  	_ =	swait.ge [sflag:s18], $0x2800  }
0x4d: {  	[sflag:s18] =	ssyncset.done $0x0  }
0x4e: {  	s17 =	simm.s32 $0x200;
	s16 =	simm.s32 $0x0;
	[sflag:s18] =	ssyncadd.s32 $0xFFFFD800  }
.LBB2_2:
0x4f: {  	p0 =	sne.s32 s17, $0xFE00;
	[tilespmem:s16+$0x2A70] =	vst v0  }
0x50: {  	[tilespmem:s16+$0x2A00] =	vst v0  }
0x51: {  	[tilespmem:s16+$0x2A10] =	vst v0  }
.Ltmp2:
0x52: {  	[tilespmem:s16+$0x2A20] =	vst v0;
	(pc) =	sbr.rel @p0 .LBB2_2-.Ltmp2, $4  }
0x53: {  	[tilespmem:s16+$0x2A30] =	vst v0  }
0x54: {  	[tilespmem:s16+$0x2A40] =	vst v0  }
0x55: {  	[tilespmem:s16+$0x2A50] =	vst v0  }
0x56: {  	[tilespmem:s16+$0x2A60] =	vst v0;
	s16 =	sshra.s32 s17, $0x2;
	s17 =	sadd.s32 $0x200, s17  }
0x57: {  	[tilespmem:s16+$0x2A70] =	vst v0  }
0x58: {  	[tilespmem:s16+$0x2A00] =	vst v0  }
0x59: {  	[tilespmem:s16+$0x2A10] =	vst v0  }
0x5a: {  	[tilespmem:s16+$0x2A20] =	vst v0  }
0x5b: {  	[tilespmem:s16+$0x2A30] =	vst v0  }
0x5c: {  	[tilespmem:s16+$0x2A40] =	vst v0  }
0x5d: {  	[tilespmem:s16+$0x2A50] =	vst v0  }
0x5e: {  	[tilespmem:s16+$0x2A60] =	vst v0  }
0x5f: {  	[spmem:s8] =	stream.linear.scatter [tilespmem:s19], [sflag:$0x7], $0x4000, $0x38;
	[tilespmem:$0x1E600] =	vst v63  }
0x60: {  	_ =	swait.ge [sflag:s18], $0x4000  }
0x61: {  	[sflag:s18] =	ssyncset.done $0x0  }
0x62: {  	[sflag:s18] =	ssyncadd.s32 $0xFFFFC000  }
0x63: {  	[spmem:s9] =	stream.linear.scatter [tilespmem:s19], [sflag:$0x7], $0x4000, $0x38;
	[tilespmem:$0x1E600] =	vst v63  }
0x64: {  	_ =	swait.ge [sflag:s18], $0x4000  }
0x65: {  	[sflag:s18] =	ssyncset.done $0x0  }
0x66: {  	[sflag:s18] =	ssyncadd.s32 $0xFFFFC000  }
0x67: {  	[spmem:s10] =	stream.linear.scatter [tilespmem:s19], [sflag:$0x7], $0x4000, $0x38;
	[tilespmem:$0x1E600] =	vst v63  }
0x68: {  	_ =	swait.ge [sflag:s18], $0x4000  }
0x69: {  	[sflag:s18] =	ssyncset.done $0x0  }
0x6a: {  	[sflag:s18] =	ssyncadd.s32 $0xFFFFC000  }
0x6b: {  	[spmem:s11] =	stream.linear.scatter [tilespmem:s19], [sflag:$0x7], $0x4000, $0x38;
	[tilespmem:$0x1E600] =	vst v63  }
0x6c: {  	_ =	swait.ge [sflag:s18], $0x4000  }
0x6d: {  	[sflag:s18] =	ssyncset.done $0x0  }
0x6e: {  	[sflag:s18] =	ssyncadd.s32 $0xFFFFC000  }
0x6f: {  	[spmem:s13] =	stream.linear.scatter [tilespmem:s19], [sflag:$0x7], $0x3C00, $0x38;
	[tilespmem:$0x1E600] =	vst v63  }
0x70: {  	_ =	swait.ge [sflag:s18], $0x3C00  }
0x71: {  	[sflag:s18] =	ssyncset.done $0x0  }
0x72: {  	[sflag:s18] =	ssyncadd.s32 $0xFFFFC400  }
0x73: {  	[bflag:$0x0] =	sbarrier.arrive $0xFFFF  }
0x74: {  	[tilespmem:s25], [sflag:$0x3] =	stream.linear.gather [hbm4b:s12+s3], $0x80, $0x38;
	[tilespmem:$0x1E600] =	vst v63  }
0x75: {  	s22 =	rddreg [dreg:$0x5]  }
0x76: {  	[tilespmem:s26], [sflag:$0x4] =	stream.linear.gather [hbm4b:s22+s3], $0x80, $0x38;
	[tilespmem:$0x1E600] =	vst v63  }
0x77: {  	s17 =	simm.s32 $0x2900;
	s23 =	rddreg [dreg:$0x6]  }
0x78: {  	[tilespmem:s17], [sflag:$0x5] =	stream.linear.gather [hbm4b:s23+s3], $0x80, $0x38;
	[tilespmem:$0x1E600] =	vst v63  }
0x79: {  	s24 =	rddreg [dreg:$0x7]  }
0x7a: {  	[tilespmem:s29], [sflag:$0x6] =	stream.linear.gather [hbm4b:s24+s3], $0x80, $0x38;
	[tilespmem:$0x1E600] =	vst v63  }
0x7b: {  	_ = 	snop  }
0x7c: {  	[tilespmem:s19], [sflag:$0x1] =	stream.indirect.gather [hbm4b:s4+s30], $0x80, s3, s30, $0xb8;
	[tilespmem:$0x1E600] =	vst v63  }
0x7d: {  	s16 =	simm.s32 $0x380;
	s17 =	simm.s32 $0x280  }
0x7e: {  	[tilespmem:s31], [sflag:$0x2] =	stream.indirect.gather [hbm4b:s4+s30], $0x80, s30, s30, $0xb8;
	[tilespmem:$0x1E600] =	vst v63  }
.LBB2_4:
0x7f: {  	_ =	swait.ge [sflag:s0], $0x4000  }
0x80: {  	[sflag:s0] =	ssyncset.done $0x0  }
0x81: {  	[sflag:s0] =	ssyncadd.s32 $0xFFFFC000  }
0x82: {  	_ =	swait.ge [sflag:s2], $0x80  }
0x83: {  	[sflag:s2] =	ssyncset.done $0x0  }
0x84: {  	[sflag:s2] =	ssyncadd.s32 $0xFFFFFF80  }
0x85: {  	[spmem:s1] =	stream.indirect.scatter.add.f32 [tilespmem:s19], [sflag:$0x7], $0x80, s25, s30, $0xb8;
	[tilespmem:$0x1E600] =	vst v63  }
0x86: {  	_ =	swait.ge [sflag:s18], $0x4000  }
0x87: {  	[sflag:s18] =	ssyncset.done $0x0  }
0x88: {  	s20 =	sadd.s32 $0xFFFFFE80, s17;
	p0 =	seq.s32 s16, $0x2980;
	[sflag:s18] =	ssyncadd.s32 $0xFFFFC000  }
0x89: {  	[tilespmem:s19], [sflag:$0x1] =	stream.indirect.gather [hbm4b:s4+s30], $0x80, s20, s30, $0xb8;
	[tilespmem:$0x1E600] =	vst v63  }
0x8a: {  	s20 =	sadd.s32 @!p0 $0xFFFFFE80, s16  }
0x8b: {  	s21 =	sand.u32 @!p0 $0x7C00, s20  }
0x8c: {  	s20 =	sand.u32 @!p0 $0x200, s20;
	s21 =	sadd.s32 @!p0 s6, s21  }
0x8d: {  	s20 =	sor.u32 @!p0 s20, s21  }
0x8e: {  	s20 =	sshrl.u32 @!p0 s20, $0x3  }
0x8f: {  	s22 =	simm.s32 @!p0 $0x2800;
	s21 =	sadd.s32 @!p0 s5, s20;
	s20 =	simm.s32 @!p0 $0x0  }
0x90: {  	[tilespmem:s22], [sflag:$0x3] =	stream.linear.gather @!p0 [hbm4b:s21+s20], $0x80, $0x38;
	[tilespmem:$0x1E600] =	vst v63  }
0x91: {  	_ =	swait.ge [sflag:s28], $0x4000  }
0x92: {  	[sflag:s28] =	ssyncset.done $0x0  }
0x93: {  	[sflag:s28] =	ssyncadd.s32 $0xFFFFC000  }
0x94: {  	_ =	swait.ge [sflag:s7], $0x80  }
0x95: {  	[sflag:s7] =	ssyncset.done $0x0  }
0x96: {  	[sflag:s7] =	ssyncadd.s32 $0xFFFFFF80  }
0x97: {  	[spmem:s1] =	stream.indirect.scatter.add.f32 [tilespmem:s31], [sflag:$0x7], $0x80, s26, s30, $0xb8;
	[tilespmem:$0x1E600] =	vst v63  }
0x98: {  	_ =	swait.ge [sflag:s18], $0x4000  }
0x99: {  	[sflag:s18] =	ssyncset.done $0x0  }
0x9a: {  	s24 =	sadd.s32 $0xFFFFFF00, s17;
	s21 =	simm.s32 @p0 $0x1;
	[sflag:s18] =	ssyncadd.s32 $0xFFFFC000  }
0x9b: {  	[tilespmem:s31], [sflag:$0x2] =	stream.indirect.gather [hbm4b:s4+s30], $0x80, s24, s30, $0xb8;
	[tilespmem:$0x1E600] =	vst v63  }
0x9c: {  	_ =	swait.ge @p0 [sflag:s21], $0x4000  }
0x9d: {  	[sflag:s21] =	ssyncset.done @p0 $0x0  }
0x9e: {  	[sflag:s21] =	ssyncadd.s32 @p0 $0xFFFFC000;
	s21 =	simm.s32 @p0 $0x5  }
0x9f: {  	_ =	swait.ge @p0 [sflag:s21], $0x80  }
0xa0: {  	s23 =	simm.s32 @p0 $0x2A00;
	[sflag:s21] =	ssyncset.done @p0 $0x0  }
0xa1: {  	s22 =	simm.s32 @p0 $0x2900;
	[sflag:s21] =	ssyncadd.s32 @p0 $0xFFFFFF80;
	s21 =	simm.s32 @p0 $0x80  }
0xa2: {  	[spmem:s1] =	stream.indirect.scatter.add.f32 @p0 [tilespmem:s23], [sflag:$0x7], $0x80, s22, s21, $0xb8;
	[tilespmem:$0x1E600] =	vst v63  }
0xa3: {  	s21 =	sadd.s32 @!p0 $0xFFFFFF00, s16  }
0xa4: {  	s22 =	sand.u32 @!p0 $0x7C00, s21  }
0xa5: {  	s23 =	simm.s32 @p0 $0x7;
	s21 =	sand.u32 @!p0 $0x280, s21;
	s22 =	sadd.s32 @!p0 s6, s22  }
0xa6: {  	_ =	swait.ge @p0 [sflag:s23], $0x4000;
	s21 =	sor.u32 @!p0 s21, s22  }
0xa7: {  	[sflag:s23] =	ssyncset.done @p0 $0x0;
	s21 =	sshrl.u32 @!p0 s21, $0x3  }
0xa8: {  	[sflag:s23] =	ssyncadd.s32 @p0 $0xFFFFC000;
	s22 =	simm.s32 @!p0 $0x2880;
	s21 =	sadd.s32 @!p0 s5, s21  }
0xa9: {  	[tilespmem:s22], [sflag:$0x4] =	stream.linear.gather @!p0 [hbm4b:s21+s20], $0x80, $0x38;
	[tilespmem:$0x1E600] =	vst v63  }
0xaa: {  	s21 =	simm.s32 @!p0 $0x1  }
0xab: {  	_ =	swait.ge @!p0 [sflag:s21], $0x4000  }
0xac: {  	[sflag:s21] =	ssyncset.done @!p0 $0x0  }
0xad: {  	[sflag:s21] =	ssyncadd.s32 @!p0 $0xFFFFC000;
	s21 =	simm.s32 @!p0 $0x5  }
0xae: {  	_ =	swait.ge @!p0 [sflag:s21], $0x80  }
0xaf: {  	s24 =	simm.s32 @!p0 $0x7;
	s23 =	simm.s32 @!p0 $0x2A00;
	[sflag:s21] =	ssyncset.done @!p0 $0x0  }
0xb0: {  	s22 =	simm.s32 @!p0 $0x2900;
	[sflag:s21] =	ssyncadd.s32 @!p0 $0xFFFFFF80;
	s21 =	simm.s32 @!p0 $0x80  }
0xb1: {  	[spmem:s1] =	stream.indirect.scatter.add.f32 @!p0 [tilespmem:s23], [sflag:$0x7], $0x80, s22, s21, $0xb8;
	[tilespmem:$0x1E600] =	vst v63  }
0xb2: {  	_ =	swait.ge @!p0 [sflag:s24], $0x4000  }
0xb3: {  	[sflag:s24] =	ssyncset.done @!p0 $0x0  }
0xb4: {  	[sflag:s24] =	ssyncadd.s32 @!p0 $0xFFFFC000;
	s24 =	sadd.s32 @!p0 $0xFFFFFF80, s17  }
0xb5: {  	[tilespmem:s23], [sflag:$0x1] =	stream.indirect.gather @!p0 [hbm4b:s4+s21], $0x80, s24, s21, $0xb8;
	[tilespmem:$0x1E600] =	vst v63  }
0xb6: {  	s21 =	sadd.s32 @!p0 $0xFFFFFF80, s16  }
0xb7: {  	s23 =	sand.u32 @!p0 $0x7C00, s21  }
0xb8: {  	s21 =	sand.u32 @!p0 $0x300, s21;
	s23 =	sadd.s32 @!p0 s6, s23  }
0xb9: {  	s21 =	sor.u32 @!p0 s21, s23  }
0xba: {  	s21 =	sshrl.u32 @!p0 s21, $0x3  }
0xbb: {  	s21 =	sadd.s32 @!p0 s5, s21  }
0xbc: {  	[tilespmem:s22], [sflag:$0x5] =	stream.linear.gather @!p0 [hbm4b:s21+s20], $0x80, $0x38;
	[tilespmem:$0x1E600] =	vst v63  }
0xbd: {  	_ =	swait.ge [sflag:s28], $0x4000  }
0xbe: {  	[sflag:s28] =	ssyncset.done $0x0  }
0xbf: {  	[sflag:s28] =	ssyncadd.s32 $0xFFFFC000  }
0xc0: {  	_ =	swait.ge [sflag:s14], $0x80  }
0xc1: {  	[sflag:s14] =	ssyncset.done $0x0  }
.Ltmp3:
0xc2: {  	[sflag:s14] =	ssyncadd.s32 $0xFFFFFF80;
	(pc) =	sbr.rel @p0 .LBB2_6-.Ltmp3, $4  }
0xc3: {  	[spmem:s1] =	stream.indirect.scatter.add.f32 [tilespmem:s31], [sflag:$0x7], $0x80, s29, s30, $0xb8;
	[tilespmem:$0x1E600] =	vst v63  }
0xc4: {  	_ =	swait.ge [sflag:s18], $0x4000  }
0xc5: {  	[sflag:s18] =	ssyncset.done $0x0  }
0xc6: {  	[sflag:s18] =	ssyncadd.s32 $0xFFFFC000  }
0xc7: {  	[tilespmem:s31], [sflag:$0x2] =	stream.indirect.gather [hbm4b:s4+s30], $0x80, s17, s30, $0xb8;
	[tilespmem:$0x1E600] =	vst v63  }
0xc8: {  	s20 =	sand.u32 $0x7C00, s16  }
.Ltmp4:
0xc9: {  	s21 =	sand.u32 $0x380, s16;
	s20 =	sadd.s32 s6, s20;
	(pc) =	sbr.rel .LBB2_4-.Ltmp4, $4  }
0xca: {  	s20 =	sor.u32 s21, s20  }
0xcb: {  	s20 =	sshrl.u32 s20, $0x3  }
0xcc: {  	s16 =	sadd.s32 $0x200, s16;
	s17 =	sadd.s32 $0x200, s17;
	s20 =	sadd.s32 s5, s20  }
0xcd: {  	[tilespmem:s29], [sflag:$0x6] =	stream.linear.gather [hbm4b:s20+s3], $0x80, $0x38;
	[tilespmem:$0x1E600] =	vst v63  }
.LBB2_7:
0xce: {  	_ =	sfence.sel $0x180000  }
0xcf: {  	[bflag:$0x0] =	sbarrier.arrive $0xFFFF  }
0xd0: {  	_ =	strace $0x9000004A  }
0xd1: {  	s0 =	stileid.u32;
	[bflag:$0x2] =	sbarrier.arrive $0xFFFF  }
0xd2: {  	p0 =	sne.s32 s0, $0x0;
	s0 =	rddreg [dreg:$0x3]  }
0xd3: {  	s0 =	sadd.s32 @!p0 $0x100000, s0  }
0xd4: {  	[sflag:s0] =	ssyncadd.tile.s32 @!p0 $0x1;
	_ =	shalt  }
.Lfunc_end2:
_tile_overlayer_lowered:
.L_overlay_start_2:
0xd5: {  	(tag) =	ssettag $0x2  }
0xd6: {  	s0 =	rddreg [dreg:$0x0];
	s2 =	stileid.u32  }
0xd7: {  	s1 =	rddreg [dreg:$0x1];
	p0 =	sne.s32 s2, $0x0  }
0xd8: {  	s3 =	rddreg [dreg:$0x2];
	[bflag:$0x3] =	sbarrier.arrive $0xFFFF;
	s2 =	simm.s32 @!p0 $0x1C07  }
0xd9: {  	[timem:s3], [sflag:s2] =	dma.local @!p0 [hbm:s0], s1  }
0xda: {  	s0 =	simm.s32 @!p0 $0x7  }
0xdb: {  	_ =	swait.ge @!p0 [sflag:s0], s1  }
0xdc: {  	s1 =	ssub.s32 @!p0 $0x0, s1;
	[sflag:s0] =	ssyncset.done @!p0 $0x0  }
0xdd: {  	[sflag:s0] =	ssyncadd.s32 @!p0 s1  }
0xde: {  	[bflag:$0x3] =	sbarrier.arrive $0xFFFF  }
0xdf: {  	_ =	shalt  }

// kernel: kernel.14.cloned.1.call-start
scs
__scs_entry_jumppad:
0x0: {  	(pc) =	sbr.rel $0x88, $3  }
0x1: {  	(tag) =	ssettag $0x0;
	lr =	simm.s32 $0x1  }
0x2: {  	[smem:$0x3F89] =	sst lr;
	_ =	strace $0xD0000000  }
0x3: {  	_ = 	snop  }
0x4: {  	_ = 	snop  }
0x5: {  	_ = 	snop  }
0x6: {  	_ = 	snop  }
0x7: {  	_ = 	snop  }
__scs_overlays_trampoline_lowered:
0x8: {  	[smem:$0x3F98] =	sst s0  }
0x9: {  	[smem:$0x3F99] =	sst s1  }
0xa: {  	[smem:$0x3F9A] =	sst s2  }
0xb: {  	[smem:$0x3F9B] =	sst s3  }
0xc: {  	[smem:$0x3F9C] =	sst s4  }
0xd: {  	[smem:$0x3F9D] =	sst s5  }
0xe: {  	[smem:$0x3F9E] =	sst s6  }
0xf: {  	[smem:$0x3F9F] =	sst s7  }
0x10: {  	[smem:$0x3FA0] =	sst s8  }
0x11: {  	[smem:$0x3FA1] =	sst s9;
	s0 =	simm.s32 @!p0 $0x0  }
0x12: {  	s1 =	sld [smem:$0x3F87];
	s0 =	simm.s32 @p0 $0x1  }
0x13: {  	[smem:$0x3FA2] =	sst s0;
	s0 =	simm.s32 @!p1 $0x0  }
0x14: {  	s2 =	sld [smem:$0x3F86];
	s0 =	simm.s32 @p1 $0x1  }
0x15: {  	[smem:$0x3FA3] =	sst s0;
	s0 =	simm.s32 @!p2 $0x0  }
0x16: {  	s3 =	sld [smem:$0x3FDB];
	s0 =	simm.s32 @p2 $0x1  }
0x17: {  	s4 =	simm.s32 $0x1BF5;
	[smem:$0x3FA5] =	sst s0  }
0x18: {  	s0 =	sld [smem:$0x3F88];
	_ =	swait.ge [sflag:s4], $0x0  }
0x19: {  	s7 =	sld [smem:$0x3F89]  }
0x1a: {  	s8 =	sadd.s32 $0xFFFFE003, lr  }
0x1b: {  	s9 =	sadd.s32 $0xFFFFFEF7, lr;
	s5 =	simm.s32 $0xFFFFFFFF;
	p2 =	slt.u32 s8, $0xFFFFF086  }
0x1c: {  	p1 =	slt.u32 s9, $0xF7A;
	s5 =	simm.s32 @!p2 $0x0  }
0x1d: {  	s5 =	simm.s32 @p1 $0x1;
	p0 =	seq.s32 s7, s2  }
0x1e: {  	s7 =	smul.u32 @!p0 $0xF7A, s2;
	p2 =	seq.s32 @!p0 s5, $0x0  }
0x1f: {  	s9 =	smul.u32 $0xF7A, s1;
	s8 =	simm.s32 @!p0 $0x1BF5;
	p2 =	por !p2, p0  }
0x20: {  	[sflag:s8] =	ssyncset.s32 @!p0 $0xFFFFF086;
	s6 =	sadd.s32 @!p0 s3, s7;
	s7 =	simm.s32 @!p0 $0x108  }
0x21: {  	s3 =	sadd.s32 s3, s9;
	s6 =	sadd.s32 @!p0 $0x88, s6;
	s7 =	simm.s32 @p2 $0x1082  }
0x22: {  	[simem:s7], [sflag:s8] =	dma.local @!p0 [hbm:s6], $0xF7A  }
0x23: {  	s9 =	sor.u32 $0xD0000000, s2;
	s6 =	simm.s32 $0x108;
	_ =	swait.ge @!p0 [sflag:s8], $0x0  }
0x24: {  	s3 =	sadd.s32 $0x88, s3;
	s6 =	simm.s32 @!p1 $0x1082;
	[sflag:s4] =	ssyncset.s32 $0xFFFFF086  }
0x25: {  	[simem:s6], [sflag:s4] =	dma.local [hbm:s3], $0xF7A  }
0x26: {  	[smem:$0x3F89] =	sst s1;
	(tag) =	ssettag s2;
	_ =	strace s9  }
0x27: {  	s1 =	sld [smem:$0x3F99]  }
0x28: {  	s2 =	sld [smem:$0x3F9A]  }
0x29: {  	s4 =	sld [smem:$0x3F9C]  }
0x2a: {  	p0 =	seq.s32 s5, $0x0;
	s5 =	sld [smem:$0x3F9D]  }
0x2b: {  	s6 =	sld [smem:$0x3F9E]  }
0x2c: {  	s7 =	sld [smem:$0x3F9F]  }
0x2d: {  	s3 =	simm.s32 $0x108;
	s8 =	sld [smem:$0x3FA0]  }
0x2e: {  	s3 =	simm.s32 @!p0 $0x1082;
	s9 =	sld [smem:$0x3FA1]  }
0x2f: {  	lr =	sadd.s32 s0, s3;
	s0 =	sld [smem:$0x3F98]  }
0x30: {  	s3 =	sld [smem:$0x3F9B]  }
0x31: {  	[smem:$0x3FA4] =	sst s10  }
0x32: {  	s10 =	sld [smem:$0x3FA2];
	_ =	sdelay $0x3  }
0x33: {  	p0 =	seq.s32 s10, $0x1;
	s10 =	sld [smem:$0x3FA4];
	_ =	sdelay $0x3  }
0x34: {  	[smem:$0x3FA4] =	sst s10  }
0x35: {  	s10 =	sld [smem:$0x3FA3];
	_ =	sdelay $0x3  }
0x36: {  	p1 =	seq.s32 s10, $0x1;
	s10 =	sld [smem:$0x3FA4];
	_ =	sdelay $0x3  }
0x37: {  	[smem:$0x3FA4] =	sst s10  }
0x38: {  	s10 =	sld [smem:$0x3FA5]  }
0x39: {  	_ = 	snop;
	(pc) =	sbr.ind lr, $3  }
0x3a: {  	_ = 	snop  }
0x3b: {  	_ = 	snop  }
0x3c: {  	p2 =	seq.s32 s10, $0x1;
	s10 =	sld [smem:$0x3FA4]  }
0x3d: {  	_ =	shalt  }
0x3e: {  	_ =	shalt  }
0x3f: {  	_ =	shalt  }
0x40: {  	_ =	shalt  }
0x41: {  	_ =	shalt  }
0x42: {  	_ =	shalt  }
0x43: {  	_ =	shalt  }
0x44: {  	_ =	shalt  }
0x45: {  	_ =	shalt  }
0x46: {  	_ =	shalt  }
0x47: {  	_ =	shalt  }
0x48: {  	_ =	shalt  }
0x49: {  	_ =	shalt  }
0x4a: {  	_ =	shalt  }
0x4b: {  	_ =	shalt  }
0x4c: {  	_ =	shalt  }
0x4d: {  	_ =	shalt  }
0x4e: {  	_ =	shalt  }
0x4f: {  	_ =	shalt  }
0x50: {  	_ =	shalt  }
0x51: {  	_ =	shalt  }
0x52: {  	_ =	shalt  }
0x53: {  	_ =	shalt  }
0x54: {  	_ =	shalt  }
0x55: {  	_ =	shalt  }
0x56: {  	_ =	shalt  }
0x57: {  	_ =	shalt  }
0x58: {  	_ =	shalt  }
0x59: {  	_ =	shalt  }
0x5a: {  	_ =	shalt  }
0x5b: {  	_ =	shalt  }
0x5c: {  	_ =	shalt  }
0x5d: {  	_ =	shalt  }
0x5e: {  	_ =	shalt  }
0x5f: {  	_ =	shalt  }
0x60: {  	_ =	shalt  }
0x61: {  	_ =	shalt  }
0x62: {  	_ =	shalt  }
0x63: {  	_ =	shalt  }
0x64: {  	_ =	shalt  }
0x65: {  	_ =	shalt  }
0x66: {  	_ =	shalt  }
0x67: {  	_ =	shalt  }
0x68: {  	_ =	shalt  }
0x69: {  	_ =	shalt  }
0x6a: {  	_ =	shalt  }
0x6b: {  	_ =	shalt  }
0x6c: {  	_ =	shalt  }
0x6d: {  	_ =	shalt  }
0x6e: {  	_ =	shalt  }
0x6f: {  	_ =	shalt  }
0x70: {  	_ =	shalt  }
0x71: {  	_ =	shalt  }
0x72: {  	_ =	shalt  }
0x73: {  	_ =	shalt  }
0x74: {  	_ =	shalt  }
0x75: {  	_ =	shalt  }
0x76: {  	_ =	shalt  }
0x77: {  	_ =	shalt  }
0x78: {  	_ =	shalt  }
0x79: {  	_ =	shalt  }
0x7a: {  	_ =	shalt  }
0x7b: {  	_ =	shalt  }
0x7c: {  	_ =	shalt  }
0x7d: {  	_ =	shalt  }
0x7e: {  	_ =	shalt  }
0x7f: {  	_ =	shalt  }
0x80: {  	_ =	shalt  }
0x81: {  	_ =	shalt  }
0x82: {  	_ =	shalt  }
0x83: {  	_ =	shalt  }
0x84: {  	_ =	shalt  }
0x85: {  	_ =	shalt  }
0x86: {  	_ =	shalt  }
0x87: {  	_ =	shalt  }
.Lfunc_end0:
.L_simem_size_0:
called_computation.2_lowered:
.L_overlay_start_0:
0x88: {  	s2 =	sld [smem:$0x3FD9]  }
0x89: {  	s3 =	sld [smem:$0x3FFE];
	_ =	sdelay $0x1  }
0x8a: {  	s1 =	srdreg.scid  }
0x8b: {  	s0 =	sand.u32 $0x1, s1  }
0x8c: {  	s17 =	sshll.u32 s0, $0xA;
	s2 =	sadd.s32 s3, s2  }
0x8d: {  	s2 =	sadd.s32 s2, s17  }
0x8e: {  	[smem:$0x3FB0] =	sst s2  }
0x8f: {  	_ = 	snop  }
0x90: {  	s2 =	sld [smem:$0x3FD0];
	(tm) =	ssettm $0x1  }
0x91: {  	s18 =	sld [smem:$0x3FFB];
	_ =	sdelay $0x3  }
0x92: {  	_ =	strace s18  }
0x93: {  	s3 =	sld [smem:$0x3FFC];
	_ =	sdelay $0x3  }
0x94: {  	_ =	strace s3  }
0x95: {  	s3 =	sld [smem:$0x3FFD];
	_ =	sdelay $0x3  }
0x96: {  	_ =	strace s3  }
0x97: {  	_ =	strace $0x8FFFFFFF  }
0x98: {  	s19 =	sld [smem:$0x3FDB];
	_ =	sdelay $0x1  }
0x99: {  	s4 =	simm.s32 $_scs_section_size  }
0x9a: {  	s5 =	simm.s32 $_size__tile_overlayer_lowered;
	s6 =	simm.s32 $_tile_overlayer_lowered  }
0x9b: {  	s22 =	simm.s32 $0x1BFF;
	s21 =	sshll.u32 s6, $0x1;
	s3 =	sadd.s32 s4, s19  }
0x9c: {  	s7 =	simm.s32 $0x0;
	s20 =	sshll.u32 s5, $0x1;
	s5 =	sadd.s32 s21, s3  }
0x9d: {  	[timem:s7], [sflag:s22] =	dma.local [hbm:s5], s20  }
0x9e: {  	_ =	swait.ge [sflag:s22], s20  }
0x9f: {  	s4 =	ssub.s32 $0x0, s20;
	[sflag:s22] =	ssyncset.done $0x0  }
0xa0: {  	[sflag:s22] =	ssyncadd.s32 s4;
	_ =	sdelay $0x1  }
0xa1: {  	s23 =	simm.s32 $0x1B8B  }
0xa2: {  	_ =	swait.ge [sflag:s23], $0x1  }
0xa3: {  	[sflag:s23] =	ssyncset.done $0x0  }
0xa4: {  	s25 =	simm.s32 $0x1B8E;
	s24 =	sld [smem:$0x3FFE];
	[sflag:s23] =	ssyncadd.s32 $0xFFFFFFFF  }
0xa5: {  	s26 =	simm.s32 $execute0_lowered;
	[smem:$0x3FD2] =	sst s25  }
0xa6: {  	s5 =	sshll.u32 s26, $0x1;
	_ =	strace $0x8000004C;
	[dreg:$0x1] =	wrdreg $0xFFFFFFFF  }
0xa7: {  	s28 =	simm.s32 $_size_execute0_lowered;
	s3 =	sadd.s32 s3, s5;
	[dreg:$0x0] =	wrdreg $0x0  }
0xa8: {  	s5 =	sshll.u32 s28, $0x1;
	[dreg:$0x2] =	wrdreg s3  }
0xa9: {  	[dreg:$0x3] =	wrdreg s5  }
0xaa: {  	[dreg:$0x4] =	wrdreg $0xC0  }
0xab: {  	_ =	task [dreg:s7], $0x5FFFF  }
0xac: {  	[dreg:$0x1] =	wrdreg $0xFFFFFFFF  }
0xad: {  	[dreg:$0x0] =	wrdreg $0x60  }
0xae: {  	[dreg:$0x2] =	wrdreg s24  }
0xaf: {  	[dreg:$0x3] =	wrdreg s2  }
0xb0: {  	[dreg:$0x4] =	wrdreg $0xAA000  }
0xb1: {  	[dreg:$0x5] =	wrdreg $0x9  }
0xb2: {  	_ =	task.clear_ibuf [dreg:s7], $0x6FFFF;
	_ =	strace $0x9000004C  }
0xb3: {  	s29 =	simm.s32 $0x9;
	_ =	strace $0x8000004E  }
0xb4: {  	_ =	swait.ge [sflag:s29], $0x1  }
0xb5: {  	[sflag:s29] =	ssyncadd.s32 $0xFFFFFFFF  }
0xb6: {  	_ =	strace $0x9000004E  }
0xb7: {  	_ =	sfence  }
0xb8: {  	s30 =	sld [smem:$0x0];
	_ =	sdelay $0x2  }
0xb9: {  	s31 =	sshll.u32 s1, $0xD;
	s1 =	sshrl.u32 s1, $0x2  }
0xba: {  	s3 =	sand.u32 $0x4000, s31;
	s1 =	sadd.s32 s1, s30  }
0xbb: {  	s0 =	sor.u32 s3, s0;
	s1 =	sshll.u32 s1, $0x11  }
0xbc: {  	s0 =	sor.u32 s1, s0  }
0xbd: {  	s0 =	sadd.s32 $0x8F2B, s0  }
0xbe: {  	[sflag:s0] =	ssyncadd.remote.s32 $0x1  }
0xbf: {  	_ =	sfence.sel $0xFFFF  }
0xc0: {  	[dreg:$0x0] =	wrdreg $0xFFFFFFFF;
	(pc) =	sbr.abs _section_cstart, $3  }
0xc1: {  	[dreg:$0x1] =	wrdreg $0xFFFFFFFF  }
0xc2: {  	_ =	task.clear_ibuf [dreg:s7], $0x2FFFF;
	_ =	strace $0x9FFFFFFF  }
0xc3: {  	(tm) =	ssettm $0x7FFFFFFF  }
tec
execute0_lowered:
.L_overlay_start_1:
0x0: {  	(tag) =	ssettag $0x1  }
0x1: {  	s0 =	rddreg [dreg:$0x0]  }
0x2: {  	s2 =	rddreg [dreg:$0x1]  }
0x3: {  	s1 =	rddreg [dreg:$0x2]  }
0x4: {  	s4 =	srdreg.scid;
	s18 =	stileid.u32  }
0x5: {  	s3 =	simm.s32 $0x0;
	s29 =	simm.s32 $0x2980;
	s9 =	smul.u32 $0x2800, s18  }
0x6: {  	s30 =	simm.s32 $0x80;
	s31 =	simm.s32 $0x6A00;
	s11 =	smul.u32 $0x278, s18  }
0x7: {  	s28 =	simm.s32 $0x2;
	s6 =	sand.u32 $0x1, s4;
	s24 =	smul.u32 $0x4F000, s18  }
0x8: {  	[smem:$0x7FF] =	sst s3;
	s4 =	sadd.s32 $0xF200, s0;
	s23 =	smul.u32 $0x2780, s18  }
0x9: {  	s5 =	sadd.s32 $0x5200, s0;
	s18 =	simm.s32 $0x7;
	s7 =	smul.u32 $0x27800, s6  }
0xa: {  	s8 =	smul.u32 $0x28000, s6;
	_ =	strace $0x8000004D;
	s10 =	ssub.s32 $0x2, s6  }
0xb: {  	s12 =	sshrl.u32 s10, $0x1;
	s14 =	sadd.s32 $0x80, s11;
	s15 =	sadd.s32 $0x100, s11  }
0xc: {  	s16 =	sadd.s32 $0x180, s11;
	s17 =	sadd.s32 $0x200, s11;
	s6 =	sadd.s32 s9, s8  }
0xd: {  	s0 =	sadd.s32 s7, s0;
	s25 =	ssub.s32 s10, s12;
	s8 =	sshrl.u32 s24, $0x2  }
0xe: {  	s9 =	sshll.u32 s14, $0x7;
	s10 =	sshll.u32 s15, $0x7;
	s13 =	sshll.u32 s16, $0x7  }
0xf: {  	s19 =	sshll.u32 s17, $0x7;
	s14 =	sshll.u32 s14, $0x4;
	s15 =	sshll.u32 s15, $0x4  }
0x10: {  	s16 =	sshll.u32 s16, $0x4;
	s17 =	sshll.u32 s17, $0x4;
	s26 =	sshrl.u32 s6, $0x3  }
0x11: {  	s8 =	sadd.s32 s8, s1;
	s9 =	sadd.s32 s9, s1;
	s10 =	sadd.s32 s10, s1  }
0x12: {  	s11 =	sadd.s32 s13, s1;
	s13 =	sadd.s32 s19, s1;
	s7 =	smax.u32 s25, $0x1  }
0x13: {  	s0 =	sadd.s32 $0x36400, s0;
	s2 =	sadd.s32 s2, s26;
	[dreg:$0x8] =	wrdreg s7  }
0x14: {  	s19 =	simm.s32 $0x2A00;
	s24 =	sadd.s32 s14, s0;
	[dreg:$0x4] =	wrdreg s2  }
0x15: {  	s12 =	sadd.s32 s5, s26;
	s25 =	sadd.s32 s15, s0;
	[dreg:$0xa] =	wrdreg s24  }
0x16: {  	s26 =	sadd.s32 s16, s0;
	s7 =	simm.s32 $0x4;
	[dreg:$0xb] =	wrdreg s25  }
0x17: {  	s14 =	simm.s32 $0x6;
	s20 =	sadd.s32 $0x10, s12;
	[dreg:$0xc] =	wrdreg s26  }
.Ltmp0:
0x18: {  	s21 =	sadd.s32 $0x20, s12;
	[dreg:$0x5] =	wrdreg s20;
	(pc) =	sbr.rel .LBB2_1-.Ltmp0, $4  }
0x19: {  	s15 =	simm.s32 $0x0;
	s22 =	sadd.s32 $0x30, s12;
	[dreg:$0x6] =	wrdreg s21  }
0x1a: {  	s2 =	sadd.s32 s23, s0;
	s0 =	sadd.s32 s17, s0;
	[dreg:$0x7] =	wrdreg s22  }
0x1b: {  	s25 =	simm.s32 $0x2800;
	s26 =	simm.s32 $0x2880;
	[dreg:$0x9] =	wrdreg s2  }
0x1c: {  	v0 =	vimm.f32 $0.0e+00;
	[dreg:$0xd] =	wrdreg s0;
	s0 =	simm.s32 $0x1;
	s2 =	simm.s32 $0x3  }
.LBB2_6:
0x1d: {  	[bflag:$0x0] =	sbarrier.arrive $0xFFFF  }
0x1e: {  	[tilespmem:s19], [sflag:$0x7] =	stream.linear.gather [spmem:s8], $0x4000, $0x38;
	[tilespmem:$0x1E600] =	vst v63  }
0x1f: {  	_ =	swait.ge [sflag:s18], $0x4000  }
0x20: {  	[sflag:s18] =	ssyncset.done $0x0  }
0x21: {  	s16 =	rddreg [dreg:$0x9];
	[sflag:s18] =	ssyncadd.s32 $0xFFFFC000  }
0x22: {  	[hbm4b:s16+s3] =	stream.linear.scatter [tilespmem:s19], [sflag:$0x7], $0x4000, $0x38;
	[tilespmem:$0x1E600] =	vst v63  }
0x23: {  	_ =	swait.ge [sflag:s18], $0x4000  }
0x24: {  	[sflag:s18] =	ssyncset.done $0x0  }
0x25: {  	[sflag:s18] =	ssyncadd.s32 $0xFFFFC000  }
0x26: {  	[tilespmem:s19], [sflag:$0x7] =	stream.linear.gather [spmem:s9], $0x4000, $0x38;
	[tilespmem:$0x1E600] =	vst v63  }
0x27: {  	_ =	swait.ge [sflag:s18], $0x4000  }
0x28: {  	[sflag:s18] =	ssyncset.done $0x0  }
0x29: {  	s20 =	rddreg [dreg:$0xa];
	[sflag:s18] =	ssyncadd.s32 $0xFFFFC000  }
0x2a: {  	[hbm4b:s20+s3] =	stream.linear.scatter [tilespmem:s19], [sflag:$0x7], $0x4000, $0x38;
	[tilespmem:$0x1E600] =	vst v63  }
0x2b: {  	_ =	swait.ge [sflag:s18], $0x4000  }
0x2c: {  	[sflag:s18] =	ssyncset.done $0x0  }
0x2d: {  	[sflag:s18] =	ssyncadd.s32 $0xFFFFC000  }
0x2e: {  	[tilespmem:s19], [sflag:$0x7] =	stream.linear.gather [spmem:s10], $0x4000, $0x38;
	[tilespmem:$0x1E600] =	vst v63  }
0x2f: {  	_ =	swait.ge [sflag:s18], $0x4000  }
0x30: {  	[sflag:s18] =	ssyncset.done $0x0  }
0x31: {  	s21 =	rddreg [dreg:$0xb];
	[sflag:s18] =	ssyncadd.s32 $0xFFFFC000  }
0x32: {  	[hbm4b:s21+s3] =	stream.linear.scatter [tilespmem:s19], [sflag:$0x7], $0x4000, $0x38;
	[tilespmem:$0x1E600] =	vst v63  }
0x33: {  	_ =	swait.ge [sflag:s18], $0x4000  }
0x34: {  	[sflag:s18] =	ssyncset.done $0x0  }
0x35: {  	[sflag:s18] =	ssyncadd.s32 $0xFFFFC000  }
0x36: {  	[tilespmem:s19], [sflag:$0x7] =	stream.linear.gather [spmem:s11], $0x4000, $0x38;
	[tilespmem:$0x1E600] =	vst v63  }
0x37: {  	_ =	swait.ge [sflag:s18], $0x4000  }
0x38: {  	[sflag:s18] =	ssyncset.done $0x0  }
0x39: {  	s22 =	rddreg [dreg:$0xc];
	[sflag:s18] =	ssyncadd.s32 $0xFFFFC000  }
0x3a: {  	[hbm4b:s22+s3] =	stream.linear.scatter [tilespmem:s19], [sflag:$0x7], $0x4000, $0x38;
	[tilespmem:$0x1E600] =	vst v63  }
0x3b: {  	_ =	swait.ge [sflag:s18], $0x4000  }
0x3c: {  	[sflag:s18] =	ssyncset.done $0x0  }
0x3d: {  	[sflag:s18] =	ssyncadd.s32 $0xFFFFC000  }
0x3e: {  	[tilespmem:s19], [sflag:$0x7] =	stream.linear.gather [spmem:s13], $0x3C00, $0x38;
	[tilespmem:$0x1E600] =	vst v63  }
0x3f: {  	_ =	swait.ge [sflag:s18], $0x3C00  }
0x40: {  	[sflag:s18] =	ssyncset.done $0x0  }
0x41: {  	s23 =	rddreg [dreg:$0xd];
	[sflag:s18] =	ssyncadd.s32 $0xFFFFC400  }
0x42: {  	[hbm4b:s23+s3] =	stream.linear.scatter [tilespmem:s19], [sflag:$0x7], $0x3C00, $0x38;
	[tilespmem:$0x1E600] =	vst v63  }
0x43: {  	_ =	swait.ge [sflag:s18], $0x3C00  }
0x44: {  	s15 =	sadd.s32 $0x1, s15;
	s24 =	rddreg [dreg:$0x8]  }
0x45: {  	p0 =	sne.s32 s15, s24  }
.Ltmp1:
0x46: {  	_ = 	snop;
	(pc) =	sbr.rel @!p0 .LBB2_7-.Ltmp1, $3  }
0x47: {  	_ =	sdelay $0x1  }
0x48: {  	[sflag:s18] =	ssyncset.done $0x0  }
0x49: {  	[sflag:s18] =	ssyncadd.s32 $0xFFFFC400  }
.LBB2_1:
0x4a: {  	s16 =	rddreg [dreg:$0x4]  }
0x4b: {  	[tilespmem:s3], [sflag:$0x7] =	stream.linear.gather [hbm4b:s16+s3], $0x2800, $0x38;
	[tilespmem:$0x1E600] =	vst v63  }
0x4c: {  	_ =	swait.ge [sflag:s18], $0x2800  }
0x4d: {  	[sflag:s18] =	ssyncset.done $0x0  }
0x4e: {  	s17 =	simm.s32 $0x200;
	s16 =	simm.s32 $0x0;
	[sflag:s18] =	ssyncadd.s32 $0xFFFFD800  }
.LBB2_2:
0x4f: {  	p0 =	sne.s32 s17, $0xFE00;
	[tilespmem:s16+$0x2A70] =	vst v0  }
0x50: {  	[tilespmem:s16+$0x2A00] =	vst v0  }
0x51: {  	[tilespmem:s16+$0x2A10] =	vst v0  }
.Ltmp2:
0x52: {  	[tilespmem:s16+$0x2A20] =	vst v0;
	(pc) =	sbr.rel @p0 .LBB2_2-.Ltmp2, $4  }
0x53: {  	[tilespmem:s16+$0x2A30] =	vst v0  }
0x54: {  	[tilespmem:s16+$0x2A40] =	vst v0  }
0x55: {  	[tilespmem:s16+$0x2A50] =	vst v0  }
0x56: {  	[tilespmem:s16+$0x2A60] =	vst v0;
	s16 =	sshra.s32 s17, $0x2;
	s17 =	sadd.s32 $0x200, s17  }
0x57: {  	[tilespmem:s16+$0x2A70] =	vst v0  }
0x58: {  	[tilespmem:s16+$0x2A00] =	vst v0  }
0x59: {  	[tilespmem:s16+$0x2A10] =	vst v0  }
0x5a: {  	[tilespmem:s16+$0x2A20] =	vst v0  }
0x5b: {  	[tilespmem:s16+$0x2A30] =	vst v0  }
0x5c: {  	[tilespmem:s16+$0x2A40] =	vst v0  }
0x5d: {  	[tilespmem:s16+$0x2A50] =	vst v0  }
0x5e: {  	[tilespmem:s16+$0x2A60] =	vst v0  }
0x5f: {  	[spmem:s8] =	stream.linear.scatter [tilespmem:s19], [sflag:$0x7], $0x4000, $0x38;
	[tilespmem:$0x1E600] =	vst v63  }
0x60: {  	_ =	swait.ge [sflag:s18], $0x4000  }
0x61: {  	[sflag:s18] =	ssyncset.done $0x0  }
0x62: {  	[sflag:s18] =	ssyncadd.s32 $0xFFFFC000  }
0x63: {  	[spmem:s9] =	stream.linear.scatter [tilespmem:s19], [sflag:$0x7], $0x4000, $0x38;
	[tilespmem:$0x1E600] =	vst v63  }
0x64: {  	_ =	swait.ge [sflag:s18], $0x4000  }
0x65: {  	[sflag:s18] =	ssyncset.done $0x0  }
0x66: {  	[sflag:s18] =	ssyncadd.s32 $0xFFFFC000  }
0x67: {  	[spmem:s10] =	stream.linear.scatter [tilespmem:s19], [sflag:$0x7], $0x4000, $0x38;
	[tilespmem:$0x1E600] =	vst v63  }
0x68: {  	_ =	swait.ge [sflag:s18], $0x4000  }
0x69: {  	[sflag:s18] =	ssyncset.done $0x0  }
0x6a: {  	[sflag:s18] =	ssyncadd.s32 $0xFFFFC000  }
0x6b: {  	[spmem:s11] =	stream.linear.scatter [tilespmem:s19], [sflag:$0x7], $0x4000, $0x38;
	[tilespmem:$0x1E600] =	vst v63  }
0x6c: {  	_ =	swait.ge [sflag:s18], $0x4000  }
0x6d: {  	[sflag:s18] =	ssyncset.done $0x0  }
0x6e: {  	[sflag:s18] =	ssyncadd.s32 $0xFFFFC000  }
0x6f: {  	[spmem:s13] =	stream.linear.scatter [tilespmem:s19], [sflag:$0x7], $0x3C00, $0x38;
	[tilespmem:$0x1E600] =	vst v63  }
0x70: {  	_ =	swait.ge [sflag:s18], $0x3C00  }
0x71: {  	[sflag:s18] =	ssyncset.done $0x0  }
0x72: {  	[sflag:s18] =	ssyncadd.s32 $0xFFFFC400  }
0x73: {  	[bflag:$0x0] =	sbarrier.arrive $0xFFFF  }
0x74: {  	[tilespmem:s25], [sflag:$0x3] =	stream.linear.gather [hbm4b:s12+s3], $0x80, $0x38;
	[tilespmem:$0x1E600] =	vst v63  }
0x75: {  	s22 =	rddreg [dreg:$0x5]  }
0x76: {  	[tilespmem:s26], [sflag:$0x4] =	stream.linear.gather [hbm4b:s22+s3], $0x80, $0x38;
	[tilespmem:$0x1E600] =	vst v63  }
0x77: {  	s17 =	simm.s32 $0x2900;
	s23 =	rddreg [dreg:$0x6]  }
0x78: {  	[tilespmem:s17], [sflag:$0x5] =	stream.linear.gather [hbm4b:s23+s3], $0x80, $0x38;
	[tilespmem:$0x1E600] =	vst v63  }
0x79: {  	s24 =	rddreg [dreg:$0x7]  }
0x7a: {  	[tilespmem:s29], [sflag:$0x6] =	stream.linear.gather [hbm4b:s24+s3], $0x80, $0x38;
	[tilespmem:$0x1E600] =	vst v63  }
0x7b: {  	_ = 	snop  }
0x7c: {  	[tilespmem:s19], [sflag:$0x1] =	stream.indirect.gather [hbm4b:s4+s30], $0x80, s3, s30, $0xb8;
	[tilespmem:$0x1E600] =	vst v63  }
0x7d: {  	s16 =	simm.s32 $0x380;
	s17 =	simm.s32 $0x280  }
0x7e: {  	[tilespmem:s31], [sflag:$0x2] =	stream.indirect.gather [hbm4b:s4+s30], $0x80, s30, s30, $0xb8;
	[tilespmem:$0x1E600] =	vst v63  }
.LBB2_4:
0x7f: {  	_ =	swait.ge [sflag:s0], $0x4000  }
0x80: {  	[sflag:s0] =	ssyncset.done $0x0  }
0x81: {  	[sflag:s0] =	ssyncadd.s32 $0xFFFFC000  }
0x82: {  	_ =	swait.ge [sflag:s2], $0x80  }
0x83: {  	[sflag:s2] =	ssyncset.done $0x0  }
0x84: {  	[sflag:s2] =	ssyncadd.s32 $0xFFFFFF80  }
0x85: {  	[spmem:s1] =	stream.indirect.scatter.add.f32 [tilespmem:s19], [sflag:$0x7], $0x80, s25, s30, $0xb8;
	[tilespmem:$0x1E600] =	vst v63  }
0x86: {  	_ =	swait.ge [sflag:s18], $0x4000  }
0x87: {  	[sflag:s18] =	ssyncset.done $0x0  }
0x88: {  	s20 =	sadd.s32 $0xFFFFFE80, s17;
	p0 =	seq.s32 s16, $0x2980;
	[sflag:s18] =	ssyncadd.s32 $0xFFFFC000  }
0x89: {  	[tilespmem:s19], [sflag:$0x1] =	stream.indirect.gather [hbm4b:s4+s30], $0x80, s20, s30, $0xb8;
	[tilespmem:$0x1E600] =	vst v63  }
0x8a: {  	s20 =	sadd.s32 @!p0 $0xFFFFFE80, s16  }
0x8b: {  	s21 =	sand.u32 @!p0 $0x7C00, s20  }
0x8c: {  	s20 =	sand.u32 @!p0 $0x200, s20;
	s21 =	sadd.s32 @!p0 s6, s21  }
0x8d: {  	s20 =	sor.u32 @!p0 s20, s21  }
0x8e: {  	s20 =	sshrl.u32 @!p0 s20, $0x3  }
0x8f: {  	s22 =	simm.s32 @!p0 $0x2800;
	s21 =	sadd.s32 @!p0 s5, s20;
	s20 =	simm.s32 @!p0 $0x0  }
0x90: {  	[tilespmem:s22], [sflag:$0x3] =	stream.linear.gather @!p0 [hbm4b:s21+s20], $0x80, $0x38;
	[tilespmem:$0x1E600] =	vst v63  }
0x91: {  	_ =	swait.ge [sflag:s28], $0x4000  }
0x92: {  	[sflag:s28] =	ssyncset.done $0x0  }
0x93: {  	[sflag:s28] =	ssyncadd.s32 $0xFFFFC000  }
0x94: {  	_ =	swait.ge [sflag:s7], $0x80  }
0x95: {  	[sflag:s7] =	ssyncset.done $0x0  }
0x96: {  	[sflag:s7] =	ssyncadd.s32 $0xFFFFFF80  }
0x97: {  	[spmem:s1] =	stream.indirect.scatter.add.f32 [tilespmem:s31], [sflag:$0x7], $0x80, s26, s30, $0xb8;
	[tilespmem:$0x1E600] =	vst v63  }
0x98: {  	_ =	swait.ge [sflag:s18], $0x4000  }
0x99: {  	[sflag:s18] =	ssyncset.done $0x0  }
0x9a: {  	s24 =	sadd.s32 $0xFFFFFF00, s17;
	s21 =	simm.s32 @p0 $0x1;
	[sflag:s18] =	ssyncadd.s32 $0xFFFFC000  }
0x9b: {  	[tilespmem:s31], [sflag:$0x2] =	stream.indirect.gather [hbm4b:s4+s30], $0x80, s24, s30, $0xb8;
	[tilespmem:$0x1E600] =	vst v63  }
0x9c: {  	_ =	swait.ge @p0 [sflag:s21], $0x4000  }
0x9d: {  	[sflag:s21] =	ssyncset.done @p0 $0x0  }
0x9e: {  	[sflag:s21] =	ssyncadd.s32 @p0 $0xFFFFC000;
	s21 =	simm.s32 @p0 $0x5  }
0x9f: {  	_ =	swait.ge @p0 [sflag:s21], $0x80  }
0xa0: {  	s23 =	simm.s32 @p0 $0x2A00;
	[sflag:s21] =	ssyncset.done @p0 $0x0  }
0xa1: {  	s22 =	simm.s32 @p0 $0x2900;
	[sflag:s21] =	ssyncadd.s32 @p0 $0xFFFFFF80;
	s21 =	simm.s32 @p0 $0x80  }
0xa2: {  	[spmem:s1] =	stream.indirect.scatter.add.f32 @p0 [tilespmem:s23], [sflag:$0x7], $0x80, s22, s21, $0xb8;
	[tilespmem:$0x1E600] =	vst v63  }
0xa3: {  	s21 =	sadd.s32 @!p0 $0xFFFFFF00, s16  }
0xa4: {  	s22 =	sand.u32 @!p0 $0x7C00, s21  }
0xa5: {  	s23 =	simm.s32 @p0 $0x7;
	s21 =	sand.u32 @!p0 $0x280, s21;
	s22 =	sadd.s32 @!p0 s6, s22  }
0xa6: {  	_ =	swait.ge @p0 [sflag:s23], $0x4000;
	s21 =	sor.u32 @!p0 s21, s22  }
0xa7: {  	[sflag:s23] =	ssyncset.done @p0 $0x0;
	s21 =	sshrl.u32 @!p0 s21, $0x3  }
0xa8: {  	[sflag:s23] =	ssyncadd.s32 @p0 $0xFFFFC000;
	s22 =	simm.s32 @!p0 $0x2880;
	s21 =	sadd.s32 @!p0 s5, s21  }
0xa9: {  	[tilespmem:s22], [sflag:$0x4] =	stream.linear.gather @!p0 [hbm4b:s21+s20], $0x80, $0x38;
	[tilespmem:$0x1E600] =	vst v63  }
0xaa: {  	s21 =	simm.s32 @!p0 $0x1  }
0xab: {  	_ =	swait.ge @!p0 [sflag:s21], $0x4000  }
0xac: {  	[sflag:s21] =	ssyncset.done @!p0 $0x0  }
0xad: {  	[sflag:s21] =	ssyncadd.s32 @!p0 $0xFFFFC000;
	s21 =	simm.s32 @!p0 $0x5  }
0xae: {  	_ =	swait.ge @!p0 [sflag:s21], $0x80  }
0xaf: {  	s24 =	simm.s32 @!p0 $0x7;
	s23 =	simm.s32 @!p0 $0x2A00;
	[sflag:s21] =	ssyncset.done @!p0 $0x0  }
0xb0: {  	s22 =	simm.s32 @!p0 $0x2900;
	[sflag:s21] =	ssyncadd.s32 @!p0 $0xFFFFFF80;
	s21 =	simm.s32 @!p0 $0x80  }
0xb1: {  	[spmem:s1] =	stream.indirect.scatter.add.f32 @!p0 [tilespmem:s23], [sflag:$0x7], $0x80, s22, s21, $0xb8;
	[tilespmem:$0x1E600] =	vst v63  }
0xb2: {  	_ =	swait.ge @!p0 [sflag:s24], $0x4000  }
0xb3: {  	[sflag:s24] =	ssyncset.done @!p0 $0x0  }
0xb4: {  	[sflag:s24] =	ssyncadd.s32 @!p0 $0xFFFFC000;
	s24 =	sadd.s32 @!p0 $0xFFFFFF80, s17  }
0xb5: {  	[tilespmem:s23], [sflag:$0x1] =	stream.indirect.gather @!p0 [hbm4b:s4+s21], $0x80, s24, s21, $0xb8;
	[tilespmem:$0x1E600] =	vst v63  }
0xb6: {  	s21 =	sadd.s32 @!p0 $0xFFFFFF80, s16  }
0xb7: {  	s23 =	sand.u32 @!p0 $0x7C00, s21  }
0xb8: {  	s21 =	sand.u32 @!p0 $0x300, s21;
	s23 =	sadd.s32 @!p0 s6, s23  }
0xb9: {  	s21 =	sor.u32 @!p0 s21, s23  }
0xba: {  	s21 =	sshrl.u32 @!p0 s21, $0x3  }
0xbb: {  	s21 =	sadd.s32 @!p0 s5, s21  }
0xbc: {  	[tilespmem:s22], [sflag:$0x5] =	stream.linear.gather @!p0 [hbm4b:s21+s20], $0x80, $0x38;
	[tilespmem:$0x1E600] =	vst v63  }
0xbd: {  	_ =	swait.ge [sflag:s28], $0x4000  }
0xbe: {  	[sflag:s28] =	ssyncset.done $0x0  }
0xbf: {  	[sflag:s28] =	ssyncadd.s32 $0xFFFFC000  }
0xc0: {  	_ =	swait.ge [sflag:s14], $0x80  }
0xc1: {  	[sflag:s14] =	ssyncset.done $0x0  }
.Ltmp3:
0xc2: {  	[sflag:s14] =	ssyncadd.s32 $0xFFFFFF80;
	(pc) =	sbr.rel @p0 .LBB2_6-.Ltmp3, $4  }
0xc3: {  	[spmem:s1] =	stream.indirect.scatter.add.f32 [tilespmem:s31], [sflag:$0x7], $0x80, s29, s30, $0xb8;
	[tilespmem:$0x1E600] =	vst v63  }
0xc4: {  	_ =	swait.ge [sflag:s18], $0x4000  }
0xc5: {  	[sflag:s18] =	ssyncset.done $0x0  }
0xc6: {  	[sflag:s18] =	ssyncadd.s32 $0xFFFFC000  }
0xc7: {  	[tilespmem:s31], [sflag:$0x2] =	stream.indirect.gather [hbm4b:s4+s30], $0x80, s17, s30, $0xb8;
	[tilespmem:$0x1E600] =	vst v63  }
0xc8: {  	s20 =	sand.u32 $0x7C00, s16  }
.Ltmp4:
0xc9: {  	s21 =	sand.u32 $0x380, s16;
	s20 =	sadd.s32 s6, s20;
	(pc) =	sbr.rel .LBB2_4-.Ltmp4, $4  }
0xca: {  	s20 =	sor.u32 s21, s20  }
0xcb: {  	s20 =	sshrl.u32 s20, $0x3  }
0xcc: {  	s16 =	sadd.s32 $0x200, s16;
	s17 =	sadd.s32 $0x200, s17;
	s20 =	sadd.s32 s5, s20  }
0xcd: {  	[tilespmem:s29], [sflag:$0x6] =	stream.linear.gather [hbm4b:s20+s3], $0x80, $0x38;
	[tilespmem:$0x1E600] =	vst v63  }
.LBB2_7:
0xce: {  	_ =	sfence.sel $0x180000  }
0xcf: {  	[bflag:$0x0] =	sbarrier.arrive $0xFFFF  }
0xd0: {  	_ =	strace $0x9000004D  }
0xd1: {  	s0 =	stileid.u32;
	[bflag:$0x2] =	sbarrier.arrive $0xFFFF  }
0xd2: {  	p0 =	sne.s32 s0, $0x0;
	s0 =	rddreg [dreg:$0x3]  }
0xd3: {  	s0 =	sadd.s32 @!p0 $0x100000, s0  }
0xd4: {  	[sflag:s0] =	ssyncadd.tile.s32 @!p0 $0x1;
	_ =	shalt  }
.Lfunc_end2:
_tile_overlayer_lowered:
.L_overlay_start_2:
0xd5: {  	(tag) =	ssettag $0x2  }
0xd6: {  	s0 =	rddreg [dreg:$0x0];
	s2 =	stileid.u32  }
0xd7: {  	s1 =	rddreg [dreg:$0x1];
	p0 =	sne.s32 s2, $0x0  }
0xd8: {  	s3 =	rddreg [dreg:$0x2];
	[bflag:$0x3] =	sbarrier.arrive $0xFFFF;
	s2 =	simm.s32 @!p0 $0x1C07  }
0xd9: {  	[timem:s3], [sflag:s2] =	dma.local @!p0 [hbm:s0], s1  }
0xda: {  	s0 =	simm.s32 @!p0 $0x7  }
0xdb: {  	_ =	swait.ge @!p0 [sflag:s0], s1  }
0xdc: {  	s1 =	ssub.s32 @!p0 $0x0, s1;
	[sflag:s0] =	ssyncset.done @!p0 $0x0  }
0xdd: {  	[sflag:s0] =	ssyncadd.s32 @!p0 s1  }
0xde: {  	[bflag:$0x3] =	sbarrier.arrive $0xFFFF  }
0xdf: {  	_ =	shalt  }

// kernel: kernel.8.cloned.1.call-start
scs
__scs_entry_jumppad:
0x0: {  	(pc) =	sbr.rel $0x88, $3  }
0x1: {  	(tag) =	ssettag $0x0;
	lr =	simm.s32 $0x1  }
0x2: {  	[smem:$0x3F89] =	sst lr;
	_ =	strace $0xD0000000  }
0x3: {  	_ = 	snop  }
0x4: {  	_ = 	snop  }
0x5: {  	_ = 	snop  }
0x6: {  	_ = 	snop  }
0x7: {  	_ = 	snop  }
__scs_overlays_trampoline_lowered:
0x8: {  	[smem:$0x3F98] =	sst s0  }
0x9: {  	[smem:$0x3F99] =	sst s1  }
0xa: {  	[smem:$0x3F9A] =	sst s2  }
0xb: {  	[smem:$0x3F9B] =	sst s3  }
0xc: {  	[smem:$0x3F9C] =	sst s4  }
0xd: {  	[smem:$0x3F9D] =	sst s5  }
0xe: {  	[smem:$0x3F9E] =	sst s6  }
0xf: {  	[smem:$0x3F9F] =	sst s7  }
0x10: {  	[smem:$0x3FA0] =	sst s8  }
0x11: {  	[smem:$0x3FA1] =	sst s9;
	s0 =	simm.s32 @!p0 $0x0  }
0x12: {  	s1 =	sld [smem:$0x3F87];
	s0 =	simm.s32 @p0 $0x1  }
0x13: {  	[smem:$0x3FA2] =	sst s0;
	s0 =	simm.s32 @!p1 $0x0  }
0x14: {  	s2 =	sld [smem:$0x3F86];
	s0 =	simm.s32 @p1 $0x1  }
0x15: {  	[smem:$0x3FA3] =	sst s0;
	s0 =	simm.s32 @!p2 $0x0  }
0x16: {  	s3 =	sld [smem:$0x3FDB];
	s0 =	simm.s32 @p2 $0x1  }
0x17: {  	s4 =	simm.s32 $0x1BF5;
	[smem:$0x3FA5] =	sst s0  }
0x18: {  	s0 =	sld [smem:$0x3F88];
	_ =	swait.ge [sflag:s4], $0x0  }
0x19: {  	s7 =	sld [smem:$0x3F89]  }
0x1a: {  	s8 =	sadd.s32 $0xFFFFE003, lr  }
0x1b: {  	s9 =	sadd.s32 $0xFFFFFEF7, lr;
	s5 =	simm.s32 $0xFFFFFFFF;
	p2 =	slt.u32 s8, $0xFFFFF086  }
0x1c: {  	p1 =	slt.u32 s9, $0xF7A;
	s5 =	simm.s32 @!p2 $0x0  }
0x1d: {  	s5 =	simm.s32 @p1 $0x1;
	p0 =	seq.s32 s7, s2  }
0x1e: {  	s7 =	smul.u32 @!p0 $0xF7A, s2;
	p2 =	seq.s32 @!p0 s5, $0x0  }
0x1f: {  	s9 =	smul.u32 $0xF7A, s1;
	s8 =	simm.s32 @!p0 $0x1BF5;
	p2 =	por !p2, p0  }
0x20: {  	[sflag:s8] =	ssyncset.s32 @!p0 $0xFFFFF086;
	s6 =	sadd.s32 @!p0 s3, s7;
	s7 =	simm.s32 @!p0 $0x108  }
0x21: {  	s3 =	sadd.s32 s3, s9;
	s6 =	sadd.s32 @!p0 $0x88, s6;
	s7 =	simm.s32 @p2 $0x1082  }
0x22: {  	[simem:s7], [sflag:s8] =	dma.local @!p0 [hbm:s6], $0xF7A  }
0x23: {  	s9 =	sor.u32 $0xD0000000, s2;
	s6 =	simm.s32 $0x108;
	_ =	swait.ge @!p0 [sflag:s8], $0x0  }
0x24: {  	s3 =	sadd.s32 $0x88, s3;
	s6 =	simm.s32 @!p1 $0x1082;
	[sflag:s4] =	ssyncset.s32 $0xFFFFF086  }
0x25: {  	[simem:s6], [sflag:s4] =	dma.local [hbm:s3], $0xF7A  }
0x26: {  	[smem:$0x3F89] =	sst s1;
	(tag) =	ssettag s2;
	_ =	strace s9  }
0x27: {  	s1 =	sld [smem:$0x3F99]  }
0x28: {  	s2 =	sld [smem:$0x3F9A]  }
0x29: {  	s4 =	sld [smem:$0x3F9C]  }
0x2a: {  	p0 =	seq.s32 s5, $0x0;
	s5 =	sld [smem:$0x3F9D]  }
0x2b: {  	s6 =	sld [smem:$0x3F9E]  }
0x2c: {  	s7 =	sld [smem:$0x3F9F]  }
0x2d: {  	s3 =	simm.s32 $0x108;
	s8 =	sld [smem:$0x3FA0]  }
0x2e: {  	s3 =	simm.s32 @!p0 $0x1082;
	s9 =	sld [smem:$0x3FA1]  }
0x2f: {  	lr =	sadd.s32 s0, s3;
	s0 =	sld [smem:$0x3F98]  }
0x30: {  	s3 =	sld [smem:$0x3F9B]  }
0x31: {  	[smem:$0x3FA4] =	sst s10  }
0x32: {  	s10 =	sld [smem:$0x3FA2];
	_ =	sdelay $0x3  }
0x33: {  	p0 =	seq.s32 s10, $0x1;
	s10 =	sld [smem:$0x3FA4];
	_ =	sdelay $0x3  }
0x34: {  	[smem:$0x3FA4] =	sst s10  }
0x35: {  	s10 =	sld [smem:$0x3FA3];
	_ =	sdelay $0x3  }
0x36: {  	p1 =	seq.s32 s10, $0x1;
	s10 =	sld [smem:$0x3FA4];
	_ =	sdelay $0x3  }
0x37: {  	[smem:$0x3FA4] =	sst s10  }
0x38: {  	s10 =	sld [smem:$0x3FA5]  }
0x39: {  	_ = 	snop;
	(pc) =	sbr.ind lr, $3  }
0x3a: {  	_ = 	snop  }
0x3b: {  	_ = 	snop  }
0x3c: {  	p2 =	seq.s32 s10, $0x1;
	s10 =	sld [smem:$0x3FA4]  }
0x3d: {  	_ =	shalt  }
0x3e: {  	_ =	shalt  }
0x3f: {  	_ =	shalt  }
0x40: {  	_ =	shalt  }
0x41: {  	_ =	shalt  }
0x42: {  	_ =	shalt  }
0x43: {  	_ =	shalt  }
0x44: {  	_ =	shalt  }
0x45: {  	_ =	shalt  }
0x46: {  	_ =	shalt  }
0x47: {  	_ =	shalt  }
0x48: {  	_ =	shalt  }
0x49: {  	_ =	shalt  }
0x4a: {  	_ =	shalt  }
0x4b: {  	_ =	shalt  }
0x4c: {  	_ =	shalt  }
0x4d: {  	_ =	shalt  }
0x4e: {  	_ =	shalt  }
0x4f: {  	_ =	shalt  }
0x50: {  	_ =	shalt  }
0x51: {  	_ =	shalt  }
0x52: {  	_ =	shalt  }
0x53: {  	_ =	shalt  }
0x54: {  	_ =	shalt  }
0x55: {  	_ =	shalt  }
0x56: {  	_ =	shalt  }
0x57: {  	_ =	shalt  }
0x58: {  	_ =	shalt  }
0x59: {  	_ =	shalt  }
0x5a: {  	_ =	shalt  }
0x5b: {  	_ =	shalt  }
0x5c: {  	_ =	shalt  }
0x5d: {  	_ =	shalt  }
0x5e: {  	_ =	shalt  }
0x5f: {  	_ =	shalt  }
0x60: {  	_ =	shalt  }
0x61: {  	_ =	shalt  }
0x62: {  	_ =	shalt  }
0x63: {  	_ =	shalt  }
0x64: {  	_ =	shalt  }
0x65: {  	_ =	shalt  }
0x66: {  	_ =	shalt  }
0x67: {  	_ =	shalt  }
0x68: {  	_ =	shalt  }
0x69: {  	_ =	shalt  }
0x6a: {  	_ =	shalt  }
0x6b: {  	_ =	shalt  }
0x6c: {  	_ =	shalt  }
0x6d: {  	_ =	shalt  }
0x6e: {  	_ =	shalt  }
0x6f: {  	_ =	shalt  }
0x70: {  	_ =	shalt  }
0x71: {  	_ =	shalt  }
0x72: {  	_ =	shalt  }
0x73: {  	_ =	shalt  }
0x74: {  	_ =	shalt  }
0x75: {  	_ =	shalt  }
0x76: {  	_ =	shalt  }
0x77: {  	_ =	shalt  }
0x78: {  	_ =	shalt  }
0x79: {  	_ =	shalt  }
0x7a: {  	_ =	shalt  }
0x7b: {  	_ =	shalt  }
0x7c: {  	_ =	shalt  }
0x7d: {  	_ =	shalt  }
0x7e: {  	_ =	shalt  }
0x7f: {  	_ =	shalt  }
0x80: {  	_ =	shalt  }
0x81: {  	_ =	shalt  }
0x82: {  	_ =	shalt  }
0x83: {  	_ =	shalt  }
0x84: {  	_ =	shalt  }
0x85: {  	_ =	shalt  }
0x86: {  	_ =	shalt  }
0x87: {  	_ =	shalt  }
.Lfunc_end0:
.L_simem_size_0:
called_computation_lowered:
.L_overlay_start_0:
0x88: {  	s2 =	sld [smem:$0x3FD9]  }
0x89: {  	s3 =	sld [smem:$0x3FFE];
	_ =	sdelay $0x1  }
0x8a: {  	s1 =	srdreg.scid  }
0x8b: {  	s0 =	sand.u32 $0x1, s1  }
0x8c: {  	s17 =	sshll.u32 s0, $0xA;
	s2 =	sadd.s32 s3, s2  }
0x8d: {  	s2 =	sadd.s32 s2, s17  }
0x8e: {  	[smem:$0x3FB0] =	sst s2  }
0x8f: {  	_ = 	snop  }
0x90: {  	s2 =	sld [smem:$0x3FC9]  }
0x91: {  	s18 =	sld [smem:$0x3FD0];
	(tm) =	ssettm $0x1  }
0x92: {  	s4 =	sld [smem:$0x3FFB];
	_ =	sdelay $0x3  }
0x93: {  	_ =	strace s4  }
0x94: {  	s4 =	sld [smem:$0x3FFC];
	_ =	sdelay $0x3  }
0x95: {  	_ =	strace s4  }
0x96: {  	s4 =	sld [smem:$0x3FFD];
	_ =	sdelay $0x3  }
0x97: {  	_ =	strace s4  }
0x98: {  	_ =	strace $0x8FFFFFFF  }
0x99: {  	s19 =	sld [smem:$0x3FDB];
	_ =	sdelay $0x1  }
0x9a: {  	s5 =	simm.s32 $_scs_section_size  }
0x9b: {  	s6 =	simm.s32 $_size__tile_overlayer_lowered;
	s7 =	simm.s32 $_tile_overlayer_lowered  }
0x9c: {  	s22 =	simm.s32 $0x1BFF;
	s21 =	sshll.u32 s7, $0x1;
	s4 =	sadd.s32 s5, s19  }
0x9d: {  	s8 =	simm.s32 $0x0;
	s20 =	sshll.u32 s6, $0x1;
	s6 =	sadd.s32 s21, s4  }
0x9e: {  	[timem:s8], [sflag:s22] =	dma.local [hbm:s6], s20  }
0x9f: {  	_ =	swait.ge [sflag:s22], s20  }
0xa0: {  	s5 =	ssub.s32 $0x0, s20;
	[sflag:s22] =	ssyncset.done $0x0  }
0xa1: {  	[sflag:s22] =	ssyncadd.s32 s5;
	_ =	sdelay $0x1  }
0xa2: {  	s23 =	simm.s32 $0x1B8B  }
0xa3: {  	_ =	swait.ge [sflag:s23], $0x1  }
0xa4: {  	[sflag:s23] =	ssyncset.done $0x0  }
0xa5: {  	s25 =	simm.s32 $0x1B8E;
	s24 =	sld [smem:$0x3FFE];
	[sflag:s23] =	ssyncadd.s32 $0xFFFFFFFF  }
0xa6: {  	s26 =	simm.s32 $execute0_lowered;
	[smem:$0x3FD2] =	sst s25  }
0xa7: {  	s6 =	sshll.u32 s26, $0x1;
	_ =	strace $0x80000046;
	[dreg:$0x1] =	wrdreg $0xFFFFFFFF  }
0xa8: {  	s28 =	simm.s32 $_size_execute0_lowered;
	s4 =	sadd.s32 s4, s6;
	[dreg:$0x0] =	wrdreg $0x0  }
0xa9: {  	s6 =	sshll.u32 s28, $0x1;
	[dreg:$0x2] =	wrdreg s4  }
0xaa: {  	[dreg:$0x3] =	wrdreg s6  }
0xab: {  	[dreg:$0x4] =	wrdreg $0xC0  }
0xac: {  	_ =	task [dreg:s8], $0x5FFFF  }
0xad: {  	[dreg:$0x1] =	wrdreg $0xFFFFFFFF  }
0xae: {  	[dreg:$0x0] =	wrdreg $0x60  }
0xaf: {  	[dreg:$0x2] =	wrdreg s2  }
0xb0: {  	[dreg:$0x3] =	wrdreg s18  }
0xb1: {  	[dreg:$0x4] =	wrdreg s24  }
0xb2: {  	[dreg:$0x5] =	wrdreg $0xAA000  }
0xb3: {  	[dreg:$0x6] =	wrdreg $0x9  }
0xb4: {  	_ =	task.clear_ibuf [dreg:s8], $0x7FFFF;
	_ =	strace $0x90000046  }
0xb5: {  	s29 =	simm.s32 $0x9;
	_ =	strace $0x80000048  }
0xb6: {  	_ =	swait.ge [sflag:s29], $0x1  }
0xb7: {  	[sflag:s29] =	ssyncadd.s32 $0xFFFFFFFF  }
0xb8: {  	_ =	strace $0x90000048  }
0xb9: {  	_ =	sfence  }
0xba: {  	s30 =	sld [smem:$0x0];
	_ =	sdelay $0x2  }
0xbb: {  	s31 =	sshll.u32 s1, $0xD;
	s1 =	sshrl.u32 s1, $0x2  }
0xbc: {  	s3 =	sand.u32 $0x4000, s31;
	s1 =	sadd.s32 s1, s30  }
0xbd: {  	s0 =	sor.u32 s3, s0;
	s1 =	sshll.u32 s1, $0x11  }
0xbe: {  	s0 =	sor.u32 s1, s0  }
0xbf: {  	s0 =	sadd.s32 $0x8F2B, s0  }
0xc0: {  	[sflag:s0] =	ssyncadd.remote.s32 $0x1  }
0xc1: {  	_ =	sfence.sel $0xFFFF  }
0xc2: {  	[dreg:$0x0] =	wrdreg $0xFFFFFFFF;
	(pc) =	sbr.abs _section_cstart, $3  }
0xc3: {  	[dreg:$0x1] =	wrdreg $0xFFFFFFFF  }
0xc4: {  	_ =	task.clear_ibuf [dreg:s8], $0x2FFFF;
	_ =	strace $0x9FFFFFFF  }
0xc5: {  	(tm) =	ssettm $0x7FFFFFFF  }
tec
execute0_lowered:
.L_overlay_start_1:
0x0: {  	(tag) =	ssettag $0x1  }
0x1: {  	s1 =	rddreg [dreg:$0x0]  }
0x2: {  	s0 =	rddreg [dreg:$0x1]  }
0x3: {  	s3 =	rddreg [dreg:$0x2]  }
0x4: {  	s2 =	rddreg [dreg:$0x3];
	s18 =	stileid.u32  }
0x5: {  	s5 =	srdreg.scid;
	s4 =	simm.s32 $0x0;
	s9 =	smul.u32 $0x2800, s18  }
0x6: {  	s29 =	simm.s32 $0x2980;
	s30 =	simm.s32 $0x80;
	s11 =	smul.u32 $0x278, s18  }
0x7: {  	s31 =	simm.s32 $0x6A00;
	s6 =	sand.u32 $0x1, s5;
	s21 =	smul.u32 $0x4F000, s18  }
0x8: {  	s28 =	simm.s32 $0x2;
	[smem:$0x7FF] =	sst s4;
	s7 =	smul.u32 $0x27800, s6  }
0x9: {  	s5 =	sadd.s32 $0x5200, s3;
	s8 =	smul.u32 $0x28000, s6;
	s10 =	ssub.s32 $0x2, s6  }
0xa: {  	_ =	strace $0x80000047;
	s12 =	sshrl.u32 s10, $0x1;
	s23 =	sshrl.u32 s21, $0x2  }
0xb: {  	s14 =	sadd.s32 $0x80, s11;
	s15 =	sadd.s32 $0x100, s11;
	s16 =	sadd.s32 $0x180, s11  }
0xc: {  	s17 =	sadd.s32 $0x200, s11;
	s6 =	sadd.s32 s9, s8;
	s3 =	sadd.s32 s7, s3  }
0xd: {  	s7 =	ssub.s32 s10, s12;
	s8 =	sadd.s32 s23, s2;
	s24 =	sshll.u32 s14, $0x7  }
0xe: {  	s25 =	sshll.u32 s15, $0x7;
	s26 =	sshll.u32 s16, $0x7;
	s13 =	sshll.u32 s17, $0x7  }
0xf: {  	s23 =	smul.u32 $0x2780, s18;
	s14 =	sshll.u32 s14, $0x4;
	s15 =	sshll.u32 s15, $0x4  }
0x10: {  	s16 =	sshll.u32 s16, $0x4;
	s17 =	sshll.u32 s17, $0x4;
	s18 =	simm.s32 $0x7  }
0x11: {  	s22 =	sshrl.u32 s6, $0x3;
	s9 =	sadd.s32 s24, s2;
	s7 =	smax.u32 s7, $0x1  }
0x12: {  	s0 =	sadd.s32 s0, s22;
	s12 =	sadd.s32 s5, s22;
	[dreg:$0x9] =	wrdreg s7  }
0x13: {  	s10 =	sadd.s32 s25, s2;
	[dreg:$0x5] =	wrdreg s0;
	s19 =	sadd.s32 $0x10, s12  }
0x14: {  	s11 =	sadd.s32 s26, s2;
	s20 =	sadd.s32 $0x20, s12;
	[dreg:$0x6] =	wrdreg s19  }
0x15: {  	s22 =	sadd.s32 $0xF200, s3;
	s21 =	sadd.s32 $0x30, s12;
	[dreg:$0x7] =	wrdreg s20  }
0x16: {  	s13 =	sadd.s32 s13, s2;
	s3 =	sadd.s32 s23, s22;
	[dreg:$0x8] =	wrdreg s21  }
0x17: {  	s7 =	simm.s32 $0x4;
	s24 =	sadd.s32 s14, s22;
	[dreg:$0xa] =	wrdreg s3  }
.Ltmp0:
0x18: {  	s25 =	sadd.s32 s15, s22;
	[dreg:$0xb] =	wrdreg s24;
	(pc) =	sbr.rel .LBB2_1-.Ltmp0, $4  }
0x19: {  	s26 =	sadd.s32 s16, s22;
	s0 =	sadd.s32 s17, s22;
	[dreg:$0xc] =	wrdreg s25  }
0x1a: {  	s14 =	simm.s32 $0x6;
	s15 =	simm.s32 $0x0;
	[dreg:$0xd] =	wrdreg s26  }
0x1b: {  	s19 =	simm.s32 $0x2A00;
	[dreg:$0xe] =	wrdreg s0;
	s25 =	simm.s32 $0x2800  }
0x1c: {  	v0 =	vimm.f32 $0.0e+00;
	s26 =	simm.s32 $0x2880;
	s0 =	simm.s32 $0x1;
	s3 =	simm.s32 $0x3  }
.LBB2_6:
0x1d: {  	[bflag:$0x0] =	sbarrier.arrive $0xFFFF  }
0x1e: {  	[tilespmem:s19], [sflag:$0x7] =	stream.linear.gather [spmem:s8], $0x4000, $0x38;
	[tilespmem:$0x1E600] =	vst v63  }
0x1f: {  	_ =	swait.ge [sflag:s18], $0x4000  }
0x20: {  	[sflag:s18] =	ssyncset.done $0x0  }
0x21: {  	s16 =	rddreg [dreg:$0xa];
	[sflag:s18] =	ssyncadd.s32 $0xFFFFC000  }
0x22: {  	[hbm4b:s16+s4] =	stream.linear.scatter [tilespmem:s19], [sflag:$0x7], $0x4000, $0x38;
	[tilespmem:$0x1E600] =	vst v63  }
0x23: {  	_ =	swait.ge [sflag:s18], $0x4000  }
0x24: {  	[sflag:s18] =	ssyncset.done $0x0  }
0x25: {  	[sflag:s18] =	ssyncadd.s32 $0xFFFFC000  }
0x26: {  	[tilespmem:s19], [sflag:$0x7] =	stream.linear.gather [spmem:s9], $0x4000, $0x38;
	[tilespmem:$0x1E600] =	vst v63  }
0x27: {  	_ =	swait.ge [sflag:s18], $0x4000  }
0x28: {  	[sflag:s18] =	ssyncset.done $0x0  }
0x29: {  	s20 =	rddreg [dreg:$0xb];
	[sflag:s18] =	ssyncadd.s32 $0xFFFFC000  }
0x2a: {  	[hbm4b:s20+s4] =	stream.linear.scatter [tilespmem:s19], [sflag:$0x7], $0x4000, $0x38;
	[tilespmem:$0x1E600] =	vst v63  }
0x2b: {  	_ =	swait.ge [sflag:s18], $0x4000  }
0x2c: {  	[sflag:s18] =	ssyncset.done $0x0  }
0x2d: {  	[sflag:s18] =	ssyncadd.s32 $0xFFFFC000  }
0x2e: {  	[tilespmem:s19], [sflag:$0x7] =	stream.linear.gather [spmem:s10], $0x4000, $0x38;
	[tilespmem:$0x1E600] =	vst v63  }
0x2f: {  	_ =	swait.ge [sflag:s18], $0x4000  }
0x30: {  	[sflag:s18] =	ssyncset.done $0x0  }
0x31: {  	s21 =	rddreg [dreg:$0xc];
	[sflag:s18] =	ssyncadd.s32 $0xFFFFC000  }
0x32: {  	[hbm4b:s21+s4] =	stream.linear.scatter [tilespmem:s19], [sflag:$0x7], $0x4000, $0x38;
	[tilespmem:$0x1E600] =	vst v63  }
0x33: {  	_ =	swait.ge [sflag:s18], $0x4000  }
0x34: {  	[sflag:s18] =	ssyncset.done $0x0  }
0x35: {  	[sflag:s18] =	ssyncadd.s32 $0xFFFFC000  }
0x36: {  	[tilespmem:s19], [sflag:$0x7] =	stream.linear.gather [spmem:s11], $0x4000, $0x38;
	[tilespmem:$0x1E600] =	vst v63  }
0x37: {  	_ =	swait.ge [sflag:s18], $0x4000  }
0x38: {  	[sflag:s18] =	ssyncset.done $0x0  }
0x39: {  	s22 =	rddreg [dreg:$0xd];
	[sflag:s18] =	ssyncadd.s32 $0xFFFFC000  }
0x3a: {  	[hbm4b:s22+s4] =	stream.linear.scatter [tilespmem:s19], [sflag:$0x7], $0x4000, $0x38;
	[tilespmem:$0x1E600] =	vst v63  }
0x3b: {  	_ =	swait.ge [sflag:s18], $0x4000  }
0x3c: {  	[sflag:s18] =	ssyncset.done $0x0  }
0x3d: {  	[sflag:s18] =	ssyncadd.s32 $0xFFFFC000  }
0x3e: {  	[tilespmem:s19], [sflag:$0x7] =	stream.linear.gather [spmem:s13], $0x3C00, $0x38;
	[tilespmem:$0x1E600] =	vst v63  }
0x3f: {  	_ =	swait.ge [sflag:s18], $0x3C00  }
0x40: {  	[sflag:s18] =	ssyncset.done $0x0  }
0x41: {  	s23 =	rddreg [dreg:$0xe];
	[sflag:s18] =	ssyncadd.s32 $0xFFFFC400  }
0x42: {  	[hbm4b:s23+s4] =	stream.linear.scatter [tilespmem:s19], [sflag:$0x7], $0x3C00, $0x38;
	[tilespmem:$0x1E600] =	vst v63  }
0x43: {  	_ =	swait.ge [sflag:s18], $0x3C00  }
0x44: {  	s15 =	sadd.s32 $0x1, s15;
	s24 =	rddreg [dreg:$0x9]  }
0x45: {  	p0 =	sne.s32 s15, s24  }
.Ltmp1:
0x46: {  	_ = 	snop;
	(pc) =	sbr.rel @!p0 .LBB2_7-.Ltmp1, $3  }
0x47: {  	_ =	sdelay $0x1  }
0x48: {  	[sflag:s18] =	ssyncset.done $0x0  }
0x49: {  	[sflag:s18] =	ssyncadd.s32 $0xFFFFC400  }
.LBB2_1:
0x4a: {  	s16 =	rddreg [dreg:$0x5]  }
0x4b: {  	[tilespmem:s4], [sflag:$0x7] =	stream.linear.gather [hbm4b:s16+s4], $0x2800, $0x38;
	[tilespmem:$0x1E600] =	vst v63  }
0x4c: {  	_ =	swait.ge [sflag:s18], $0x2800  }
0x4d: {  	[sflag:s18] =	ssyncset.done $0x0  }
0x4e: {  	s17 =	simm.s32 $0x200;
	s16 =	simm.s32 $0x0;
	[sflag:s18] =	ssyncadd.s32 $0xFFFFD800  }
.LBB2_2:
0x4f: {  	p0 =	sne.s32 s17, $0xFE00;
	[tilespmem:s16+$0x2A70] =	vst v0  }
0x50: {  	[tilespmem:s16+$0x2A00] =	vst v0  }
0x51: {  	[tilespmem:s16+$0x2A10] =	vst v0  }
.Ltmp2:
0x52: {  	[tilespmem:s16+$0x2A20] =	vst v0;
	(pc) =	sbr.rel @p0 .LBB2_2-.Ltmp2, $4  }
0x53: {  	[tilespmem:s16+$0x2A30] =	vst v0  }
0x54: {  	[tilespmem:s16+$0x2A40] =	vst v0  }
0x55: {  	[tilespmem:s16+$0x2A50] =	vst v0  }
0x56: {  	[tilespmem:s16+$0x2A60] =	vst v0;
	s16 =	sshra.s32 s17, $0x2;
	s17 =	sadd.s32 $0x200, s17  }
0x57: {  	[tilespmem:s16+$0x2A70] =	vst v0  }
0x58: {  	[tilespmem:s16+$0x2A00] =	vst v0  }
0x59: {  	[tilespmem:s16+$0x2A10] =	vst v0  }
0x5a: {  	[tilespmem:s16+$0x2A20] =	vst v0  }
0x5b: {  	[tilespmem:s16+$0x2A30] =	vst v0  }
0x5c: {  	[tilespmem:s16+$0x2A40] =	vst v0  }
0x5d: {  	[tilespmem:s16+$0x2A50] =	vst v0  }
0x5e: {  	[tilespmem:s16+$0x2A60] =	vst v0  }
0x5f: {  	[spmem:s8] =	stream.linear.scatter [tilespmem:s19], [sflag:$0x7], $0x4000, $0x38;
	[tilespmem:$0x1E600] =	vst v63  }
0x60: {  	_ =	swait.ge [sflag:s18], $0x4000  }
0x61: {  	[sflag:s18] =	ssyncset.done $0x0  }
0x62: {  	[sflag:s18] =	ssyncadd.s32 $0xFFFFC000  }
0x63: {  	[spmem:s9] =	stream.linear.scatter [tilespmem:s19], [sflag:$0x7], $0x4000, $0x38;
	[tilespmem:$0x1E600] =	vst v63  }
0x64: {  	_ =	swait.ge [sflag:s18], $0x4000  }
0x65: {  	[sflag:s18] =	ssyncset.done $0x0  }
0x66: {  	[sflag:s18] =	ssyncadd.s32 $0xFFFFC000  }
0x67: {  	[spmem:s10] =	stream.linear.scatter [tilespmem:s19], [sflag:$0x7], $0x4000, $0x38;
	[tilespmem:$0x1E600] =	vst v63  }
0x68: {  	_ =	swait.ge [sflag:s18], $0x4000  }
0x69: {  	[sflag:s18] =	ssyncset.done $0x0  }
0x6a: {  	[sflag:s18] =	ssyncadd.s32 $0xFFFFC000  }
0x6b: {  	[spmem:s11] =	stream.linear.scatter [tilespmem:s19], [sflag:$0x7], $0x4000, $0x38;
	[tilespmem:$0x1E600] =	vst v63  }
0x6c: {  	_ =	swait.ge [sflag:s18], $0x4000  }
0x6d: {  	[sflag:s18] =	ssyncset.done $0x0  }
0x6e: {  	[sflag:s18] =	ssyncadd.s32 $0xFFFFC000  }
0x6f: {  	[spmem:s13] =	stream.linear.scatter [tilespmem:s19], [sflag:$0x7], $0x3C00, $0x38;
	[tilespmem:$0x1E600] =	vst v63  }
0x70: {  	_ =	swait.ge [sflag:s18], $0x3C00  }
0x71: {  	[sflag:s18] =	ssyncset.done $0x0  }
0x72: {  	[sflag:s18] =	ssyncadd.s32 $0xFFFFC400  }
0x73: {  	[bflag:$0x0] =	sbarrier.arrive $0xFFFF  }
0x74: {  	[tilespmem:s25], [sflag:$0x3] =	stream.linear.gather [hbm4b:s12+s4], $0x80, $0x38;
	[tilespmem:$0x1E600] =	vst v63  }
0x75: {  	s22 =	rddreg [dreg:$0x6]  }
0x76: {  	[tilespmem:s26], [sflag:$0x4] =	stream.linear.gather [hbm4b:s22+s4], $0x80, $0x38;
	[tilespmem:$0x1E600] =	vst v63  }
0x77: {  	s17 =	simm.s32 $0x2900;
	s23 =	rddreg [dreg:$0x7]  }
0x78: {  	[tilespmem:s17], [sflag:$0x5] =	stream.linear.gather [hbm4b:s23+s4], $0x80, $0x38;
	[tilespmem:$0x1E600] =	vst v63  }
0x79: {  	s24 =	rddreg [dreg:$0x8]  }
0x7a: {  	[tilespmem:s29], [sflag:$0x6] =	stream.linear.gather [hbm4b:s24+s4], $0x80, $0x38;
	[tilespmem:$0x1E600] =	vst v63  }
0x7b: {  	_ = 	snop  }
0x7c: {  	[tilespmem:s19], [sflag:$0x1] =	stream.indirect.gather [hbm4b:s1+s30], $0x80, s4, s30, $0xb8;
	[tilespmem:$0x1E600] =	vst v63  }
0x7d: {  	s16 =	simm.s32 $0x380;
	s17 =	simm.s32 $0x280  }
0x7e: {  	[tilespmem:s31], [sflag:$0x2] =	stream.indirect.gather [hbm4b:s1+s30], $0x80, s30, s30, $0xb8;
	[tilespmem:$0x1E600] =	vst v63  }
.LBB2_4:
0x7f: {  	_ =	swait.ge [sflag:s0], $0x4000  }
0x80: {  	[sflag:s0] =	ssyncset.done $0x0  }
0x81: {  	[sflag:s0] =	ssyncadd.s32 $0xFFFFC000  }
0x82: {  	_ =	swait.ge [sflag:s3], $0x80  }
0x83: {  	[sflag:s3] =	ssyncset.done $0x0  }
0x84: {  	[sflag:s3] =	ssyncadd.s32 $0xFFFFFF80  }
0x85: {  	[spmem:s2] =	stream.indirect.scatter.add.f32 [tilespmem:s19], [sflag:$0x7], $0x80, s25, s30, $0xb8;
	[tilespmem:$0x1E600] =	vst v63  }
0x86: {  	_ =	swait.ge [sflag:s18], $0x4000  }
0x87: {  	[sflag:s18] =	ssyncset.done $0x0  }
0x88: {  	s20 =	sadd.s32 $0xFFFFFE80, s17;
	p0 =	seq.s32 s16, $0x2980;
	[sflag:s18] =	ssyncadd.s32 $0xFFFFC000  }
0x89: {  	[tilespmem:s19], [sflag:$0x1] =	stream.indirect.gather [hbm4b:s1+s30], $0x80, s20, s30, $0xb8;
	[tilespmem:$0x1E600] =	vst v63  }
0x8a: {  	s20 =	sadd.s32 @!p0 $0xFFFFFE80, s16  }
0x8b: {  	s21 =	sand.u32 @!p0 $0x7C00, s20  }
0x8c: {  	s20 =	sand.u32 @!p0 $0x200, s20;
	s21 =	sadd.s32 @!p0 s6, s21  }
0x8d: {  	s20 =	sor.u32 @!p0 s20, s21  }
0x8e: {  	s20 =	sshrl.u32 @!p0 s20, $0x3  }
0x8f: {  	s22 =	simm.s32 @!p0 $0x2800;
	s21 =	sadd.s32 @!p0 s5, s20;
	s20 =	simm.s32 @!p0 $0x0  }
0x90: {  	[tilespmem:s22], [sflag:$0x3] =	stream.linear.gather @!p0 [hbm4b:s21+s20], $0x80, $0x38;
	[tilespmem:$0x1E600] =	vst v63  }
0x91: {  	_ =	swait.ge [sflag:s28], $0x4000  }
0x92: {  	[sflag:s28] =	ssyncset.done $0x0  }
0x93: {  	[sflag:s28] =	ssyncadd.s32 $0xFFFFC000  }
0x94: {  	_ =	swait.ge [sflag:s7], $0x80  }
0x95: {  	[sflag:s7] =	ssyncset.done $0x0  }
0x96: {  	[sflag:s7] =	ssyncadd.s32 $0xFFFFFF80  }
0x97: {  	[spmem:s2] =	stream.indirect.scatter.add.f32 [tilespmem:s31], [sflag:$0x7], $0x80, s26, s30, $0xb8;
	[tilespmem:$0x1E600] =	vst v63  }
0x98: {  	_ =	swait.ge [sflag:s18], $0x4000  }
0x99: {  	[sflag:s18] =	ssyncset.done $0x0  }
0x9a: {  	s24 =	sadd.s32 $0xFFFFFF00, s17;
	s21 =	simm.s32 @p0 $0x1;
	[sflag:s18] =	ssyncadd.s32 $0xFFFFC000  }
0x9b: {  	[tilespmem:s31], [sflag:$0x2] =	stream.indirect.gather [hbm4b:s1+s30], $0x80, s24, s30, $0xb8;
	[tilespmem:$0x1E600] =	vst v63  }
0x9c: {  	_ =	swait.ge @p0 [sflag:s21], $0x4000  }
0x9d: {  	[sflag:s21] =	ssyncset.done @p0 $0x0  }
0x9e: {  	[sflag:s21] =	ssyncadd.s32 @p0 $0xFFFFC000;
	s21 =	simm.s32 @p0 $0x5  }
0x9f: {  	_ =	swait.ge @p0 [sflag:s21], $0x80  }
0xa0: {  	s23 =	simm.s32 @p0 $0x2A00;
	[sflag:s21] =	ssyncset.done @p0 $0x0  }
0xa1: {  	s22 =	simm.s32 @p0 $0x2900;
	[sflag:s21] =	ssyncadd.s32 @p0 $0xFFFFFF80;
	s21 =	simm.s32 @p0 $0x80  }
0xa2: {  	[spmem:s2] =	stream.indirect.scatter.add.f32 @p0 [tilespmem:s23], [sflag:$0x7], $0x80, s22, s21, $0xb8;
	[tilespmem:$0x1E600] =	vst v63  }
0xa3: {  	s21 =	sadd.s32 @!p0 $0xFFFFFF00, s16  }
0xa4: {  	s22 =	sand.u32 @!p0 $0x7C00, s21  }
0xa5: {  	s23 =	simm.s32 @p0 $0x7;
	s21 =	sand.u32 @!p0 $0x280, s21;
	s22 =	sadd.s32 @!p0 s6, s22  }
0xa6: {  	_ =	swait.ge @p0 [sflag:s23], $0x4000;
	s21 =	sor.u32 @!p0 s21, s22  }
0xa7: {  	[sflag:s23] =	ssyncset.done @p0 $0x0;
	s21 =	sshrl.u32 @!p0 s21, $0x3  }
0xa8: {  	[sflag:s23] =	ssyncadd.s32 @p0 $0xFFFFC000;
	s22 =	simm.s32 @!p0 $0x2880;
	s21 =	sadd.s32 @!p0 s5, s21  }
0xa9: {  	[tilespmem:s22], [sflag:$0x4] =	stream.linear.gather @!p0 [hbm4b:s21+s20], $0x80, $0x38;
	[tilespmem:$0x1E600] =	vst v63  }
0xaa: {  	s21 =	simm.s32 @!p0 $0x1  }
0xab: {  	_ =	swait.ge @!p0 [sflag:s21], $0x4000  }
0xac: {  	[sflag:s21] =	ssyncset.done @!p0 $0x0  }
0xad: {  	[sflag:s21] =	ssyncadd.s32 @!p0 $0xFFFFC000;
	s21 =	simm.s32 @!p0 $0x5  }
0xae: {  	_ =	swait.ge @!p0 [sflag:s21], $0x80  }
0xaf: {  	s24 =	simm.s32 @!p0 $0x7;
	s23 =	simm.s32 @!p0 $0x2A00;
	[sflag:s21] =	ssyncset.done @!p0 $0x0  }
0xb0: {  	s22 =	simm.s32 @!p0 $0x2900;
	[sflag:s21] =	ssyncadd.s32 @!p0 $0xFFFFFF80;
	s21 =	simm.s32 @!p0 $0x80  }
0xb1: {  	[spmem:s2] =	stream.indirect.scatter.add.f32 @!p0 [tilespmem:s23], [sflag:$0x7], $0x80, s22, s21, $0xb8;
	[tilespmem:$0x1E600] =	vst v63  }
0xb2: {  	_ =	swait.ge @!p0 [sflag:s24], $0x4000  }
0xb3: {  	[sflag:s24] =	ssyncset.done @!p0 $0x0  }
0xb4: {  	[sflag:s24] =	ssyncadd.s32 @!p0 $0xFFFFC000;
	s24 =	sadd.s32 @!p0 $0xFFFFFF80, s17  }
0xb5: {  	[tilespmem:s23], [sflag:$0x1] =	stream.indirect.gather @!p0 [hbm4b:s1+s21], $0x80, s24, s21, $0xb8;
	[tilespmem:$0x1E600] =	vst v63  }
0xb6: {  	s21 =	sadd.s32 @!p0 $0xFFFFFF80, s16  }
0xb7: {  	s23 =	sand.u32 @!p0 $0x7C00, s21  }
0xb8: {  	s21 =	sand.u32 @!p0 $0x300, s21;
	s23 =	sadd.s32 @!p0 s6, s23  }
0xb9: {  	s21 =	sor.u32 @!p0 s21, s23  }
0xba: {  	s21 =	sshrl.u32 @!p0 s21, $0x3  }
0xbb: {  	s21 =	sadd.s32 @!p0 s5, s21  }
0xbc: {  	[tilespmem:s22], [sflag:$0x5] =	stream.linear.gather @!p0 [hbm4b:s21+s20], $0x80, $0x38;
	[tilespmem:$0x1E600] =	vst v63  }
0xbd: {  	_ =	swait.ge [sflag:s28], $0x4000  }
0xbe: {  	[sflag:s28] =	ssyncset.done $0x0  }
0xbf: {  	[sflag:s28] =	ssyncadd.s32 $0xFFFFC000  }
0xc0: {  	_ =	swait.ge [sflag:s14], $0x80  }
0xc1: {  	[sflag:s14] =	ssyncset.done $0x0  }
.Ltmp3:
0xc2: {  	[sflag:s14] =	ssyncadd.s32 $0xFFFFFF80;
	(pc) =	sbr.rel @p0 .LBB2_6-.Ltmp3, $4  }
0xc3: {  	[spmem:s2] =	stream.indirect.scatter.add.f32 [tilespmem:s31], [sflag:$0x7], $0x80, s29, s30, $0xb8;
	[tilespmem:$0x1E600] =	vst v63  }
0xc4: {  	_ =	swait.ge [sflag:s18], $0x4000  }
0xc5: {  	[sflag:s18] =	ssyncset.done $0x0  }
0xc6: {  	[sflag:s18] =	ssyncadd.s32 $0xFFFFC000  }
0xc7: {  	[tilespmem:s31], [sflag:$0x2] =	stream.indirect.gather [hbm4b:s1+s30], $0x80, s17, s30, $0xb8;
	[tilespmem:$0x1E600] =	vst v63  }
0xc8: {  	s20 =	sand.u32 $0x7C00, s16  }
.Ltmp4:
0xc9: {  	s21 =	sand.u32 $0x380, s16;
	s20 =	sadd.s32 s6, s20;
	(pc) =	sbr.rel .LBB2_4-.Ltmp4, $4  }
0xca: {  	s20 =	sor.u32 s21, s20  }
0xcb: {  	s20 =	sshrl.u32 s20, $0x3  }
0xcc: {  	s16 =	sadd.s32 $0x200, s16;
	s17 =	sadd.s32 $0x200, s17;
	s20 =	sadd.s32 s5, s20  }
0xcd: {  	[tilespmem:s29], [sflag:$0x6] =	stream.linear.gather [hbm4b:s20+s4], $0x80, $0x38;
	[tilespmem:$0x1E600] =	vst v63  }
.LBB2_7:
0xce: {  	_ =	sfence.sel $0x180000  }
0xcf: {  	[bflag:$0x0] =	sbarrier.arrive $0xFFFF  }
0xd0: {  	_ =	strace $0x90000047  }
0xd1: {  	s0 =	stileid.u32;
	[bflag:$0x2] =	sbarrier.arrive $0xFFFF  }
0xd2: {  	p0 =	sne.s32 s0, $0x0;
	s0 =	rddreg [dreg:$0x4]  }
0xd3: {  	s0 =	sadd.s32 @!p0 $0x100000, s0  }
0xd4: {  	[sflag:s0] =	ssyncadd.tile.s32 @!p0 $0x1;
	_ =	shalt  }
.Lfunc_end2:
_tile_overlayer_lowered:
.L_overlay_start_2:
0xd5: {  	(tag) =	ssettag $0x2  }
0xd6: {  	s0 =	rddreg [dreg:$0x0];
	s2 =	stileid.u32  }
0xd7: {  	s1 =	rddreg [dreg:$0x1];
	p0 =	sne.s32 s2, $0x0  }
0xd8: {  	s3 =	rddreg [dreg:$0x2];
	[bflag:$0x3] =	sbarrier.arrive $0xFFFF;
	s2 =	simm.s32 @!p0 $0x1C07  }
0xd9: {  	[timem:s3], [sflag:s2] =	dma.local @!p0 [hbm:s0], s1  }
0xda: {  	s0 =	simm.s32 @!p0 $0x7  }
0xdb: {  	_ =	swait.ge @!p0 [sflag:s0], s1  }
0xdc: {  	s1 =	ssub.s32 @!p0 $0x0, s1;
	[sflag:s0] =	ssyncset.done @!p0 $0x0  }
0xdd: {  	[sflag:s0] =	ssyncadd.s32 @!p0 s1  }
0xde: {  	[bflag:$0x3] =	sbarrier.arrive $0xFFFF  }
0xdf: {  	_ =	shalt  }

</sc_bundles>
